<compile_context>
chip_gen: v7x
topology: tpu7x:2x2x1
jax: 0.10.2.dev20260603
libtpu: 0.0.44.dev20260713+nightly
codegen_flags: <defaults>
</compile_context>

<pallas_src>
import functools

import jax
import jax.numpy as jnp
from jax import lax
from jax.experimental import pallas as pl
from jax.experimental.pallas import tpu as pltpu
from jax.experimental.pallas import tpu_sc as plsc

DIM = 128
G = 128
NBUF = 5
WAVES = 4


@functools.cache
def _build(total, nc, ns):
    nw = nc * ns
    rows_total = total // G
    rows_per_w = rows_total // nw
    spi = NBUF * WAVES

    mesh = plsc.VectorSubcoreMesh(core_axis_name="c", subcore_axis_name="s")

    @functools.partial(
        pl.kernel,
        mesh=mesh,
        out_type=jax.ShapeDtypeStruct((total, DIM), jnp.float32),
        scratch_types=[
            pltpu.VMEM((rows_per_w, G), jnp.int32),
            pltpu.VMEM((NBUF, G, DIM), jnp.float32),
            pltpu.VMEM_SHARED((ns, 2, G // 2, DIM), jnp.float32),
            pltpu.SemaphoreType.DMA,
            pltpu.SemaphoreType.DMA,
        ] + [pltpu.SemaphoreType.DMA] * NBUF,
    )
    def body(tbl_hbm, idx_hbm, out_hbm, idx_v, rows_v, sp_v, dsem0, dsem1, *gsems):
        dsems = (dsem0, dsem1)
        sid = lax.axis_index("s")
        wid = sid * nc + lax.axis_index("c")
        row0 = wid * rows_per_w

        pltpu.sync_copy(idx_hbm.at[pl.ds(row0, rows_per_w)], idx_v)

        def fire(step, b):
            return pltpu.async_copy(
                tbl_hbm.at[idx_v.at[step]], rows_v.at[b], gsems[b]
            )

        def outer(gg, _):
            s0 = gg * spi
            gh = [fire(s0 + b, b) for b in range(NBUF)]
            dh = [None, None]
            for r in range(spi):
                b = r % NBUF
                gh[b].wait()
                for sl in range(2):
                    if dh[sl] is not None:
                        dh[sl].wait()
                    pltpu.sync_copy(
                        rows_v.at[b, pl.ds(sl * (G // 2), G // 2)], sp_v.at[sid, sl]
                    )
                    dh[sl] = pltpu.async_copy(
                        sp_v.at[sid, sl],
                        out_hbm.at[pl.ds((row0 + s0 + r) * G + sl * (G // 2), G // 2)],
                        dsems[sl],
                    )
                if r + NBUF < spi:
                    gh[b] = fire(s0 + r + NBUF, b)
            for sl in range(2):
                dh[sl].wait()
            return _

        lax.fori_loop(0, rows_per_w // spi, outer, 0)

    return body


def kernel(X, table):
    batch, hist = X.shape
    total = batch * hist
    info = plsc.get_sparse_core_info()
    idx = X.reshape(total // G, G).astype(jnp.int32)
    body = _build(total, info.num_cores, info.num_subcores)
    out = body(table, idx)
    return out.reshape(batch, hist, DIM)

# --- scband reference (transcript-rebuilt; emitter-appended) ---
"""Pipeline reference for scband-encoder-word-48275432407774 (READ-ONLY COPY).

The authoritative reference and input builder live on the scoring server;
editing this copy changes nothing except your own understanding.
"""

import jax, jax.numpy as jnp
import numpy as np

VOCAB = 100000
DIM = 128
BATCH = 4096
HIST = 200

def setup_inputs(seed: int = 0) -> dict:
    key = jax.random.key(seed)
    k1, k2 = jax.random.split(key)
    X = jax.random.randint(k1, (BATCH, HIST), 0, VOCAB, dtype=jnp.int64 if jax.config.jax_enable_x64 else jnp.int32)
    # embedding table initialized uniform(-0.1, 0.1) as in init_weights()
    table = jax.random.uniform(k2, (VOCAB, DIM), dtype=jnp.float32, minval=-0.1, maxval=0.1)
    return {"X": X, "table": table}

def reference(X, table):
    # Faithful translation of Encoder_word.forward: out = self.embed(X)
    out = jnp.take(table, X, axis=0)
    return out

if __name__ == "__main__":
    import jax
    _d = setup_inputs()
    print(jax.jit(kernel)(*tuple(_d.values())))

</pallas_src>

<mosaic_0001>
#map = affine_map<(d0, d1) -> (0, 0)>
module attributes {stable_mosaic.version = 14 : i64} {
  func.func @body(%arg0: i32, %arg1: i32, %arg2: memref<100000x128xf32, #tpu.memory_space<hbm>>, %arg3: memref<6400x128xi32, #tpu.memory_space<hbm>>, %arg4: memref<819200x128xf32, #tpu.memory_space<hbm>>, %arg5: memref<200x128xi32, #tpu.memory_space<vmem>>, %arg6: memref<5x128x128xf32, #tpu.memory_space<vmem>>, %arg7: memref<16x2x64x128xf32, #tpu.memory_space<vmem_shared>>, %arg8: memref<!tpu.dma_semaphore, #tpu.memory_space<semaphore_mem>>, %arg9: memref<!tpu.dma_semaphore, #tpu.memory_space<semaphore_mem>>, %arg10: memref<!tpu.dma_semaphore, #tpu.memory_space<semaphore_mem>>, %arg11: memref<!tpu.dma_semaphore, #tpu.memory_space<semaphore_mem>>, %arg12: memref<!tpu.dma_semaphore, #tpu.memory_space<semaphore_mem>>, %arg13: memref<!tpu.dma_semaphore, #tpu.memory_space<semaphore_mem>>, %arg14: memref<!tpu.dma_semaphore, #tpu.memory_space<semaphore_mem>>) attributes {dimension_semantics = [#tpu.dimension_semantics<core_parallel>, #tpu.dimension_semantics<subcore_parallel>], iteration_bounds = array<i64: 2, 16>, scalar_prefetch = 0 : i64, scratch_operands = 10 : i64, tpu.core_type = #tpu.core_type<sc_vector_subcore>, window_params = [{transform_indices = #map}, {transform_indices = #map}, {transform_indices = #map}]} {
    %mul3A = arith.constant 2 : i32
    %mul3A_0 = arith.muli %arg1, %mul3A : i32
    %add3A = arith.addi %mul3A_0, %arg0 : i32
    %mul3A_1 = arith.constant 200 : i32
    %mul3A_2 = arith.muli %add3A, %mul3A_1 : i32
    "tpu.region"() ({
      %run_scoped3A = tpu.sem_alloc : memref<!tpu.dma_semaphore, #tpu.memory_space<semaphore_mem>>
      %dma_start3A = arith.constant 0 : i32
      %dma_start3A_8 = tpu.memref_slice %arg3[%mul3A_2, %dma_start3A] : memref<6400x128xi32, #tpu.memory_space<hbm>> -> memref<200x128xi32, #tpu.memory_space<hbm>>
      %dma_start3A_9 = arith.constant 0 : i32
      %dma_start3A_10 = tpu.memref_slice %arg3[%mul3A_2, %dma_start3A_9] : memref<6400x128xi32, #tpu.memory_space<hbm>> -> memref<200x128xi32, #tpu.memory_space<hbm>>
      tpu.enqueue_dma source(%dma_start3A_10 : memref<200x128xi32, #tpu.memory_space<hbm>>) target(%arg5 : memref<200x128xi32, #tpu.memory_space<vmem>>) target_semaphore(%run_scoped3A : memref<!tpu.dma_semaphore, #tpu.memory_space<semaphore_mem>>)
      %dma_wait3A = arith.constant 0 : i32
      %dma_wait3A_11 = tpu.memref_slice %arg3[%mul3A_2, %dma_wait3A] : memref<6400x128xi32, #tpu.memory_space<hbm>> -> memref<200x128xi32, #tpu.memory_space<hbm>>
      %dma_wait3A_12 = arith.constant 0 : i32
      %dma_wait3A_13 = tpu.memref_slice %arg3[%mul3A_2, %dma_wait3A_12] : memref<6400x128xi32, #tpu.memory_space<hbm>> -> memref<200x128xi32, #tpu.memory_space<hbm>>
      tpu.wait_dma2 semaphore(%run_scoped3A : memref<!tpu.dma_semaphore, #tpu.memory_space<semaphore_mem>>) src(%dma_wait3A_13 : memref<200x128xi32, #tpu.memory_space<hbm>>) dst(%arg5 : memref<200x128xi32, #tpu.memory_space<vmem>>)
      tpu.yield
    }) : () -> ()
    %scan3A = arith.constant 0 : i32
    %scan3A_3 = arith.constant 0 : i32
    %scan3A_4 = arith.constant 10 : i32
    %scan3A_5 = arith.addi %scan3A_3, %scan3A_4 : i32
    %scan3A_6 = arith.constant 1 : i32
    scf.for %scan3A_8 = %scan3A_3 to %scan3A_5 step %scan3A_6  : i32 {
      %mul3A_9 = arith.constant 20 : i32
      %mul3A_10 = arith.muli %scan3A_8, %mul3A_9 : i32
      %add3A_11 = arith.constant 0 : i32
      %add3A_12 = arith.addi %mul3A_10, %add3A_11 : i32
      %dma_start3A = arith.constant 0 : i32
      %dma_start3A_13 = arith.constant 0 : i32
      %dma_start3A_14 = arith.constant 0 : i32
      %dma_start3A_15 = tpu.memref_slice %arg6[%dma_start3A, %dma_start3A_13, %dma_start3A_14] : memref<5x128x128xf32, #tpu.memory_space<vmem>> -> memref<1x128x128xf32, #tpu.memory_space<vmem>>
      %dma_start3A_16 = tpu.memref_squeeze %dma_start3A_15 : memref<1x128x128xf32, #tpu.memory_space<vmem>> -> memref<128x128xf32, #tpu.memory_space<vmem>>
      %dma_start3A_17 = arith.constant 0 : i32
      %dma_start3A_18 = tpu.memref_slice %arg5[%add3A_12, %dma_start3A_17] : memref<200x128xi32, #tpu.memory_space<vmem>> -> memref<1x128xi32, #tpu.memory_space<vmem>>
      %dma_start3A_19 = tpu.memref_squeeze %dma_start3A_18 : memref<1x128xi32, #tpu.memory_space<vmem>> -> memref<128xi32, #tpu.memory_space<vmem>>
      %dma_start3A_20 = arith.constant 0 : i32
      %dma_start3A_21 = arith.constant 0 : i32
      %dma_start3A_22 = tpu.memref_slice %arg2[%dma_start3A_20, %dma_start3A_21] : memref<100000x128xf32, #tpu.memory_space<hbm>> -> memref<100000x128xf32, #tpu.memory_space<hbm>>
      tpu.enqueue_indirect_dma source(%dma_start3A_22 : memref<100000x128xf32, #tpu.memory_space<hbm>>) target(%dma_start3A_16 : memref<128x128xf32, #tpu.memory_space<vmem>>) offsets(%dma_start3A_19 : memref<128xi32, #tpu.memory_space<vmem>>) semaphore(%arg10 : memref<!tpu.dma_semaphore, #tpu.memory_space<semaphore_mem>>)
      %add3A_23 = arith.constant 1 : i32
      %add3A_24 = arith.addi %mul3A_10, %add3A_23 : i32
      %dma_start3A_25 = arith.constant 1 : i32
      %dma_start3A_26 = arith.constant 0 : i32
      %dma_start3A_27 = arith.constant 0 : i32
      %dma_start3A_28 = tpu.memref_slice %arg6[%dma_start3A_25, %dma_start3A_26, %dma_start3A_27] : memref<5x128x128xf32, #tpu.memory_space<vmem>> -> memref<1x128x128xf32, #tpu.memory_space<vmem>>
      %dma_start3A_29 = tpu.memref_squeeze %dma_start3A_28 : memref<1x128x128xf32, #tpu.memory_space<vmem>> -> memref<128x128xf32, #tpu.memory_space<vmem>>
      %dma_start3A_30 = arith.constant 0 : i32
      %dma_start3A_31 = tpu.memref_slice %arg5[%add3A_24, %dma_start3A_30] : memref<200x128xi32, #tpu.memory_space<vmem>> -> memref<1x128xi32, #tpu.memory_space<vmem>>
      %dma_start3A_32 = tpu.memref_squeeze %dma_start3A_31 : memref<1x128xi32, #tpu.memory_space<vmem>> -> memref<128xi32, #tpu.memory_space<vmem>>
      %dma_start3A_33 = arith.constant 0 : i32
      %dma_start3A_34 = arith.constant 0 : i32
      %dma_start3A_35 = tpu.memref_slice %arg2[%dma_start3A_33, %dma_start3A_34] : memref<100000x128xf32, #tpu.memory_space<hbm>> -> memref<100000x128xf32, #tpu.memory_space<hbm>>
      tpu.enqueue_indirect_dma source(%dma_start3A_35 : memref<100000x128xf32, #tpu.memory_space<hbm>>) target(%dma_start3A_29 : memref<128x128xf32, #tpu.memory_space<vmem>>) offsets(%dma_start3A_32 : memref<128xi32, #tpu.memory_space<vmem>>) semaphore(%arg11 : memref<!tpu.dma_semaphore, #tpu.memory_space<semaphore_mem>>)
      %add3A_36 = arith.constant 2 : i32
      %add3A_37 = arith.addi %mul3A_10, %add3A_36 : i32
      %dma_start3A_38 = arith.constant 2 : i32
      %dma_start3A_39 = arith.constant 0 : i32
      %dma_start3A_40 = arith.constant 0 : i32
      %dma_start3A_41 = tpu.memref_slice %arg6[%dma_start3A_38, %dma_start3A_39, %dma_start3A_40] : memref<5x128x128xf32, #tpu.memory_space<vmem>> -> memref<1x128x128xf32, #tpu.memory_space<vmem>>
      %dma_start3A_42 = tpu.memref_squeeze %dma_start3A_41 : memref<1x128x128xf32, #tpu.memory_space<vmem>> -> memref<128x128xf32, #tpu.memory_space<vmem>>
      %dma_start3A_43 = arith.constant 0 : i32
      %dma_start3A_44 = tpu.memref_slice %arg5[%add3A_37, %dma_start3A_43] : memref<200x128xi32, #tpu.memory_space<vmem>> -> memref<1x128xi32, #tpu.memory_space<vmem>>
      %dma_start3A_45 = tpu.memref_squeeze %dma_start3A_44 : memref<1x128xi32, #tpu.memory_space<vmem>> -> memref<128xi32, #tpu.memory_space<vmem>>
      %dma_start3A_46 = arith.constant 0 : i32
      %dma_start3A_47 = arith.constant 0 : i32
      %dma_start3A_48 = tpu.memref_slice %arg2[%dma_start3A_46, %dma_start3A_47] : memref<100000x128xf32, #tpu.memory_space<hbm>> -> memref<100000x128xf32, #tpu.memory_space<hbm>>
      tpu.enqueue_indirect_dma source(%dma_start3A_48 : memref<100000x128xf32, #tpu.memory_space<hbm>>) target(%dma_start3A_42 : memref<128x128xf32, #tpu.memory_space<vmem>>) offsets(%dma_start3A_45 : memref<128xi32, #tpu.memory_space<vmem>>) semaphore(%arg12 : memref<!tpu.dma_semaphore, #tpu.memory_space<semaphore_mem>>)
      %add3A_49 = arith.constant 3 : i32
      %add3A_50 = arith.addi %mul3A_10, %add3A_49 : i32
      %dma_start3A_51 = arith.constant 3 : i32
      %dma_start3A_52 = arith.constant 0 : i32
      %dma_start3A_53 = arith.constant 0 : i32
      %dma_start3A_54 = tpu.memref_slice %arg6[%dma_start3A_51, %dma_start3A_52, %dma_start3A_53] : memref<5x128x128xf32, #tpu.memory_space<vmem>> -> memref<1x128x128xf32, #tpu.memory_space<vmem>>
      %dma_start3A_55 = tpu.memref_squeeze %dma_start3A_54 : memref<1x128x128xf32, #tpu.memory_space<vmem>> -> memref<128x128xf32, #tpu.memory_space<vmem>>
      %dma_start3A_56 = arith.constant 0 : i32
      %dma_start3A_57 = tpu.memref_slice %arg5[%add3A_50, %dma_start3A_56] : memref<200x128xi32, #tpu.memory_space<vmem>> -> memref<1x128xi32, #tpu.memory_space<vmem>>
      %dma_start3A_58 = tpu.memref_squeeze %dma_start3A_57 : memref<1x128xi32, #tpu.memory_space<vmem>> -> memref<128xi32, #tpu.memory_space<vmem>>
      %dma_start3A_59 = arith.constant 0 : i32
      %dma_start3A_60 = arith.constant 0 : i32
      %dma_start3A_61 = tpu.memref_slice %arg2[%dma_start3A_59, %dma_start3A_60] : memref<100000x128xf32, #tpu.memory_space<hbm>> -> memref<100000x128xf32, #tpu.memory_space<hbm>>
      tpu.enqueue_indirect_dma source(%dma_start3A_61 : memref<100000x128xf32, #tpu.memory_space<hbm>>) target(%dma_start3A_55 : memref<128x128xf32, #tpu.memory_space<vmem>>) offsets(%dma_start3A_58 : memref<128xi32, #tpu.memory_space<vmem>>) semaphore(%arg13 : memref<!tpu.dma_semaphore, #tpu.memory_space<semaphore_mem>>)
      %add3A_62 = arith.constant 4 : i32
      %add3A_63 = arith.addi %mul3A_10, %add3A_62 : i32
      %dma_start3A_64 = arith.constant 4 : i32
      %dma_start3A_65 = arith.constant 0 : i32
      %dma_start3A_66 = arith.constant 0 : i32
      %dma_start3A_67 = tpu.memref_slice %arg6[%dma_start3A_64, %dma_start3A_65, %dma_start3A_66] : memref<5x128x128xf32, #tpu.memory_space<vmem>> -> memref<1x128x128xf32, #tpu.memory_space<vmem>>
      %dma_start3A_68 = tpu.memref_squeeze %dma_start3A_67 : memref<1x128x128xf32, #tpu.memory_space<vmem>> -> memref<128x128xf32, #tpu.memory_space<vmem>>
      %dma_start3A_69 = arith.constant 0 : i32
      %dma_start3A_70 = tpu.memref_slice %arg5[%add3A_63, %dma_start3A_69] : memref<200x128xi32, #tpu.memory_space<vmem>> -> memref<1x128xi32, #tpu.memory_space<vmem>>
      %dma_start3A_71 = tpu.memref_squeeze %dma_start3A_70 : memref<1x128xi32, #tpu.memory_space<vmem>> -> memref<128xi32, #tpu.memory_space<vmem>>
      %dma_start3A_72 = arith.constant 0 : i32
      %dma_start3A_73 = arith.constant 0 : i32
      %dma_start3A_74 = tpu.memref_slice %arg2[%dma_start3A_72, %dma_start3A_73] : memref<100000x128xf32, #tpu.memory_space<hbm>> -> memref<100000x128xf32, #tpu.memory_space<hbm>>
      tpu.enqueue_indirect_dma source(%dma_start3A_74 : memref<100000x128xf32, #tpu.memory_space<hbm>>) target(%dma_start3A_68 : memref<128x128xf32, #tpu.memory_space<vmem>>) offsets(%dma_start3A_71 : memref<128xi32, #tpu.memory_space<vmem>>) semaphore(%arg14 : memref<!tpu.dma_semaphore, #tpu.memory_space<semaphore_mem>>)
      %dma_wait3A = arith.constant 0 : i32
      %dma_wait3A_75 = arith.constant 0 : i32
      %dma_wait3A_76 = arith.constant 0 : i32
      %dma_wait3A_77 = tpu.memref_slice %arg6[%dma_wait3A, %dma_wait3A_75, %dma_wait3A_76] : memref<5x128x128xf32, #tpu.memory_space<vmem>> -> memref<1x128x128xf32, #tpu.memory_space<vmem>>
      %dma_wait3A_78 = tpu.memref_squeeze %dma_wait3A_77 : memref<1x128x128xf32, #tpu.memory_space<vmem>> -> memref<128x128xf32, #tpu.memory_space<vmem>>
      %dma_wait3A_79 = arith.constant 0 : i32
      %dma_wait3A_80 = tpu.memref_slice %arg5[%add3A_12, %dma_wait3A_79] : memref<200x128xi32, #tpu.memory_space<vmem>> -> memref<1x128xi32, #tpu.memory_space<vmem>>
      %dma_wait3A_81 = tpu.memref_squeeze %dma_wait3A_80 : memref<1x128xi32, #tpu.memory_space<vmem>> -> memref<128xi32, #tpu.memory_space<vmem>>
      %dma_wait3A_82 = arith.constant 0 : i32
      %dma_wait3A_83 = arith.constant 0 : i32
      %dma_wait3A_84 = tpu.memref_slice %arg2[%dma_wait3A_82, %dma_wait3A_83] : memref<100000x128xf32, #tpu.memory_space<hbm>> -> memref<100000x128xf32, #tpu.memory_space<hbm>>
      tpu.wait_indirect_dma semaphore(%arg10 : memref<!tpu.dma_semaphore, #tpu.memory_space<semaphore_mem>>) src(%dma_wait3A_84 : memref<100000x128xf32, #tpu.memory_space<hbm>>) dst(%dma_wait3A_78 : memref<128x128xf32, #tpu.memory_space<vmem>>)
      %run_scoped3A = arith.constant 0 : i32
      %run_scoped3A_85 = arith.constant 0 : i32
      "tpu.region"() ({
        %run_scoped3A_1438 = tpu.sem_alloc : memref<!tpu.dma_semaphore, #tpu.memory_space<semaphore_mem>>
        %dma_start3A_1439 = arith.constant 0 : i32
        %dma_start3A_1440 = arith.constant 0 : i32
        %dma_start3A_1441 = tpu.memref_slice %arg6[%run_scoped3A, %dma_start3A_1439, %dma_start3A_1440] : memref<5x128x128xf32, #tpu.memory_space<vmem>> -> memref<1x64x128xf32, #tpu.memory_space<vmem>>
        %dma_start3A_1442 = tpu.memref_squeeze %dma_start3A_1441 : memref<1x64x128xf32, #tpu.memory_space<vmem>> -> memref<64x128xf32, #tpu.memory_space<vmem>>
        %dma_start3A_1443 = arith.constant 0 : i32
        %dma_start3A_1444 = arith.constant 0 : i32
        %dma_start3A_1445 = tpu.memref_slice %arg7[%arg1, %run_scoped3A_85, %dma_start3A_1443, %dma_start3A_1444] : memref<16x2x64x128xf32, #tpu.memory_space<vmem_shared>> -> memref<1x1x64x128xf32, #tpu.memory_space<vmem_shared>>
        %dma_start3A_1446 = tpu.memref_squeeze %dma_start3A_1445 : memref<1x1x64x128xf32, #tpu.memory_space<vmem_shared>> -> memref<64x128xf32, #tpu.memory_space<vmem_shared>>
        %dma_start3A_1447 = arith.constant 0 : i32
        %dma_start3A_1448 = arith.constant 0 : i32
        %dma_start3A_1449 = tpu.memref_slice %arg7[%arg1, %run_scoped3A_85, %dma_start3A_1447, %dma_start3A_1448] : memref<16x2x64x128xf32, #tpu.memory_space<vmem_shared>> -> memref<1x1x64x128xf32, #tpu.memory_space<vmem_shared>>
        %dma_start3A_1450 = tpu.memref_squeeze %dma_start3A_1449 : memref<1x1x64x128xf32, #tpu.memory_space<vmem_shared>> -> memref<64x128xf32, #tpu.memory_space<vmem_shared>>
        %dma_start3A_1451 = arith.constant 0 : i32
        %dma_start3A_1452 = arith.constant 0 : i32
        %dma_start3A_1453 = tpu.memref_slice %arg6[%run_scoped3A, %dma_start3A_1451, %dma_start3A_1452] : memref<5x128x128xf32, #tpu.memory_space<vmem>> -> memref<1x64x128xf32, #tpu.memory_space<vmem>>
        %dma_start3A_1454 = tpu.memref_squeeze %dma_start3A_1453 : memref<1x64x128xf32, #tpu.memory_space<vmem>> -> memref<64x128xf32, #tpu.memory_space<vmem>>
        tpu.enqueue_dma source(%dma_start3A_1454 : memref<64x128xf32, #tpu.memory_space<vmem>>) target(%dma_start3A_1450 : memref<64x128xf32, #tpu.memory_space<vmem_shared>>) target_semaphore(%run_scoped3A_1438 : memref<!tpu.dma_semaphore, #tpu.memory_space<semaphore_mem>>)
        %dma_wait3A_1455 = arith.constant 0 : i32
        %dma_wait3A_1456 = arith.constant 0 : i32
        %dma_wait3A_1457 = tpu.memref_slice %arg6[%run_scoped3A, %dma_wait3A_1455, %dma_wait3A_1456] : memref<5x128x128xf32, #tpu.memory_space<vmem>> -> memref<1x64x128xf32, #tpu.memory_space<vmem>>
        %dma_wait3A_1458 = tpu.memref_squeeze %dma_wait3A_1457 : memref<1x64x128xf32, #tpu.memory_space<vmem>> -> memref<64x128xf32, #tpu.memory_space<vmem>>
        %dma_wait3A_1459 = arith.constant 0 : i32
        %dma_wait3A_1460 = arith.constant 0 : i32
        %dma_wait3A_1461 = tpu.memref_slice %arg7[%arg1, %run_scoped3A_85, %dma_wait3A_1459, %dma_wait3A_1460] : memref<16x2x64x128xf32, #tpu.memory_space<vmem_shared>> -> memref<1x1x64x128xf32, #tpu.memory_space<vmem_shared>>
        %dma_wait3A_1462 = tpu.memref_squeeze %dma_wait3A_1461 : memref<1x1x64x128xf32, #tpu.memory_space<vmem_shared>> -> memref<64x128xf32, #tpu.memory_space<vmem_shared>>
        %dma_wait3A_1463 = arith.constant 0 : i32
        %dma_wait3A_1464 = arith.constant 0 : i32
        %dma_wait3A_1465 = tpu.memref_slice %arg7[%arg1, %run_scoped3A_85, %dma_wait3A_1463, %dma_wait3A_1464] : memref<16x2x64x128xf32, #tpu.memory_space<vmem_shared>> -> memref<1x1x64x128xf32, #tpu.memory_space<vmem_shared>>
        %dma_wait3A_1466 = tpu.memref_squeeze %dma_wait3A_1465 : memref<1x1x64x128xf32, #tpu.memory_space<vmem_shared>> -> memref<64x128xf32, #tpu.memory_space<vmem_shared>>
        %dma_wait3A_1467 = arith.constant 0 : i32
        %dma_wait3A_1468 = arith.constant 0 : i32
        %dma_wait3A_1469 = tpu.memref_slice %arg6[%run_scoped3A, %dma_wait3A_1467, %dma_wait3A_1468] : memref<5x128x128xf32, #tpu.memory_space<vmem>> -> memref<1x64x128xf32, #tpu.memory_space<vmem>>
        %dma_wait3A_1470 = tpu.memref_squeeze %dma_wait3A_1469 : memref<1x64x128xf32, #tpu.memory_space<vmem>> -> memref<64x128xf32, #tpu.memory_space<vmem>>
        tpu.wait_dma2 semaphore(%run_scoped3A_1438 : memref<!tpu.dma_semaphore, #tpu.memory_space<semaphore_mem>>) src(%dma_wait3A_1470 : memref<64x128xf32, #tpu.memory_space<vmem>>) dst(%dma_wait3A_1466 : memref<64x128xf32, #tpu.memory_space<vmem_shared>>)
        tpu.yield
      }) : () -> ()
      %add3A_86 = arith.addi %mul3A_2, %mul3A_10 : i32
      %add3A_87 = arith.constant 0 : i32
      %add3A_88 = arith.addi %add3A_86, %add3A_87 : i32
      %mul3A_89 = arith.constant 128 : i32
      %mul3A_90 = arith.muli %add3A_88, %mul3A_89 : i32
      %add3A_91 = arith.constant 0 : i32
      %add3A_92 = arith.addi %mul3A_90, %add3A_91 : i32
      %dma_start3A_93 = arith.constant 0 : i32
      %dma_start3A_94 = arith.constant 0 : i32
      %dma_start3A_95 = tpu.memref_slice %arg4[%add3A_92, %dma_start3A_94] : memref<819200x128xf32, #tpu.memory_space<hbm>> -> memref<64x128xf32, #tpu.memory_space<hbm>>
      %dma_start3A_96 = arith.constant 0 : i32
      %dma_start3A_97 = arith.constant 0 : i32
      %dma_start3A_98 = tpu.memref_slice %arg7[%arg1, %dma_start3A_93, %dma_start3A_96, %dma_start3A_97] : memref<16x2x64x128xf32, #tpu.memory_space<vmem_shared>> -> memref<1x1x64x128xf32, #tpu.memory_space<vmem_shared>>
      %dma_start3A_99 = tpu.memref_squeeze %dma_start3A_98 : memref<1x1x64x128xf32, #tpu.memory_space<vmem_shared>> -> memref<64x128xf32, #tpu.memory_space<vmem_shared>>
      tpu.enqueue_dma source(%dma_start3A_99 : memref<64x128xf32, #tpu.memory_space<vmem_shared>>) target(%dma_start3A_95 : memref<64x128xf32, #tpu.memory_space<hbm>>) target_semaphore(%arg8 : memref<!tpu.dma_semaphore, #tpu.memory_space<semaphore_mem>>)
      %run_scoped3A_100 = arith.constant 0 : i32
      %run_scoped3A_101 = arith.constant 1 : i32
      "tpu.region"() ({
        %run_scoped3A_1438 = tpu.sem_alloc : memref<!tpu.dma_semaphore, #tpu.memory_space<semaphore_mem>>
        %dma_start3A_1439 = arith.constant 64 : i32
        %dma_start3A_1440 = arith.constant 0 : i32
        %dma_start3A_1441 = tpu.memref_slice %arg6[%run_scoped3A_100, %dma_start3A_1439, %dma_start3A_1440] : memref<5x128x128xf32, #tpu.memory_space<vmem>> -> memref<1x64x128xf32, #tpu.memory_space<vmem>>
        %dma_start3A_1442 = tpu.memref_squeeze %dma_start3A_1441 : memref<1x64x128xf32, #tpu.memory_space<vmem>> -> memref<64x128xf32, #tpu.memory_space<vmem>>
        %dma_start3A_1443 = arith.constant 0 : i32
        %dma_start3A_1444 = arith.constant 0 : i32
        %dma_start3A_1445 = tpu.memref_slice %arg7[%arg1, %run_scoped3A_101, %dma_start3A_1443, %dma_start3A_1444] : memref<16x2x64x128xf32, #tpu.memory_space<vmem_shared>> -> memref<1x1x64x128xf32, #tpu.memory_space<vmem_shared>>
        %dma_start3A_1446 = tpu.memref_squeeze %dma_start3A_1445 : memref<1x1x64x128xf32, #tpu.memory_space<vmem_shared>> -> memref<64x128xf32, #tpu.memory_space<vmem_shared>>
        %dma_start3A_1447 = arith.constant 0 : i32
        %dma_start3A_1448 = arith.constant 0 : i32
        %dma_start3A_1449 = tpu.memref_slice %arg7[%arg1, %run_scoped3A_101, %dma_start3A_1447, %dma_start3A_1448] : memref<16x2x64x128xf32, #tpu.memory_space<vmem_shared>> -> memref<1x1x64x128xf32, #tpu.memory_space<vmem_shared>>
        %dma_start3A_1450 = tpu.memref_squeeze %dma_start3A_1449 : memref<1x1x64x128xf32, #tpu.memory_space<vmem_shared>> -> memref<64x128xf32, #tpu.memory_space<vmem_shared>>
        %dma_start3A_1451 = arith.constant 64 : i32
        %dma_start3A_1452 = arith.constant 0 : i32
        %dma_start3A_1453 = tpu.memref_slice %arg6[%run_scoped3A_100, %dma_start3A_1451, %dma_start3A_1452] : memref<5x128x128xf32, #tpu.memory_space<vmem>> -> memref<1x64x128xf32, #tpu.memory_space<vmem>>
        %dma_start3A_1454 = tpu.memref_squeeze %dma_start3A_1453 : memref<1x64x128xf32, #tpu.memory_space<vmem>> -> memref<64x128xf32, #tpu.memory_space<vmem>>
        tpu.enqueue_dma source(%dma_start3A_1454 : memref<64x128xf32, #tpu.memory_space<vmem>>) target(%dma_start3A_1450 : memref<64x128xf32, #tpu.memory_space<vmem_shared>>) target_semaphore(%run_scoped3A_1438 : memref<!tpu.dma_semaphore, #tpu.memory_space<semaphore_mem>>)
        %dma_wait3A_1455 = arith.constant 64 : i32
        %dma_wait3A_1456 = arith.constant 0 : i32
        %dma_wait3A_1457 = tpu.memref_slice %arg6[%run_scoped3A_100, %dma_wait3A_1455, %dma_wait3A_1456] : memref<5x128x128xf32, #tpu.memory_space<vmem>> -> memref<1x64x128xf32, #tpu.memory_space<vmem>>
        %dma_wait3A_1458 = tpu.memref_squeeze %dma_wait3A_1457 : memref<1x64x128xf32, #tpu.memory_space<vmem>> -> memref<64x128xf32, #tpu.memory_space<vmem>>
        %dma_wait3A_1459 = arith.constant 0 : i32
        %dma_wait3A_1460 = arith.constant 0 : i32
        %dma_wait3A_1461 = tpu.memref_slice %arg7[%arg1, %run_scoped3A_101, %dma_wait3A_1459, %dma_wait3A_1460] : memref<16x2x64x128xf32, #tpu.memory_space<vmem_shared>> -> memref<1x1x64x128xf32, #tpu.memory_space<vmem_shared>>
        %dma_wait3A_1462 = tpu.memref_squeeze %dma_wait3A_1461 : memref<1x1x64x128xf32, #tpu.memory_space<vmem_shared>> -> memref<64x128xf32, #tpu.memory_space<vmem_shared>>
        %dma_wait3A_1463 = arith.constant 0 : i32
        %dma_wait3A_1464 = arith.constant 0 : i32
        %dma_wait3A_1465 = tpu.memref_slice %arg7[%arg1, %run_scoped3A_101, %dma_wait3A_1463, %dma_wait3A_1464] : memref<16x2x64x128xf32, #tpu.memory_space<vmem_shared>> -> memref<1x1x64x128xf32, #tpu.memory_space<vmem_shared>>
        %dma_wait3A_1466 = tpu.memref_squeeze %dma_wait3A_1465 : memref<1x1x64x128xf32, #tpu.memory_space<vmem_shared>> -> memref<64x128xf32, #tpu.memory_space<vmem_shared>>
        %dma_wait3A_1467 = arith.constant 64 : i32
        %dma_wait3A_1468 = arith.constant 0 : i32
        %dma_wait3A_1469 = tpu.memref_slice %arg6[%run_scoped3A_100, %dma_wait3A_1467, %dma_wait3A_1468] : memref<5x128x128xf32, #tpu.memory_space<vmem>> -> memref<1x64x128xf32, #tpu.memory_space<vmem>>
        %dma_wait3A_1470 = tpu.memref_squeeze %dma_wait3A_1469 : memref<1x64x128xf32, #tpu.memory_space<vmem>> -> memref<64x128xf32, #tpu.memory_space<vmem>>
        tpu.wait_dma2 semaphore(%run_scoped3A_1438 : memref<!tpu.dma_semaphore, #tpu.memory_space<semaphore_mem>>) src(%dma_wait3A_1470 : memref<64x128xf32, #tpu.memory_space<vmem>>) dst(%dma_wait3A_1466 : memref<64x128xf32, #tpu.memory_space<vmem_shared>>)
        tpu.yield
      }) : () -> ()
      %add3A_102 = arith.addi %mul3A_2, %mul3A_10 : i32
      %add3A_103 = arith.constant 0 : i32
      %add3A_104 = arith.addi %add3A_102, %add3A_103 : i32
      %mul3A_105 = arith.constant 128 : i32
      %mul3A_106 = arith.muli %add3A_104, %mul3A_105 : i32
      %add3A_107 = arith.constant 64 : i32
      %add3A_108 = arith.addi %mul3A_106, %add3A_107 : i32
      %dma_start3A_109 = arith.constant 1 : i32
      %dma_start3A_110 = arith.constant 0 : i32
      %dma_start3A_111 = tpu.memref_slice %arg4[%add3A_108, %dma_start3A_110] : memref<819200x128xf32, #tpu.memory_space<hbm>> -> memref<64x128xf32, #tpu.memory_space<hbm>>
      %dma_start3A_112 = arith.constant 0 : i32
      %dma_start3A_113 = arith.constant 0 : i32
      %dma_start3A_114 = tpu.memref_slice %arg7[%arg1, %dma_start3A_109, %dma_start3A_112, %dma_start3A_113] : memref<16x2x64x128xf32, #tpu.memory_space<vmem_shared>> -> memref<1x1x64x128xf32, #tpu.memory_space<vmem_shared>>
      %dma_start3A_115 = tpu.memref_squeeze %dma_start3A_114 : memref<1x1x64x128xf32, #tpu.memory_space<vmem_shared>> -> memref<64x128xf32, #tpu.memory_space<vmem_shared>>
      tpu.enqueue_dma source(%dma_start3A_115 : memref<64x128xf32, #tpu.memory_space<vmem_shared>>) target(%dma_start3A_111 : memref<64x128xf32, #tpu.memory_space<hbm>>) target_semaphore(%arg9 : memref<!tpu.dma_semaphore, #tpu.memory_space<semaphore_mem>>)
      %add3A_116 = arith.constant 0 : i32
      %add3A_117 = arith.addi %mul3A_10, %add3A_116 : i32
      %add3A_118 = arith.constant 5 : i32
      %add3A_119 = arith.addi %add3A_117, %add3A_118 : i32
      %dma_start3A_120 = arith.constant 0 : i32
      %dma_start3A_121 = arith.constant 0 : i32
      %dma_start3A_122 = arith.constant 0 : i32
      %dma_start3A_123 = tpu.memref_slice %arg6[%dma_start3A_120, %dma_start3A_121, %dma_start3A_122] : memref<5x128x128xf32, #tpu.memory_space<vmem>> -> memref<1x128x128xf32, #tpu.memory_space<vmem>>
      %dma_start3A_124 = tpu.memref_squeeze %dma_start3A_123 : memref<1x128x128xf32, #tpu.memory_space<vmem>> -> memref<128x128xf32, #tpu.memory_space<vmem>>
      %dma_start3A_125 = arith.constant 0 : i32
      %dma_start3A_126 = tpu.memref_slice %arg5[%add3A_119, %dma_start3A_125] : memref<200x128xi32, #tpu.memory_space<vmem>> -> memref<1x128xi32, #tpu.memory_space<vmem>>
      %dma_start3A_127 = tpu.memref_squeeze %dma_start3A_126 : memref<1x128xi32, #tpu.memory_space<vmem>> -> memref<128xi32, #tpu.memory_space<vmem>>
      %dma_start3A_128 = arith.constant 0 : i32
      %dma_start3A_129 = arith.constant 0 : i32
      %dma_start3A_130 = tpu.memref_slice %arg2[%dma_start3A_128, %dma_start3A_129] : memref<100000x128xf32, #tpu.memory_space<hbm>> -> memref<100000x128xf32, #tpu.memory_space<hbm>>
      tpu.enqueue_indirect_dma source(%dma_start3A_130 : memref<100000x128xf32, #tpu.memory_space<hbm>>) target(%dma_start3A_124 : memref<128x128xf32, #tpu.memory_space<vmem>>) offsets(%dma_start3A_127 : memref<128xi32, #tpu.memory_space<vmem>>) semaphore(%arg10 : memref<!tpu.dma_semaphore, #tpu.memory_space<semaphore_mem>>)
      %dma_wait3A_131 = arith.constant 1 : i32
      %dma_wait3A_132 = arith.constant 0 : i32
      %dma_wait3A_133 = arith.constant 0 : i32
      %dma_wait3A_134 = tpu.memref_slice %arg6[%dma_wait3A_131, %dma_wait3A_132, %dma_wait3A_133] : memref<5x128x128xf32, #tpu.memory_space<vmem>> -> memref<1x128x128xf32, #tpu.memory_space<vmem>>
      %dma_wait3A_135 = tpu.memref_squeeze %dma_wait3A_134 : memref<1x128x128xf32, #tpu.memory_space<vmem>> -> memref<128x128xf32, #tpu.memory_space<vmem>>
      %dma_wait3A_136 = arith.constant 0 : i32
      %dma_wait3A_137 = tpu.memref_slice %arg5[%add3A_24, %dma_wait3A_136] : memref<200x128xi32, #tpu.memory_space<vmem>> -> memref<1x128xi32, #tpu.memory_space<vmem>>
      %dma_wait3A_138 = tpu.memref_squeeze %dma_wait3A_137 : memref<1x128xi32, #tpu.memory_space<vmem>> -> memref<128xi32, #tpu.memory_space<vmem>>
      %dma_wait3A_139 = arith.constant 0 : i32
      %dma_wait3A_140 = arith.constant 0 : i32
      %dma_wait3A_141 = tpu.memref_slice %arg2[%dma_wait3A_139, %dma_wait3A_140] : memref<100000x128xf32, #tpu.memory_space<hbm>> -> memref<100000x128xf32, #tpu.memory_space<hbm>>
      tpu.wait_indirect_dma semaphore(%arg11 : memref<!tpu.dma_semaphore, #tpu.memory_space<semaphore_mem>>) src(%dma_wait3A_141 : memref<100000x128xf32, #tpu.memory_space<hbm>>) dst(%dma_wait3A_135 : memref<128x128xf32, #tpu.memory_space<vmem>>)
      %dma_wait3A_142 = arith.constant 0 : i32
      %dma_wait3A_143 = arith.constant 0 : i32
      %dma_wait3A_144 = tpu.memref_slice %arg4[%add3A_92, %dma_wait3A_143] : memref<819200x128xf32, #tpu.memory_space<hbm>> -> memref<64x128xf32, #tpu.memory_space<hbm>>
      %dma_wait3A_145 = arith.constant 0 : i32
      %dma_wait3A_146 = arith.constant 0 : i32
      %dma_wait3A_147 = tpu.memref_slice %arg7[%arg1, %dma_wait3A_142, %dma_wait3A_145, %dma_wait3A_146] : memref<16x2x64x128xf32, #tpu.memory_space<vmem_shared>> -> memref<1x1x64x128xf32, #tpu.memory_space<vmem_shared>>
      %dma_wait3A_148 = tpu.memref_squeeze %dma_wait3A_147 : memref<1x1x64x128xf32, #tpu.memory_space<vmem_shared>> -> memref<64x128xf32, #tpu.memory_space<vmem_shared>>
      tpu.wait_dma2 semaphore(%arg8 : memref<!tpu.dma_semaphore, #tpu.memory_space<semaphore_mem>>) src(%dma_wait3A_148 : memref<64x128xf32, #tpu.memory_space<vmem_shared>>) dst(%dma_wait3A_144 : memref<64x128xf32, #tpu.memory_space<hbm>>)
      %run_scoped3A_149 = arith.constant 1 : i32
      %run_scoped3A_150 = arith.constant 0 : i32
      "tpu.region"() ({
        %run_scoped3A_1438 = tpu.sem_alloc : memref<!tpu.dma_semaphore, #tpu.memory_space<semaphore_mem>>
        %dma_start3A_1439 = arith.constant 0 : i32
        %dma_start3A_1440 = arith.constant 0 : i32
        %dma_start3A_1441 = tpu.memref_slice %arg6[%run_scoped3A_149, %dma_start3A_1439, %dma_start3A_1440] : memref<5x128x128xf32, #tpu.memory_space<vmem>> -> memref<1x64x128xf32, #tpu.memory_space<vmem>>
        %dma_start3A_1442 = tpu.memref_squeeze %dma_start3A_1441 : memref<1x64x128xf32, #tpu.memory_space<vmem>> -> memref<64x128xf32, #tpu.memory_space<vmem>>
        %dma_start3A_1443 = arith.constant 0 : i32
        %dma_start3A_1444 = arith.constant 0 : i32
        %dma_start3A_1445 = tpu.memref_slice %arg7[%arg1, %run_scoped3A_150, %dma_start3A_1443, %dma_start3A_1444] : memref<16x2x64x128xf32, #tpu.memory_space<vmem_shared>> -> memref<1x1x64x128xf32, #tpu.memory_space<vmem_shared>>
        %dma_start3A_1446 = tpu.memref_squeeze %dma_start3A_1445 : memref<1x1x64x128xf32, #tpu.memory_space<vmem_shared>> -> memref<64x128xf32, #tpu.memory_space<vmem_shared>>
        %dma_start3A_1447 = arith.constant 0 : i32
        %dma_start3A_1448 = arith.constant 0 : i32
        %dma_start3A_1449 = tpu.memref_slice %arg7[%arg1, %run_scoped3A_150, %dma_start3A_1447, %dma_start3A_1448] : memref<16x2x64x128xf32, #tpu.memory_space<vmem_shared>> -> memref<1x1x64x128xf32, #tpu.memory_space<vmem_shared>>
        %dma_start3A_1450 = tpu.memref_squeeze %dma_start3A_1449 : memref<1x1x64x128xf32, #tpu.memory_space<vmem_shared>> -> memref<64x128xf32, #tpu.memory_space<vmem_shared>>
        %dma_start3A_1451 = arith.constant 0 : i32
        %dma_start3A_1452 = arith.constant 0 : i32
        %dma_start3A_1453 = tpu.memref_slice %arg6[%run_scoped3A_149, %dma_start3A_1451, %dma_start3A_1452] : memref<5x128x128xf32, #tpu.memory_space<vmem>> -> memref<1x64x128xf32, #tpu.memory_space<vmem>>
        %dma_start3A_1454 = tpu.memref_squeeze %dma_start3A_1453 : memref<1x64x128xf32, #tpu.memory_space<vmem>> -> memref<64x128xf32, #tpu.memory_space<vmem>>
        tpu.enqueue_dma source(%dma_start3A_1454 : memref<64x128xf32, #tpu.memory_space<vmem>>) target(%dma_start3A_1450 : memref<64x128xf32, #tpu.memory_space<vmem_shared>>) target_semaphore(%run_scoped3A_1438 : memref<!tpu.dma_semaphore, #tpu.memory_space<semaphore_mem>>)
        %dma_wait3A_1455 = arith.constant 0 : i32
        %dma_wait3A_1456 = arith.constant 0 : i32
        %dma_wait3A_1457 = tpu.memref_slice %arg6[%run_scoped3A_149, %dma_wait3A_1455, %dma_wait3A_1456] : memref<5x128x128xf32, #tpu.memory_space<vmem>> -> memref<1x64x128xf32, #tpu.memory_space<vmem>>
        %dma_wait3A_1458 = tpu.memref_squeeze %dma_wait3A_1457 : memref<1x64x128xf32, #tpu.memory_space<vmem>> -> memref<64x128xf32, #tpu.memory_space<vmem>>
        %dma_wait3A_1459 = arith.constant 0 : i32
        %dma_wait3A_1460 = arith.constant 0 : i32
        %dma_wait3A_1461 = tpu.memref_slice %arg7[%arg1, %run_scoped3A_150, %dma_wait3A_1459, %dma_wait3A_1460] : memref<16x2x64x128xf32, #tpu.memory_space<vmem_shared>> -> memref<1x1x64x128xf32, #tpu.memory_space<vmem_shared>>
        %dma_wait3A_1462 = tpu.memref_squeeze %dma_wait3A_1461 : memref<1x1x64x128xf32, #tpu.memory_space<vmem_shared>> -> memref<64x128xf32, #tpu.memory_space<vmem_shared>>
        %dma_wait3A_1463 = arith.constant 0 : i32
        %dma_wait3A_1464 = arith.constant 0 : i32
        %dma_wait3A_1465 = tpu.memref_slice %arg7[%arg1, %run_scoped3A_150, %dma_wait3A_1463, %dma_wait3A_1464] : memref<16x2x64x128xf32, #tpu.memory_space<vmem_shared>> -> memref<1x1x64x128xf32, #tpu.memory_space<vmem_shared>>
        %dma_wait3A_1466 = tpu.memref_squeeze %dma_wait3A_1465 : memref<1x1x64x128xf32, #tpu.memory_space<vmem_shared>> -> memref<64x128xf32, #tpu.memory_space<vmem_shared>>
        %dma_wait3A_1467 = arith.constant 0 : i32
        %dma_wait3A_1468 = arith.constant 0 : i32
        %dma_wait3A_1469 = tpu.memref_slice %arg6[%run_scoped3A_149, %dma_wait3A_1467, %dma_wait3A_1468] : memref<5x128x128xf32, #tpu.memory_space<vmem>> -> memref<1x64x128xf32, #tpu.memory_space<vmem>>
        %dma_wait3A_1470 = tpu.memref_squeeze %dma_wait3A_1469 : memref<1x64x128xf32, #tpu.memory_space<vmem>> -> memref<64x128xf32, #tpu.memory_space<vmem>>
        tpu.wait_dma2 semaphore(%run_scoped3A_1438 : memref<!tpu.dma_semaphore, #tpu.memory_space<semaphore_mem>>) src(%dma_wait3A_1470 : memref<64x128xf32, #tpu.memory_space<vmem>>) dst(%dma_wait3A_1466 : memref<64x128xf32, #tpu.memory_space<vmem_shared>>)
        tpu.yield
      }) : () -> ()
      %add3A_151 = arith.addi %mul3A_2, %mul3A_10 : i32
      %add3A_152 = arith.constant 1 : i32
      %add3A_153 = arith.addi %add3A_151, %add3A_152 : i32
      %mul3A_154 = arith.constant 128 : i32
      %mul3A_155 = arith.muli %add3A_153, %mul3A_154 : i32
      %add3A_156 = arith.constant 0 : i32
      %add3A_157 = arith.addi %mul3A_155, %add3A_156 : i32
      %dma_start3A_158 = arith.constant 0 : i32
      %dma_start3A_159 = arith.constant 0 : i32
      %dma_start3A_160 = tpu.memref_slice %arg4[%add3A_157, %dma_start3A_159] : memref<819200x128xf32, #tpu.memory_space<hbm>> -> memref<64x128xf32, #tpu.memory_space<hbm>>
      %dma_start3A_161 = arith.constant 0 : i32
      %dma_start3A_162 = arith.constant 0 : i32
      %dma_start3A_163 = tpu.memref_slice %arg7[%arg1, %dma_start3A_158, %dma_start3A_161, %dma_start3A_162] : memref<16x2x64x128xf32, #tpu.memory_space<vmem_shared>> -> memref<1x1x64x128xf32, #tpu.memory_space<vmem_shared>>
      %dma_start3A_164 = tpu.memref_squeeze %dma_start3A_163 : memref<1x1x64x128xf32, #tpu.memory_space<vmem_shared>> -> memref<64x128xf32, #tpu.memory_space<vmem_shared>>
      tpu.enqueue_dma source(%dma_start3A_164 : memref<64x128xf32, #tpu.memory_space<vmem_shared>>) target(%dma_start3A_160 : memref<64x128xf32, #tpu.memory_space<hbm>>) target_semaphore(%arg8 : memref<!tpu.dma_semaphore, #tpu.memory_space<semaphore_mem>>)
      %dma_wait3A_165 = arith.constant 1 : i32
      %dma_wait3A_166 = arith.constant 0 : i32
      %dma_wait3A_167 = tpu.memref_slice %arg4[%add3A_108, %dma_wait3A_166] : memref<819200x128xf32, #tpu.memory_space<hbm>> -> memref<64x128xf32, #tpu.memory_space<hbm>>
      %dma_wait3A_168 = arith.constant 0 : i32
      %dma_wait3A_169 = arith.constant 0 : i32
      %dma_wait3A_170 = tpu.memref_slice %arg7[%arg1, %dma_wait3A_165, %dma_wait3A_168, %dma_wait3A_169] : memref<16x2x64x128xf32, #tpu.memory_space<vmem_shared>> -> memref<1x1x64x128xf32, #tpu.memory_space<vmem_shared>>
      %dma_wait3A_171 = tpu.memref_squeeze %dma_wait3A_170 : memref<1x1x64x128xf32, #tpu.memory_space<vmem_shared>> -> memref<64x128xf32, #tpu.memory_space<vmem_shared>>
      tpu.wait_dma2 semaphore(%arg9 : memref<!tpu.dma_semaphore, #tpu.memory_space<semaphore_mem>>) src(%dma_wait3A_171 : memref<64x128xf32, #tpu.memory_space<vmem_shared>>) dst(%dma_wait3A_167 : memref<64x128xf32, #tpu.memory_space<hbm>>)
      %run_scoped3A_172 = arith.constant 1 : i32
      %run_scoped3A_173 = arith.constant 1 : i32
      "tpu.region"() ({
        %run_scoped3A_1438 = tpu.sem_alloc : memref<!tpu.dma_semaphore, #tpu.memory_space<semaphore_mem>>
        %dma_start3A_1439 = arith.constant 64 : i32
        %dma_start3A_1440 = arith.constant 0 : i32
        %dma_start3A_1441 = tpu.memref_slice %arg6[%run_scoped3A_172, %dma_start3A_1439, %dma_start3A_1440] : memref<5x128x128xf32, #tpu.memory_space<vmem>> -> memref<1x64x128xf32, #tpu.memory_space<vmem>>
        %dma_start3A_1442 = tpu.memref_squeeze %dma_start3A_1441 : memref<1x64x128xf32, #tpu.memory_space<vmem>> -> memref<64x128xf32, #tpu.memory_space<vmem>>
        %dma_start3A_1443 = arith.constant 0 : i32
        %dma_start3A_1444 = arith.constant 0 : i32
        %dma_start3A_1445 = tpu.memref_slice %arg7[%arg1, %run_scoped3A_173, %dma_start3A_1443, %dma_start3A_1444] : memref<16x2x64x128xf32, #tpu.memory_space<vmem_shared>> -> memref<1x1x64x128xf32, #tpu.memory_space<vmem_shared>>
        %dma_start3A_1446 = tpu.memref_squeeze %dma_start3A_1445 : memref<1x1x64x128xf32, #tpu.memory_space<vmem_shared>> -> memref<64x128xf32, #tpu.memory_space<vmem_shared>>
        %dma_start3A_1447 = arith.constant 0 : i32
        %dma_start3A_1448 = arith.constant 0 : i32
        %dma_start3A_1449 = tpu.memref_slice %arg7[%arg1, %run_scoped3A_173, %dma_start3A_1447, %dma_start3A_1448] : memref<16x2x64x128xf32, #tpu.memory_space<vmem_shared>> -> memref<1x1x64x128xf32, #tpu.memory_space<vmem_shared>>
        %dma_start3A_1450 = tpu.memref_squeeze %dma_start3A_1449 : memref<1x1x64x128xf32, #tpu.memory_space<vmem_shared>> -> memref<64x128xf32, #tpu.memory_space<vmem_shared>>
        %dma_start3A_1451 = arith.constant 64 : i32
        %dma_start3A_1452 = arith.constant 0 : i32
        %dma_start3A_1453 = tpu.memref_slice %arg6[%run_scoped3A_172, %dma_start3A_1451, %dma_start3A_1452] : memref<5x128x128xf32, #tpu.memory_space<vmem>> -> memref<1x64x128xf32, #tpu.memory_space<vmem>>
        %dma_start3A_1454 = tpu.memref_squeeze %dma_start3A_1453 : memref<1x64x128xf32, #tpu.memory_space<vmem>> -> memref<64x128xf32, #tpu.memory_space<vmem>>
        tpu.enqueue_dma source(%dma_start3A_1454 : memref<64x128xf32, #tpu.memory_space<vmem>>) target(%dma_start3A_1450 : memref<64x128xf32, #tpu.memory_space<vmem_shared>>) target_semaphore(%run_scoped3A_1438 : memref<!tpu.dma_semaphore, #tpu.memory_space<semaphore_mem>>)
        %dma_wait3A_1455 = arith.constant 64 : i32
        %dma_wait3A_1456 = arith.constant 0 : i32
        %dma_wait3A_1457 = tpu.memref_slice %arg6[%run_scoped3A_172, %dma_wait3A_1455, %dma_wait3A_1456] : memref<5x128x128xf32, #tpu.memory_space<vmem>> -> memref<1x64x128xf32, #tpu.memory_space<vmem>>
        %dma_wait3A_1458 = tpu.memref_squeeze %dma_wait3A_1457 : memref<1x64x128xf32, #tpu.memory_space<vmem>> -> memref<64x128xf32, #tpu.memory_space<vmem>>
        %dma_wait3A_1459 = arith.constant 0 : i32
        %dma_wait3A_1460 = arith.constant 0 : i32
        %dma_wait3A_1461 = tpu.memref_slice %arg7[%arg1, %run_scoped3A_173, %dma_wait3A_1459, %dma_wait3A_1460] : memref<16x2x64x128xf32, #tpu.memory_space<vmem_shared>> -> memref<1x1x64x128xf32, #tpu.memory_space<vmem_shared>>
        %dma_wait3A_1462 = tpu.memref_squeeze %dma_wait3A_1461 : memref<1x1x64x128xf32, #tpu.memory_space<vmem_shared>> -> memref<64x128xf32, #tpu.memory_space<vmem_shared>>
        %dma_wait3A_1463 = arith.constant 0 : i32
        %dma_wait3A_1464 = arith.constant 0 : i32
        %dma_wait3A_1465 = tpu.memref_slice %arg7[%arg1, %run_scoped3A_173, %dma_wait3A_1463, %dma_wait3A_1464] : memref<16x2x64x128xf32, #tpu.memory_space<vmem_shared>> -> memref<1x1x64x128xf32, #tpu.memory_space<vmem_shared>>
        %dma_wait3A_1466 = tpu.memref_squeeze %dma_wait3A_1465 : memref<1x1x64x128xf32, #tpu.memory_space<vmem_shared>> -> memref<64x128xf32, #tpu.memory_space<vmem_shared>>
        %dma_wait3A_1467 = arith.constant 64 : i32
        %dma_wait3A_1468 = arith.constant 0 : i32
        %dma_wait3A_1469 = tpu.memref_slice %arg6[%run_scoped3A_172, %dma_wait3A_1467, %dma_wait3A_1468] : memref<5x128x128xf32, #tpu.memory_space<vmem>> -> memref<1x64x128xf32, #tpu.memory_space<vmem>>
        %dma_wait3A_1470 = tpu.memref_squeeze %dma_wait3A_1469 : memref<1x64x128xf32, #tpu.memory_space<vmem>> -> memref<64x128xf32, #tpu.memory_space<vmem>>
        tpu.wait_dma2 semaphore(%run_scoped3A_1438 : memref<!tpu.dma_semaphore, #tpu.memory_space<semaphore_mem>>) src(%dma_wait3A_1470 : memref<64x128xf32, #tpu.memory_space<vmem>>) dst(%dma_wait3A_1466 : memref<64x128xf32, #tpu.memory_space<vmem_shared>>)
        tpu.yield
      }) : () -> ()
      %add3A_174 = arith.addi %mul3A_2, %mul3A_10 : i32
      %add3A_175 = arith.constant 1 : i32
      %add3A_176 = arith.addi %add3A_174, %add3A_175 : i32
      %mul3A_177 = arith.constant 128 : i32
      %mul3A_178 = arith.muli %add3A_176, %mul3A_177 : i32
      %add3A_179 = arith.constant 64 : i32
      %add3A_180 = arith.addi %mul3A_178, %add3A_179 : i32
      %dma_start3A_181 = arith.constant 1 : i32
      %dma_start3A_182 = arith.constant 0 : i32
      %dma_start3A_183 = tpu.memref_slice %arg4[%add3A_180, %dma_start3A_182] : memref<819200x128xf32, #tpu.memory_space<hbm>> -> memref<64x128xf32, #tpu.memory_space<hbm>>
      %dma_start3A_184 = arith.constant 0 : i32
      %dma_start3A_185 = arith.constant 0 : i32
      %dma_start3A_186 = tpu.memref_slice %arg7[%arg1, %dma_start3A_181, %dma_start3A_184, %dma_start3A_185] : memref<16x2x64x128xf32, #tpu.memory_space<vmem_shared>> -> memref<1x1x64x128xf32, #tpu.memory_space<vmem_shared>>
      %dma_start3A_187 = tpu.memref_squeeze %dma_start3A_186 : memref<1x1x64x128xf32, #tpu.memory_space<vmem_shared>> -> memref<64x128xf32, #tpu.memory_space<vmem_shared>>
      tpu.enqueue_dma source(%dma_start3A_187 : memref<64x128xf32, #tpu.memory_space<vmem_shared>>) target(%dma_start3A_183 : memref<64x128xf32, #tpu.memory_space<hbm>>) target_semaphore(%arg9 : memref<!tpu.dma_semaphore, #tpu.memory_space<semaphore_mem>>)
      %add3A_188 = arith.constant 1 : i32
      %add3A_189 = arith.addi %mul3A_10, %add3A_188 : i32
      %add3A_190 = arith.constant 5 : i32
      %add3A_191 = arith.addi %add3A_189, %add3A_190 : i32
      %dma_start3A_192 = arith.constant 1 : i32
      %dma_start3A_193 = arith.constant 0 : i32
      %dma_start3A_194 = arith.constant 0 : i32
      %dma_start3A_195 = tpu.memref_slice %arg6[%dma_start3A_192, %dma_start3A_193, %dma_start3A_194] : memref<5x128x128xf32, #tpu.memory_space<vmem>> -> memref<1x128x128xf32, #tpu.memory_space<vmem>>
      %dma_start3A_196 = tpu.memref_squeeze %dma_start3A_195 : memref<1x128x128xf32, #tpu.memory_space<vmem>> -> memref<128x128xf32, #tpu.memory_space<vmem>>
      %dma_start3A_197 = arith.constant 0 : i32
      %dma_start3A_198 = tpu.memref_slice %arg5[%add3A_191, %dma_start3A_197] : memref<200x128xi32, #tpu.memory_space<vmem>> -> memref<1x128xi32, #tpu.memory_space<vmem>>
      %dma_start3A_199 = tpu.memref_squeeze %dma_start3A_198 : memref<1x128xi32, #tpu.memory_space<vmem>> -> memref<128xi32, #tpu.memory_space<vmem>>
      %dma_start3A_200 = arith.constant 0 : i32
      %dma_start3A_201 = arith.constant 0 : i32
      %dma_start3A_202 = tpu.memref_slice %arg2[%dma_start3A_200, %dma_start3A_201] : memref<100000x128xf32, #tpu.memory_space<hbm>> -> memref<100000x128xf32, #tpu.memory_space<hbm>>
      tpu.enqueue_indirect_dma source(%dma_start3A_202 : memref<100000x128xf32, #tpu.memory_space<hbm>>) target(%dma_start3A_196 : memref<128x128xf32, #tpu.memory_space<vmem>>) offsets(%dma_start3A_199 : memref<128xi32, #tpu.memory_space<vmem>>) semaphore(%arg11 : memref<!tpu.dma_semaphore, #tpu.memory_space<semaphore_mem>>)
      %dma_wait3A_203 = arith.constant 2 : i32
      %dma_wait3A_204 = arith.constant 0 : i32
      %dma_wait3A_205 = arith.constant 0 : i32
      %dma_wait3A_206 = tpu.memref_slice %arg6[%dma_wait3A_203, %dma_wait3A_204, %dma_wait3A_205] : memref<5x128x128xf32, #tpu.memory_space<vmem>> -> memref<1x128x128xf32, #tpu.memory_space<vmem>>
      %dma_wait3A_207 = tpu.memref_squeeze %dma_wait3A_206 : memref<1x128x128xf32, #tpu.memory_space<vmem>> -> memref<128x128xf32, #tpu.memory_space<vmem>>
      %dma_wait3A_208 = arith.constant 0 : i32
      %dma_wait3A_209 = tpu.memref_slice %arg5[%add3A_37, %dma_wait3A_208] : memref<200x128xi32, #tpu.memory_space<vmem>> -> memref<1x128xi32, #tpu.memory_space<vmem>>
      %dma_wait3A_210 = tpu.memref_squeeze %dma_wait3A_209 : memref<1x128xi32, #tpu.memory_space<vmem>> -> memref<128xi32, #tpu.memory_space<vmem>>
      %dma_wait3A_211 = arith.constant 0 : i32
      %dma_wait3A_212 = arith.constant 0 : i32
      %dma_wait3A_213 = tpu.memref_slice %arg2[%dma_wait3A_211, %dma_wait3A_212] : memref<100000x128xf32, #tpu.memory_space<hbm>> -> memref<100000x128xf32, #tpu.memory_space<hbm>>
      tpu.wait_indirect_dma semaphore(%arg12 : memref<!tpu.dma_semaphore, #tpu.memory_space<semaphore_mem>>) src(%dma_wait3A_213 : memref<100000x128xf32, #tpu.memory_space<hbm>>) dst(%dma_wait3A_207 : memref<128x128xf32, #tpu.memory_space<vmem>>)
      %dma_wait3A_214 = arith.constant 0 : i32
      %dma_wait3A_215 = arith.constant 0 : i32
      %dma_wait3A_216 = tpu.memref_slice %arg4[%add3A_157, %dma_wait3A_215] : memref<819200x128xf32, #tpu.memory_space<hbm>> -> memref<64x128xf32, #tpu.memory_space<hbm>>
      %dma_wait3A_217 = arith.constant 0 : i32
      %dma_wait3A_218 = arith.constant 0 : i32
      %dma_wait3A_219 = tpu.memref_slice %arg7[%arg1, %dma_wait3A_214, %dma_wait3A_217, %dma_wait3A_218] : memref<16x2x64x128xf32, #tpu.memory_space<vmem_shared>> -> memref<1x1x64x128xf32, #tpu.memory_space<vmem_shared>>
      %dma_wait3A_220 = tpu.memref_squeeze %dma_wait3A_219 : memref<1x1x64x128xf32, #tpu.memory_space<vmem_shared>> -> memref<64x128xf32, #tpu.memory_space<vmem_shared>>
      tpu.wait_dma2 semaphore(%arg8 : memref<!tpu.dma_semaphore, #tpu.memory_space<semaphore_mem>>) src(%dma_wait3A_220 : memref<64x128xf32, #tpu.memory_space<vmem_shared>>) dst(%dma_wait3A_216 : memref<64x128xf32, #tpu.memory_space<hbm>>)
      %run_scoped3A_221 = arith.constant 2 : i32
      %run_scoped3A_222 = arith.constant 0 : i32
      "tpu.region"() ({
        %run_scoped3A_1438 = tpu.sem_alloc : memref<!tpu.dma_semaphore, #tpu.memory_space<semaphore_mem>>
        %dma_start3A_1439 = arith.constant 0 : i32
        %dma_start3A_1440 = arith.constant 0 : i32
        %dma_start3A_1441 = tpu.memref_slice %arg6[%run_scoped3A_221, %dma_start3A_1439, %dma_start3A_1440] : memref<5x128x128xf32, #tpu.memory_space<vmem>> -> memref<1x64x128xf32, #tpu.memory_space<vmem>>
        %dma_start3A_1442 = tpu.memref_squeeze %dma_start3A_1441 : memref<1x64x128xf32, #tpu.memory_space<vmem>> -> memref<64x128xf32, #tpu.memory_space<vmem>>
        %dma_start3A_1443 = arith.constant 0 : i32
        %dma_start3A_1444 = arith.constant 0 : i32
        %dma_start3A_1445 = tpu.memref_slice %arg7[%arg1, %run_scoped3A_222, %dma_start3A_1443, %dma_start3A_1444] : memref<16x2x64x128xf32, #tpu.memory_space<vmem_shared>> -> memref<1x1x64x128xf32, #tpu.memory_space<vmem_shared>>
        %dma_start3A_1446 = tpu.memref_squeeze %dma_start3A_1445 : memref<1x1x64x128xf32, #tpu.memory_space<vmem_shared>> -> memref<64x128xf32, #tpu.memory_space<vmem_shared>>
        %dma_start3A_1447 = arith.constant 0 : i32
        %dma_start3A_1448 = arith.constant 0 : i32
        %dma_start3A_1449 = tpu.memref_slice %arg7[%arg1, %run_scoped3A_222, %dma_start3A_1447, %dma_start3A_1448] : memref<16x2x64x128xf32, #tpu.memory_space<vmem_shared>> -> memref<1x1x64x128xf32, #tpu.memory_space<vmem_shared>>
        %dma_start3A_1450 = tpu.memref_squeeze %dma_start3A_1449 : memref<1x1x64x128xf32, #tpu.memory_space<vmem_shared>> -> memref<64x128xf32, #tpu.memory_space<vmem_shared>>
        %dma_start3A_1451 = arith.constant 0 : i32
        %dma_start3A_1452 = arith.constant 0 : i32
        %dma_start3A_1453 = tpu.memref_slice %arg6[%run_scoped3A_221, %dma_start3A_1451, %dma_start3A_1452] : memref<5x128x128xf32, #tpu.memory_space<vmem>> -> memref<1x64x128xf32, #tpu.memory_space<vmem>>
        %dma_start3A_1454 = tpu.memref_squeeze %dma_start3A_1453 : memref<1x64x128xf32, #tpu.memory_space<vmem>> -> memref<64x128xf32, #tpu.memory_space<vmem>>
        tpu.enqueue_dma source(%dma_start3A_1454 : memref<64x128xf32, #tpu.memory_space<vmem>>) target(%dma_start3A_1450 : memref<64x128xf32, #tpu.memory_space<vmem_shared>>) target_semaphore(%run_scoped3A_1438 : memref<!tpu.dma_semaphore, #tpu.memory_space<semaphore_mem>>)
        %dma_wait3A_1455 = arith.constant 0 : i32
        %dma_wait3A_1456 = arith.constant 0 : i32
        %dma_wait3A_1457 = tpu.memref_slice %arg6[%run_scoped3A_221, %dma_wait3A_1455, %dma_wait3A_1456] : memref<5x128x128xf32, #tpu.memory_space<vmem>> -> memref<1x64x128xf32, #tpu.memory_space<vmem>>
        %dma_wait3A_1458 = tpu.memref_squeeze %dma_wait3A_1457 : memref<1x64x128xf32, #tpu.memory_space<vmem>> -> memref<64x128xf32, #tpu.memory_space<vmem>>
        %dma_wait3A_1459 = arith.constant 0 : i32
        %dma_wait3A_1460 = arith.constant 0 : i32
        %dma_wait3A_1461 = tpu.memref_slice %arg7[%arg1, %run_scoped3A_222, %dma_wait3A_1459, %dma_wait3A_1460] : memref<16x2x64x128xf32, #tpu.memory_space<vmem_shared>> -> memref<1x1x64x128xf32, #tpu.memory_space<vmem_shared>>
        %dma_wait3A_1462 = tpu.memref_squeeze %dma_wait3A_1461 : memref<1x1x64x128xf32, #tpu.memory_space<vmem_shared>> -> memref<64x128xf32, #tpu.memory_space<vmem_shared>>
        %dma_wait3A_1463 = arith.constant 0 : i32
        %dma_wait3A_1464 = arith.constant 0 : i32
        %dma_wait3A_1465 = tpu.memref_slice %arg7[%arg1, %run_scoped3A_222, %dma_wait3A_1463, %dma_wait3A_1464] : memref<16x2x64x128xf32, #tpu.memory_space<vmem_shared>> -> memref<1x1x64x128xf32, #tpu.memory_space<vmem_shared>>
        %dma_wait3A_1466 = tpu.memref_squeeze %dma_wait3A_1465 : memref<1x1x64x128xf32, #tpu.memory_space<vmem_shared>> -> memref<64x128xf32, #tpu.memory_space<vmem_shared>>
        %dma_wait3A_1467 = arith.constant 0 : i32
        %dma_wait3A_1468 = arith.constant 0 : i32
        %dma_wait3A_1469 = tpu.memref_slice %arg6[%run_scoped3A_221, %dma_wait3A_1467, %dma_wait3A_1468] : memref<5x128x128xf32, #tpu.memory_space<vmem>> -> memref<1x64x128xf32, #tpu.memory_space<vmem>>
        %dma_wait3A_1470 = tpu.memref_squeeze %dma_wait3A_1469 : memref<1x64x128xf32, #tpu.memory_space<vmem>> -> memref<64x128xf32, #tpu.memory_space<vmem>>
        tpu.wait_dma2 semaphore(%run_scoped3A_1438 : memref<!tpu.dma_semaphore, #tpu.memory_space<semaphore_mem>>) src(%dma_wait3A_1470 : memref<64x128xf32, #tpu.memory_space<vmem>>) dst(%dma_wait3A_1466 : memref<64x128xf32, #tpu.memory_space<vmem_shared>>)
        tpu.yield
      }) : () -> ()
      %add3A_223 = arith.addi %mul3A_2, %mul3A_10 : i32
      %add3A_224 = arith.constant 2 : i32
      %add3A_225 = arith.addi %add3A_223, %add3A_224 : i32
      %mul3A_226 = arith.constant 128 : i32
      %mul3A_227 = arith.muli %add3A_225, %mul3A_226 : i32
      %add3A_228 = arith.constant 0 : i32
      %add3A_229 = arith.addi %mul3A_227, %add3A_228 : i32
      %dma_start3A_230 = arith.constant 0 : i32
      %dma_start3A_231 = arith.constant 0 : i32
      %dma_start3A_232 = tpu.memref_slice %arg4[%add3A_229, %dma_start3A_231] : memref<819200x128xf32, #tpu.memory_space<hbm>> -> memref<64x128xf32, #tpu.memory_space<hbm>>
      %dma_start3A_233 = arith.constant 0 : i32
      %dma_start3A_234 = arith.constant 0 : i32
      %dma_start3A_235 = tpu.memref_slice %arg7[%arg1, %dma_start3A_230, %dma_start3A_233, %dma_start3A_234] : memref<16x2x64x128xf32, #tpu.memory_space<vmem_shared>> -> memref<1x1x64x128xf32, #tpu.memory_space<vmem_shared>>
      %dma_start3A_236 = tpu.memref_squeeze %dma_start3A_235 : memref<1x1x64x128xf32, #tpu.memory_space<vmem_shared>> -> memref<64x128xf32, #tpu.memory_space<vmem_shared>>
      tpu.enqueue_dma source(%dma_start3A_236 : memref<64x128xf32, #tpu.memory_space<vmem_shared>>) target(%dma_start3A_232 : memref<64x128xf32, #tpu.memory_space<hbm>>) target_semaphore(%arg8 : memref<!tpu.dma_semaphore, #tpu.memory_space<semaphore_mem>>)
      %dma_wait3A_237 = arith.constant 1 : i32
      %dma_wait3A_238 = arith.constant 0 : i32
      %dma_wait3A_239 = tpu.memref_slice %arg4[%add3A_180, %dma_wait3A_238] : memref<819200x128xf32, #tpu.memory_space<hbm>> -> memref<64x128xf32, #tpu.memory_space<hbm>>
      %dma_wait3A_240 = arith.constant 0 : i32
      %dma_wait3A_241 = arith.constant 0 : i32
      %dma_wait3A_242 = tpu.memref_slice %arg7[%arg1, %dma_wait3A_237, %dma_wait3A_240, %dma_wait3A_241] : memref<16x2x64x128xf32, #tpu.memory_space<vmem_shared>> -> memref<1x1x64x128xf32, #tpu.memory_space<vmem_shared>>
      %dma_wait3A_243 = tpu.memref_squeeze %dma_wait3A_242 : memref<1x1x64x128xf32, #tpu.memory_space<vmem_shared>> -> memref<64x128xf32, #tpu.memory_space<vmem_shared>>
      tpu.wait_dma2 semaphore(%arg9 : memref<!tpu.dma_semaphore, #tpu.memory_space<semaphore_mem>>) src(%dma_wait3A_243 : memref<64x128xf32, #tpu.memory_space<vmem_shared>>) dst(%dma_wait3A_239 : memref<64x128xf32, #tpu.memory_space<hbm>>)
      %run_scoped3A_244 = arith.constant 2 : i32
      %run_scoped3A_245 = arith.constant 1 : i32
      "tpu.region"() ({
        %run_scoped3A_1438 = tpu.sem_alloc : memref<!tpu.dma_semaphore, #tpu.memory_space<semaphore_mem>>
        %dma_start3A_1439 = arith.constant 64 : i32
        %dma_start3A_1440 = arith.constant 0 : i32
        %dma_start3A_1441 = tpu.memref_slice %arg6[%run_scoped3A_244, %dma_start3A_1439, %dma_start3A_1440] : memref<5x128x128xf32, #tpu.memory_space<vmem>> -> memref<1x64x128xf32, #tpu.memory_space<vmem>>
        %dma_start3A_1442 = tpu.memref_squeeze %dma_start3A_1441 : memref<1x64x128xf32, #tpu.memory_space<vmem>> -> memref<64x128xf32, #tpu.memory_space<vmem>>
        %dma_start3A_1443 = arith.constant 0 : i32
        %dma_start3A_1444 = arith.constant 0 : i32
        %dma_start3A_1445 = tpu.memref_slice %arg7[%arg1, %run_scoped3A_245, %dma_start3A_1443, %dma_start3A_1444] : memref<16x2x64x128xf32, #tpu.memory_space<vmem_shared>> -> memref<1x1x64x128xf32, #tpu.memory_space<vmem_shared>>
        %dma_start3A_1446 = tpu.memref_squeeze %dma_start3A_1445 : memref<1x1x64x128xf32, #tpu.memory_space<vmem_shared>> -> memref<64x128xf32, #tpu.memory_space<vmem_shared>>
        %dma_start3A_1447 = arith.constant 0 : i32
        %dma_start3A_1448 = arith.constant 0 : i32
        %dma_start3A_1449 = tpu.memref_slice %arg7[%arg1, %run_scoped3A_245, %dma_start3A_1447, %dma_start3A_1448] : memref<16x2x64x128xf32, #tpu.memory_space<vmem_shared>> -> memref<1x1x64x128xf32, #tpu.memory_space<vmem_shared>>
        %dma_start3A_1450 = tpu.memref_squeeze %dma_start3A_1449 : memref<1x1x64x128xf32, #tpu.memory_space<vmem_shared>> -> memref<64x128xf32, #tpu.memory_space<vmem_shared>>
        %dma_start3A_1451 = arith.constant 64 : i32
        %dma_start3A_1452 = arith.constant 0 : i32
        %dma_start3A_1453 = tpu.memref_slice %arg6[%run_scoped3A_244, %dma_start3A_1451, %dma_start3A_1452] : memref<5x128x128xf32, #tpu.memory_space<vmem>> -> memref<1x64x128xf32, #tpu.memory_space<vmem>>
        %dma_start3A_1454 = tpu.memref_squeeze %dma_start3A_1453 : memref<1x64x128xf32, #tpu.memory_space<vmem>> -> memref<64x128xf32, #tpu.memory_space<vmem>>
        tpu.enqueue_dma source(%dma_start3A_1454 : memref<64x128xf32, #tpu.memory_space<vmem>>) target(%dma_start3A_1450 : memref<64x128xf32, #tpu.memory_space<vmem_shared>>) target_semaphore(%run_scoped3A_1438 : memref<!tpu.dma_semaphore, #tpu.memory_space<semaphore_mem>>)
        %dma_wait3A_1455 = arith.constant 64 : i32
        %dma_wait3A_1456 = arith.constant 0 : i32
        %dma_wait3A_1457 = tpu.memref_slice %arg6[%run_scoped3A_244, %dma_wait3A_1455, %dma_wait3A_1456] : memref<5x128x128xf32, #tpu.memory_space<vmem>> -> memref<1x64x128xf32, #tpu.memory_space<vmem>>
        %dma_wait3A_1458 = tpu.memref_squeeze %dma_wait3A_1457 : memref<1x64x128xf32, #tpu.memory_space<vmem>> -> memref<64x128xf32, #tpu.memory_space<vmem>>
        %dma_wait3A_1459 = arith.constant 0 : i32
        %dma_wait3A_1460 = arith.constant 0 : i32
        %dma_wait3A_1461 = tpu.memref_slice %arg7[%arg1, %run_scoped3A_245, %dma_wait3A_1459, %dma_wait3A_1460] : memref<16x2x64x128xf32, #tpu.memory_space<vmem_shared>> -> memref<1x1x64x128xf32, #tpu.memory_space<vmem_shared>>
        %dma_wait3A_1462 = tpu.memref_squeeze %dma_wait3A_1461 : memref<1x1x64x128xf32, #tpu.memory_space<vmem_shared>> -> memref<64x128xf32, #tpu.memory_space<vmem_shared>>
        %dma_wait3A_1463 = arith.constant 0 : i32
        %dma_wait3A_1464 = arith.constant 0 : i32
        %dma_wait3A_1465 = tpu.memref_slice %arg7[%arg1, %run_scoped3A_245, %dma_wait3A_1463, %dma_wait3A_1464] : memref<16x2x64x128xf32, #tpu.memory_space<vmem_shared>> -> memref<1x1x64x128xf32, #tpu.memory_space<vmem_shared>>
        %dma_wait3A_1466 = tpu.memref_squeeze %dma_wait3A_1465 : memref<1x1x64x128xf32, #tpu.memory_space<vmem_shared>> -> memref<64x128xf32, #tpu.memory_space<vmem_shared>>
        %dma_wait3A_1467 = arith.constant 64 : i32
        %dma_wait3A_1468 = arith.constant 0 : i32
        %dma_wait3A_1469 = tpu.memref_slice %arg6[%run_scoped3A_244, %dma_wait3A_1467, %dma_wait3A_1468] : memref<5x128x128xf32, #tpu.memory_space<vmem>> -> memref<1x64x128xf32, #tpu.memory_space<vmem>>
        %dma_wait3A_1470 = tpu.memref_squeeze %dma_wait3A_1469 : memref<1x64x128xf32, #tpu.memory_space<vmem>> -> memref<64x128xf32, #tpu.memory_space<vmem>>
        tpu.wait_dma2 semaphore(%run_scoped3A_1438 : memref<!tpu.dma_semaphore, #tpu.memory_space<semaphore_mem>>) src(%dma_wait3A_1470 : memref<64x128xf32, #tpu.memory_space<vmem>>) dst(%dma_wait3A_1466 : memref<64x128xf32, #tpu.memory_space<vmem_shared>>)
        tpu.yield
      }) : () -> ()
      %add3A_246 = arith.addi %mul3A_2, %mul3A_10 : i32
      %add3A_247 = arith.constant 2 : i32
      %add3A_248 = arith.addi %add3A_246, %add3A_247 : i32
      %mul3A_249 = arith.constant 128 : i32
      %mul3A_250 = arith.muli %add3A_248, %mul3A_249 : i32
      %add3A_251 = arith.constant 64 : i32
      %add3A_252 = arith.addi %mul3A_250, %add3A_251 : i32
      %dma_start3A_253 = arith.constant 1 : i32
      %dma_start3A_254 = arith.constant 0 : i32
      %dma_start3A_255 = tpu.memref_slice %arg4[%add3A_252, %dma_start3A_254] : memref<819200x128xf32, #tpu.memory_space<hbm>> -> memref<64x128xf32, #tpu.memory_space<hbm>>
      %dma_start3A_256 = arith.constant 0 : i32
      %dma_start3A_257 = arith.constant 0 : i32
      %dma_start3A_258 = tpu.memref_slice %arg7[%arg1, %dma_start3A_253, %dma_start3A_256, %dma_start3A_257] : memref<16x2x64x128xf32, #tpu.memory_space<vmem_shared>> -> memref<1x1x64x128xf32, #tpu.memory_space<vmem_shared>>
      %dma_start3A_259 = tpu.memref_squeeze %dma_start3A_258 : memref<1x1x64x128xf32, #tpu.memory_space<vmem_shared>> -> memref<64x128xf32, #tpu.memory_space<vmem_shared>>
      tpu.enqueue_dma source(%dma_start3A_259 : memref<64x128xf32, #tpu.memory_space<vmem_shared>>) target(%dma_start3A_255 : memref<64x128xf32, #tpu.memory_space<hbm>>) target_semaphore(%arg9 : memref<!tpu.dma_semaphore, #tpu.memory_space<semaphore_mem>>)
      %add3A_260 = arith.constant 2 : i32
      %add3A_261 = arith.addi %mul3A_10, %add3A_260 : i32
      %add3A_262 = arith.constant 5 : i32
      %add3A_263 = arith.addi %add3A_261, %add3A_262 : i32
      %dma_start3A_264 = arith.constant 2 : i32
      %dma_start3A_265 = arith.constant 0 : i32
      %dma_start3A_266 = arith.constant 0 : i32
      %dma_start3A_267 = tpu.memref_slice %arg6[%dma_start3A_264, %dma_start3A_265, %dma_start3A_266] : memref<5x128x128xf32, #tpu.memory_space<vmem>> -> memref<1x128x128xf32, #tpu.memory_space<vmem>>
      %dma_start3A_268 = tpu.memref_squeeze %dma_start3A_267 : memref<1x128x128xf32, #tpu.memory_space<vmem>> -> memref<128x128xf32, #tpu.memory_space<vmem>>
      %dma_start3A_269 = arith.constant 0 : i32
      %dma_start3A_270 = tpu.memref_slice %arg5[%add3A_263, %dma_start3A_269] : memref<200x128xi32, #tpu.memory_space<vmem>> -> memref<1x128xi32, #tpu.memory_space<vmem>>
      %dma_start3A_271 = tpu.memref_squeeze %dma_start3A_270 : memref<1x128xi32, #tpu.memory_space<vmem>> -> memref<128xi32, #tpu.memory_space<vmem>>
      %dma_start3A_272 = arith.constant 0 : i32
      %dma_start3A_273 = arith.constant 0 : i32
      %dma_start3A_274 = tpu.memref_slice %arg2[%dma_start3A_272, %dma_start3A_273] : memref<100000x128xf32, #tpu.memory_space<hbm>> -> memref<100000x128xf32, #tpu.memory_space<hbm>>
      tpu.enqueue_indirect_dma source(%dma_start3A_274 : memref<100000x128xf32, #tpu.memory_space<hbm>>) target(%dma_start3A_268 : memref<128x128xf32, #tpu.memory_space<vmem>>) offsets(%dma_start3A_271 : memref<128xi32, #tpu.memory_space<vmem>>) semaphore(%arg12 : memref<!tpu.dma_semaphore, #tpu.memory_space<semaphore_mem>>)
      %dma_wait3A_275 = arith.constant 3 : i32
      %dma_wait3A_276 = arith.constant 0 : i32
      %dma_wait3A_277 = arith.constant 0 : i32
      %dma_wait3A_278 = tpu.memref_slice %arg6[%dma_wait3A_275, %dma_wait3A_276, %dma_wait3A_277] : memref<5x128x128xf32, #tpu.memory_space<vmem>> -> memref<1x128x128xf32, #tpu.memory_space<vmem>>
      %dma_wait3A_279 = tpu.memref_squeeze %dma_wait3A_278 : memref<1x128x128xf32, #tpu.memory_space<vmem>> -> memref<128x128xf32, #tpu.memory_space<vmem>>
      %dma_wait3A_280 = arith.constant 0 : i32
      %dma_wait3A_281 = tpu.memref_slice %arg5[%add3A_50, %dma_wait3A_280] : memref<200x128xi32, #tpu.memory_space<vmem>> -> memref<1x128xi32, #tpu.memory_space<vmem>>
      %dma_wait3A_282 = tpu.memref_squeeze %dma_wait3A_281 : memref<1x128xi32, #tpu.memory_space<vmem>> -> memref<128xi32, #tpu.memory_space<vmem>>
      %dma_wait3A_283 = arith.constant 0 : i32
      %dma_wait3A_284 = arith.constant 0 : i32
      %dma_wait3A_285 = tpu.memref_slice %arg2[%dma_wait3A_283, %dma_wait3A_284] : memref<100000x128xf32, #tpu.memory_space<hbm>> -> memref<100000x128xf32, #tpu.memory_space<hbm>>
      tpu.wait_indirect_dma semaphore(%arg13 : memref<!tpu.dma_semaphore, #tpu.memory_space<semaphore_mem>>) src(%dma_wait3A_285 : memref<100000x128xf32, #tpu.memory_space<hbm>>) dst(%dma_wait3A_279 : memref<128x128xf32, #tpu.memory_space<vmem>>)
      %dma_wait3A_286 = arith.constant 0 : i32
      %dma_wait3A_287 = arith.constant 0 : i32
      %dma_wait3A_288 = tpu.memref_slice %arg4[%add3A_229, %dma_wait3A_287] : memref<819200x128xf32, #tpu.memory_space<hbm>> -> memref<64x128xf32, #tpu.memory_space<hbm>>
      %dma_wait3A_289 = arith.constant 0 : i32
      %dma_wait3A_290 = arith.constant 0 : i32
      %dma_wait3A_291 = tpu.memref_slice %arg7[%arg1, %dma_wait3A_286, %dma_wait3A_289, %dma_wait3A_290] : memref<16x2x64x128xf32, #tpu.memory_space<vmem_shared>> -> memref<1x1x64x128xf32, #tpu.memory_space<vmem_shared>>
      %dma_wait3A_292 = tpu.memref_squeeze %dma_wait3A_291 : memref<1x1x64x128xf32, #tpu.memory_space<vmem_shared>> -> memref<64x128xf32, #tpu.memory_space<vmem_shared>>
      tpu.wait_dma2 semaphore(%arg8 : memref<!tpu.dma_semaphore, #tpu.memory_space<semaphore_mem>>) src(%dma_wait3A_292 : memref<64x128xf32, #tpu.memory_space<vmem_shared>>) dst(%dma_wait3A_288 : memref<64x128xf32, #tpu.memory_space<hbm>>)
      %run_scoped3A_293 = arith.constant 3 : i32
      %run_scoped3A_294 = arith.constant 0 : i32
      "tpu.region"() ({
        %run_scoped3A_1438 = tpu.sem_alloc : memref<!tpu.dma_semaphore, #tpu.memory_space<semaphore_mem>>
        %dma_start3A_1439 = arith.constant 0 : i32
        %dma_start3A_1440 = arith.constant 0 : i32
        %dma_start3A_1441 = tpu.memref_slice %arg6[%run_scoped3A_293, %dma_start3A_1439, %dma_start3A_1440] : memref<5x128x128xf32, #tpu.memory_space<vmem>> -> memref<1x64x128xf32, #tpu.memory_space<vmem>>
        %dma_start3A_1442 = tpu.memref_squeeze %dma_start3A_1441 : memref<1x64x128xf32, #tpu.memory_space<vmem>> -> memref<64x128xf32, #tpu.memory_space<vmem>>
        %dma_start3A_1443 = arith.constant 0 : i32
        %dma_start3A_1444 = arith.constant 0 : i32
        %dma_start3A_1445 = tpu.memref_slice %arg7[%arg1, %run_scoped3A_294, %dma_start3A_1443, %dma_start3A_1444] : memref<16x2x64x128xf32, #tpu.memory_space<vmem_shared>> -> memref<1x1x64x128xf32, #tpu.memory_space<vmem_shared>>
        %dma_start3A_1446 = tpu.memref_squeeze %dma_start3A_1445 : memref<1x1x64x128xf32, #tpu.memory_space<vmem_shared>> -> memref<64x128xf32, #tpu.memory_space<vmem_shared>>
        %dma_start3A_1447 = arith.constant 0 : i32
        %dma_start3A_1448 = arith.constant 0 : i32
        %dma_start3A_1449 = tpu.memref_slice %arg7[%arg1, %run_scoped3A_294, %dma_start3A_1447, %dma_start3A_1448] : memref<16x2x64x128xf32, #tpu.memory_space<vmem_shared>> -> memref<1x1x64x128xf32, #tpu.memory_space<vmem_shared>>
        %dma_start3A_1450 = tpu.memref_squeeze %dma_start3A_1449 : memref<1x1x64x128xf32, #tpu.memory_space<vmem_shared>> -> memref<64x128xf32, #tpu.memory_space<vmem_shared>>
        %dma_start3A_1451 = arith.constant 0 : i32
        %dma_start3A_1452 = arith.constant 0 : i32
        %dma_start3A_1453 = tpu.memref_slice %arg6[%run_scoped3A_293, %dma_start3A_1451, %dma_start3A_1452] : memref<5x128x128xf32, #tpu.memory_space<vmem>> -> memref<1x64x128xf32, #tpu.memory_space<vmem>>
        %dma_start3A_1454 = tpu.memref_squeeze %dma_start3A_1453 : memref<1x64x128xf32, #tpu.memory_space<vmem>> -> memref<64x128xf32, #tpu.memory_space<vmem>>
        tpu.enqueue_dma source(%dma_start3A_1454 : memref<64x128xf32, #tpu.memory_space<vmem>>) target(%dma_start3A_1450 : memref<64x128xf32, #tpu.memory_space<vmem_shared>>) target_semaphore(%run_scoped3A_1438 : memref<!tpu.dma_semaphore, #tpu.memory_space<semaphore_mem>>)
        %dma_wait3A_1455 = arith.constant 0 : i32
        %dma_wait3A_1456 = arith.constant 0 : i32
        %dma_wait3A_1457 = tpu.memref_slice %arg6[%run_scoped3A_293, %dma_wait3A_1455, %dma_wait3A_1456] : memref<5x128x128xf32, #tpu.memory_space<vmem>> -> memref<1x64x128xf32, #tpu.memory_space<vmem>>
        %dma_wait3A_1458 = tpu.memref_squeeze %dma_wait3A_1457 : memref<1x64x128xf32, #tpu.memory_space<vmem>> -> memref<64x128xf32, #tpu.memory_space<vmem>>
        %dma_wait3A_1459 = arith.constant 0 : i32
        %dma_wait3A_1460 = arith.constant 0 : i32
        %dma_wait3A_1461 = tpu.memref_slice %arg7[%arg1, %run_scoped3A_294, %dma_wait3A_1459, %dma_wait3A_1460] : memref<16x2x64x128xf32, #tpu.memory_space<vmem_shared>> -> memref<1x1x64x128xf32, #tpu.memory_space<vmem_shared>>
        %dma_wait3A_1462 = tpu.memref_squeeze %dma_wait3A_1461 : memref<1x1x64x128xf32, #tpu.memory_space<vmem_shared>> -> memref<64x128xf32, #tpu.memory_space<vmem_shared>>
        %dma_wait3A_1463 = arith.constant 0 : i32
        %dma_wait3A_1464 = arith.constant 0 : i32
        %dma_wait3A_1465 = tpu.memref_slice %arg7[%arg1, %run_scoped3A_294, %dma_wait3A_1463, %dma_wait3A_1464] : memref<16x2x64x128xf32, #tpu.memory_space<vmem_shared>> -> memref<1x1x64x128xf32, #tpu.memory_space<vmem_shared>>
        %dma_wait3A_1466 = tpu.memref_squeeze %dma_wait3A_1465 : memref<1x1x64x128xf32, #tpu.memory_space<vmem_shared>> -> memref<64x128xf32, #tpu.memory_space<vmem_shared>>
        %dma_wait3A_1467 = arith.constant 0 : i32
        %dma_wait3A_1468 = arith.constant 0 : i32
        %dma_wait3A_1469 = tpu.memref_slice %arg6[%run_scoped3A_293, %dma_wait3A_1467, %dma_wait3A_1468] : memref<5x128x128xf32, #tpu.memory_space<vmem>> -> memref<1x64x128xf32, #tpu.memory_space<vmem>>
        %dma_wait3A_1470 = tpu.memref_squeeze %dma_wait3A_1469 : memref<1x64x128xf32, #tpu.memory_space<vmem>> -> memref<64x128xf32, #tpu.memory_space<vmem>>
        tpu.wait_dma2 semaphore(%run_scoped3A_1438 : memref<!tpu.dma_semaphore, #tpu.memory_space<semaphore_mem>>) src(%dma_wait3A_1470 : memref<64x128xf32, #tpu.memory_space<vmem>>) dst(%dma_wait3A_1466 : memref<64x128xf32, #tpu.memory_space<vmem_shared>>)
        tpu.yield
      }) : () -> ()
      %add3A_295 = arith.addi %mul3A_2, %mul3A_10 : i32
      %add3A_296 = arith.constant 3 : i32
      %add3A_297 = arith.addi %add3A_295, %add3A_296 : i32
      %mul3A_298 = arith.constant 128 : i32
      %mul3A_299 = arith.muli %add3A_297, %mul3A_298 : i32
      %add3A_300 = arith.constant 0 : i32
      %add3A_301 = arith.addi %mul3A_299, %add3A_300 : i32
      %dma_start3A_302 = arith.constant 0 : i32
      %dma_start3A_303 = arith.constant 0 : i32
      %dma_start3A_304 = tpu.memref_slice %arg4[%add3A_301, %dma_start3A_303] : memref<819200x128xf32, #tpu.memory_space<hbm>> -> memref<64x128xf32, #tpu.memory_space<hbm>>
      %dma_start3A_305 = arith.constant 0 : i32
      %dma_start3A_306 = arith.constant 0 : i32
      %dma_start3A_307 = tpu.memref_slice %arg7[%arg1, %dma_start3A_302, %dma_start3A_305, %dma_start3A_306] : memref<16x2x64x128xf32, #tpu.memory_space<vmem_shared>> -> memref<1x1x64x128xf32, #tpu.memory_space<vmem_shared>>
      %dma_start3A_308 = tpu.memref_squeeze %dma_start3A_307 : memref<1x1x64x128xf32, #tpu.memory_space<vmem_shared>> -> memref<64x128xf32, #tpu.memory_space<vmem_shared>>
      tpu.enqueue_dma source(%dma_start3A_308 : memref<64x128xf32, #tpu.memory_space<vmem_shared>>) target(%dma_start3A_304 : memref<64x128xf32, #tpu.memory_space<hbm>>) target_semaphore(%arg8 : memref<!tpu.dma_semaphore, #tpu.memory_space<semaphore_mem>>)
      %dma_wait3A_309 = arith.constant 1 : i32
      %dma_wait3A_310 = arith.constant 0 : i32
      %dma_wait3A_311 = tpu.memref_slice %arg4[%add3A_252, %dma_wait3A_310] : memref<819200x128xf32, #tpu.memory_space<hbm>> -> memref<64x128xf32, #tpu.memory_space<hbm>>
      %dma_wait3A_312 = arith.constant 0 : i32
      %dma_wait3A_313 = arith.constant 0 : i32
      %dma_wait3A_314 = tpu.memref_slice %arg7[%arg1, %dma_wait3A_309, %dma_wait3A_312, %dma_wait3A_313] : memref<16x2x64x128xf32, #tpu.memory_space<vmem_shared>> -> memref<1x1x64x128xf32, #tpu.memory_space<vmem_shared>>
      %dma_wait3A_315 = tpu.memref_squeeze %dma_wait3A_314 : memref<1x1x64x128xf32, #tpu.memory_space<vmem_shared>> -> memref<64x128xf32, #tpu.memory_space<vmem_shared>>
      tpu.wait_dma2 semaphore(%arg9 : memref<!tpu.dma_semaphore, #tpu.memory_space<semaphore_mem>>) src(%dma_wait3A_315 : memref<64x128xf32, #tpu.memory_space<vmem_shared>>) dst(%dma_wait3A_311 : memref<64x128xf32, #tpu.memory_space<hbm>>)
      %run_scoped3A_316 = arith.constant 3 : i32
      %run_scoped3A_317 = arith.constant 1 : i32
      "tpu.region"() ({
        %run_scoped3A_1438 = tpu.sem_alloc : memref<!tpu.dma_semaphore, #tpu.memory_space<semaphore_mem>>
        %dma_start3A_1439 = arith.constant 64 : i32
        %dma_start3A_1440 = arith.constant 0 : i32
        %dma_start3A_1441 = tpu.memref_slice %arg6[%run_scoped3A_316, %dma_start3A_1439, %dma_start3A_1440] : memref<5x128x128xf32, #tpu.memory_space<vmem>> -> memref<1x64x128xf32, #tpu.memory_space<vmem>>
        %dma_start3A_1442 = tpu.memref_squeeze %dma_start3A_1441 : memref<1x64x128xf32, #tpu.memory_space<vmem>> -> memref<64x128xf32, #tpu.memory_space<vmem>>
        %dma_start3A_1443 = arith.constant 0 : i32
        %dma_start3A_1444 = arith.constant 0 : i32
        %dma_start3A_1445 = tpu.memref_slice %arg7[%arg1, %run_scoped3A_317, %dma_start3A_1443, %dma_start3A_1444] : memref<16x2x64x128xf32, #tpu.memory_space<vmem_shared>> -> memref<1x1x64x128xf32, #tpu.memory_space<vmem_shared>>
        %dma_start3A_1446 = tpu.memref_squeeze %dma_start3A_1445 : memref<1x1x64x128xf32, #tpu.memory_space<vmem_shared>> -> memref<64x128xf32, #tpu.memory_space<vmem_shared>>
        %dma_start3A_1447 = arith.constant 0 : i32
        %dma_start3A_1448 = arith.constant 0 : i32
        %dma_start3A_1449 = tpu.memref_slice %arg7[%arg1, %run_scoped3A_317, %dma_start3A_1447, %dma_start3A_1448] : memref<16x2x64x128xf32, #tpu.memory_space<vmem_shared>> -> memref<1x1x64x128xf32, #tpu.memory_space<vmem_shared>>
        %dma_start3A_1450 = tpu.memref_squeeze %dma_start3A_1449 : memref<1x1x64x128xf32, #tpu.memory_space<vmem_shared>> -> memref<64x128xf32, #tpu.memory_space<vmem_shared>>
        %dma_start3A_1451 = arith.constant 64 : i32
        %dma_start3A_1452 = arith.constant 0 : i32
        %dma_start3A_1453 = tpu.memref_slice %arg6[%run_scoped3A_316, %dma_start3A_1451, %dma_start3A_1452] : memref<5x128x128xf32, #tpu.memory_space<vmem>> -> memref<1x64x128xf32, #tpu.memory_space<vmem>>
        %dma_start3A_1454 = tpu.memref_squeeze %dma_start3A_1453 : memref<1x64x128xf32, #tpu.memory_space<vmem>> -> memref<64x128xf32, #tpu.memory_space<vmem>>
        tpu.enqueue_dma source(%dma_start3A_1454 : memref<64x128xf32, #tpu.memory_space<vmem>>) target(%dma_start3A_1450 : memref<64x128xf32, #tpu.memory_space<vmem_shared>>) target_semaphore(%run_scoped3A_1438 : memref<!tpu.dma_semaphore, #tpu.memory_space<semaphore_mem>>)
        %dma_wait3A_1455 = arith.constant 64 : i32
        %dma_wait3A_1456 = arith.constant 0 : i32
        %dma_wait3A_1457 = tpu.memref_slice %arg6[%run_scoped3A_316, %dma_wait3A_1455, %dma_wait3A_1456] : memref<5x128x128xf32, #tpu.memory_space<vmem>> -> memref<1x64x128xf32, #tpu.memory_space<vmem>>
        %dma_wait3A_1458 = tpu.memref_squeeze %dma_wait3A_1457 : memref<1x64x128xf32, #tpu.memory_space<vmem>> -> memref<64x128xf32, #tpu.memory_space<vmem>>
        %dma_wait3A_1459 = arith.constant 0 : i32
        %dma_wait3A_1460 = arith.constant 0 : i32
        %dma_wait3A_1461 = tpu.memref_slice %arg7[%arg1, %run_scoped3A_317, %dma_wait3A_1459, %dma_wait3A_1460] : memref<16x2x64x128xf32, #tpu.memory_space<vmem_shared>> -> memref<1x1x64x128xf32, #tpu.memory_space<vmem_shared>>
        %dma_wait3A_1462 = tpu.memref_squeeze %dma_wait3A_1461 : memref<1x1x64x128xf32, #tpu.memory_space<vmem_shared>> -> memref<64x128xf32, #tpu.memory_space<vmem_shared>>
        %dma_wait3A_1463 = arith.constant 0 : i32
        %dma_wait3A_1464 = arith.constant 0 : i32
        %dma_wait3A_1465 = tpu.memref_slice %arg7[%arg1, %run_scoped3A_317, %dma_wait3A_1463, %dma_wait3A_1464] : memref<16x2x64x128xf32, #tpu.memory_space<vmem_shared>> -> memref<1x1x64x128xf32, #tpu.memory_space<vmem_shared>>
        %dma_wait3A_1466 = tpu.memref_squeeze %dma_wait3A_1465 : memref<1x1x64x128xf32, #tpu.memory_space<vmem_shared>> -> memref<64x128xf32, #tpu.memory_space<vmem_shared>>
        %dma_wait3A_1467 = arith.constant 64 : i32
        %dma_wait3A_1468 = arith.constant 0 : i32
        %dma_wait3A_1469 = tpu.memref_slice %arg6[%run_scoped3A_316, %dma_wait3A_1467, %dma_wait3A_1468] : memref<5x128x128xf32, #tpu.memory_space<vmem>> -> memref<1x64x128xf32, #tpu.memory_space<vmem>>
        %dma_wait3A_1470 = tpu.memref_squeeze %dma_wait3A_1469 : memref<1x64x128xf32, #tpu.memory_space<vmem>> -> memref<64x128xf32, #tpu.memory_space<vmem>>
        tpu.wait_dma2 semaphore(%run_scoped3A_1438 : memref<!tpu.dma_semaphore, #tpu.memory_space<semaphore_mem>>) src(%dma_wait3A_1470 : memref<64x128xf32, #tpu.memory_space<vmem>>) dst(%dma_wait3A_1466 : memref<64x128xf32, #tpu.memory_space<vmem_shared>>)
        tpu.yield
      }) : () -> ()
      %add3A_318 = arith.addi %mul3A_2, %mul3A_10 : i32
      %add3A_319 = arith.constant 3 : i32
      %add3A_320 = arith.addi %add3A_318, %add3A_319 : i32
      %mul3A_321 = arith.constant 128 : i32
      %mul3A_322 = arith.muli %add3A_320, %mul3A_321 : i32
      %add3A_323 = arith.constant 64 : i32
      %add3A_324 = arith.addi %mul3A_322, %add3A_323 : i32
      %dma_start3A_325 = arith.constant 1 : i32
      %dma_start3A_326 = arith.constant 0 : i32
      %dma_start3A_327 = tpu.memref_slice %arg4[%add3A_324, %dma_start3A_326] : memref<819200x128xf32, #tpu.memory_space<hbm>> -> memref<64x128xf32, #tpu.memory_space<hbm>>
      %dma_start3A_328 = arith.constant 0 : i32
      %dma_start3A_329 = arith.constant 0 : i32
      %dma_start3A_330 = tpu.memref_slice %arg7[%arg1, %dma_start3A_325, %dma_start3A_328, %dma_start3A_329] : memref<16x2x64x128xf32, #tpu.memory_space<vmem_shared>> -> memref<1x1x64x128xf32, #tpu.memory_space<vmem_shared>>
      %dma_start3A_331 = tpu.memref_squeeze %dma_start3A_330 : memref<1x1x64x128xf32, #tpu.memory_space<vmem_shared>> -> memref<64x128xf32, #tpu.memory_space<vmem_shared>>
      tpu.enqueue_dma source(%dma_start3A_331 : memref<64x128xf32, #tpu.memory_space<vmem_shared>>) target(%dma_start3A_327 : memref<64x128xf32, #tpu.memory_space<hbm>>) target_semaphore(%arg9 : memref<!tpu.dma_semaphore, #tpu.memory_space<semaphore_mem>>)
      %add3A_332 = arith.constant 3 : i32
      %add3A_333 = arith.addi %mul3A_10, %add3A_332 : i32
      %add3A_334 = arith.constant 5 : i32
      %add3A_335 = arith.addi %add3A_333, %add3A_334 : i32
      %dma_start3A_336 = arith.constant 3 : i32
      %dma_start3A_337 = arith.constant 0 : i32
      %dma_start3A_338 = arith.constant 0 : i32
      %dma_start3A_339 = tpu.memref_slice %arg6[%dma_start3A_336, %dma_start3A_337, %dma_start3A_338] : memref<5x128x128xf32, #tpu.memory_space<vmem>> -> memref<1x128x128xf32, #tpu.memory_space<vmem>>
      %dma_start3A_340 = tpu.memref_squeeze %dma_start3A_339 : memref<1x128x128xf32, #tpu.memory_space<vmem>> -> memref<128x128xf32, #tpu.memory_space<vmem>>
      %dma_start3A_341 = arith.constant 0 : i32
      %dma_start3A_342 = tpu.memref_slice %arg5[%add3A_335, %dma_start3A_341] : memref<200x128xi32, #tpu.memory_space<vmem>> -> memref<1x128xi32, #tpu.memory_space<vmem>>
      %dma_start3A_343 = tpu.memref_squeeze %dma_start3A_342 : memref<1x128xi32, #tpu.memory_space<vmem>> -> memref<128xi32, #tpu.memory_space<vmem>>
      %dma_start3A_344 = arith.constant 0 : i32
      %dma_start3A_345 = arith.constant 0 : i32
      %dma_start3A_346 = tpu.memref_slice %arg2[%dma_start3A_344, %dma_start3A_345] : memref<100000x128xf32, #tpu.memory_space<hbm>> -> memref<100000x128xf32, #tpu.memory_space<hbm>>
      tpu.enqueue_indirect_dma source(%dma_start3A_346 : memref<100000x128xf32, #tpu.memory_space<hbm>>) target(%dma_start3A_340 : memref<128x128xf32, #tpu.memory_space<vmem>>) offsets(%dma_start3A_343 : memref<128xi32, #tpu.memory_space<vmem>>) semaphore(%arg13 : memref<!tpu.dma_semaphore, #tpu.memory_space<semaphore_mem>>)
      %dma_wait3A_347 = arith.constant 4 : i32
      %dma_wait3A_348 = arith.constant 0 : i32
      %dma_wait3A_349 = arith.constant 0 : i32
      %dma_wait3A_350 = tpu.memref_slice %arg6[%dma_wait3A_347, %dma_wait3A_348, %dma_wait3A_349] : memref<5x128x128xf32, #tpu.memory_space<vmem>> -> memref<1x128x128xf32, #tpu.memory_space<vmem>>
      %dma_wait3A_351 = tpu.memref_squeeze %dma_wait3A_350 : memref<1x128x128xf32, #tpu.memory_space<vmem>> -> memref<128x128xf32, #tpu.memory_space<vmem>>
      %dma_wait3A_352 = arith.constant 0 : i32
      %dma_wait3A_353 = tpu.memref_slice %arg5[%add3A_63, %dma_wait3A_352] : memref<200x128xi32, #tpu.memory_space<vmem>> -> memref<1x128xi32, #tpu.memory_space<vmem>>
      %dma_wait3A_354 = tpu.memref_squeeze %dma_wait3A_353 : memref<1x128xi32, #tpu.memory_space<vmem>> -> memref<128xi32, #tpu.memory_space<vmem>>
      %dma_wait3A_355 = arith.constant 0 : i32
      %dma_wait3A_356 = arith.constant 0 : i32
      %dma_wait3A_357 = tpu.memref_slice %arg2[%dma_wait3A_355, %dma_wait3A_356] : memref<100000x128xf32, #tpu.memory_space<hbm>> -> memref<100000x128xf32, #tpu.memory_space<hbm>>
      tpu.wait_indirect_dma semaphore(%arg14 : memref<!tpu.dma_semaphore, #tpu.memory_space<semaphore_mem>>) src(%dma_wait3A_357 : memref<100000x128xf32, #tpu.memory_space<hbm>>) dst(%dma_wait3A_351 : memref<128x128xf32, #tpu.memory_space<vmem>>)
      %dma_wait3A_358 = arith.constant 0 : i32
      %dma_wait3A_359 = arith.constant 0 : i32
      %dma_wait3A_360 = tpu.memref_slice %arg4[%add3A_301, %dma_wait3A_359] : memref<819200x128xf32, #tpu.memory_space<hbm>> -> memref<64x128xf32, #tpu.memory_space<hbm>>
      %dma_wait3A_361 = arith.constant 0 : i32
      %dma_wait3A_362 = arith.constant 0 : i32
      %dma_wait3A_363 = tpu.memref_slice %arg7[%arg1, %dma_wait3A_358, %dma_wait3A_361, %dma_wait3A_362] : memref<16x2x64x128xf32, #tpu.memory_space<vmem_shared>> -> memref<1x1x64x128xf32, #tpu.memory_space<vmem_shared>>
      %dma_wait3A_364 = tpu.memref_squeeze %dma_wait3A_363 : memref<1x1x64x128xf32, #tpu.memory_space<vmem_shared>> -> memref<64x128xf32, #tpu.memory_space<vmem_shared>>
      tpu.wait_dma2 semaphore(%arg8 : memref<!tpu.dma_semaphore, #tpu.memory_space<semaphore_mem>>) src(%dma_wait3A_364 : memref<64x128xf32, #tpu.memory_space<vmem_shared>>) dst(%dma_wait3A_360 : memref<64x128xf32, #tpu.memory_space<hbm>>)
      %run_scoped3A_365 = arith.constant 4 : i32
      %run_scoped3A_366 = arith.constant 0 : i32
      "tpu.region"() ({
        %run_scoped3A_1438 = tpu.sem_alloc : memref<!tpu.dma_semaphore, #tpu.memory_space<semaphore_mem>>
        %dma_start3A_1439 = arith.constant 0 : i32
        %dma_start3A_1440 = arith.constant 0 : i32
        %dma_start3A_1441 = tpu.memref_slice %arg6[%run_scoped3A_365, %dma_start3A_1439, %dma_start3A_1440] : memref<5x128x128xf32, #tpu.memory_space<vmem>> -> memref<1x64x128xf32, #tpu.memory_space<vmem>>
        %dma_start3A_1442 = tpu.memref_squeeze %dma_start3A_1441 : memref<1x64x128xf32, #tpu.memory_space<vmem>> -> memref<64x128xf32, #tpu.memory_space<vmem>>
        %dma_start3A_1443 = arith.constant 0 : i32
        %dma_start3A_1444 = arith.constant 0 : i32
        %dma_start3A_1445 = tpu.memref_slice %arg7[%arg1, %run_scoped3A_366, %dma_start3A_1443, %dma_start3A_1444] : memref<16x2x64x128xf32, #tpu.memory_space<vmem_shared>> -> memref<1x1x64x128xf32, #tpu.memory_space<vmem_shared>>
        %dma_start3A_1446 = tpu.memref_squeeze %dma_start3A_1445 : memref<1x1x64x128xf32, #tpu.memory_space<vmem_shared>> -> memref<64x128xf32, #tpu.memory_space<vmem_shared>>
        %dma_start3A_1447 = arith.constant 0 : i32
        %dma_start3A_1448 = arith.constant 0 : i32
        %dma_start3A_1449 = tpu.memref_slice %arg7[%arg1, %run_scoped3A_366, %dma_start3A_1447, %dma_start3A_1448] : memref<16x2x64x128xf32, #tpu.memory_space<vmem_shared>> -> memref<1x1x64x128xf32, #tpu.memory_space<vmem_shared>>
        %dma_start3A_1450 = tpu.memref_squeeze %dma_start3A_1449 : memref<1x1x64x128xf32, #tpu.memory_space<vmem_shared>> -> memref<64x128xf32, #tpu.memory_space<vmem_shared>>
        %dma_start3A_1451 = arith.constant 0 : i32
        %dma_start3A_1452 = arith.constant 0 : i32
        %dma_start3A_1453 = tpu.memref_slice %arg6[%run_scoped3A_365, %dma_start3A_1451, %dma_start3A_1452] : memref<5x128x128xf32, #tpu.memory_space<vmem>> -> memref<1x64x128xf32, #tpu.memory_space<vmem>>
        %dma_start3A_1454 = tpu.memref_squeeze %dma_start3A_1453 : memref<1x64x128xf32, #tpu.memory_space<vmem>> -> memref<64x128xf32, #tpu.memory_space<vmem>>
        tpu.enqueue_dma source(%dma_start3A_1454 : memref<64x128xf32, #tpu.memory_space<vmem>>) target(%dma_start3A_1450 : memref<64x128xf32, #tpu.memory_space<vmem_shared>>) target_semaphore(%run_scoped3A_1438 : memref<!tpu.dma_semaphore, #tpu.memory_space<semaphore_mem>>)
        %dma_wait3A_1455 = arith.constant 0 : i32
        %dma_wait3A_1456 = arith.constant 0 : i32
        %dma_wait3A_1457 = tpu.memref_slice %arg6[%run_scoped3A_365, %dma_wait3A_1455, %dma_wait3A_1456] : memref<5x128x128xf32, #tpu.memory_space<vmem>> -> memref<1x64x128xf32, #tpu.memory_space<vmem>>
        %dma_wait3A_1458 = tpu.memref_squeeze %dma_wait3A_1457 : memref<1x64x128xf32, #tpu.memory_space<vmem>> -> memref<64x128xf32, #tpu.memory_space<vmem>>
        %dma_wait3A_1459 = arith.constant 0 : i32
        %dma_wait3A_1460 = arith.constant 0 : i32
        %dma_wait3A_1461 = tpu.memref_slice %arg7[%arg1, %run_scoped3A_366, %dma_wait3A_1459, %dma_wait3A_1460] : memref<16x2x64x128xf32, #tpu.memory_space<vmem_shared>> -> memref<1x1x64x128xf32, #tpu.memory_space<vmem_shared>>
        %dma_wait3A_1462 = tpu.memref_squeeze %dma_wait3A_1461 : memref<1x1x64x128xf32, #tpu.memory_space<vmem_shared>> -> memref<64x128xf32, #tpu.memory_space<vmem_shared>>
        %dma_wait3A_1463 = arith.constant 0 : i32
        %dma_wait3A_1464 = arith.constant 0 : i32
        %dma_wait3A_1465 = tpu.memref_slice %arg7[%arg1, %run_scoped3A_366, %dma_wait3A_1463, %dma_wait3A_1464] : memref<16x2x64x128xf32, #tpu.memory_space<vmem_shared>> -> memref<1x1x64x128xf32, #tpu.memory_space<vmem_shared>>
        %dma_wait3A_1466 = tpu.memref_squeeze %dma_wait3A_1465 : memref<1x1x64x128xf32, #tpu.memory_space<vmem_shared>> -> memref<64x128xf32, #tpu.memory_space<vmem_shared>>
        %dma_wait3A_1467 = arith.constant 0 : i32
        %dma_wait3A_1468 = arith.constant 0 : i32
        %dma_wait3A_1469 = tpu.memref_slice %arg6[%run_scoped3A_365, %dma_wait3A_1467, %dma_wait3A_1468] : memref<5x128x128xf32, #tpu.memory_space<vmem>> -> memref<1x64x128xf32, #tpu.memory_space<vmem>>
        %dma_wait3A_1470 = tpu.memref_squeeze %dma_wait3A_1469 : memref<1x64x128xf32, #tpu.memory_space<vmem>> -> memref<64x128xf32, #tpu.memory_space<vmem>>
        tpu.wait_dma2 semaphore(%run_scoped3A_1438 : memref<!tpu.dma_semaphore, #tpu.memory_space<semaphore_mem>>) src(%dma_wait3A_1470 : memref<64x128xf32, #tpu.memory_space<vmem>>) dst(%dma_wait3A_1466 : memref<64x128xf32, #tpu.memory_space<vmem_shared>>)
        tpu.yield
      }) : () -> ()
      %add3A_367 = arith.addi %mul3A_2, %mul3A_10 : i32
      %add3A_368 = arith.constant 4 : i32
      %add3A_369 = arith.addi %add3A_367, %add3A_368 : i32
      %mul3A_370 = arith.constant 128 : i32
      %mul3A_371 = arith.muli %add3A_369, %mul3A_370 : i32
      %add3A_372 = arith.constant 0 : i32
      %add3A_373 = arith.addi %mul3A_371, %add3A_372 : i32
      %dma_start3A_374 = arith.constant 0 : i32
      %dma_start3A_375 = arith.constant 0 : i32
      %dma_start3A_376 = tpu.memref_slice %arg4[%add3A_373, %dma_start3A_375] : memref<819200x128xf32, #tpu.memory_space<hbm>> -> memref<64x128xf32, #tpu.memory_space<hbm>>
      %dma_start3A_377 = arith.constant 0 : i32
      %dma_start3A_378 = arith.constant 0 : i32
      %dma_start3A_379 = tpu.memref_slice %arg7[%arg1, %dma_start3A_374, %dma_start3A_377, %dma_start3A_378] : memref<16x2x64x128xf32, #tpu.memory_space<vmem_shared>> -> memref<1x1x64x128xf32, #tpu.memory_space<vmem_shared>>
      %dma_start3A_380 = tpu.memref_squeeze %dma_start3A_379 : memref<1x1x64x128xf32, #tpu.memory_space<vmem_shared>> -> memref<64x128xf32, #tpu.memory_space<vmem_shared>>
      tpu.enqueue_dma source(%dma_start3A_380 : memref<64x128xf32, #tpu.memory_space<vmem_shared>>) target(%dma_start3A_376 : memref<64x128xf32, #tpu.memory_space<hbm>>) target_semaphore(%arg8 : memref<!tpu.dma_semaphore, #tpu.memory_space<semaphore_mem>>)
      %dma_wait3A_381 = arith.constant 1 : i32
      %dma_wait3A_382 = arith.constant 0 : i32
      %dma_wait3A_383 = tpu.memref_slice %arg4[%add3A_324, %dma_wait3A_382] : memref<819200x128xf32, #tpu.memory_space<hbm>> -> memref<64x128xf32, #tpu.memory_space<hbm>>
      %dma_wait3A_384 = arith.constant 0 : i32
      %dma_wait3A_385 = arith.constant 0 : i32
      %dma_wait3A_386 = tpu.memref_slice %arg7[%arg1, %dma_wait3A_381, %dma_wait3A_384, %dma_wait3A_385] : memref<16x2x64x128xf32, #tpu.memory_space<vmem_shared>> -> memref<1x1x64x128xf32, #tpu.memory_space<vmem_shared>>
      %dma_wait3A_387 = tpu.memref_squeeze %dma_wait3A_386 : memref<1x1x64x128xf32, #tpu.memory_space<vmem_shared>> -> memref<64x128xf32, #tpu.memory_space<vmem_shared>>
      tpu.wait_dma2 semaphore(%arg9 : memref<!tpu.dma_semaphore, #tpu.memory_space<semaphore_mem>>) src(%dma_wait3A_387 : memref<64x128xf32, #tpu.memory_space<vmem_shared>>) dst(%dma_wait3A_383 : memref<64x128xf32, #tpu.memory_space<hbm>>)
      %run_scoped3A_388 = arith.constant 4 : i32
      %run_scoped3A_389 = arith.constant 1 : i32
      "tpu.region"() ({
        %run_scoped3A_1438 = tpu.sem_alloc : memref<!tpu.dma_semaphore, #tpu.memory_space<semaphore_mem>>
        %dma_start3A_1439 = arith.constant 64 : i32
        %dma_start3A_1440 = arith.constant 0 : i32
        %dma_start3A_1441 = tpu.memref_slice %arg6[%run_scoped3A_388, %dma_start3A_1439, %dma_start3A_1440] : memref<5x128x128xf32, #tpu.memory_space<vmem>> -> memref<1x64x128xf32, #tpu.memory_space<vmem>>
        %dma_start3A_1442 = tpu.memref_squeeze %dma_start3A_1441 : memref<1x64x128xf32, #tpu.memory_space<vmem>> -> memref<64x128xf32, #tpu.memory_space<vmem>>
        %dma_start3A_1443 = arith.constant 0 : i32
        %dma_start3A_1444 = arith.constant 0 : i32
        %dma_start3A_1445 = tpu.memref_slice %arg7[%arg1, %run_scoped3A_389, %dma_start3A_1443, %dma_start3A_1444] : memref<16x2x64x128xf32, #tpu.memory_space<vmem_shared>> -> memref<1x1x64x128xf32, #tpu.memory_space<vmem_shared>>
        %dma_start3A_1446 = tpu.memref_squeeze %dma_start3A_1445 : memref<1x1x64x128xf32, #tpu.memory_space<vmem_shared>> -> memref<64x128xf32, #tpu.memory_space<vmem_shared>>
        %dma_start3A_1447 = arith.constant 0 : i32
        %dma_start3A_1448 = arith.constant 0 : i32
        %dma_start3A_1449 = tpu.memref_slice %arg7[%arg1, %run_scoped3A_389, %dma_start3A_1447, %dma_start3A_1448] : memref<16x2x64x128xf32, #tpu.memory_space<vmem_shared>> -> memref<1x1x64x128xf32, #tpu.memory_space<vmem_shared>>
        %dma_start3A_1450 = tpu.memref_squeeze %dma_start3A_1449 : memref<1x1x64x128xf32, #tpu.memory_space<vmem_shared>> -> memref<64x128xf32, #tpu.memory_space<vmem_shared>>
        %dma_start3A_1451 = arith.constant 64 : i32
        %dma_start3A_1452 = arith.constant 0 : i32
        %dma_start3A_1453 = tpu.memref_slice %arg6[%run_scoped3A_388, %dma_start3A_1451, %dma_start3A_1452] : memref<5x128x128xf32, #tpu.memory_space<vmem>> -> memref<1x64x128xf32, #tpu.memory_space<vmem>>
        %dma_start3A_1454 = tpu.memref_squeeze %dma_start3A_1453 : memref<1x64x128xf32, #tpu.memory_space<vmem>> -> memref<64x128xf32, #tpu.memory_space<vmem>>
        tpu.enqueue_dma source(%dma_start3A_1454 : memref<64x128xf32, #tpu.memory_space<vmem>>) target(%dma_start3A_1450 : memref<64x128xf32, #tpu.memory_space<vmem_shared>>) target_semaphore(%run_scoped3A_1438 : memref<!tpu.dma_semaphore, #tpu.memory_space<semaphore_mem>>)
        %dma_wait3A_1455 = arith.constant 64 : i32
        %dma_wait3A_1456 = arith.constant 0 : i32
        %dma_wait3A_1457 = tpu.memref_slice %arg6[%run_scoped3A_388, %dma_wait3A_1455, %dma_wait3A_1456] : memref<5x128x128xf32, #tpu.memory_space<vmem>> -> memref<1x64x128xf32, #tpu.memory_space<vmem>>
        %dma_wait3A_1458 = tpu.memref_squeeze %dma_wait3A_1457 : memref<1x64x128xf32, #tpu.memory_space<vmem>> -> memref<64x128xf32, #tpu.memory_space<vmem>>
        %dma_wait3A_1459 = arith.constant 0 : i32
        %dma_wait3A_1460 = arith.constant 0 : i32
        %dma_wait3A_1461 = tpu.memref_slice %arg7[%arg1, %run_scoped3A_389, %dma_wait3A_1459, %dma_wait3A_1460] : memref<16x2x64x128xf32, #tpu.memory_space<vmem_shared>> -> memref<1x1x64x128xf32, #tpu.memory_space<vmem_shared>>
        %dma_wait3A_1462 = tpu.memref_squeeze %dma_wait3A_1461 : memref<1x1x64x128xf32, #tpu.memory_space<vmem_shared>> -> memref<64x128xf32, #tpu.memory_space<vmem_shared>>
        %dma_wait3A_1463 = arith.constant 0 : i32
        %dma_wait3A_1464 = arith.constant 0 : i32
        %dma_wait3A_1465 = tpu.memref_slice %arg7[%arg1, %run_scoped3A_389, %dma_wait3A_1463, %dma_wait3A_1464] : memref<16x2x64x128xf32, #tpu.memory_space<vmem_shared>> -> memref<1x1x64x128xf32, #tpu.memory_space<vmem_shared>>
        %dma_wait3A_1466 = tpu.memref_squeeze %dma_wait3A_1465 : memref<1x1x64x128xf32, #tpu.memory_space<vmem_shared>> -> memref<64x128xf32, #tpu.memory_space<vmem_shared>>
        %dma_wait3A_1467 = arith.constant 64 : i32
        %dma_wait3A_1468 = arith.constant 0 : i32
        %dma_wait3A_1469 = tpu.memref_slice %arg6[%run_scoped3A_388, %dma_wait3A_1467, %dma_wait3A_1468] : memref<5x128x128xf32, #tpu.memory_space<vmem>> -> memref<1x64x128xf32, #tpu.memory_space<vmem>>
        %dma_wait3A_1470 = tpu.memref_squeeze %dma_wait3A_1469 : memref<1x64x128xf32, #tpu.memory_space<vmem>> -> memref<64x128xf32, #tpu.memory_space<vmem>>
        tpu.wait_dma2 semaphore(%run_scoped3A_1438 : memref<!tpu.dma_semaphore, #tpu.memory_space<semaphore_mem>>) src(%dma_wait3A_1470 : memref<64x128xf32, #tpu.memory_space<vmem>>) dst(%dma_wait3A_1466 : memref<64x128xf32, #tpu.memory_space<vmem_shared>>)
        tpu.yield
      }) : () -> ()
      %add3A_390 = arith.addi %mul3A_2, %mul3A_10 : i32
      %add3A_391 = arith.constant 4 : i32
      %add3A_392 = arith.addi %add3A_390, %add3A_391 : i32
      %mul3A_393 = arith.constant 128 : i32
      %mul3A_394 = arith.muli %add3A_392, %mul3A_393 : i32
      %add3A_395 = arith.constant 64 : i32
      %add3A_396 = arith.addi %mul3A_394, %add3A_395 : i32
      %dma_start3A_397 = arith.constant 1 : i32
      %dma_start3A_398 = arith.constant 0 : i32
      %dma_start3A_399 = tpu.memref_slice %arg4[%add3A_396, %dma_start3A_398] : memref<819200x128xf32, #tpu.memory_space<hbm>> -> memref<64x128xf32, #tpu.memory_space<hbm>>
      %dma_start3A_400 = arith.constant 0 : i32
      %dma_start3A_401 = arith.constant 0 : i32
      %dma_start3A_402 = tpu.memref_slice %arg7[%arg1, %dma_start3A_397, %dma_start3A_400, %dma_start3A_401] : memref<16x2x64x128xf32, #tpu.memory_space<vmem_shared>> -> memref<1x1x64x128xf32, #tpu.memory_space<vmem_shared>>
      %dma_start3A_403 = tpu.memref_squeeze %dma_start3A_402 : memref<1x1x64x128xf32, #tpu.memory_space<vmem_shared>> -> memref<64x128xf32, #tpu.memory_space<vmem_shared>>
      tpu.enqueue_dma source(%dma_start3A_403 : memref<64x128xf32, #tpu.memory_space<vmem_shared>>) target(%dma_start3A_399 : memref<64x128xf32, #tpu.memory_space<hbm>>) target_semaphore(%arg9 : memref<!tpu.dma_semaphore, #tpu.memory_space<semaphore_mem>>)
      %add3A_404 = arith.constant 4 : i32
      %add3A_405 = arith.addi %mul3A_10, %add3A_404 : i32
      %add3A_406 = arith.constant 5 : i32
      %add3A_407 = arith.addi %add3A_405, %add3A_406 : i32
      %dma_start3A_408 = arith.constant 4 : i32
      %dma_start3A_409 = arith.constant 0 : i32
      %dma_start3A_410 = arith.constant 0 : i32
      %dma_start3A_411 = tpu.memref_slice %arg6[%dma_start3A_408, %dma_start3A_409, %dma_start3A_410] : memref<5x128x128xf32, #tpu.memory_space<vmem>> -> memref<1x128x128xf32, #tpu.memory_space<vmem>>
      %dma_start3A_412 = tpu.memref_squeeze %dma_start3A_411 : memref<1x128x128xf32, #tpu.memory_space<vmem>> -> memref<128x128xf32, #tpu.memory_space<vmem>>
      %dma_start3A_413 = arith.constant 0 : i32
      %dma_start3A_414 = tpu.memref_slice %arg5[%add3A_407, %dma_start3A_413] : memref<200x128xi32, #tpu.memory_space<vmem>> -> memref<1x128xi32, #tpu.memory_space<vmem>>
      %dma_start3A_415 = tpu.memref_squeeze %dma_start3A_414 : memref<1x128xi32, #tpu.memory_space<vmem>> -> memref<128xi32, #tpu.memory_space<vmem>>
      %dma_start3A_416 = arith.constant 0 : i32
      %dma_start3A_417 = arith.constant 0 : i32
      %dma_start3A_418 = tpu.memref_slice %arg2[%dma_start3A_416, %dma_start3A_417] : memref<100000x128xf32, #tpu.memory_space<hbm>> -> memref<100000x128xf32, #tpu.memory_space<hbm>>
      tpu.enqueue_indirect_dma source(%dma_start3A_418 : memref<100000x128xf32, #tpu.memory_space<hbm>>) target(%dma_start3A_412 : memref<128x128xf32, #tpu.memory_space<vmem>>) offsets(%dma_start3A_415 : memref<128xi32, #tpu.memory_space<vmem>>) semaphore(%arg14 : memref<!tpu.dma_semaphore, #tpu.memory_space<semaphore_mem>>)
      %dma_wait3A_419 = arith.constant 0 : i32
      %dma_wait3A_420 = arith.constant 0 : i32
      %dma_wait3A_421 = arith.constant 0 : i32
      %dma_wait3A_422 = tpu.memref_slice %arg6[%dma_wait3A_419, %dma_wait3A_420, %dma_wait3A_421] : memref<5x128x128xf32, #tpu.memory_space<vmem>> -> memref<1x128x128xf32, #tpu.memory_space<vmem>>
      %dma_wait3A_423 = tpu.memref_squeeze %dma_wait3A_422 : memref<1x128x128xf32, #tpu.memory_space<vmem>> -> memref<128x128xf32, #tpu.memory_space<vmem>>
      %dma_wait3A_424 = arith.constant 0 : i32
      %dma_wait3A_425 = tpu.memref_slice %arg5[%add3A_119, %dma_wait3A_424] : memref<200x128xi32, #tpu.memory_space<vmem>> -> memref<1x128xi32, #tpu.memory_space<vmem>>
      %dma_wait3A_426 = tpu.memref_squeeze %dma_wait3A_425 : memref<1x128xi32, #tpu.memory_space<vmem>> -> memref<128xi32, #tpu.memory_space<vmem>>
      %dma_wait3A_427 = arith.constant 0 : i32
      %dma_wait3A_428 = arith.constant 0 : i32
      %dma_wait3A_429 = tpu.memref_slice %arg2[%dma_wait3A_427, %dma_wait3A_428] : memref<100000x128xf32, #tpu.memory_space<hbm>> -> memref<100000x128xf32, #tpu.memory_space<hbm>>
      tpu.wait_indirect_dma semaphore(%arg10 : memref<!tpu.dma_semaphore, #tpu.memory_space<semaphore_mem>>) src(%dma_wait3A_429 : memref<100000x128xf32, #tpu.memory_space<hbm>>) dst(%dma_wait3A_423 : memref<128x128xf32, #tpu.memory_space<vmem>>)
      %dma_wait3A_430 = arith.constant 0 : i32
      %dma_wait3A_431 = arith.constant 0 : i32
      %dma_wait3A_432 = tpu.memref_slice %arg4[%add3A_373, %dma_wait3A_431] : memref<819200x128xf32, #tpu.memory_space<hbm>> -> memref<64x128xf32, #tpu.memory_space<hbm>>
      %dma_wait3A_433 = arith.constant 0 : i32
      %dma_wait3A_434 = arith.constant 0 : i32
      %dma_wait3A_435 = tpu.memref_slice %arg7[%arg1, %dma_wait3A_430, %dma_wait3A_433, %dma_wait3A_434] : memref<16x2x64x128xf32, #tpu.memory_space<vmem_shared>> -> memref<1x1x64x128xf32, #tpu.memory_space<vmem_shared>>
      %dma_wait3A_436 = tpu.memref_squeeze %dma_wait3A_435 : memref<1x1x64x128xf32, #tpu.memory_space<vmem_shared>> -> memref<64x128xf32, #tpu.memory_space<vmem_shared>>
      tpu.wait_dma2 semaphore(%arg8 : memref<!tpu.dma_semaphore, #tpu.memory_space<semaphore_mem>>) src(%dma_wait3A_436 : memref<64x128xf32, #tpu.memory_space<vmem_shared>>) dst(%dma_wait3A_432 : memref<64x128xf32, #tpu.memory_space<hbm>>)
      %run_scoped3A_437 = arith.constant 0 : i32
      %run_scoped3A_438 = arith.constant 0 : i32
      "tpu.region"() ({
        %run_scoped3A_1438 = tpu.sem_alloc : memref<!tpu.dma_semaphore, #tpu.memory_space<semaphore_mem>>
        %dma_start3A_1439 = arith.constant 0 : i32
        %dma_start3A_1440 = arith.constant 0 : i32
        %dma_start3A_1441 = tpu.memref_slice %arg6[%run_scoped3A_437, %dma_start3A_1439, %dma_start3A_1440] : memref<5x128x128xf32, #tpu.memory_space<vmem>> -> memref<1x64x128xf32, #tpu.memory_space<vmem>>
        %dma_start3A_1442 = tpu.memref_squeeze %dma_start3A_1441 : memref<1x64x128xf32, #tpu.memory_space<vmem>> -> memref<64x128xf32, #tpu.memory_space<vmem>>
        %dma_start3A_1443 = arith.constant 0 : i32
        %dma_start3A_1444 = arith.constant 0 : i32
        %dma_start3A_1445 = tpu.memref_slice %arg7[%arg1, %run_scoped3A_438, %dma_start3A_1443, %dma_start3A_1444] : memref<16x2x64x128xf32, #tpu.memory_space<vmem_shared>> -> memref<1x1x64x128xf32, #tpu.memory_space<vmem_shared>>
        %dma_start3A_1446 = tpu.memref_squeeze %dma_start3A_1445 : memref<1x1x64x128xf32, #tpu.memory_space<vmem_shared>> -> memref<64x128xf32, #tpu.memory_space<vmem_shared>>
        %dma_start3A_1447 = arith.constant 0 : i32
        %dma_start3A_1448 = arith.constant 0 : i32
        %dma_start3A_1449 = tpu.memref_slice %arg7[%arg1, %run_scoped3A_438, %dma_start3A_1447, %dma_start3A_1448] : memref<16x2x64x128xf32, #tpu.memory_space<vmem_shared>> -> memref<1x1x64x128xf32, #tpu.memory_space<vmem_shared>>
        %dma_start3A_1450 = tpu.memref_squeeze %dma_start3A_1449 : memref<1x1x64x128xf32, #tpu.memory_space<vmem_shared>> -> memref<64x128xf32, #tpu.memory_space<vmem_shared>>
        %dma_start3A_1451 = arith.constant 0 : i32
        %dma_start3A_1452 = arith.constant 0 : i32
        %dma_start3A_1453 = tpu.memref_slice %arg6[%run_scoped3A_437, %dma_start3A_1451, %dma_start3A_1452] : memref<5x128x128xf32, #tpu.memory_space<vmem>> -> memref<1x64x128xf32, #tpu.memory_space<vmem>>
        %dma_start3A_1454 = tpu.memref_squeeze %dma_start3A_1453 : memref<1x64x128xf32, #tpu.memory_space<vmem>> -> memref<64x128xf32, #tpu.memory_space<vmem>>
        tpu.enqueue_dma source(%dma_start3A_1454 : memref<64x128xf32, #tpu.memory_space<vmem>>) target(%dma_start3A_1450 : memref<64x128xf32, #tpu.memory_space<vmem_shared>>) target_semaphore(%run_scoped3A_1438 : memref<!tpu.dma_semaphore, #tpu.memory_space<semaphore_mem>>)
        %dma_wait3A_1455 = arith.constant 0 : i32
        %dma_wait3A_1456 = arith.constant 0 : i32
        %dma_wait3A_1457 = tpu.memref_slice %arg6[%run_scoped3A_437, %dma_wait3A_1455, %dma_wait3A_1456] : memref<5x128x128xf32, #tpu.memory_space<vmem>> -> memref<1x64x128xf32, #tpu.memory_space<vmem>>
        %dma_wait3A_1458 = tpu.memref_squeeze %dma_wait3A_1457 : memref<1x64x128xf32, #tpu.memory_space<vmem>> -> memref<64x128xf32, #tpu.memory_space<vmem>>
        %dma_wait3A_1459 = arith.constant 0 : i32
        %dma_wait3A_1460 = arith.constant 0 : i32
        %dma_wait3A_1461 = tpu.memref_slice %arg7[%arg1, %run_scoped3A_438, %dma_wait3A_1459, %dma_wait3A_1460] : memref<16x2x64x128xf32, #tpu.memory_space<vmem_shared>> -> memref<1x1x64x128xf32, #tpu.memory_space<vmem_shared>>
        %dma_wait3A_1462 = tpu.memref_squeeze %dma_wait3A_1461 : memref<1x1x64x128xf32, #tpu.memory_space<vmem_shared>> -> memref<64x128xf32, #tpu.memory_space<vmem_shared>>
        %dma_wait3A_1463 = arith.constant 0 : i32
        %dma_wait3A_1464 = arith.constant 0 : i32
        %dma_wait3A_1465 = tpu.memref_slice %arg7[%arg1, %run_scoped3A_438, %dma_wait3A_1463, %dma_wait3A_1464] : memref<16x2x64x128xf32, #tpu.memory_space<vmem_shared>> -> memref<1x1x64x128xf32, #tpu.memory_space<vmem_shared>>
        %dma_wait3A_1466 = tpu.memref_squeeze %dma_wait3A_1465 : memref<1x1x64x128xf32, #tpu.memory_space<vmem_shared>> -> memref<64x128xf32, #tpu.memory_space<vmem_shared>>
        %dma_wait3A_1467 = arith.constant 0 : i32
        %dma_wait3A_1468 = arith.constant 0 : i32
        %dma_wait3A_1469 = tpu.memref_slice %arg6[%run_scoped3A_437, %dma_wait3A_1467, %dma_wait3A_1468] : memref<5x128x128xf32, #tpu.memory_space<vmem>> -> memref<1x64x128xf32, #tpu.memory_space<vmem>>
        %dma_wait3A_1470 = tpu.memref_squeeze %dma_wait3A_1469 : memref<1x64x128xf32, #tpu.memory_space<vmem>> -> memref<64x128xf32, #tpu.memory_space<vmem>>
        tpu.wait_dma2 semaphore(%run_scoped3A_1438 : memref<!tpu.dma_semaphore, #tpu.memory_space<semaphore_mem>>) src(%dma_wait3A_1470 : memref<64x128xf32, #tpu.memory_space<vmem>>) dst(%dma_wait3A_1466 : memref<64x128xf32, #tpu.memory_space<vmem_shared>>)
        tpu.yield
      }) : () -> ()
      %add3A_439 = arith.addi %mul3A_2, %mul3A_10 : i32
      %add3A_440 = arith.constant 5 : i32
      %add3A_441 = arith.addi %add3A_439, %add3A_440 : i32
      %mul3A_442 = arith.constant 128 : i32
      %mul3A_443 = arith.muli %add3A_441, %mul3A_442 : i32
      %add3A_444 = arith.constant 0 : i32
      %add3A_445 = arith.addi %mul3A_443, %add3A_444 : i32
      %dma_start3A_446 = arith.constant 0 : i32
      %dma_start3A_447 = arith.constant 0 : i32
      %dma_start3A_448 = tpu.memref_slice %arg4[%add3A_445, %dma_start3A_447] : memref<819200x128xf32, #tpu.memory_space<hbm>> -> memref<64x128xf32, #tpu.memory_space<hbm>>
      %dma_start3A_449 = arith.constant 0 : i32
      %dma_start3A_450 = arith.constant 0 : i32
      %dma_start3A_451 = tpu.memref_slice %arg7[%arg1, %dma_start3A_446, %dma_start3A_449, %dma_start3A_450] : memref<16x2x64x128xf32, #tpu.memory_space<vmem_shared>> -> memref<1x1x64x128xf32, #tpu.memory_space<vmem_shared>>
      %dma_start3A_452 = tpu.memref_squeeze %dma_start3A_451 : memref<1x1x64x128xf32, #tpu.memory_space<vmem_shared>> -> memref<64x128xf32, #tpu.memory_space<vmem_shared>>
      tpu.enqueue_dma source(%dma_start3A_452 : memref<64x128xf32, #tpu.memory_space<vmem_shared>>) target(%dma_start3A_448 : memref<64x128xf32, #tpu.memory_space<hbm>>) target_semaphore(%arg8 : memref<!tpu.dma_semaphore, #tpu.memory_space<semaphore_mem>>)
      %dma_wait3A_453 = arith.constant 1 : i32
      %dma_wait3A_454 = arith.constant 0 : i32
      %dma_wait3A_455 = tpu.memref_slice %arg4[%add3A_396, %dma_wait3A_454] : memref<819200x128xf32, #tpu.memory_space<hbm>> -> memref<64x128xf32, #tpu.memory_space<hbm>>
      %dma_wait3A_456 = arith.constant 0 : i32
      %dma_wait3A_457 = arith.constant 0 : i32
      %dma_wait3A_458 = tpu.memref_slice %arg7[%arg1, %dma_wait3A_453, %dma_wait3A_456, %dma_wait3A_457] : memref<16x2x64x128xf32, #tpu.memory_space<vmem_shared>> -> memref<1x1x64x128xf32, #tpu.memory_space<vmem_shared>>
      %dma_wait3A_459 = tpu.memref_squeeze %dma_wait3A_458 : memref<1x1x64x128xf32, #tpu.memory_space<vmem_shared>> -> memref<64x128xf32, #tpu.memory_space<vmem_shared>>
      tpu.wait_dma2 semaphore(%arg9 : memref<!tpu.dma_semaphore, #tpu.memory_space<semaphore_mem>>) src(%dma_wait3A_459 : memref<64x128xf32, #tpu.memory_space<vmem_shared>>) dst(%dma_wait3A_455 : memref<64x128xf32, #tpu.memory_space<hbm>>)
      %run_scoped3A_460 = arith.constant 0 : i32
      %run_scoped3A_461 = arith.constant 1 : i32
      "tpu.region"() ({
        %run_scoped3A_1438 = tpu.sem_alloc : memref<!tpu.dma_semaphore, #tpu.memory_space<semaphore_mem>>
        %dma_start3A_1439 = arith.constant 64 : i32
        %dma_start3A_1440 = arith.constant 0 : i32
        %dma_start3A_1441 = tpu.memref_slice %arg6[%run_scoped3A_460, %dma_start3A_1439, %dma_start3A_1440] : memref<5x128x128xf32, #tpu.memory_space<vmem>> -> memref<1x64x128xf32, #tpu.memory_space<vmem>>
        %dma_start3A_1442 = tpu.memref_squeeze %dma_start3A_1441 : memref<1x64x128xf32, #tpu.memory_space<vmem>> -> memref<64x128xf32, #tpu.memory_space<vmem>>
        %dma_start3A_1443 = arith.constant 0 : i32
        %dma_start3A_1444 = arith.constant 0 : i32
        %dma_start3A_1445 = tpu.memref_slice %arg7[%arg1, %run_scoped3A_461, %dma_start3A_1443, %dma_start3A_1444] : memref<16x2x64x128xf32, #tpu.memory_space<vmem_shared>> -> memref<1x1x64x128xf32, #tpu.memory_space<vmem_shared>>
        %dma_start3A_1446 = tpu.memref_squeeze %dma_start3A_1445 : memref<1x1x64x128xf32, #tpu.memory_space<vmem_shared>> -> memref<64x128xf32, #tpu.memory_space<vmem_shared>>
        %dma_start3A_1447 = arith.constant 0 : i32
        %dma_start3A_1448 = arith.constant 0 : i32
        %dma_start3A_1449 = tpu.memref_slice %arg7[%arg1, %run_scoped3A_461, %dma_start3A_1447, %dma_start3A_1448] : memref<16x2x64x128xf32, #tpu.memory_space<vmem_shared>> -> memref<1x1x64x128xf32, #tpu.memory_space<vmem_shared>>
        %dma_start3A_1450 = tpu.memref_squeeze %dma_start3A_1449 : memref<1x1x64x128xf32, #tpu.memory_space<vmem_shared>> -> memref<64x128xf32, #tpu.memory_space<vmem_shared>>
        %dma_start3A_1451 = arith.constant 64 : i32
        %dma_start3A_1452 = arith.constant 0 : i32
        %dma_start3A_1453 = tpu.memref_slice %arg6[%run_scoped3A_460, %dma_start3A_1451, %dma_start3A_1452] : memref<5x128x128xf32, #tpu.memory_space<vmem>> -> memref<1x64x128xf32, #tpu.memory_space<vmem>>
        %dma_start3A_1454 = tpu.memref_squeeze %dma_start3A_1453 : memref<1x64x128xf32, #tpu.memory_space<vmem>> -> memref<64x128xf32, #tpu.memory_space<vmem>>
        tpu.enqueue_dma source(%dma_start3A_1454 : memref<64x128xf32, #tpu.memory_space<vmem>>) target(%dma_start3A_1450 : memref<64x128xf32, #tpu.memory_space<vmem_shared>>) target_semaphore(%run_scoped3A_1438 : memref<!tpu.dma_semaphore, #tpu.memory_space<semaphore_mem>>)
        %dma_wait3A_1455 = arith.constant 64 : i32
        %dma_wait3A_1456 = arith.constant 0 : i32
        %dma_wait3A_1457 = tpu.memref_slice %arg6[%run_scoped3A_460, %dma_wait3A_1455, %dma_wait3A_1456] : memref<5x128x128xf32, #tpu.memory_space<vmem>> -> memref<1x64x128xf32, #tpu.memory_space<vmem>>
        %dma_wait3A_1458 = tpu.memref_squeeze %dma_wait3A_1457 : memref<1x64x128xf32, #tpu.memory_space<vmem>> -> memref<64x128xf32, #tpu.memory_space<vmem>>
        %dma_wait3A_1459 = arith.constant 0 : i32
        %dma_wait3A_1460 = arith.constant 0 : i32
        %dma_wait3A_1461 = tpu.memref_slice %arg7[%arg1, %run_scoped3A_461, %dma_wait3A_1459, %dma_wait3A_1460] : memref<16x2x64x128xf32, #tpu.memory_space<vmem_shared>> -> memref<1x1x64x128xf32, #tpu.memory_space<vmem_shared>>
        %dma_wait3A_1462 = tpu.memref_squeeze %dma_wait3A_1461 : memref<1x1x64x128xf32, #tpu.memory_space<vmem_shared>> -> memref<64x128xf32, #tpu.memory_space<vmem_shared>>
        %dma_wait3A_1463 = arith.constant 0 : i32
        %dma_wait3A_1464 = arith.constant 0 : i32
        %dma_wait3A_1465 = tpu.memref_slice %arg7[%arg1, %run_scoped3A_461, %dma_wait3A_1463, %dma_wait3A_1464] : memref<16x2x64x128xf32, #tpu.memory_space<vmem_shared>> -> memref<1x1x64x128xf32, #tpu.memory_space<vmem_shared>>
        %dma_wait3A_1466 = tpu.memref_squeeze %dma_wait3A_1465 : memref<1x1x64x128xf32, #tpu.memory_space<vmem_shared>> -> memref<64x128xf32, #tpu.memory_space<vmem_shared>>
        %dma_wait3A_1467 = arith.constant 64 : i32
        %dma_wait3A_1468 = arith.constant 0 : i32
        %dma_wait3A_1469 = tpu.memref_slice %arg6[%run_scoped3A_460, %dma_wait3A_1467, %dma_wait3A_1468] : memref<5x128x128xf32, #tpu.memory_space<vmem>> -> memref<1x64x128xf32, #tpu.memory_space<vmem>>
        %dma_wait3A_1470 = tpu.memref_squeeze %dma_wait3A_1469 : memref<1x64x128xf32, #tpu.memory_space<vmem>> -> memref<64x128xf32, #tpu.memory_space<vmem>>
        tpu.wait_dma2 semaphore(%run_scoped3A_1438 : memref<!tpu.dma_semaphore, #tpu.memory_space<semaphore_mem>>) src(%dma_wait3A_1470 : memref<64x128xf32, #tpu.memory_space<vmem>>) dst(%dma_wait3A_1466 : memref<64x128xf32, #tpu.memory_space<vmem_shared>>)
        tpu.yield
      }) : () -> ()
      %add3A_462 = arith.addi %mul3A_2, %mul3A_10 : i32
      %add3A_463 = arith.constant 5 : i32
      %add3A_464 = arith.addi %add3A_462, %add3A_463 : i32
      %mul3A_465 = arith.constant 128 : i32
      %mul3A_466 = arith.muli %add3A_464, %mul3A_465 : i32
      %add3A_467 = arith.constant 64 : i32
      %add3A_468 = arith.addi %mul3A_466, %add3A_467 : i32
      %dma_start3A_469 = arith.constant 1 : i32
      %dma_start3A_470 = arith.constant 0 : i32
      %dma_start3A_471 = tpu.memref_slice %arg4[%add3A_468, %dma_start3A_470] : memref<819200x128xf32, #tpu.memory_space<hbm>> -> memref<64x128xf32, #tpu.memory_space<hbm>>
      %dma_start3A_472 = arith.constant 0 : i32
      %dma_start3A_473 = arith.constant 0 : i32
      %dma_start3A_474 = tpu.memref_slice %arg7[%arg1, %dma_start3A_469, %dma_start3A_472, %dma_start3A_473] : memref<16x2x64x128xf32, #tpu.memory_space<vmem_shared>> -> memref<1x1x64x128xf32, #tpu.memory_space<vmem_shared>>
      %dma_start3A_475 = tpu.memref_squeeze %dma_start3A_474 : memref<1x1x64x128xf32, #tpu.memory_space<vmem_shared>> -> memref<64x128xf32, #tpu.memory_space<vmem_shared>>
      tpu.enqueue_dma source(%dma_start3A_475 : memref<64x128xf32, #tpu.memory_space<vmem_shared>>) target(%dma_start3A_471 : memref<64x128xf32, #tpu.memory_space<hbm>>) target_semaphore(%arg9 : memref<!tpu.dma_semaphore, #tpu.memory_space<semaphore_mem>>)
      %add3A_476 = arith.constant 5 : i32
      %add3A_477 = arith.addi %mul3A_10, %add3A_476 : i32
      %add3A_478 = arith.constant 5 : i32
      %add3A_479 = arith.addi %add3A_477, %add3A_478 : i32
      %dma_start3A_480 = arith.constant 0 : i32
      %dma_start3A_481 = arith.constant 0 : i32
      %dma_start3A_482 = arith.constant 0 : i32
      %dma_start3A_483 = tpu.memref_slice %arg6[%dma_start3A_480, %dma_start3A_481, %dma_start3A_482] : memref<5x128x128xf32, #tpu.memory_space<vmem>> -> memref<1x128x128xf32, #tpu.memory_space<vmem>>
      %dma_start3A_484 = tpu.memref_squeeze %dma_start3A_483 : memref<1x128x128xf32, #tpu.memory_space<vmem>> -> memref<128x128xf32, #tpu.memory_space<vmem>>
      %dma_start3A_485 = arith.constant 0 : i32
      %dma_start3A_486 = tpu.memref_slice %arg5[%add3A_479, %dma_start3A_485] : memref<200x128xi32, #tpu.memory_space<vmem>> -> memref<1x128xi32, #tpu.memory_space<vmem>>
      %dma_start3A_487 = tpu.memref_squeeze %dma_start3A_486 : memref<1x128xi32, #tpu.memory_space<vmem>> -> memref<128xi32, #tpu.memory_space<vmem>>
      %dma_start3A_488 = arith.constant 0 : i32
      %dma_start3A_489 = arith.constant 0 : i32
      %dma_start3A_490 = tpu.memref_slice %arg2[%dma_start3A_488, %dma_start3A_489] : memref<100000x128xf32, #tpu.memory_space<hbm>> -> memref<100000x128xf32, #tpu.memory_space<hbm>>
      tpu.enqueue_indirect_dma source(%dma_start3A_490 : memref<100000x128xf32, #tpu.memory_space<hbm>>) target(%dma_start3A_484 : memref<128x128xf32, #tpu.memory_space<vmem>>) offsets(%dma_start3A_487 : memref<128xi32, #tpu.memory_space<vmem>>) semaphore(%arg10 : memref<!tpu.dma_semaphore, #tpu.memory_space<semaphore_mem>>)
      %dma_wait3A_491 = arith.constant 1 : i32
      %dma_wait3A_492 = arith.constant 0 : i32
      %dma_wait3A_493 = arith.constant 0 : i32
      %dma_wait3A_494 = tpu.memref_slice %arg6[%dma_wait3A_491, %dma_wait3A_492, %dma_wait3A_493] : memref<5x128x128xf32, #tpu.memory_space<vmem>> -> memref<1x128x128xf32, #tpu.memory_space<vmem>>
      %dma_wait3A_495 = tpu.memref_squeeze %dma_wait3A_494 : memref<1x128x128xf32, #tpu.memory_space<vmem>> -> memref<128x128xf32, #tpu.memory_space<vmem>>
      %dma_wait3A_496 = arith.constant 0 : i32
      %dma_wait3A_497 = tpu.memref_slice %arg5[%add3A_191, %dma_wait3A_496] : memref<200x128xi32, #tpu.memory_space<vmem>> -> memref<1x128xi32, #tpu.memory_space<vmem>>
      %dma_wait3A_498 = tpu.memref_squeeze %dma_wait3A_497 : memref<1x128xi32, #tpu.memory_space<vmem>> -> memref<128xi32, #tpu.memory_space<vmem>>
      %dma_wait3A_499 = arith.constant 0 : i32
      %dma_wait3A_500 = arith.constant 0 : i32
      %dma_wait3A_501 = tpu.memref_slice %arg2[%dma_wait3A_499, %dma_wait3A_500] : memref<100000x128xf32, #tpu.memory_space<hbm>> -> memref<100000x128xf32, #tpu.memory_space<hbm>>
      tpu.wait_indirect_dma semaphore(%arg11 : memref<!tpu.dma_semaphore, #tpu.memory_space<semaphore_mem>>) src(%dma_wait3A_501 : memref<100000x128xf32, #tpu.memory_space<hbm>>) dst(%dma_wait3A_495 : memref<128x128xf32, #tpu.memory_space<vmem>>)
      %dma_wait3A_502 = arith.constant 0 : i32
      %dma_wait3A_503 = arith.constant 0 : i32
      %dma_wait3A_504 = tpu.memref_slice %arg4[%add3A_445, %dma_wait3A_503] : memref<819200x128xf32, #tpu.memory_space<hbm>> -> memref<64x128xf32, #tpu.memory_space<hbm>>
      %dma_wait3A_505 = arith.constant 0 : i32
      %dma_wait3A_506 = arith.constant 0 : i32
      %dma_wait3A_507 = tpu.memref_slice %arg7[%arg1, %dma_wait3A_502, %dma_wait3A_505, %dma_wait3A_506] : memref<16x2x64x128xf32, #tpu.memory_space<vmem_shared>> -> memref<1x1x64x128xf32, #tpu.memory_space<vmem_shared>>
      %dma_wait3A_508 = tpu.memref_squeeze %dma_wait3A_507 : memref<1x1x64x128xf32, #tpu.memory_space<vmem_shared>> -> memref<64x128xf32, #tpu.memory_space<vmem_shared>>
      tpu.wait_dma2 semaphore(%arg8 : memref<!tpu.dma_semaphore, #tpu.memory_space<semaphore_mem>>) src(%dma_wait3A_508 : memref<64x128xf32, #tpu.memory_space<vmem_shared>>) dst(%dma_wait3A_504 : memref<64x128xf32, #tpu.memory_space<hbm>>)
      %run_scoped3A_509 = arith.constant 1 : i32
      %run_scoped3A_510 = arith.constant 0 : i32
      "tpu.region"() ({
        %run_scoped3A_1438 = tpu.sem_alloc : memref<!tpu.dma_semaphore, #tpu.memory_space<semaphore_mem>>
        %dma_start3A_1439 = arith.constant 0 : i32
        %dma_start3A_1440 = arith.constant 0 : i32
        %dma_start3A_1441 = tpu.memref_slice %arg6[%run_scoped3A_509, %dma_start3A_1439, %dma_start3A_1440] : memref<5x128x128xf32, #tpu.memory_space<vmem>> -> memref<1x64x128xf32, #tpu.memory_space<vmem>>
        %dma_start3A_1442 = tpu.memref_squeeze %dma_start3A_1441 : memref<1x64x128xf32, #tpu.memory_space<vmem>> -> memref<64x128xf32, #tpu.memory_space<vmem>>
        %dma_start3A_1443 = arith.constant 0 : i32
        %dma_start3A_1444 = arith.constant 0 : i32
        %dma_start3A_1445 = tpu.memref_slice %arg7[%arg1, %run_scoped3A_510, %dma_start3A_1443, %dma_start3A_1444] : memref<16x2x64x128xf32, #tpu.memory_space<vmem_shared>> -> memref<1x1x64x128xf32, #tpu.memory_space<vmem_shared>>
        %dma_start3A_1446 = tpu.memref_squeeze %dma_start3A_1445 : memref<1x1x64x128xf32, #tpu.memory_space<vmem_shared>> -> memref<64x128xf32, #tpu.memory_space<vmem_shared>>
        %dma_start3A_1447 = arith.constant 0 : i32
        %dma_start3A_1448 = arith.constant 0 : i32
        %dma_start3A_1449 = tpu.memref_slice %arg7[%arg1, %run_scoped3A_510, %dma_start3A_1447, %dma_start3A_1448] : memref<16x2x64x128xf32, #tpu.memory_space<vmem_shared>> -> memref<1x1x64x128xf32, #tpu.memory_space<vmem_shared>>
        %dma_start3A_1450 = tpu.memref_squeeze %dma_start3A_1449 : memref<1x1x64x128xf32, #tpu.memory_space<vmem_shared>> -> memref<64x128xf32, #tpu.memory_space<vmem_shared>>
        %dma_start3A_1451 = arith.constant 0 : i32
        %dma_start3A_1452 = arith.constant 0 : i32
        %dma_start3A_1453 = tpu.memref_slice %arg6[%run_scoped3A_509, %dma_start3A_1451, %dma_start3A_1452] : memref<5x128x128xf32, #tpu.memory_space<vmem>> -> memref<1x64x128xf32, #tpu.memory_space<vmem>>
        %dma_start3A_1454 = tpu.memref_squeeze %dma_start3A_1453 : memref<1x64x128xf32, #tpu.memory_space<vmem>> -> memref<64x128xf32, #tpu.memory_space<vmem>>
        tpu.enqueue_dma source(%dma_start3A_1454 : memref<64x128xf32, #tpu.memory_space<vmem>>) target(%dma_start3A_1450 : memref<64x128xf32, #tpu.memory_space<vmem_shared>>) target_semaphore(%run_scoped3A_1438 : memref<!tpu.dma_semaphore, #tpu.memory_space<semaphore_mem>>)
        %dma_wait3A_1455 = arith.constant 0 : i32
        %dma_wait3A_1456 = arith.constant 0 : i32
        %dma_wait3A_1457 = tpu.memref_slice %arg6[%run_scoped3A_509, %dma_wait3A_1455, %dma_wait3A_1456] : memref<5x128x128xf32, #tpu.memory_space<vmem>> -> memref<1x64x128xf32, #tpu.memory_space<vmem>>
        %dma_wait3A_1458 = tpu.memref_squeeze %dma_wait3A_1457 : memref<1x64x128xf32, #tpu.memory_space<vmem>> -> memref<64x128xf32, #tpu.memory_space<vmem>>
        %dma_wait3A_1459 = arith.constant 0 : i32
        %dma_wait3A_1460 = arith.constant 0 : i32
        %dma_wait3A_1461 = tpu.memref_slice %arg7[%arg1, %run_scoped3A_510, %dma_wait3A_1459, %dma_wait3A_1460] : memref<16x2x64x128xf32, #tpu.memory_space<vmem_shared>> -> memref<1x1x64x128xf32, #tpu.memory_space<vmem_shared>>
        %dma_wait3A_1462 = tpu.memref_squeeze %dma_wait3A_1461 : memref<1x1x64x128xf32, #tpu.memory_space<vmem_shared>> -> memref<64x128xf32, #tpu.memory_space<vmem_shared>>
        %dma_wait3A_1463 = arith.constant 0 : i32
        %dma_wait3A_1464 = arith.constant 0 : i32
        %dma_wait3A_1465 = tpu.memref_slice %arg7[%arg1, %run_scoped3A_510, %dma_wait3A_1463, %dma_wait3A_1464] : memref<16x2x64x128xf32, #tpu.memory_space<vmem_shared>> -> memref<1x1x64x128xf32, #tpu.memory_space<vmem_shared>>
        %dma_wait3A_1466 = tpu.memref_squeeze %dma_wait3A_1465 : memref<1x1x64x128xf32, #tpu.memory_space<vmem_shared>> -> memref<64x128xf32, #tpu.memory_space<vmem_shared>>
        %dma_wait3A_1467 = arith.constant 0 : i32
        %dma_wait3A_1468 = arith.constant 0 : i32
        %dma_wait3A_1469 = tpu.memref_slice %arg6[%run_scoped3A_509, %dma_wait3A_1467, %dma_wait3A_1468] : memref<5x128x128xf32, #tpu.memory_space<vmem>> -> memref<1x64x128xf32, #tpu.memory_space<vmem>>
        %dma_wait3A_1470 = tpu.memref_squeeze %dma_wait3A_1469 : memref<1x64x128xf32, #tpu.memory_space<vmem>> -> memref<64x128xf32, #tpu.memory_space<vmem>>
        tpu.wait_dma2 semaphore(%run_scoped3A_1438 : memref<!tpu.dma_semaphore, #tpu.memory_space<semaphore_mem>>) src(%dma_wait3A_1470 : memref<64x128xf32, #tpu.memory_space<vmem>>) dst(%dma_wait3A_1466 : memref<64x128xf32, #tpu.memory_space<vmem_shared>>)
        tpu.yield
      }) : () -> ()
      %add3A_511 = arith.addi %mul3A_2, %mul3A_10 : i32
      %add3A_512 = arith.constant 6 : i32
      %add3A_513 = arith.addi %add3A_511, %add3A_512 : i32
      %mul3A_514 = arith.constant 128 : i32
      %mul3A_515 = arith.muli %add3A_513, %mul3A_514 : i32
      %add3A_516 = arith.constant 0 : i32
      %add3A_517 = arith.addi %mul3A_515, %add3A_516 : i32
      %dma_start3A_518 = arith.constant 0 : i32
      %dma_start3A_519 = arith.constant 0 : i32
      %dma_start3A_520 = tpu.memref_slice %arg4[%add3A_517, %dma_start3A_519] : memref<819200x128xf32, #tpu.memory_space<hbm>> -> memref<64x128xf32, #tpu.memory_space<hbm>>
      %dma_start3A_521 = arith.constant 0 : i32
      %dma_start3A_522 = arith.constant 0 : i32
      %dma_start3A_523 = tpu.memref_slice %arg7[%arg1, %dma_start3A_518, %dma_start3A_521, %dma_start3A_522] : memref<16x2x64x128xf32, #tpu.memory_space<vmem_shared>> -> memref<1x1x64x128xf32, #tpu.memory_space<vmem_shared>>
      %dma_start3A_524 = tpu.memref_squeeze %dma_start3A_523 : memref<1x1x64x128xf32, #tpu.memory_space<vmem_shared>> -> memref<64x128xf32, #tpu.memory_space<vmem_shared>>
      tpu.enqueue_dma source(%dma_start3A_524 : memref<64x128xf32, #tpu.memory_space<vmem_shared>>) target(%dma_start3A_520 : memref<64x128xf32, #tpu.memory_space<hbm>>) target_semaphore(%arg8 : memref<!tpu.dma_semaphore, #tpu.memory_space<semaphore_mem>>)
      %dma_wait3A_525 = arith.constant 1 : i32
      %dma_wait3A_526 = arith.constant 0 : i32
      %dma_wait3A_527 = tpu.memref_slice %arg4[%add3A_468, %dma_wait3A_526] : memref<819200x128xf32, #tpu.memory_space<hbm>> -> memref<64x128xf32, #tpu.memory_space<hbm>>
      %dma_wait3A_528 = arith.constant 0 : i32
      %dma_wait3A_529 = arith.constant 0 : i32
      %dma_wait3A_530 = tpu.memref_slice %arg7[%arg1, %dma_wait3A_525, %dma_wait3A_528, %dma_wait3A_529] : memref<16x2x64x128xf32, #tpu.memory_space<vmem_shared>> -> memref<1x1x64x128xf32, #tpu.memory_space<vmem_shared>>
      %dma_wait3A_531 = tpu.memref_squeeze %dma_wait3A_530 : memref<1x1x64x128xf32, #tpu.memory_space<vmem_shared>> -> memref<64x128xf32, #tpu.memory_space<vmem_shared>>
      tpu.wait_dma2 semaphore(%arg9 : memref<!tpu.dma_semaphore, #tpu.memory_space<semaphore_mem>>) src(%dma_wait3A_531 : memref<64x128xf32, #tpu.memory_space<vmem_shared>>) dst(%dma_wait3A_527 : memref<64x128xf32, #tpu.memory_space<hbm>>)
      %run_scoped3A_532 = arith.constant 1 : i32
      %run_scoped3A_533 = arith.constant 1 : i32
      "tpu.region"() ({
        %run_scoped3A_1438 = tpu.sem_alloc : memref<!tpu.dma_semaphore, #tpu.memory_space<semaphore_mem>>
        %dma_start3A_1439 = arith.constant 64 : i32
        %dma_start3A_1440 = arith.constant 0 : i32
        %dma_start3A_1441 = tpu.memref_slice %arg6[%run_scoped3A_532, %dma_start3A_1439, %dma_start3A_1440] : memref<5x128x128xf32, #tpu.memory_space<vmem>> -> memref<1x64x128xf32, #tpu.memory_space<vmem>>
        %dma_start3A_1442 = tpu.memref_squeeze %dma_start3A_1441 : memref<1x64x128xf32, #tpu.memory_space<vmem>> -> memref<64x128xf32, #tpu.memory_space<vmem>>
        %dma_start3A_1443 = arith.constant 0 : i32
        %dma_start3A_1444 = arith.constant 0 : i32
        %dma_start3A_1445 = tpu.memref_slice %arg7[%arg1, %run_scoped3A_533, %dma_start3A_1443, %dma_start3A_1444] : memref<16x2x64x128xf32, #tpu.memory_space<vmem_shared>> -> memref<1x1x64x128xf32, #tpu.memory_space<vmem_shared>>
        %dma_start3A_1446 = tpu.memref_squeeze %dma_start3A_1445 : memref<1x1x64x128xf32, #tpu.memory_space<vmem_shared>> -> memref<64x128xf32, #tpu.memory_space<vmem_shared>>
        %dma_start3A_1447 = arith.constant 0 : i32
        %dma_start3A_1448 = arith.constant 0 : i32
        %dma_start3A_1449 = tpu.memref_slice %arg7[%arg1, %run_scoped3A_533, %dma_start3A_1447, %dma_start3A_1448] : memref<16x2x64x128xf32, #tpu.memory_space<vmem_shared>> -> memref<1x1x64x128xf32, #tpu.memory_space<vmem_shared>>
        %dma_start3A_1450 = tpu.memref_squeeze %dma_start3A_1449 : memref<1x1x64x128xf32, #tpu.memory_space<vmem_shared>> -> memref<64x128xf32, #tpu.memory_space<vmem_shared>>
        %dma_start3A_1451 = arith.constant 64 : i32
        %dma_start3A_1452 = arith.constant 0 : i32
        %dma_start3A_1453 = tpu.memref_slice %arg6[%run_scoped3A_532, %dma_start3A_1451, %dma_start3A_1452] : memref<5x128x128xf32, #tpu.memory_space<vmem>> -> memref<1x64x128xf32, #tpu.memory_space<vmem>>
        %dma_start3A_1454 = tpu.memref_squeeze %dma_start3A_1453 : memref<1x64x128xf32, #tpu.memory_space<vmem>> -> memref<64x128xf32, #tpu.memory_space<vmem>>
        tpu.enqueue_dma source(%dma_start3A_1454 : memref<64x128xf32, #tpu.memory_space<vmem>>) target(%dma_start3A_1450 : memref<64x128xf32, #tpu.memory_space<vmem_shared>>) target_semaphore(%run_scoped3A_1438 : memref<!tpu.dma_semaphore, #tpu.memory_space<semaphore_mem>>)
        %dma_wait3A_1455 = arith.constant 64 : i32
        %dma_wait3A_1456 = arith.constant 0 : i32
        %dma_wait3A_1457 = tpu.memref_slice %arg6[%run_scoped3A_532, %dma_wait3A_1455, %dma_wait3A_1456] : memref<5x128x128xf32, #tpu.memory_space<vmem>> -> memref<1x64x128xf32, #tpu.memory_space<vmem>>
        %dma_wait3A_1458 = tpu.memref_squeeze %dma_wait3A_1457 : memref<1x64x128xf32, #tpu.memory_space<vmem>> -> memref<64x128xf32, #tpu.memory_space<vmem>>
        %dma_wait3A_1459 = arith.constant 0 : i32
        %dma_wait3A_1460 = arith.constant 0 : i32
        %dma_wait3A_1461 = tpu.memref_slice %arg7[%arg1, %run_scoped3A_533, %dma_wait3A_1459, %dma_wait3A_1460] : memref<16x2x64x128xf32, #tpu.memory_space<vmem_shared>> -> memref<1x1x64x128xf32, #tpu.memory_space<vmem_shared>>
        %dma_wait3A_1462 = tpu.memref_squeeze %dma_wait3A_1461 : memref<1x1x64x128xf32, #tpu.memory_space<vmem_shared>> -> memref<64x128xf32, #tpu.memory_space<vmem_shared>>
        %dma_wait3A_1463 = arith.constant 0 : i32
        %dma_wait3A_1464 = arith.constant 0 : i32
        %dma_wait3A_1465 = tpu.memref_slice %arg7[%arg1, %run_scoped3A_533, %dma_wait3A_1463, %dma_wait3A_1464] : memref<16x2x64x128xf32, #tpu.memory_space<vmem_shared>> -> memref<1x1x64x128xf32, #tpu.memory_space<vmem_shared>>
        %dma_wait3A_1466 = tpu.memref_squeeze %dma_wait3A_1465 : memref<1x1x64x128xf32, #tpu.memory_space<vmem_shared>> -> memref<64x128xf32, #tpu.memory_space<vmem_shared>>
        %dma_wait3A_1467 = arith.constant 64 : i32
        %dma_wait3A_1468 = arith.constant 0 : i32
        %dma_wait3A_1469 = tpu.memref_slice %arg6[%run_scoped3A_532, %dma_wait3A_1467, %dma_wait3A_1468] : memref<5x128x128xf32, #tpu.memory_space<vmem>> -> memref<1x64x128xf32, #tpu.memory_space<vmem>>
        %dma_wait3A_1470 = tpu.memref_squeeze %dma_wait3A_1469 : memref<1x64x128xf32, #tpu.memory_space<vmem>> -> memref<64x128xf32, #tpu.memory_space<vmem>>
        tpu.wait_dma2 semaphore(%run_scoped3A_1438 : memref<!tpu.dma_semaphore, #tpu.memory_space<semaphore_mem>>) src(%dma_wait3A_1470 : memref<64x128xf32, #tpu.memory_space<vmem>>) dst(%dma_wait3A_1466 : memref<64x128xf32, #tpu.memory_space<vmem_shared>>)
        tpu.yield
      }) : () -> ()
      %add3A_534 = arith.addi %mul3A_2, %mul3A_10 : i32
      %add3A_535 = arith.constant 6 : i32
      %add3A_536 = arith.addi %add3A_534, %add3A_535 : i32
      %mul3A_537 = arith.constant 128 : i32
      %mul3A_538 = arith.muli %add3A_536, %mul3A_537 : i32
      %add3A_539 = arith.constant 64 : i32
      %add3A_540 = arith.addi %mul3A_538, %add3A_539 : i32
      %dma_start3A_541 = arith.constant 1 : i32
      %dma_start3A_542 = arith.constant 0 : i32
      %dma_start3A_543 = tpu.memref_slice %arg4[%add3A_540, %dma_start3A_542] : memref<819200x128xf32, #tpu.memory_space<hbm>> -> memref<64x128xf32, #tpu.memory_space<hbm>>
      %dma_start3A_544 = arith.constant 0 : i32
      %dma_start3A_545 = arith.constant 0 : i32
      %dma_start3A_546 = tpu.memref_slice %arg7[%arg1, %dma_start3A_541, %dma_start3A_544, %dma_start3A_545] : memref<16x2x64x128xf32, #tpu.memory_space<vmem_shared>> -> memref<1x1x64x128xf32, #tpu.memory_space<vmem_shared>>
      %dma_start3A_547 = tpu.memref_squeeze %dma_start3A_546 : memref<1x1x64x128xf32, #tpu.memory_space<vmem_shared>> -> memref<64x128xf32, #tpu.memory_space<vmem_shared>>
      tpu.enqueue_dma source(%dma_start3A_547 : memref<64x128xf32, #tpu.memory_space<vmem_shared>>) target(%dma_start3A_543 : memref<64x128xf32, #tpu.memory_space<hbm>>) target_semaphore(%arg9 : memref<!tpu.dma_semaphore, #tpu.memory_space<semaphore_mem>>)
      %add3A_548 = arith.constant 6 : i32
      %add3A_549 = arith.addi %mul3A_10, %add3A_548 : i32
      %add3A_550 = arith.constant 5 : i32
      %add3A_551 = arith.addi %add3A_549, %add3A_550 : i32
      %dma_start3A_552 = arith.constant 1 : i32
      %dma_start3A_553 = arith.constant 0 : i32
      %dma_start3A_554 = arith.constant 0 : i32
      %dma_start3A_555 = tpu.memref_slice %arg6[%dma_start3A_552, %dma_start3A_553, %dma_start3A_554] : memref<5x128x128xf32, #tpu.memory_space<vmem>> -> memref<1x128x128xf32, #tpu.memory_space<vmem>>
      %dma_start3A_556 = tpu.memref_squeeze %dma_start3A_555 : memref<1x128x128xf32, #tpu.memory_space<vmem>> -> memref<128x128xf32, #tpu.memory_space<vmem>>
      %dma_start3A_557 = arith.constant 0 : i32
      %dma_start3A_558 = tpu.memref_slice %arg5[%add3A_551, %dma_start3A_557] : memref<200x128xi32, #tpu.memory_space<vmem>> -> memref<1x128xi32, #tpu.memory_space<vmem>>
      %dma_start3A_559 = tpu.memref_squeeze %dma_start3A_558 : memref<1x128xi32, #tpu.memory_space<vmem>> -> memref<128xi32, #tpu.memory_space<vmem>>
      %dma_start3A_560 = arith.constant 0 : i32
      %dma_start3A_561 = arith.constant 0 : i32
      %dma_start3A_562 = tpu.memref_slice %arg2[%dma_start3A_560, %dma_start3A_561] : memref<100000x128xf32, #tpu.memory_space<hbm>> -> memref<100000x128xf32, #tpu.memory_space<hbm>>
      tpu.enqueue_indirect_dma source(%dma_start3A_562 : memref<100000x128xf32, #tpu.memory_space<hbm>>) target(%dma_start3A_556 : memref<128x128xf32, #tpu.memory_space<vmem>>) offsets(%dma_start3A_559 : memref<128xi32, #tpu.memory_space<vmem>>) semaphore(%arg11 : memref<!tpu.dma_semaphore, #tpu.memory_space<semaphore_mem>>)
      %dma_wait3A_563 = arith.constant 2 : i32
      %dma_wait3A_564 = arith.constant 0 : i32
      %dma_wait3A_565 = arith.constant 0 : i32
      %dma_wait3A_566 = tpu.memref_slice %arg6[%dma_wait3A_563, %dma_wait3A_564, %dma_wait3A_565] : memref<5x128x128xf32, #tpu.memory_space<vmem>> -> memref<1x128x128xf32, #tpu.memory_space<vmem>>
      %dma_wait3A_567 = tpu.memref_squeeze %dma_wait3A_566 : memref<1x128x128xf32, #tpu.memory_space<vmem>> -> memref<128x128xf32, #tpu.memory_space<vmem>>
      %dma_wait3A_568 = arith.constant 0 : i32
      %dma_wait3A_569 = tpu.memref_slice %arg5[%add3A_263, %dma_wait3A_568] : memref<200x128xi32, #tpu.memory_space<vmem>> -> memref<1x128xi32, #tpu.memory_space<vmem>>
      %dma_wait3A_570 = tpu.memref_squeeze %dma_wait3A_569 : memref<1x128xi32, #tpu.memory_space<vmem>> -> memref<128xi32, #tpu.memory_space<vmem>>
      %dma_wait3A_571 = arith.constant 0 : i32
      %dma_wait3A_572 = arith.constant 0 : i32
      %dma_wait3A_573 = tpu.memref_slice %arg2[%dma_wait3A_571, %dma_wait3A_572] : memref<100000x128xf32, #tpu.memory_space<hbm>> -> memref<100000x128xf32, #tpu.memory_space<hbm>>
      tpu.wait_indirect_dma semaphore(%arg12 : memref<!tpu.dma_semaphore, #tpu.memory_space<semaphore_mem>>) src(%dma_wait3A_573 : memref<100000x128xf32, #tpu.memory_space<hbm>>) dst(%dma_wait3A_567 : memref<128x128xf32, #tpu.memory_space<vmem>>)
      %dma_wait3A_574 = arith.constant 0 : i32
      %dma_wait3A_575 = arith.constant 0 : i32
      %dma_wait3A_576 = tpu.memref_slice %arg4[%add3A_517, %dma_wait3A_575] : memref<819200x128xf32, #tpu.memory_space<hbm>> -> memref<64x128xf32, #tpu.memory_space<hbm>>
      %dma_wait3A_577 = arith.constant 0 : i32
      %dma_wait3A_578 = arith.constant 0 : i32
      %dma_wait3A_579 = tpu.memref_slice %arg7[%arg1, %dma_wait3A_574, %dma_wait3A_577, %dma_wait3A_578] : memref<16x2x64x128xf32, #tpu.memory_space<vmem_shared>> -> memref<1x1x64x128xf32, #tpu.memory_space<vmem_shared>>
      %dma_wait3A_580 = tpu.memref_squeeze %dma_wait3A_579 : memref<1x1x64x128xf32, #tpu.memory_space<vmem_shared>> -> memref<64x128xf32, #tpu.memory_space<vmem_shared>>
      tpu.wait_dma2 semaphore(%arg8 : memref<!tpu.dma_semaphore, #tpu.memory_space<semaphore_mem>>) src(%dma_wait3A_580 : memref<64x128xf32, #tpu.memory_space<vmem_shared>>) dst(%dma_wait3A_576 : memref<64x128xf32, #tpu.memory_space<hbm>>)
      %run_scoped3A_581 = arith.constant 2 : i32
      %run_scoped3A_582 = arith.constant 0 : i32
      "tpu.region"() ({
        %run_scoped3A_1438 = tpu.sem_alloc : memref<!tpu.dma_semaphore, #tpu.memory_space<semaphore_mem>>
        %dma_start3A_1439 = arith.constant 0 : i32
        %dma_start3A_1440 = arith.constant 0 : i32
        %dma_start3A_1441 = tpu.memref_slice %arg6[%run_scoped3A_581, %dma_start3A_1439, %dma_start3A_1440] : memref<5x128x128xf32, #tpu.memory_space<vmem>> -> memref<1x64x128xf32, #tpu.memory_space<vmem>>
        %dma_start3A_1442 = tpu.memref_squeeze %dma_start3A_1441 : memref<1x64x128xf32, #tpu.memory_space<vmem>> -> memref<64x128xf32, #tpu.memory_space<vmem>>
        %dma_start3A_1443 = arith.constant 0 : i32
        %dma_start3A_1444 = arith.constant 0 : i32
        %dma_start3A_1445 = tpu.memref_slice %arg7[%arg1, %run_scoped3A_582, %dma_start3A_1443, %dma_start3A_1444] : memref<16x2x64x128xf32, #tpu.memory_space<vmem_shared>> -> memref<1x1x64x128xf32, #tpu.memory_space<vmem_shared>>
        %dma_start3A_1446 = tpu.memref_squeeze %dma_start3A_1445 : memref<1x1x64x128xf32, #tpu.memory_space<vmem_shared>> -> memref<64x128xf32, #tpu.memory_space<vmem_shared>>
        %dma_start3A_1447 = arith.constant 0 : i32
        %dma_start3A_1448 = arith.constant 0 : i32
        %dma_start3A_1449 = tpu.memref_slice %arg7[%arg1, %run_scoped3A_582, %dma_start3A_1447, %dma_start3A_1448] : memref<16x2x64x128xf32, #tpu.memory_space<vmem_shared>> -> memref<1x1x64x128xf32, #tpu.memory_space<vmem_shared>>
        %dma_start3A_1450 = tpu.memref_squeeze %dma_start3A_1449 : memref<1x1x64x128xf32, #tpu.memory_space<vmem_shared>> -> memref<64x128xf32, #tpu.memory_space<vmem_shared>>
        %dma_start3A_1451 = arith.constant 0 : i32
        %dma_start3A_1452 = arith.constant 0 : i32
        %dma_start3A_1453 = tpu.memref_slice %arg6[%run_scoped3A_581, %dma_start3A_1451, %dma_start3A_1452] : memref<5x128x128xf32, #tpu.memory_space<vmem>> -> memref<1x64x128xf32, #tpu.memory_space<vmem>>
        %dma_start3A_1454 = tpu.memref_squeeze %dma_start3A_1453 : memref<1x64x128xf32, #tpu.memory_space<vmem>> -> memref<64x128xf32, #tpu.memory_space<vmem>>
        tpu.enqueue_dma source(%dma_start3A_1454 : memref<64x128xf32, #tpu.memory_space<vmem>>) target(%dma_start3A_1450 : memref<64x128xf32, #tpu.memory_space<vmem_shared>>) target_semaphore(%run_scoped3A_1438 : memref<!tpu.dma_semaphore, #tpu.memory_space<semaphore_mem>>)
        %dma_wait3A_1455 = arith.constant 0 : i32
        %dma_wait3A_1456 = arith.constant 0 : i32
        %dma_wait3A_1457 = tpu.memref_slice %arg6[%run_scoped3A_581, %dma_wait3A_1455, %dma_wait3A_1456] : memref<5x128x128xf32, #tpu.memory_space<vmem>> -> memref<1x64x128xf32, #tpu.memory_space<vmem>>
        %dma_wait3A_1458 = tpu.memref_squeeze %dma_wait3A_1457 : memref<1x64x128xf32, #tpu.memory_space<vmem>> -> memref<64x128xf32, #tpu.memory_space<vmem>>
        %dma_wait3A_1459 = arith.constant 0 : i32
        %dma_wait3A_1460 = arith.constant 0 : i32
        %dma_wait3A_1461 = tpu.memref_slice %arg7[%arg1, %run_scoped3A_582, %dma_wait3A_1459, %dma_wait3A_1460] : memref<16x2x64x128xf32, #tpu.memory_space<vmem_shared>> -> memref<1x1x64x128xf32, #tpu.memory_space<vmem_shared>>
        %dma_wait3A_1462 = tpu.memref_squeeze %dma_wait3A_1461 : memref<1x1x64x128xf32, #tpu.memory_space<vmem_shared>> -> memref<64x128xf32, #tpu.memory_space<vmem_shared>>
        %dma_wait3A_1463 = arith.constant 0 : i32
        %dma_wait3A_1464 = arith.constant 0 : i32
        %dma_wait3A_1465 = tpu.memref_slice %arg7[%arg1, %run_scoped3A_582, %dma_wait3A_1463, %dma_wait3A_1464] : memref<16x2x64x128xf32, #tpu.memory_space<vmem_shared>> -> memref<1x1x64x128xf32, #tpu.memory_space<vmem_shared>>
        %dma_wait3A_1466 = tpu.memref_squeeze %dma_wait3A_1465 : memref<1x1x64x128xf32, #tpu.memory_space<vmem_shared>> -> memref<64x128xf32, #tpu.memory_space<vmem_shared>>
        %dma_wait3A_1467 = arith.constant 0 : i32
        %dma_wait3A_1468 = arith.constant 0 : i32
        %dma_wait3A_1469 = tpu.memref_slice %arg6[%run_scoped3A_581, %dma_wait3A_1467, %dma_wait3A_1468] : memref<5x128x128xf32, #tpu.memory_space<vmem>> -> memref<1x64x128xf32, #tpu.memory_space<vmem>>
        %dma_wait3A_1470 = tpu.memref_squeeze %dma_wait3A_1469 : memref<1x64x128xf32, #tpu.memory_space<vmem>> -> memref<64x128xf32, #tpu.memory_space<vmem>>
        tpu.wait_dma2 semaphore(%run_scoped3A_1438 : memref<!tpu.dma_semaphore, #tpu.memory_space<semaphore_mem>>) src(%dma_wait3A_1470 : memref<64x128xf32, #tpu.memory_space<vmem>>) dst(%dma_wait3A_1466 : memref<64x128xf32, #tpu.memory_space<vmem_shared>>)
        tpu.yield
      }) : () -> ()
      %add3A_583 = arith.addi %mul3A_2, %mul3A_10 : i32
      %add3A_584 = arith.constant 7 : i32
      %add3A_585 = arith.addi %add3A_583, %add3A_584 : i32
      %mul3A_586 = arith.constant 128 : i32
      %mul3A_587 = arith.muli %add3A_585, %mul3A_586 : i32
      %add3A_588 = arith.constant 0 : i32
      %add3A_589 = arith.addi %mul3A_587, %add3A_588 : i32
      %dma_start3A_590 = arith.constant 0 : i32
      %dma_start3A_591 = arith.constant 0 : i32
      %dma_start3A_592 = tpu.memref_slice %arg4[%add3A_589, %dma_start3A_591] : memref<819200x128xf32, #tpu.memory_space<hbm>> -> memref<64x128xf32, #tpu.memory_space<hbm>>
      %dma_start3A_593 = arith.constant 0 : i32
      %dma_start3A_594 = arith.constant 0 : i32
      %dma_start3A_595 = tpu.memref_slice %arg7[%arg1, %dma_start3A_590, %dma_start3A_593, %dma_start3A_594] : memref<16x2x64x128xf32, #tpu.memory_space<vmem_shared>> -> memref<1x1x64x128xf32, #tpu.memory_space<vmem_shared>>
      %dma_start3A_596 = tpu.memref_squeeze %dma_start3A_595 : memref<1x1x64x128xf32, #tpu.memory_space<vmem_shared>> -> memref<64x128xf32, #tpu.memory_space<vmem_shared>>
      tpu.enqueue_dma source(%dma_start3A_596 : memref<64x128xf32, #tpu.memory_space<vmem_shared>>) target(%dma_start3A_592 : memref<64x128xf32, #tpu.memory_space<hbm>>) target_semaphore(%arg8 : memref<!tpu.dma_semaphore, #tpu.memory_space<semaphore_mem>>)
      %dma_wait3A_597 = arith.constant 1 : i32
      %dma_wait3A_598 = arith.constant 0 : i32
      %dma_wait3A_599 = tpu.memref_slice %arg4[%add3A_540, %dma_wait3A_598] : memref<819200x128xf32, #tpu.memory_space<hbm>> -> memref<64x128xf32, #tpu.memory_space<hbm>>
      %dma_wait3A_600 = arith.constant 0 : i32
      %dma_wait3A_601 = arith.constant 0 : i32
      %dma_wait3A_602 = tpu.memref_slice %arg7[%arg1, %dma_wait3A_597, %dma_wait3A_600, %dma_wait3A_601] : memref<16x2x64x128xf32, #tpu.memory_space<vmem_shared>> -> memref<1x1x64x128xf32, #tpu.memory_space<vmem_shared>>
      %dma_wait3A_603 = tpu.memref_squeeze %dma_wait3A_602 : memref<1x1x64x128xf32, #tpu.memory_space<vmem_shared>> -> memref<64x128xf32, #tpu.memory_space<vmem_shared>>
      tpu.wait_dma2 semaphore(%arg9 : memref<!tpu.dma_semaphore, #tpu.memory_space<semaphore_mem>>) src(%dma_wait3A_603 : memref<64x128xf32, #tpu.memory_space<vmem_shared>>) dst(%dma_wait3A_599 : memref<64x128xf32, #tpu.memory_space<hbm>>)
      %run_scoped3A_604 = arith.constant 2 : i32
      %run_scoped3A_605 = arith.constant 1 : i32
      "tpu.region"() ({
        %run_scoped3A_1438 = tpu.sem_alloc : memref<!tpu.dma_semaphore, #tpu.memory_space<semaphore_mem>>
        %dma_start3A_1439 = arith.constant 64 : i32
        %dma_start3A_1440 = arith.constant 0 : i32
        %dma_start3A_1441 = tpu.memref_slice %arg6[%run_scoped3A_604, %dma_start3A_1439, %dma_start3A_1440] : memref<5x128x128xf32, #tpu.memory_space<vmem>> -> memref<1x64x128xf32, #tpu.memory_space<vmem>>
        %dma_start3A_1442 = tpu.memref_squeeze %dma_start3A_1441 : memref<1x64x128xf32, #tpu.memory_space<vmem>> -> memref<64x128xf32, #tpu.memory_space<vmem>>
        %dma_start3A_1443 = arith.constant 0 : i32
        %dma_start3A_1444 = arith.constant 0 : i32
        %dma_start3A_1445 = tpu.memref_slice %arg7[%arg1, %run_scoped3A_605, %dma_start3A_1443, %dma_start3A_1444] : memref<16x2x64x128xf32, #tpu.memory_space<vmem_shared>> -> memref<1x1x64x128xf32, #tpu.memory_space<vmem_shared>>
        %dma_start3A_1446 = tpu.memref_squeeze %dma_start3A_1445 : memref<1x1x64x128xf32, #tpu.memory_space<vmem_shared>> -> memref<64x128xf32, #tpu.memory_space<vmem_shared>>
        %dma_start3A_1447 = arith.constant 0 : i32
        %dma_start3A_1448 = arith.constant 0 : i32
        %dma_start3A_1449 = tpu.memref_slice %arg7[%arg1, %run_scoped3A_605, %dma_start3A_1447, %dma_start3A_1448] : memref<16x2x64x128xf32, #tpu.memory_space<vmem_shared>> -> memref<1x1x64x128xf32, #tpu.memory_space<vmem_shared>>
        %dma_start3A_1450 = tpu.memref_squeeze %dma_start3A_1449 : memref<1x1x64x128xf32, #tpu.memory_space<vmem_shared>> -> memref<64x128xf32, #tpu.memory_space<vmem_shared>>
        %dma_start3A_1451 = arith.constant 64 : i32
        %dma_start3A_1452 = arith.constant 0 : i32
        %dma_start3A_1453 = tpu.memref_slice %arg6[%run_scoped3A_604, %dma_start3A_1451, %dma_start3A_1452] : memref<5x128x128xf32, #tpu.memory_space<vmem>> -> memref<1x64x128xf32, #tpu.memory_space<vmem>>
        %dma_start3A_1454 = tpu.memref_squeeze %dma_start3A_1453 : memref<1x64x128xf32, #tpu.memory_space<vmem>> -> memref<64x128xf32, #tpu.memory_space<vmem>>
        tpu.enqueue_dma source(%dma_start3A_1454 : memref<64x128xf32, #tpu.memory_space<vmem>>) target(%dma_start3A_1450 : memref<64x128xf32, #tpu.memory_space<vmem_shared>>) target_semaphore(%run_scoped3A_1438 : memref<!tpu.dma_semaphore, #tpu.memory_space<semaphore_mem>>)
        %dma_wait3A_1455 = arith.constant 64 : i32
        %dma_wait3A_1456 = arith.constant 0 : i32
        %dma_wait3A_1457 = tpu.memref_slice %arg6[%run_scoped3A_604, %dma_wait3A_1455, %dma_wait3A_1456] : memref<5x128x128xf32, #tpu.memory_space<vmem>> -> memref<1x64x128xf32, #tpu.memory_space<vmem>>
        %dma_wait3A_1458 = tpu.memref_squeeze %dma_wait3A_1457 : memref<1x64x128xf32, #tpu.memory_space<vmem>> -> memref<64x128xf32, #tpu.memory_space<vmem>>
        %dma_wait3A_1459 = arith.constant 0 : i32
        %dma_wait3A_1460 = arith.constant 0 : i32
        %dma_wait3A_1461 = tpu.memref_slice %arg7[%arg1, %run_scoped3A_605, %dma_wait3A_1459, %dma_wait3A_1460] : memref<16x2x64x128xf32, #tpu.memory_space<vmem_shared>> -> memref<1x1x64x128xf32, #tpu.memory_space<vmem_shared>>
        %dma_wait3A_1462 = tpu.memref_squeeze %dma_wait3A_1461 : memref<1x1x64x128xf32, #tpu.memory_space<vmem_shared>> -> memref<64x128xf32, #tpu.memory_space<vmem_shared>>
        %dma_wait3A_1463 = arith.constant 0 : i32
        %dma_wait3A_1464 = arith.constant 0 : i32
        %dma_wait3A_1465 = tpu.memref_slice %arg7[%arg1, %run_scoped3A_605, %dma_wait3A_1463, %dma_wait3A_1464] : memref<16x2x64x128xf32, #tpu.memory_space<vmem_shared>> -> memref<1x1x64x128xf32, #tpu.memory_space<vmem_shared>>
        %dma_wait3A_1466 = tpu.memref_squeeze %dma_wait3A_1465 : memref<1x1x64x128xf32, #tpu.memory_space<vmem_shared>> -> memref<64x128xf32, #tpu.memory_space<vmem_shared>>
        %dma_wait3A_1467 = arith.constant 64 : i32
        %dma_wait3A_1468 = arith.constant 0 : i32
        %dma_wait3A_1469 = tpu.memref_slice %arg6[%run_scoped3A_604, %dma_wait3A_1467, %dma_wait3A_1468] : memref<5x128x128xf32, #tpu.memory_space<vmem>> -> memref<1x64x128xf32, #tpu.memory_space<vmem>>
        %dma_wait3A_1470 = tpu.memref_squeeze %dma_wait3A_1469 : memref<1x64x128xf32, #tpu.memory_space<vmem>> -> memref<64x128xf32, #tpu.memory_space<vmem>>
        tpu.wait_dma2 semaphore(%run_scoped3A_1438 : memref<!tpu.dma_semaphore, #tpu.memory_space<semaphore_mem>>) src(%dma_wait3A_1470 : memref<64x128xf32, #tpu.memory_space<vmem>>) dst(%dma_wait3A_1466 : memref<64x128xf32, #tpu.memory_space<vmem_shared>>)
        tpu.yield
      }) : () -> ()
      %add3A_606 = arith.addi %mul3A_2, %mul3A_10 : i32
      %add3A_607 = arith.constant 7 : i32
      %add3A_608 = arith.addi %add3A_606, %add3A_607 : i32
      %mul3A_609 = arith.constant 128 : i32
      %mul3A_610 = arith.muli %add3A_608, %mul3A_609 : i32
      %add3A_611 = arith.constant 64 : i32
      %add3A_612 = arith.addi %mul3A_610, %add3A_611 : i32
      %dma_start3A_613 = arith.constant 1 : i32
      %dma_start3A_614 = arith.constant 0 : i32
      %dma_start3A_615 = tpu.memref_slice %arg4[%add3A_612, %dma_start3A_614] : memref<819200x128xf32, #tpu.memory_space<hbm>> -> memref<64x128xf32, #tpu.memory_space<hbm>>
      %dma_start3A_616 = arith.constant 0 : i32
      %dma_start3A_617 = arith.constant 0 : i32
      %dma_start3A_618 = tpu.memref_slice %arg7[%arg1, %dma_start3A_613, %dma_start3A_616, %dma_start3A_617] : memref<16x2x64x128xf32, #tpu.memory_space<vmem_shared>> -> memref<1x1x64x128xf32, #tpu.memory_space<vmem_shared>>
      %dma_start3A_619 = tpu.memref_squeeze %dma_start3A_618 : memref<1x1x64x128xf32, #tpu.memory_space<vmem_shared>> -> memref<64x128xf32, #tpu.memory_space<vmem_shared>>
      tpu.enqueue_dma source(%dma_start3A_619 : memref<64x128xf32, #tpu.memory_space<vmem_shared>>) target(%dma_start3A_615 : memref<64x128xf32, #tpu.memory_space<hbm>>) target_semaphore(%arg9 : memref<!tpu.dma_semaphore, #tpu.memory_space<semaphore_mem>>)
      %add3A_620 = arith.constant 7 : i32
      %add3A_621 = arith.addi %mul3A_10, %add3A_620 : i32
      %add3A_622 = arith.constant 5 : i32
      %add3A_623 = arith.addi %add3A_621, %add3A_622 : i32
      %dma_start3A_624 = arith.constant 2 : i32
      %dma_start3A_625 = arith.constant 0 : i32
      %dma_start3A_626 = arith.constant 0 : i32
      %dma_start3A_627 = tpu.memref_slice %arg6[%dma_start3A_624, %dma_start3A_625, %dma_start3A_626] : memref<5x128x128xf32, #tpu.memory_space<vmem>> -> memref<1x128x128xf32, #tpu.memory_space<vmem>>
      %dma_start3A_628 = tpu.memref_squeeze %dma_start3A_627 : memref<1x128x128xf32, #tpu.memory_space<vmem>> -> memref<128x128xf32, #tpu.memory_space<vmem>>
      %dma_start3A_629 = arith.constant 0 : i32
      %dma_start3A_630 = tpu.memref_slice %arg5[%add3A_623, %dma_start3A_629] : memref<200x128xi32, #tpu.memory_space<vmem>> -> memref<1x128xi32, #tpu.memory_space<vmem>>
      %dma_start3A_631 = tpu.memref_squeeze %dma_start3A_630 : memref<1x128xi32, #tpu.memory_space<vmem>> -> memref<128xi32, #tpu.memory_space<vmem>>
      %dma_start3A_632 = arith.constant 0 : i32
      %dma_start3A_633 = arith.constant 0 : i32
      %dma_start3A_634 = tpu.memref_slice %arg2[%dma_start3A_632, %dma_start3A_633] : memref<100000x128xf32, #tpu.memory_space<hbm>> -> memref<100000x128xf32, #tpu.memory_space<hbm>>
      tpu.enqueue_indirect_dma source(%dma_start3A_634 : memref<100000x128xf32, #tpu.memory_space<hbm>>) target(%dma_start3A_628 : memref<128x128xf32, #tpu.memory_space<vmem>>) offsets(%dma_start3A_631 : memref<128xi32, #tpu.memory_space<vmem>>) semaphore(%arg12 : memref<!tpu.dma_semaphore, #tpu.memory_space<semaphore_mem>>)
      %dma_wait3A_635 = arith.constant 3 : i32
      %dma_wait3A_636 = arith.constant 0 : i32
      %dma_wait3A_637 = arith.constant 0 : i32
      %dma_wait3A_638 = tpu.memref_slice %arg6[%dma_wait3A_635, %dma_wait3A_636, %dma_wait3A_637] : memref<5x128x128xf32, #tpu.memory_space<vmem>> -> memref<1x128x128xf32, #tpu.memory_space<vmem>>
      %dma_wait3A_639 = tpu.memref_squeeze %dma_wait3A_638 : memref<1x128x128xf32, #tpu.memory_space<vmem>> -> memref<128x128xf32, #tpu.memory_space<vmem>>
      %dma_wait3A_640 = arith.constant 0 : i32
      %dma_wait3A_641 = tpu.memref_slice %arg5[%add3A_335, %dma_wait3A_640] : memref<200x128xi32, #tpu.memory_space<vmem>> -> memref<1x128xi32, #tpu.memory_space<vmem>>
      %dma_wait3A_642 = tpu.memref_squeeze %dma_wait3A_641 : memref<1x128xi32, #tpu.memory_space<vmem>> -> memref<128xi32, #tpu.memory_space<vmem>>
      %dma_wait3A_643 = arith.constant 0 : i32
      %dma_wait3A_644 = arith.constant 0 : i32
      %dma_wait3A_645 = tpu.memref_slice %arg2[%dma_wait3A_643, %dma_wait3A_644] : memref<100000x128xf32, #tpu.memory_space<hbm>> -> memref<100000x128xf32, #tpu.memory_space<hbm>>
      tpu.wait_indirect_dma semaphore(%arg13 : memref<!tpu.dma_semaphore, #tpu.memory_space<semaphore_mem>>) src(%dma_wait3A_645 : memref<100000x128xf32, #tpu.memory_space<hbm>>) dst(%dma_wait3A_639 : memref<128x128xf32, #tpu.memory_space<vmem>>)
      %dma_wait3A_646 = arith.constant 0 : i32
      %dma_wait3A_647 = arith.constant 0 : i32
      %dma_wait3A_648 = tpu.memref_slice %arg4[%add3A_589, %dma_wait3A_647] : memref<819200x128xf32, #tpu.memory_space<hbm>> -> memref<64x128xf32, #tpu.memory_space<hbm>>
      %dma_wait3A_649 = arith.constant 0 : i32
      %dma_wait3A_650 = arith.constant 0 : i32
      %dma_wait3A_651 = tpu.memref_slice %arg7[%arg1, %dma_wait3A_646, %dma_wait3A_649, %dma_wait3A_650] : memref<16x2x64x128xf32, #tpu.memory_space<vmem_shared>> -> memref<1x1x64x128xf32, #tpu.memory_space<vmem_shared>>
      %dma_wait3A_652 = tpu.memref_squeeze %dma_wait3A_651 : memref<1x1x64x128xf32, #tpu.memory_space<vmem_shared>> -> memref<64x128xf32, #tpu.memory_space<vmem_shared>>
      tpu.wait_dma2 semaphore(%arg8 : memref<!tpu.dma_semaphore, #tpu.memory_space<semaphore_mem>>) src(%dma_wait3A_652 : memref<64x128xf32, #tpu.memory_space<vmem_shared>>) dst(%dma_wait3A_648 : memref<64x128xf32, #tpu.memory_space<hbm>>)
      %run_scoped3A_653 = arith.constant 3 : i32
      %run_scoped3A_654 = arith.constant 0 : i32
      "tpu.region"() ({
        %run_scoped3A_1438 = tpu.sem_alloc : memref<!tpu.dma_semaphore, #tpu.memory_space<semaphore_mem>>
        %dma_start3A_1439 = arith.constant 0 : i32
        %dma_start3A_1440 = arith.constant 0 : i32
        %dma_start3A_1441 = tpu.memref_slice %arg6[%run_scoped3A_653, %dma_start3A_1439, %dma_start3A_1440] : memref<5x128x128xf32, #tpu.memory_space<vmem>> -> memref<1x64x128xf32, #tpu.memory_space<vmem>>
        %dma_start3A_1442 = tpu.memref_squeeze %dma_start3A_1441 : memref<1x64x128xf32, #tpu.memory_space<vmem>> -> memref<64x128xf32, #tpu.memory_space<vmem>>
        %dma_start3A_1443 = arith.constant 0 : i32
        %dma_start3A_1444 = arith.constant 0 : i32
        %dma_start3A_1445 = tpu.memref_slice %arg7[%arg1, %run_scoped3A_654, %dma_start3A_1443, %dma_start3A_1444] : memref<16x2x64x128xf32, #tpu.memory_space<vmem_shared>> -> memref<1x1x64x128xf32, #tpu.memory_space<vmem_shared>>
        %dma_start3A_1446 = tpu.memref_squeeze %dma_start3A_1445 : memref<1x1x64x128xf32, #tpu.memory_space<vmem_shared>> -> memref<64x128xf32, #tpu.memory_space<vmem_shared>>
        %dma_start3A_1447 = arith.constant 0 : i32
        %dma_start3A_1448 = arith.constant 0 : i32
        %dma_start3A_1449 = tpu.memref_slice %arg7[%arg1, %run_scoped3A_654, %dma_start3A_1447, %dma_start3A_1448] : memref<16x2x64x128xf32, #tpu.memory_space<vmem_shared>> -> memref<1x1x64x128xf32, #tpu.memory_space<vmem_shared>>
        %dma_start3A_1450 = tpu.memref_squeeze %dma_start3A_1449 : memref<1x1x64x128xf32, #tpu.memory_space<vmem_shared>> -> memref<64x128xf32, #tpu.memory_space<vmem_shared>>
        %dma_start3A_1451 = arith.constant 0 : i32
        %dma_start3A_1452 = arith.constant 0 : i32
        %dma_start3A_1453 = tpu.memref_slice %arg6[%run_scoped3A_653, %dma_start3A_1451, %dma_start3A_1452] : memref<5x128x128xf32, #tpu.memory_space<vmem>> -> memref<1x64x128xf32, #tpu.memory_space<vmem>>
        %dma_start3A_1454 = tpu.memref_squeeze %dma_start3A_1453 : memref<1x64x128xf32, #tpu.memory_space<vmem>> -> memref<64x128xf32, #tpu.memory_space<vmem>>
        tpu.enqueue_dma source(%dma_start3A_1454 : memref<64x128xf32, #tpu.memory_space<vmem>>) target(%dma_start3A_1450 : memref<64x128xf32, #tpu.memory_space<vmem_shared>>) target_semaphore(%run_scoped3A_1438 : memref<!tpu.dma_semaphore, #tpu.memory_space<semaphore_mem>>)
        %dma_wait3A_1455 = arith.constant 0 : i32
        %dma_wait3A_1456 = arith.constant 0 : i32
        %dma_wait3A_1457 = tpu.memref_slice %arg6[%run_scoped3A_653, %dma_wait3A_1455, %dma_wait3A_1456] : memref<5x128x128xf32, #tpu.memory_space<vmem>> -> memref<1x64x128xf32, #tpu.memory_space<vmem>>
        %dma_wait3A_1458 = tpu.memref_squeeze %dma_wait3A_1457 : memref<1x64x128xf32, #tpu.memory_space<vmem>> -> memref<64x128xf32, #tpu.memory_space<vmem>>
        %dma_wait3A_1459 = arith.constant 0 : i32
        %dma_wait3A_1460 = arith.constant 0 : i32
        %dma_wait3A_1461 = tpu.memref_slice %arg7[%arg1, %run_scoped3A_654, %dma_wait3A_1459, %dma_wait3A_1460] : memref<16x2x64x128xf32, #tpu.memory_space<vmem_shared>> -> memref<1x1x64x128xf32, #tpu.memory_space<vmem_shared>>
        %dma_wait3A_1462 = tpu.memref_squeeze %dma_wait3A_1461 : memref<1x1x64x128xf32, #tpu.memory_space<vmem_shared>> -> memref<64x128xf32, #tpu.memory_space<vmem_shared>>
        %dma_wait3A_1463 = arith.constant 0 : i32
        %dma_wait3A_1464 = arith.constant 0 : i32
        %dma_wait3A_1465 = tpu.memref_slice %arg7[%arg1, %run_scoped3A_654, %dma_wait3A_1463, %dma_wait3A_1464] : memref<16x2x64x128xf32, #tpu.memory_space<vmem_shared>> -> memref<1x1x64x128xf32, #tpu.memory_space<vmem_shared>>
        %dma_wait3A_1466 = tpu.memref_squeeze %dma_wait3A_1465 : memref<1x1x64x128xf32, #tpu.memory_space<vmem_shared>> -> memref<64x128xf32, #tpu.memory_space<vmem_shared>>
        %dma_wait3A_1467 = arith.constant 0 : i32
        %dma_wait3A_1468 = arith.constant 0 : i32
        %dma_wait3A_1469 = tpu.memref_slice %arg6[%run_scoped3A_653, %dma_wait3A_1467, %dma_wait3A_1468] : memref<5x128x128xf32, #tpu.memory_space<vmem>> -> memref<1x64x128xf32, #tpu.memory_space<vmem>>
        %dma_wait3A_1470 = tpu.memref_squeeze %dma_wait3A_1469 : memref<1x64x128xf32, #tpu.memory_space<vmem>> -> memref<64x128xf32, #tpu.memory_space<vmem>>
        tpu.wait_dma2 semaphore(%run_scoped3A_1438 : memref<!tpu.dma_semaphore, #tpu.memory_space<semaphore_mem>>) src(%dma_wait3A_1470 : memref<64x128xf32, #tpu.memory_space<vmem>>) dst(%dma_wait3A_1466 : memref<64x128xf32, #tpu.memory_space<vmem_shared>>)
        tpu.yield
      }) : () -> ()
      %add3A_655 = arith.addi %mul3A_2, %mul3A_10 : i32
      %add3A_656 = arith.constant 8 : i32
      %add3A_657 = arith.addi %add3A_655, %add3A_656 : i32
      %mul3A_658 = arith.constant 128 : i32
      %mul3A_659 = arith.muli %add3A_657, %mul3A_658 : i32
      %add3A_660 = arith.constant 0 : i32
      %add3A_661 = arith.addi %mul3A_659, %add3A_660 : i32
      %dma_start3A_662 = arith.constant 0 : i32
      %dma_start3A_663 = arith.constant 0 : i32
      %dma_start3A_664 = tpu.memref_slice %arg4[%add3A_661, %dma_start3A_663] : memref<819200x128xf32, #tpu.memory_space<hbm>> -> memref<64x128xf32, #tpu.memory_space<hbm>>
      %dma_start3A_665 = arith.constant 0 : i32
      %dma_start3A_666 = arith.constant 0 : i32
      %dma_start3A_667 = tpu.memref_slice %arg7[%arg1, %dma_start3A_662, %dma_start3A_665, %dma_start3A_666] : memref<16x2x64x128xf32, #tpu.memory_space<vmem_shared>> -> memref<1x1x64x128xf32, #tpu.memory_space<vmem_shared>>
      %dma_start3A_668 = tpu.memref_squeeze %dma_start3A_667 : memref<1x1x64x128xf32, #tpu.memory_space<vmem_shared>> -> memref<64x128xf32, #tpu.memory_space<vmem_shared>>
      tpu.enqueue_dma source(%dma_start3A_668 : memref<64x128xf32, #tpu.memory_space<vmem_shared>>) target(%dma_start3A_664 : memref<64x128xf32, #tpu.memory_space<hbm>>) target_semaphore(%arg8 : memref<!tpu.dma_semaphore, #tpu.memory_space<semaphore_mem>>)
      %dma_wait3A_669 = arith.constant 1 : i32
      %dma_wait3A_670 = arith.constant 0 : i32
      %dma_wait3A_671 = tpu.memref_slice %arg4[%add3A_612, %dma_wait3A_670] : memref<819200x128xf32, #tpu.memory_space<hbm>> -> memref<64x128xf32, #tpu.memory_space<hbm>>
      %dma_wait3A_672 = arith.constant 0 : i32
      %dma_wait3A_673 = arith.constant 0 : i32
      %dma_wait3A_674 = tpu.memref_slice %arg7[%arg1, %dma_wait3A_669, %dma_wait3A_672, %dma_wait3A_673] : memref<16x2x64x128xf32, #tpu.memory_space<vmem_shared>> -> memref<1x1x64x128xf32, #tpu.memory_space<vmem_shared>>
      %dma_wait3A_675 = tpu.memref_squeeze %dma_wait3A_674 : memref<1x1x64x128xf32, #tpu.memory_space<vmem_shared>> -> memref<64x128xf32, #tpu.memory_space<vmem_shared>>
      tpu.wait_dma2 semaphore(%arg9 : memref<!tpu.dma_semaphore, #tpu.memory_space<semaphore_mem>>) src(%dma_wait3A_675 : memref<64x128xf32, #tpu.memory_space<vmem_shared>>) dst(%dma_wait3A_671 : memref<64x128xf32, #tpu.memory_space<hbm>>)
      %run_scoped3A_676 = arith.constant 3 : i32
      %run_scoped3A_677 = arith.constant 1 : i32
      "tpu.region"() ({
        %run_scoped3A_1438 = tpu.sem_alloc : memref<!tpu.dma_semaphore, #tpu.memory_space<semaphore_mem>>
        %dma_start3A_1439 = arith.constant 64 : i32
        %dma_start3A_1440 = arith.constant 0 : i32
        %dma_start3A_1441 = tpu.memref_slice %arg6[%run_scoped3A_676, %dma_start3A_1439, %dma_start3A_1440] : memref<5x128x128xf32, #tpu.memory_space<vmem>> -> memref<1x64x128xf32, #tpu.memory_space<vmem>>
        %dma_start3A_1442 = tpu.memref_squeeze %dma_start3A_1441 : memref<1x64x128xf32, #tpu.memory_space<vmem>> -> memref<64x128xf32, #tpu.memory_space<vmem>>
        %dma_start3A_1443 = arith.constant 0 : i32
        %dma_start3A_1444 = arith.constant 0 : i32
        %dma_start3A_1445 = tpu.memref_slice %arg7[%arg1, %run_scoped3A_677, %dma_start3A_1443, %dma_start3A_1444] : memref<16x2x64x128xf32, #tpu.memory_space<vmem_shared>> -> memref<1x1x64x128xf32, #tpu.memory_space<vmem_shared>>
        %dma_start3A_1446 = tpu.memref_squeeze %dma_start3A_1445 : memref<1x1x64x128xf32, #tpu.memory_space<vmem_shared>> -> memref<64x128xf32, #tpu.memory_space<vmem_shared>>
        %dma_start3A_1447 = arith.constant 0 : i32
        %dma_start3A_1448 = arith.constant 0 : i32
        %dma_start3A_1449 = tpu.memref_slice %arg7[%arg1, %run_scoped3A_677, %dma_start3A_1447, %dma_start3A_1448] : memref<16x2x64x128xf32, #tpu.memory_space<vmem_shared>> -> memref<1x1x64x128xf32, #tpu.memory_space<vmem_shared>>
        %dma_start3A_1450 = tpu.memref_squeeze %dma_start3A_1449 : memref<1x1x64x128xf32, #tpu.memory_space<vmem_shared>> -> memref<64x128xf32, #tpu.memory_space<vmem_shared>>
        %dma_start3A_1451 = arith.constant 64 : i32
        %dma_start3A_1452 = arith.constant 0 : i32
        %dma_start3A_1453 = tpu.memref_slice %arg6[%run_scoped3A_676, %dma_start3A_1451, %dma_start3A_1452] : memref<5x128x128xf32, #tpu.memory_space<vmem>> -> memref<1x64x128xf32, #tpu.memory_space<vmem>>
        %dma_start3A_1454 = tpu.memref_squeeze %dma_start3A_1453 : memref<1x64x128xf32, #tpu.memory_space<vmem>> -> memref<64x128xf32, #tpu.memory_space<vmem>>
        tpu.enqueue_dma source(%dma_start3A_1454 : memref<64x128xf32, #tpu.memory_space<vmem>>) target(%dma_start3A_1450 : memref<64x128xf32, #tpu.memory_space<vmem_shared>>) target_semaphore(%run_scoped3A_1438 : memref<!tpu.dma_semaphore, #tpu.memory_space<semaphore_mem>>)
        %dma_wait3A_1455 = arith.constant 64 : i32
        %dma_wait3A_1456 = arith.constant 0 : i32
        %dma_wait3A_1457 = tpu.memref_slice %arg6[%run_scoped3A_676, %dma_wait3A_1455, %dma_wait3A_1456] : memref<5x128x128xf32, #tpu.memory_space<vmem>> -> memref<1x64x128xf32, #tpu.memory_space<vmem>>
        %dma_wait3A_1458 = tpu.memref_squeeze %dma_wait3A_1457 : memref<1x64x128xf32, #tpu.memory_space<vmem>> -> memref<64x128xf32, #tpu.memory_space<vmem>>
        %dma_wait3A_1459 = arith.constant 0 : i32
        %dma_wait3A_1460 = arith.constant 0 : i32
        %dma_wait3A_1461 = tpu.memref_slice %arg7[%arg1, %run_scoped3A_677, %dma_wait3A_1459, %dma_wait3A_1460] : memref<16x2x64x128xf32, #tpu.memory_space<vmem_shared>> -> memref<1x1x64x128xf32, #tpu.memory_space<vmem_shared>>
        %dma_wait3A_1462 = tpu.memref_squeeze %dma_wait3A_1461 : memref<1x1x64x128xf32, #tpu.memory_space<vmem_shared>> -> memref<64x128xf32, #tpu.memory_space<vmem_shared>>
        %dma_wait3A_1463 = arith.constant 0 : i32
        %dma_wait3A_1464 = arith.constant 0 : i32
        %dma_wait3A_1465 = tpu.memref_slice %arg7[%arg1, %run_scoped3A_677, %dma_wait3A_1463, %dma_wait3A_1464] : memref<16x2x64x128xf32, #tpu.memory_space<vmem_shared>> -> memref<1x1x64x128xf32, #tpu.memory_space<vmem_shared>>
        %dma_wait3A_1466 = tpu.memref_squeeze %dma_wait3A_1465 : memref<1x1x64x128xf32, #tpu.memory_space<vmem_shared>> -> memref<64x128xf32, #tpu.memory_space<vmem_shared>>
        %dma_wait3A_1467 = arith.constant 64 : i32
        %dma_wait3A_1468 = arith.constant 0 : i32
        %dma_wait3A_1469 = tpu.memref_slice %arg6[%run_scoped3A_676, %dma_wait3A_1467, %dma_wait3A_1468] : memref<5x128x128xf32, #tpu.memory_space<vmem>> -> memref<1x64x128xf32, #tpu.memory_space<vmem>>
        %dma_wait3A_1470 = tpu.memref_squeeze %dma_wait3A_1469 : memref<1x64x128xf32, #tpu.memory_space<vmem>> -> memref<64x128xf32, #tpu.memory_space<vmem>>
        tpu.wait_dma2 semaphore(%run_scoped3A_1438 : memref<!tpu.dma_semaphore, #tpu.memory_space<semaphore_mem>>) src(%dma_wait3A_1470 : memref<64x128xf32, #tpu.memory_space<vmem>>) dst(%dma_wait3A_1466 : memref<64x128xf32, #tpu.memory_space<vmem_shared>>)
        tpu.yield
      }) : () -> ()
      %add3A_678 = arith.addi %mul3A_2, %mul3A_10 : i32
      %add3A_679 = arith.constant 8 : i32
      %add3A_680 = arith.addi %add3A_678, %add3A_679 : i32
      %mul3A_681 = arith.constant 128 : i32
      %mul3A_682 = arith.muli %add3A_680, %mul3A_681 : i32
      %add3A_683 = arith.constant 64 : i32
      %add3A_684 = arith.addi %mul3A_682, %add3A_683 : i32
      %dma_start3A_685 = arith.constant 1 : i32
      %dma_start3A_686 = arith.constant 0 : i32
      %dma_start3A_687 = tpu.memref_slice %arg4[%add3A_684, %dma_start3A_686] : memref<819200x128xf32, #tpu.memory_space<hbm>> -> memref<64x128xf32, #tpu.memory_space<hbm>>
      %dma_start3A_688 = arith.constant 0 : i32
      %dma_start3A_689 = arith.constant 0 : i32
      %dma_start3A_690 = tpu.memref_slice %arg7[%arg1, %dma_start3A_685, %dma_start3A_688, %dma_start3A_689] : memref<16x2x64x128xf32, #tpu.memory_space<vmem_shared>> -> memref<1x1x64x128xf32, #tpu.memory_space<vmem_shared>>
      %dma_start3A_691 = tpu.memref_squeeze %dma_start3A_690 : memref<1x1x64x128xf32, #tpu.memory_space<vmem_shared>> -> memref<64x128xf32, #tpu.memory_space<vmem_shared>>
      tpu.enqueue_dma source(%dma_start3A_691 : memref<64x128xf32, #tpu.memory_space<vmem_shared>>) target(%dma_start3A_687 : memref<64x128xf32, #tpu.memory_space<hbm>>) target_semaphore(%arg9 : memref<!tpu.dma_semaphore, #tpu.memory_space<semaphore_mem>>)
      %add3A_692 = arith.constant 8 : i32
      %add3A_693 = arith.addi %mul3A_10, %add3A_692 : i32
      %add3A_694 = arith.constant 5 : i32
      %add3A_695 = arith.addi %add3A_693, %add3A_694 : i32
      %dma_start3A_696 = arith.constant 3 : i32
      %dma_start3A_697 = arith.constant 0 : i32
      %dma_start3A_698 = arith.constant 0 : i32
      %dma_start3A_699 = tpu.memref_slice %arg6[%dma_start3A_696, %dma_start3A_697, %dma_start3A_698] : memref<5x128x128xf32, #tpu.memory_space<vmem>> -> memref<1x128x128xf32, #tpu.memory_space<vmem>>
      %dma_start3A_700 = tpu.memref_squeeze %dma_start3A_699 : memref<1x128x128xf32, #tpu.memory_space<vmem>> -> memref<128x128xf32, #tpu.memory_space<vmem>>
      %dma_start3A_701 = arith.constant 0 : i32
      %dma_start3A_702 = tpu.memref_slice %arg5[%add3A_695, %dma_start3A_701] : memref<200x128xi32, #tpu.memory_space<vmem>> -> memref<1x128xi32, #tpu.memory_space<vmem>>
      %dma_start3A_703 = tpu.memref_squeeze %dma_start3A_702 : memref<1x128xi32, #tpu.memory_space<vmem>> -> memref<128xi32, #tpu.memory_space<vmem>>
      %dma_start3A_704 = arith.constant 0 : i32
      %dma_start3A_705 = arith.constant 0 : i32
      %dma_start3A_706 = tpu.memref_slice %arg2[%dma_start3A_704, %dma_start3A_705] : memref<100000x128xf32, #tpu.memory_space<hbm>> -> memref<100000x128xf32, #tpu.memory_space<hbm>>
      tpu.enqueue_indirect_dma source(%dma_start3A_706 : memref<100000x128xf32, #tpu.memory_space<hbm>>) target(%dma_start3A_700 : memref<128x128xf32, #tpu.memory_space<vmem>>) offsets(%dma_start3A_703 : memref<128xi32, #tpu.memory_space<vmem>>) semaphore(%arg13 : memref<!tpu.dma_semaphore, #tpu.memory_space<semaphore_mem>>)
      %dma_wait3A_707 = arith.constant 4 : i32
      %dma_wait3A_708 = arith.constant 0 : i32
      %dma_wait3A_709 = arith.constant 0 : i32
      %dma_wait3A_710 = tpu.memref_slice %arg6[%dma_wait3A_707, %dma_wait3A_708, %dma_wait3A_709] : memref<5x128x128xf32, #tpu.memory_space<vmem>> -> memref<1x128x128xf32, #tpu.memory_space<vmem>>
      %dma_wait3A_711 = tpu.memref_squeeze %dma_wait3A_710 : memref<1x128x128xf32, #tpu.memory_space<vmem>> -> memref<128x128xf32, #tpu.memory_space<vmem>>
      %dma_wait3A_712 = arith.constant 0 : i32
      %dma_wait3A_713 = tpu.memref_slice %arg5[%add3A_407, %dma_wait3A_712] : memref<200x128xi32, #tpu.memory_space<vmem>> -> memref<1x128xi32, #tpu.memory_space<vmem>>
      %dma_wait3A_714 = tpu.memref_squeeze %dma_wait3A_713 : memref<1x128xi32, #tpu.memory_space<vmem>> -> memref<128xi32, #tpu.memory_space<vmem>>
      %dma_wait3A_715 = arith.constant 0 : i32
      %dma_wait3A_716 = arith.constant 0 : i32
      %dma_wait3A_717 = tpu.memref_slice %arg2[%dma_wait3A_715, %dma_wait3A_716] : memref<100000x128xf32, #tpu.memory_space<hbm>> -> memref<100000x128xf32, #tpu.memory_space<hbm>>
      tpu.wait_indirect_dma semaphore(%arg14 : memref<!tpu.dma_semaphore, #tpu.memory_space<semaphore_mem>>) src(%dma_wait3A_717 : memref<100000x128xf32, #tpu.memory_space<hbm>>) dst(%dma_wait3A_711 : memref<128x128xf32, #tpu.memory_space<vmem>>)
      %dma_wait3A_718 = arith.constant 0 : i32
      %dma_wait3A_719 = arith.constant 0 : i32
      %dma_wait3A_720 = tpu.memref_slice %arg4[%add3A_661, %dma_wait3A_719] : memref<819200x128xf32, #tpu.memory_space<hbm>> -> memref<64x128xf32, #tpu.memory_space<hbm>>
      %dma_wait3A_721 = arith.constant 0 : i32
      %dma_wait3A_722 = arith.constant 0 : i32
      %dma_wait3A_723 = tpu.memref_slice %arg7[%arg1, %dma_wait3A_718, %dma_wait3A_721, %dma_wait3A_722] : memref<16x2x64x128xf32, #tpu.memory_space<vmem_shared>> -> memref<1x1x64x128xf32, #tpu.memory_space<vmem_shared>>
      %dma_wait3A_724 = tpu.memref_squeeze %dma_wait3A_723 : memref<1x1x64x128xf32, #tpu.memory_space<vmem_shared>> -> memref<64x128xf32, #tpu.memory_space<vmem_shared>>
      tpu.wait_dma2 semaphore(%arg8 : memref<!tpu.dma_semaphore, #tpu.memory_space<semaphore_mem>>) src(%dma_wait3A_724 : memref<64x128xf32, #tpu.memory_space<vmem_shared>>) dst(%dma_wait3A_720 : memref<64x128xf32, #tpu.memory_space<hbm>>)
      %run_scoped3A_725 = arith.constant 4 : i32
      %run_scoped3A_726 = arith.constant 0 : i32
      "tpu.region"() ({
        %run_scoped3A_1438 = tpu.sem_alloc : memref<!tpu.dma_semaphore, #tpu.memory_space<semaphore_mem>>
        %dma_start3A_1439 = arith.constant 0 : i32
        %dma_start3A_1440 = arith.constant 0 : i32
        %dma_start3A_1441 = tpu.memref_slice %arg6[%run_scoped3A_725, %dma_start3A_1439, %dma_start3A_1440] : memref<5x128x128xf32, #tpu.memory_space<vmem>> -> memref<1x64x128xf32, #tpu.memory_space<vmem>>
        %dma_start3A_1442 = tpu.memref_squeeze %dma_start3A_1441 : memref<1x64x128xf32, #tpu.memory_space<vmem>> -> memref<64x128xf32, #tpu.memory_space<vmem>>
        %dma_start3A_1443 = arith.constant 0 : i32
        %dma_start3A_1444 = arith.constant 0 : i32
        %dma_start3A_1445 = tpu.memref_slice %arg7[%arg1, %run_scoped3A_726, %dma_start3A_1443, %dma_start3A_1444] : memref<16x2x64x128xf32, #tpu.memory_space<vmem_shared>> -> memref<1x1x64x128xf32, #tpu.memory_space<vmem_shared>>
        %dma_start3A_1446 = tpu.memref_squeeze %dma_start3A_1445 : memref<1x1x64x128xf32, #tpu.memory_space<vmem_shared>> -> memref<64x128xf32, #tpu.memory_space<vmem_shared>>
        %dma_start3A_1447 = arith.constant 0 : i32
        %dma_start3A_1448 = arith.constant 0 : i32
        %dma_start3A_1449 = tpu.memref_slice %arg7[%arg1, %run_scoped3A_726, %dma_start3A_1447, %dma_start3A_1448] : memref<16x2x64x128xf32, #tpu.memory_space<vmem_shared>> -> memref<1x1x64x128xf32, #tpu.memory_space<vmem_shared>>
        %dma_start3A_1450 = tpu.memref_squeeze %dma_start3A_1449 : memref<1x1x64x128xf32, #tpu.memory_space<vmem_shared>> -> memref<64x128xf32, #tpu.memory_space<vmem_shared>>
        %dma_start3A_1451 = arith.constant 0 : i32
        %dma_start3A_1452 = arith.constant 0 : i32
        %dma_start3A_1453 = tpu.memref_slice %arg6[%run_scoped3A_725, %dma_start3A_1451, %dma_start3A_1452] : memref<5x128x128xf32, #tpu.memory_space<vmem>> -> memref<1x64x128xf32, #tpu.memory_space<vmem>>
        %dma_start3A_1454 = tpu.memref_squeeze %dma_start3A_1453 : memref<1x64x128xf32, #tpu.memory_space<vmem>> -> memref<64x128xf32, #tpu.memory_space<vmem>>
        tpu.enqueue_dma source(%dma_start3A_1454 : memref<64x128xf32, #tpu.memory_space<vmem>>) target(%dma_start3A_1450 : memref<64x128xf32, #tpu.memory_space<vmem_shared>>) target_semaphore(%run_scoped3A_1438 : memref<!tpu.dma_semaphore, #tpu.memory_space<semaphore_mem>>)
        %dma_wait3A_1455 = arith.constant 0 : i32
        %dma_wait3A_1456 = arith.constant 0 : i32
        %dma_wait3A_1457 = tpu.memref_slice %arg6[%run_scoped3A_725, %dma_wait3A_1455, %dma_wait3A_1456] : memref<5x128x128xf32, #tpu.memory_space<vmem>> -> memref<1x64x128xf32, #tpu.memory_space<vmem>>
        %dma_wait3A_1458 = tpu.memref_squeeze %dma_wait3A_1457 : memref<1x64x128xf32, #tpu.memory_space<vmem>> -> memref<64x128xf32, #tpu.memory_space<vmem>>
        %dma_wait3A_1459 = arith.constant 0 : i32
        %dma_wait3A_1460 = arith.constant 0 : i32
        %dma_wait3A_1461 = tpu.memref_slice %arg7[%arg1, %run_scoped3A_726, %dma_wait3A_1459, %dma_wait3A_1460] : memref<16x2x64x128xf32, #tpu.memory_space<vmem_shared>> -> memref<1x1x64x128xf32, #tpu.memory_space<vmem_shared>>
        %dma_wait3A_1462 = tpu.memref_squeeze %dma_wait3A_1461 : memref<1x1x64x128xf32, #tpu.memory_space<vmem_shared>> -> memref<64x128xf32, #tpu.memory_space<vmem_shared>>
        %dma_wait3A_1463 = arith.constant 0 : i32
        %dma_wait3A_1464 = arith.constant 0 : i32
        %dma_wait3A_1465 = tpu.memref_slice %arg7[%arg1, %run_scoped3A_726, %dma_wait3A_1463, %dma_wait3A_1464] : memref<16x2x64x128xf32, #tpu.memory_space<vmem_shared>> -> memref<1x1x64x128xf32, #tpu.memory_space<vmem_shared>>
        %dma_wait3A_1466 = tpu.memref_squeeze %dma_wait3A_1465 : memref<1x1x64x128xf32, #tpu.memory_space<vmem_shared>> -> memref<64x128xf32, #tpu.memory_space<vmem_shared>>
        %dma_wait3A_1467 = arith.constant 0 : i32
        %dma_wait3A_1468 = arith.constant 0 : i32
        %dma_wait3A_1469 = tpu.memref_slice %arg6[%run_scoped3A_725, %dma_wait3A_1467, %dma_wait3A_1468] : memref<5x128x128xf32, #tpu.memory_space<vmem>> -> memref<1x64x128xf32, #tpu.memory_space<vmem>>
        %dma_wait3A_1470 = tpu.memref_squeeze %dma_wait3A_1469 : memref<1x64x128xf32, #tpu.memory_space<vmem>> -> memref<64x128xf32, #tpu.memory_space<vmem>>
        tpu.wait_dma2 semaphore(%run_scoped3A_1438 : memref<!tpu.dma_semaphore, #tpu.memory_space<semaphore_mem>>) src(%dma_wait3A_1470 : memref<64x128xf32, #tpu.memory_space<vmem>>) dst(%dma_wait3A_1466 : memref<64x128xf32, #tpu.memory_space<vmem_shared>>)
        tpu.yield
      }) : () -> ()
      %add3A_727 = arith.addi %mul3A_2, %mul3A_10 : i32
      %add3A_728 = arith.constant 9 : i32
      %add3A_729 = arith.addi %add3A_727, %add3A_728 : i32
      %mul3A_730 = arith.constant 128 : i32
      %mul3A_731 = arith.muli %add3A_729, %mul3A_730 : i32
      %add3A_732 = arith.constant 0 : i32
      %add3A_733 = arith.addi %mul3A_731, %add3A_732 : i32
      %dma_start3A_734 = arith.constant 0 : i32
      %dma_start3A_735 = arith.constant 0 : i32
      %dma_start3A_736 = tpu.memref_slice %arg4[%add3A_733, %dma_start3A_735] : memref<819200x128xf32, #tpu.memory_space<hbm>> -> memref<64x128xf32, #tpu.memory_space<hbm>>
      %dma_start3A_737 = arith.constant 0 : i32
      %dma_start3A_738 = arith.constant 0 : i32
      %dma_start3A_739 = tpu.memref_slice %arg7[%arg1, %dma_start3A_734, %dma_start3A_737, %dma_start3A_738] : memref<16x2x64x128xf32, #tpu.memory_space<vmem_shared>> -> memref<1x1x64x128xf32, #tpu.memory_space<vmem_shared>>
      %dma_start3A_740 = tpu.memref_squeeze %dma_start3A_739 : memref<1x1x64x128xf32, #tpu.memory_space<vmem_shared>> -> memref<64x128xf32, #tpu.memory_space<vmem_shared>>
      tpu.enqueue_dma source(%dma_start3A_740 : memref<64x128xf32, #tpu.memory_space<vmem_shared>>) target(%dma_start3A_736 : memref<64x128xf32, #tpu.memory_space<hbm>>) target_semaphore(%arg8 : memref<!tpu.dma_semaphore, #tpu.memory_space<semaphore_mem>>)
      %dma_wait3A_741 = arith.constant 1 : i32
      %dma_wait3A_742 = arith.constant 0 : i32
      %dma_wait3A_743 = tpu.memref_slice %arg4[%add3A_684, %dma_wait3A_742] : memref<819200x128xf32, #tpu.memory_space<hbm>> -> memref<64x128xf32, #tpu.memory_space<hbm>>
      %dma_wait3A_744 = arith.constant 0 : i32
      %dma_wait3A_745 = arith.constant 0 : i32
      %dma_wait3A_746 = tpu.memref_slice %arg7[%arg1, %dma_wait3A_741, %dma_wait3A_744, %dma_wait3A_745] : memref<16x2x64x128xf32, #tpu.memory_space<vmem_shared>> -> memref<1x1x64x128xf32, #tpu.memory_space<vmem_shared>>
      %dma_wait3A_747 = tpu.memref_squeeze %dma_wait3A_746 : memref<1x1x64x128xf32, #tpu.memory_space<vmem_shared>> -> memref<64x128xf32, #tpu.memory_space<vmem_shared>>
      tpu.wait_dma2 semaphore(%arg9 : memref<!tpu.dma_semaphore, #tpu.memory_space<semaphore_mem>>) src(%dma_wait3A_747 : memref<64x128xf32, #tpu.memory_space<vmem_shared>>) dst(%dma_wait3A_743 : memref<64x128xf32, #tpu.memory_space<hbm>>)
      %run_scoped3A_748 = arith.constant 4 : i32
      %run_scoped3A_749 = arith.constant 1 : i32
      "tpu.region"() ({
        %run_scoped3A_1438 = tpu.sem_alloc : memref<!tpu.dma_semaphore, #tpu.memory_space<semaphore_mem>>
        %dma_start3A_1439 = arith.constant 64 : i32
        %dma_start3A_1440 = arith.constant 0 : i32
        %dma_start3A_1441 = tpu.memref_slice %arg6[%run_scoped3A_748, %dma_start3A_1439, %dma_start3A_1440] : memref<5x128x128xf32, #tpu.memory_space<vmem>> -> memref<1x64x128xf32, #tpu.memory_space<vmem>>
        %dma_start3A_1442 = tpu.memref_squeeze %dma_start3A_1441 : memref<1x64x128xf32, #tpu.memory_space<vmem>> -> memref<64x128xf32, #tpu.memory_space<vmem>>
        %dma_start3A_1443 = arith.constant 0 : i32
        %dma_start3A_1444 = arith.constant 0 : i32
        %dma_start3A_1445 = tpu.memref_slice %arg7[%arg1, %run_scoped3A_749, %dma_start3A_1443, %dma_start3A_1444] : memref<16x2x64x128xf32, #tpu.memory_space<vmem_shared>> -> memref<1x1x64x128xf32, #tpu.memory_space<vmem_shared>>
        %dma_start3A_1446 = tpu.memref_squeeze %dma_start3A_1445 : memref<1x1x64x128xf32, #tpu.memory_space<vmem_shared>> -> memref<64x128xf32, #tpu.memory_space<vmem_shared>>
        %dma_start3A_1447 = arith.constant 0 : i32
        %dma_start3A_1448 = arith.constant 0 : i32
        %dma_start3A_1449 = tpu.memref_slice %arg7[%arg1, %run_scoped3A_749, %dma_start3A_1447, %dma_start3A_1448] : memref<16x2x64x128xf32, #tpu.memory_space<vmem_shared>> -> memref<1x1x64x128xf32, #tpu.memory_space<vmem_shared>>
        %dma_start3A_1450 = tpu.memref_squeeze %dma_start3A_1449 : memref<1x1x64x128xf32, #tpu.memory_space<vmem_shared>> -> memref<64x128xf32, #tpu.memory_space<vmem_shared>>
        %dma_start3A_1451 = arith.constant 64 : i32
        %dma_start3A_1452 = arith.constant 0 : i32
        %dma_start3A_1453 = tpu.memref_slice %arg6[%run_scoped3A_748, %dma_start3A_1451, %dma_start3A_1452] : memref<5x128x128xf32, #tpu.memory_space<vmem>> -> memref<1x64x128xf32, #tpu.memory_space<vmem>>
        %dma_start3A_1454 = tpu.memref_squeeze %dma_start3A_1453 : memref<1x64x128xf32, #tpu.memory_space<vmem>> -> memref<64x128xf32, #tpu.memory_space<vmem>>
        tpu.enqueue_dma source(%dma_start3A_1454 : memref<64x128xf32, #tpu.memory_space<vmem>>) target(%dma_start3A_1450 : memref<64x128xf32, #tpu.memory_space<vmem_shared>>) target_semaphore(%run_scoped3A_1438 : memref<!tpu.dma_semaphore, #tpu.memory_space<semaphore_mem>>)
        %dma_wait3A_1455 = arith.constant 64 : i32
        %dma_wait3A_1456 = arith.constant 0 : i32
        %dma_wait3A_1457 = tpu.memref_slice %arg6[%run_scoped3A_748, %dma_wait3A_1455, %dma_wait3A_1456] : memref<5x128x128xf32, #tpu.memory_space<vmem>> -> memref<1x64x128xf32, #tpu.memory_space<vmem>>
        %dma_wait3A_1458 = tpu.memref_squeeze %dma_wait3A_1457 : memref<1x64x128xf32, #tpu.memory_space<vmem>> -> memref<64x128xf32, #tpu.memory_space<vmem>>
        %dma_wait3A_1459 = arith.constant 0 : i32
        %dma_wait3A_1460 = arith.constant 0 : i32
        %dma_wait3A_1461 = tpu.memref_slice %arg7[%arg1, %run_scoped3A_749, %dma_wait3A_1459, %dma_wait3A_1460] : memref<16x2x64x128xf32, #tpu.memory_space<vmem_shared>> -> memref<1x1x64x128xf32, #tpu.memory_space<vmem_shared>>
        %dma_wait3A_1462 = tpu.memref_squeeze %dma_wait3A_1461 : memref<1x1x64x128xf32, #tpu.memory_space<vmem_shared>> -> memref<64x128xf32, #tpu.memory_space<vmem_shared>>
        %dma_wait3A_1463 = arith.constant 0 : i32
        %dma_wait3A_1464 = arith.constant 0 : i32
        %dma_wait3A_1465 = tpu.memref_slice %arg7[%arg1, %run_scoped3A_749, %dma_wait3A_1463, %dma_wait3A_1464] : memref<16x2x64x128xf32, #tpu.memory_space<vmem_shared>> -> memref<1x1x64x128xf32, #tpu.memory_space<vmem_shared>>
        %dma_wait3A_1466 = tpu.memref_squeeze %dma_wait3A_1465 : memref<1x1x64x128xf32, #tpu.memory_space<vmem_shared>> -> memref<64x128xf32, #tpu.memory_space<vmem_shared>>
        %dma_wait3A_1467 = arith.constant 64 : i32
        %dma_wait3A_1468 = arith.constant 0 : i32
        %dma_wait3A_1469 = tpu.memref_slice %arg6[%run_scoped3A_748, %dma_wait3A_1467, %dma_wait3A_1468] : memref<5x128x128xf32, #tpu.memory_space<vmem>> -> memref<1x64x128xf32, #tpu.memory_space<vmem>>
        %dma_wait3A_1470 = tpu.memref_squeeze %dma_wait3A_1469 : memref<1x64x128xf32, #tpu.memory_space<vmem>> -> memref<64x128xf32, #tpu.memory_space<vmem>>
        tpu.wait_dma2 semaphore(%run_scoped3A_1438 : memref<!tpu.dma_semaphore, #tpu.memory_space<semaphore_mem>>) src(%dma_wait3A_1470 : memref<64x128xf32, #tpu.memory_space<vmem>>) dst(%dma_wait3A_1466 : memref<64x128xf32, #tpu.memory_space<vmem_shared>>)
        tpu.yield
      }) : () -> ()
      %add3A_750 = arith.addi %mul3A_2, %mul3A_10 : i32
      %add3A_751 = arith.constant 9 : i32
      %add3A_752 = arith.addi %add3A_750, %add3A_751 : i32
      %mul3A_753 = arith.constant 128 : i32
      %mul3A_754 = arith.muli %add3A_752, %mul3A_753 : i32
      %add3A_755 = arith.constant 64 : i32
      %add3A_756 = arith.addi %mul3A_754, %add3A_755 : i32
      %dma_start3A_757 = arith.constant 1 : i32
      %dma_start3A_758 = arith.constant 0 : i32
      %dma_start3A_759 = tpu.memref_slice %arg4[%add3A_756, %dma_start3A_758] : memref<819200x128xf32, #tpu.memory_space<hbm>> -> memref<64x128xf32, #tpu.memory_space<hbm>>
      %dma_start3A_760 = arith.constant 0 : i32
      %dma_start3A_761 = arith.constant 0 : i32
      %dma_start3A_762 = tpu.memref_slice %arg7[%arg1, %dma_start3A_757, %dma_start3A_760, %dma_start3A_761] : memref<16x2x64x128xf32, #tpu.memory_space<vmem_shared>> -> memref<1x1x64x128xf32, #tpu.memory_space<vmem_shared>>
      %dma_start3A_763 = tpu.memref_squeeze %dma_start3A_762 : memref<1x1x64x128xf32, #tpu.memory_space<vmem_shared>> -> memref<64x128xf32, #tpu.memory_space<vmem_shared>>
      tpu.enqueue_dma source(%dma_start3A_763 : memref<64x128xf32, #tpu.memory_space<vmem_shared>>) target(%dma_start3A_759 : memref<64x128xf32, #tpu.memory_space<hbm>>) target_semaphore(%arg9 : memref<!tpu.dma_semaphore, #tpu.memory_space<semaphore_mem>>)
      %add3A_764 = arith.constant 9 : i32
      %add3A_765 = arith.addi %mul3A_10, %add3A_764 : i32
      %add3A_766 = arith.constant 5 : i32
      %add3A_767 = arith.addi %add3A_765, %add3A_766 : i32
      %dma_start3A_768 = arith.constant 4 : i32
      %dma_start3A_769 = arith.constant 0 : i32
      %dma_start3A_770 = arith.constant 0 : i32
      %dma_start3A_771 = tpu.memref_slice %arg6[%dma_start3A_768, %dma_start3A_769, %dma_start3A_770] : memref<5x128x128xf32, #tpu.memory_space<vmem>> -> memref<1x128x128xf32, #tpu.memory_space<vmem>>
      %dma_start3A_772 = tpu.memref_squeeze %dma_start3A_771 : memref<1x128x128xf32, #tpu.memory_space<vmem>> -> memref<128x128xf32, #tpu.memory_space<vmem>>
      %dma_start3A_773 = arith.constant 0 : i32
      %dma_start3A_774 = tpu.memref_slice %arg5[%add3A_767, %dma_start3A_773] : memref<200x128xi32, #tpu.memory_space<vmem>> -> memref<1x128xi32, #tpu.memory_space<vmem>>
      %dma_start3A_775 = tpu.memref_squeeze %dma_start3A_774 : memref<1x128xi32, #tpu.memory_space<vmem>> -> memref<128xi32, #tpu.memory_space<vmem>>
      %dma_start3A_776 = arith.constant 0 : i32
      %dma_start3A_777 = arith.constant 0 : i32
      %dma_start3A_778 = tpu.memref_slice %arg2[%dma_start3A_776, %dma_start3A_777] : memref<100000x128xf32, #tpu.memory_space<hbm>> -> memref<100000x128xf32, #tpu.memory_space<hbm>>
      tpu.enqueue_indirect_dma source(%dma_start3A_778 : memref<100000x128xf32, #tpu.memory_space<hbm>>) target(%dma_start3A_772 : memref<128x128xf32, #tpu.memory_space<vmem>>) offsets(%dma_start3A_775 : memref<128xi32, #tpu.memory_space<vmem>>) semaphore(%arg14 : memref<!tpu.dma_semaphore, #tpu.memory_space<semaphore_mem>>)
      %dma_wait3A_779 = arith.constant 0 : i32
      %dma_wait3A_780 = arith.constant 0 : i32
      %dma_wait3A_781 = arith.constant 0 : i32
      %dma_wait3A_782 = tpu.memref_slice %arg6[%dma_wait3A_779, %dma_wait3A_780, %dma_wait3A_781] : memref<5x128x128xf32, #tpu.memory_space<vmem>> -> memref<1x128x128xf32, #tpu.memory_space<vmem>>
      %dma_wait3A_783 = tpu.memref_squeeze %dma_wait3A_782 : memref<1x128x128xf32, #tpu.memory_space<vmem>> -> memref<128x128xf32, #tpu.memory_space<vmem>>
      %dma_wait3A_784 = arith.constant 0 : i32
      %dma_wait3A_785 = tpu.memref_slice %arg5[%add3A_479, %dma_wait3A_784] : memref<200x128xi32, #tpu.memory_space<vmem>> -> memref<1x128xi32, #tpu.memory_space<vmem>>
      %dma_wait3A_786 = tpu.memref_squeeze %dma_wait3A_785 : memref<1x128xi32, #tpu.memory_space<vmem>> -> memref<128xi32, #tpu.memory_space<vmem>>
      %dma_wait3A_787 = arith.constant 0 : i32
      %dma_wait3A_788 = arith.constant 0 : i32
      %dma_wait3A_789 = tpu.memref_slice %arg2[%dma_wait3A_787, %dma_wait3A_788] : memref<100000x128xf32, #tpu.memory_space<hbm>> -> memref<100000x128xf32, #tpu.memory_space<hbm>>
      tpu.wait_indirect_dma semaphore(%arg10 : memref<!tpu.dma_semaphore, #tpu.memory_space<semaphore_mem>>) src(%dma_wait3A_789 : memref<100000x128xf32, #tpu.memory_space<hbm>>) dst(%dma_wait3A_783 : memref<128x128xf32, #tpu.memory_space<vmem>>)
      %dma_wait3A_790 = arith.constant 0 : i32
      %dma_wait3A_791 = arith.constant 0 : i32
      %dma_wait3A_792 = tpu.memref_slice %arg4[%add3A_733, %dma_wait3A_791] : memref<819200x128xf32, #tpu.memory_space<hbm>> -> memref<64x128xf32, #tpu.memory_space<hbm>>
      %dma_wait3A_793 = arith.constant 0 : i32
      %dma_wait3A_794 = arith.constant 0 : i32
      %dma_wait3A_795 = tpu.memref_slice %arg7[%arg1, %dma_wait3A_790, %dma_wait3A_793, %dma_wait3A_794] : memref<16x2x64x128xf32, #tpu.memory_space<vmem_shared>> -> memref<1x1x64x128xf32, #tpu.memory_space<vmem_shared>>
      %dma_wait3A_796 = tpu.memref_squeeze %dma_wait3A_795 : memref<1x1x64x128xf32, #tpu.memory_space<vmem_shared>> -> memref<64x128xf32, #tpu.memory_space<vmem_shared>>
      tpu.wait_dma2 semaphore(%arg8 : memref<!tpu.dma_semaphore, #tpu.memory_space<semaphore_mem>>) src(%dma_wait3A_796 : memref<64x128xf32, #tpu.memory_space<vmem_shared>>) dst(%dma_wait3A_792 : memref<64x128xf32, #tpu.memory_space<hbm>>)
      %run_scoped3A_797 = arith.constant 0 : i32
      %run_scoped3A_798 = arith.constant 0 : i32
      "tpu.region"() ({
        %run_scoped3A_1438 = tpu.sem_alloc : memref<!tpu.dma_semaphore, #tpu.memory_space<semaphore_mem>>
        %dma_start3A_1439 = arith.constant 0 : i32
        %dma_start3A_1440 = arith.constant 0 : i32
        %dma_start3A_1441 = tpu.memref_slice %arg6[%run_scoped3A_797, %dma_start3A_1439, %dma_start3A_1440] : memref<5x128x128xf32, #tpu.memory_space<vmem>> -> memref<1x64x128xf32, #tpu.memory_space<vmem>>
        %dma_start3A_1442 = tpu.memref_squeeze %dma_start3A_1441 : memref<1x64x128xf32, #tpu.memory_space<vmem>> -> memref<64x128xf32, #tpu.memory_space<vmem>>
        %dma_start3A_1443 = arith.constant 0 : i32
        %dma_start3A_1444 = arith.constant 0 : i32
        %dma_start3A_1445 = tpu.memref_slice %arg7[%arg1, %run_scoped3A_798, %dma_start3A_1443, %dma_start3A_1444] : memref<16x2x64x128xf32, #tpu.memory_space<vmem_shared>> -> memref<1x1x64x128xf32, #tpu.memory_space<vmem_shared>>
        %dma_start3A_1446 = tpu.memref_squeeze %dma_start3A_1445 : memref<1x1x64x128xf32, #tpu.memory_space<vmem_shared>> -> memref<64x128xf32, #tpu.memory_space<vmem_shared>>
        %dma_start3A_1447 = arith.constant 0 : i32
        %dma_start3A_1448 = arith.constant 0 : i32
        %dma_start3A_1449 = tpu.memref_slice %arg7[%arg1, %run_scoped3A_798, %dma_start3A_1447, %dma_start3A_1448] : memref<16x2x64x128xf32, #tpu.memory_space<vmem_shared>> -> memref<1x1x64x128xf32, #tpu.memory_space<vmem_shared>>
        %dma_start3A_1450 = tpu.memref_squeeze %dma_start3A_1449 : memref<1x1x64x128xf32, #tpu.memory_space<vmem_shared>> -> memref<64x128xf32, #tpu.memory_space<vmem_shared>>
        %dma_start3A_1451 = arith.constant 0 : i32
        %dma_start3A_1452 = arith.constant 0 : i32
        %dma_start3A_1453 = tpu.memref_slice %arg6[%run_scoped3A_797, %dma_start3A_1451, %dma_start3A_1452] : memref<5x128x128xf32, #tpu.memory_space<vmem>> -> memref<1x64x128xf32, #tpu.memory_space<vmem>>
        %dma_start3A_1454 = tpu.memref_squeeze %dma_start3A_1453 : memref<1x64x128xf32, #tpu.memory_space<vmem>> -> memref<64x128xf32, #tpu.memory_space<vmem>>
        tpu.enqueue_dma source(%dma_start3A_1454 : memref<64x128xf32, #tpu.memory_space<vmem>>) target(%dma_start3A_1450 : memref<64x128xf32, #tpu.memory_space<vmem_shared>>) target_semaphore(%run_scoped3A_1438 : memref<!tpu.dma_semaphore, #tpu.memory_space<semaphore_mem>>)
        %dma_wait3A_1455 = arith.constant 0 : i32
        %dma_wait3A_1456 = arith.constant 0 : i32
        %dma_wait3A_1457 = tpu.memref_slice %arg6[%run_scoped3A_797, %dma_wait3A_1455, %dma_wait3A_1456] : memref<5x128x128xf32, #tpu.memory_space<vmem>> -> memref<1x64x128xf32, #tpu.memory_space<vmem>>
        %dma_wait3A_1458 = tpu.memref_squeeze %dma_wait3A_1457 : memref<1x64x128xf32, #tpu.memory_space<vmem>> -> memref<64x128xf32, #tpu.memory_space<vmem>>
        %dma_wait3A_1459 = arith.constant 0 : i32
        %dma_wait3A_1460 = arith.constant 0 : i32
        %dma_wait3A_1461 = tpu.memref_slice %arg7[%arg1, %run_scoped3A_798, %dma_wait3A_1459, %dma_wait3A_1460] : memref<16x2x64x128xf32, #tpu.memory_space<vmem_shared>> -> memref<1x1x64x128xf32, #tpu.memory_space<vmem_shared>>
        %dma_wait3A_1462 = tpu.memref_squeeze %dma_wait3A_1461 : memref<1x1x64x128xf32, #tpu.memory_space<vmem_shared>> -> memref<64x128xf32, #tpu.memory_space<vmem_shared>>
        %dma_wait3A_1463 = arith.constant 0 : i32
        %dma_wait3A_1464 = arith.constant 0 : i32
        %dma_wait3A_1465 = tpu.memref_slice %arg7[%arg1, %run_scoped3A_798, %dma_wait3A_1463, %dma_wait3A_1464] : memref<16x2x64x128xf32, #tpu.memory_space<vmem_shared>> -> memref<1x1x64x128xf32, #tpu.memory_space<vmem_shared>>
        %dma_wait3A_1466 = tpu.memref_squeeze %dma_wait3A_1465 : memref<1x1x64x128xf32, #tpu.memory_space<vmem_shared>> -> memref<64x128xf32, #tpu.memory_space<vmem_shared>>
        %dma_wait3A_1467 = arith.constant 0 : i32
        %dma_wait3A_1468 = arith.constant 0 : i32
        %dma_wait3A_1469 = tpu.memref_slice %arg6[%run_scoped3A_797, %dma_wait3A_1467, %dma_wait3A_1468] : memref<5x128x128xf32, #tpu.memory_space<vmem>> -> memref<1x64x128xf32, #tpu.memory_space<vmem>>
        %dma_wait3A_1470 = tpu.memref_squeeze %dma_wait3A_1469 : memref<1x64x128xf32, #tpu.memory_space<vmem>> -> memref<64x128xf32, #tpu.memory_space<vmem>>
        tpu.wait_dma2 semaphore(%run_scoped3A_1438 : memref<!tpu.dma_semaphore, #tpu.memory_space<semaphore_mem>>) src(%dma_wait3A_1470 : memref<64x128xf32, #tpu.memory_space<vmem>>) dst(%dma_wait3A_1466 : memref<64x128xf32, #tpu.memory_space<vmem_shared>>)
        tpu.yield
      }) : () -> ()
      %add3A_799 = arith.addi %mul3A_2, %mul3A_10 : i32
      %add3A_800 = arith.constant 10 : i32
      %add3A_801 = arith.addi %add3A_799, %add3A_800 : i32
      %mul3A_802 = arith.constant 128 : i32
      %mul3A_803 = arith.muli %add3A_801, %mul3A_802 : i32
      %add3A_804 = arith.constant 0 : i32
      %add3A_805 = arith.addi %mul3A_803, %add3A_804 : i32
      %dma_start3A_806 = arith.constant 0 : i32
      %dma_start3A_807 = arith.constant 0 : i32
      %dma_start3A_808 = tpu.memref_slice %arg4[%add3A_805, %dma_start3A_807] : memref<819200x128xf32, #tpu.memory_space<hbm>> -> memref<64x128xf32, #tpu.memory_space<hbm>>
      %dma_start3A_809 = arith.constant 0 : i32
      %dma_start3A_810 = arith.constant 0 : i32
      %dma_start3A_811 = tpu.memref_slice %arg7[%arg1, %dma_start3A_806, %dma_start3A_809, %dma_start3A_810] : memref<16x2x64x128xf32, #tpu.memory_space<vmem_shared>> -> memref<1x1x64x128xf32, #tpu.memory_space<vmem_shared>>
      %dma_start3A_812 = tpu.memref_squeeze %dma_start3A_811 : memref<1x1x64x128xf32, #tpu.memory_space<vmem_shared>> -> memref<64x128xf32, #tpu.memory_space<vmem_shared>>
      tpu.enqueue_dma source(%dma_start3A_812 : memref<64x128xf32, #tpu.memory_space<vmem_shared>>) target(%dma_start3A_808 : memref<64x128xf32, #tpu.memory_space<hbm>>) target_semaphore(%arg8 : memref<!tpu.dma_semaphore, #tpu.memory_space<semaphore_mem>>)
      %dma_wait3A_813 = arith.constant 1 : i32
      %dma_wait3A_814 = arith.constant 0 : i32
      %dma_wait3A_815 = tpu.memref_slice %arg4[%add3A_756, %dma_wait3A_814] : memref<819200x128xf32, #tpu.memory_space<hbm>> -> memref<64x128xf32, #tpu.memory_space<hbm>>
      %dma_wait3A_816 = arith.constant 0 : i32
      %dma_wait3A_817 = arith.constant 0 : i32
      %dma_wait3A_818 = tpu.memref_slice %arg7[%arg1, %dma_wait3A_813, %dma_wait3A_816, %dma_wait3A_817] : memref<16x2x64x128xf32, #tpu.memory_space<vmem_shared>> -> memref<1x1x64x128xf32, #tpu.memory_space<vmem_shared>>
      %dma_wait3A_819 = tpu.memref_squeeze %dma_wait3A_818 : memref<1x1x64x128xf32, #tpu.memory_space<vmem_shared>> -> memref<64x128xf32, #tpu.memory_space<vmem_shared>>
      tpu.wait_dma2 semaphore(%arg9 : memref<!tpu.dma_semaphore, #tpu.memory_space<semaphore_mem>>) src(%dma_wait3A_819 : memref<64x128xf32, #tpu.memory_space<vmem_shared>>) dst(%dma_wait3A_815 : memref<64x128xf32, #tpu.memory_space<hbm>>)
      %run_scoped3A_820 = arith.constant 0 : i32
      %run_scoped3A_821 = arith.constant 1 : i32
      "tpu.region"() ({
        %run_scoped3A_1438 = tpu.sem_alloc : memref<!tpu.dma_semaphore, #tpu.memory_space<semaphore_mem>>
        %dma_start3A_1439 = arith.constant 64 : i32
        %dma_start3A_1440 = arith.constant 0 : i32
        %dma_start3A_1441 = tpu.memref_slice %arg6[%run_scoped3A_820, %dma_start3A_1439, %dma_start3A_1440] : memref<5x128x128xf32, #tpu.memory_space<vmem>> -> memref<1x64x128xf32, #tpu.memory_space<vmem>>
        %dma_start3A_1442 = tpu.memref_squeeze %dma_start3A_1441 : memref<1x64x128xf32, #tpu.memory_space<vmem>> -> memref<64x128xf32, #tpu.memory_space<vmem>>
        %dma_start3A_1443 = arith.constant 0 : i32
        %dma_start3A_1444 = arith.constant 0 : i32
        %dma_start3A_1445 = tpu.memref_slice %arg7[%arg1, %run_scoped3A_821, %dma_start3A_1443, %dma_start3A_1444] : memref<16x2x64x128xf32, #tpu.memory_space<vmem_shared>> -> memref<1x1x64x128xf32, #tpu.memory_space<vmem_shared>>
        %dma_start3A_1446 = tpu.memref_squeeze %dma_start3A_1445 : memref<1x1x64x128xf32, #tpu.memory_space<vmem_shared>> -> memref<64x128xf32, #tpu.memory_space<vmem_shared>>
        %dma_start3A_1447 = arith.constant 0 : i32
        %dma_start3A_1448 = arith.constant 0 : i32
        %dma_start3A_1449 = tpu.memref_slice %arg7[%arg1, %run_scoped3A_821, %dma_start3A_1447, %dma_start3A_1448] : memref<16x2x64x128xf32, #tpu.memory_space<vmem_shared>> -> memref<1x1x64x128xf32, #tpu.memory_space<vmem_shared>>
        %dma_start3A_1450 = tpu.memref_squeeze %dma_start3A_1449 : memref<1x1x64x128xf32, #tpu.memory_space<vmem_shared>> -> memref<64x128xf32, #tpu.memory_space<vmem_shared>>
        %dma_start3A_1451 = arith.constant 64 : i32
        %dma_start3A_1452 = arith.constant 0 : i32
        %dma_start3A_1453 = tpu.memref_slice %arg6[%run_scoped3A_820, %dma_start3A_1451, %dma_start3A_1452] : memref<5x128x128xf32, #tpu.memory_space<vmem>> -> memref<1x64x128xf32, #tpu.memory_space<vmem>>
        %dma_start3A_1454 = tpu.memref_squeeze %dma_start3A_1453 : memref<1x64x128xf32, #tpu.memory_space<vmem>> -> memref<64x128xf32, #tpu.memory_space<vmem>>
        tpu.enqueue_dma source(%dma_start3A_1454 : memref<64x128xf32, #tpu.memory_space<vmem>>) target(%dma_start3A_1450 : memref<64x128xf32, #tpu.memory_space<vmem_shared>>) target_semaphore(%run_scoped3A_1438 : memref<!tpu.dma_semaphore, #tpu.memory_space<semaphore_mem>>)
        %dma_wait3A_1455 = arith.constant 64 : i32
        %dma_wait3A_1456 = arith.constant 0 : i32
        %dma_wait3A_1457 = tpu.memref_slice %arg6[%run_scoped3A_820, %dma_wait3A_1455, %dma_wait3A_1456] : memref<5x128x128xf32, #tpu.memory_space<vmem>> -> memref<1x64x128xf32, #tpu.memory_space<vmem>>
        %dma_wait3A_1458 = tpu.memref_squeeze %dma_wait3A_1457 : memref<1x64x128xf32, #tpu.memory_space<vmem>> -> memref<64x128xf32, #tpu.memory_space<vmem>>
        %dma_wait3A_1459 = arith.constant 0 : i32
        %dma_wait3A_1460 = arith.constant 0 : i32
        %dma_wait3A_1461 = tpu.memref_slice %arg7[%arg1, %run_scoped3A_821, %dma_wait3A_1459, %dma_wait3A_1460] : memref<16x2x64x128xf32, #tpu.memory_space<vmem_shared>> -> memref<1x1x64x128xf32, #tpu.memory_space<vmem_shared>>
        %dma_wait3A_1462 = tpu.memref_squeeze %dma_wait3A_1461 : memref<1x1x64x128xf32, #tpu.memory_space<vmem_shared>> -> memref<64x128xf32, #tpu.memory_space<vmem_shared>>
        %dma_wait3A_1463 = arith.constant 0 : i32
        %dma_wait3A_1464 = arith.constant 0 : i32
        %dma_wait3A_1465 = tpu.memref_slice %arg7[%arg1, %run_scoped3A_821, %dma_wait3A_1463, %dma_wait3A_1464] : memref<16x2x64x128xf32, #tpu.memory_space<vmem_shared>> -> memref<1x1x64x128xf32, #tpu.memory_space<vmem_shared>>
        %dma_wait3A_1466 = tpu.memref_squeeze %dma_wait3A_1465 : memref<1x1x64x128xf32, #tpu.memory_space<vmem_shared>> -> memref<64x128xf32, #tpu.memory_space<vmem_shared>>
        %dma_wait3A_1467 = arith.constant 64 : i32
        %dma_wait3A_1468 = arith.constant 0 : i32
        %dma_wait3A_1469 = tpu.memref_slice %arg6[%run_scoped3A_820, %dma_wait3A_1467, %dma_wait3A_1468] : memref<5x128x128xf32, #tpu.memory_space<vmem>> -> memref<1x64x128xf32, #tpu.memory_space<vmem>>
        %dma_wait3A_1470 = tpu.memref_squeeze %dma_wait3A_1469 : memref<1x64x128xf32, #tpu.memory_space<vmem>> -> memref<64x128xf32, #tpu.memory_space<vmem>>
        tpu.wait_dma2 semaphore(%run_scoped3A_1438 : memref<!tpu.dma_semaphore, #tpu.memory_space<semaphore_mem>>) src(%dma_wait3A_1470 : memref<64x128xf32, #tpu.memory_space<vmem>>) dst(%dma_wait3A_1466 : memref<64x128xf32, #tpu.memory_space<vmem_shared>>)
        tpu.yield
      }) : () -> ()
      %add3A_822 = arith.addi %mul3A_2, %mul3A_10 : i32
      %add3A_823 = arith.constant 10 : i32
      %add3A_824 = arith.addi %add3A_822, %add3A_823 : i32
      %mul3A_825 = arith.constant 128 : i32
      %mul3A_826 = arith.muli %add3A_824, %mul3A_825 : i32
      %add3A_827 = arith.constant 64 : i32
      %add3A_828 = arith.addi %mul3A_826, %add3A_827 : i32
      %dma_start3A_829 = arith.constant 1 : i32
      %dma_start3A_830 = arith.constant 0 : i32
      %dma_start3A_831 = tpu.memref_slice %arg4[%add3A_828, %dma_start3A_830] : memref<819200x128xf32, #tpu.memory_space<hbm>> -> memref<64x128xf32, #tpu.memory_space<hbm>>
      %dma_start3A_832 = arith.constant 0 : i32
      %dma_start3A_833 = arith.constant 0 : i32
      %dma_start3A_834 = tpu.memref_slice %arg7[%arg1, %dma_start3A_829, %dma_start3A_832, %dma_start3A_833] : memref<16x2x64x128xf32, #tpu.memory_space<vmem_shared>> -> memref<1x1x64x128xf32, #tpu.memory_space<vmem_shared>>
      %dma_start3A_835 = tpu.memref_squeeze %dma_start3A_834 : memref<1x1x64x128xf32, #tpu.memory_space<vmem_shared>> -> memref<64x128xf32, #tpu.memory_space<vmem_shared>>
      tpu.enqueue_dma source(%dma_start3A_835 : memref<64x128xf32, #tpu.memory_space<vmem_shared>>) target(%dma_start3A_831 : memref<64x128xf32, #tpu.memory_space<hbm>>) target_semaphore(%arg9 : memref<!tpu.dma_semaphore, #tpu.memory_space<semaphore_mem>>)
      %add3A_836 = arith.constant 10 : i32
      %add3A_837 = arith.addi %mul3A_10, %add3A_836 : i32
      %add3A_838 = arith.constant 5 : i32
      %add3A_839 = arith.addi %add3A_837, %add3A_838 : i32
      %dma_start3A_840 = arith.constant 0 : i32
      %dma_start3A_841 = arith.constant 0 : i32
      %dma_start3A_842 = arith.constant 0 : i32
      %dma_start3A_843 = tpu.memref_slice %arg6[%dma_start3A_840, %dma_start3A_841, %dma_start3A_842] : memref<5x128x128xf32, #tpu.memory_space<vmem>> -> memref<1x128x128xf32, #tpu.memory_space<vmem>>
      %dma_start3A_844 = tpu.memref_squeeze %dma_start3A_843 : memref<1x128x128xf32, #tpu.memory_space<vmem>> -> memref<128x128xf32, #tpu.memory_space<vmem>>
      %dma_start3A_845 = arith.constant 0 : i32
      %dma_start3A_846 = tpu.memref_slice %arg5[%add3A_839, %dma_start3A_845] : memref<200x128xi32, #tpu.memory_space<vmem>> -> memref<1x128xi32, #tpu.memory_space<vmem>>
      %dma_start3A_847 = tpu.memref_squeeze %dma_start3A_846 : memref<1x128xi32, #tpu.memory_space<vmem>> -> memref<128xi32, #tpu.memory_space<vmem>>
      %dma_start3A_848 = arith.constant 0 : i32
      %dma_start3A_849 = arith.constant 0 : i32
      %dma_start3A_850 = tpu.memref_slice %arg2[%dma_start3A_848, %dma_start3A_849] : memref<100000x128xf32, #tpu.memory_space<hbm>> -> memref<100000x128xf32, #tpu.memory_space<hbm>>
      tpu.enqueue_indirect_dma source(%dma_start3A_850 : memref<100000x128xf32, #tpu.memory_space<hbm>>) target(%dma_start3A_844 : memref<128x128xf32, #tpu.memory_space<vmem>>) offsets(%dma_start3A_847 : memref<128xi32, #tpu.memory_space<vmem>>) semaphore(%arg10 : memref<!tpu.dma_semaphore, #tpu.memory_space<semaphore_mem>>)
      %dma_wait3A_851 = arith.constant 1 : i32
      %dma_wait3A_852 = arith.constant 0 : i32
      %dma_wait3A_853 = arith.constant 0 : i32
      %dma_wait3A_854 = tpu.memref_slice %arg6[%dma_wait3A_851, %dma_wait3A_852, %dma_wait3A_853] : memref<5x128x128xf32, #tpu.memory_space<vmem>> -> memref<1x128x128xf32, #tpu.memory_space<vmem>>
      %dma_wait3A_855 = tpu.memref_squeeze %dma_wait3A_854 : memref<1x128x128xf32, #tpu.memory_space<vmem>> -> memref<128x128xf32, #tpu.memory_space<vmem>>
      %dma_wait3A_856 = arith.constant 0 : i32
      %dma_wait3A_857 = tpu.memref_slice %arg5[%add3A_551, %dma_wait3A_856] : memref<200x128xi32, #tpu.memory_space<vmem>> -> memref<1x128xi32, #tpu.memory_space<vmem>>
      %dma_wait3A_858 = tpu.memref_squeeze %dma_wait3A_857 : memref<1x128xi32, #tpu.memory_space<vmem>> -> memref<128xi32, #tpu.memory_space<vmem>>
      %dma_wait3A_859 = arith.constant 0 : i32
      %dma_wait3A_860 = arith.constant 0 : i32
      %dma_wait3A_861 = tpu.memref_slice %arg2[%dma_wait3A_859, %dma_wait3A_860] : memref<100000x128xf32, #tpu.memory_space<hbm>> -> memref<100000x128xf32, #tpu.memory_space<hbm>>
      tpu.wait_indirect_dma semaphore(%arg11 : memref<!tpu.dma_semaphore, #tpu.memory_space<semaphore_mem>>) src(%dma_wait3A_861 : memref<100000x128xf32, #tpu.memory_space<hbm>>) dst(%dma_wait3A_855 : memref<128x128xf32, #tpu.memory_space<vmem>>)
      %dma_wait3A_862 = arith.constant 0 : i32
      %dma_wait3A_863 = arith.constant 0 : i32
      %dma_wait3A_864 = tpu.memref_slice %arg4[%add3A_805, %dma_wait3A_863] : memref<819200x128xf32, #tpu.memory_space<hbm>> -> memref<64x128xf32, #tpu.memory_space<hbm>>
      %dma_wait3A_865 = arith.constant 0 : i32
      %dma_wait3A_866 = arith.constant 0 : i32
      %dma_wait3A_867 = tpu.memref_slice %arg7[%arg1, %dma_wait3A_862, %dma_wait3A_865, %dma_wait3A_866] : memref<16x2x64x128xf32, #tpu.memory_space<vmem_shared>> -> memref<1x1x64x128xf32, #tpu.memory_space<vmem_shared>>
      %dma_wait3A_868 = tpu.memref_squeeze %dma_wait3A_867 : memref<1x1x64x128xf32, #tpu.memory_space<vmem_shared>> -> memref<64x128xf32, #tpu.memory_space<vmem_shared>>
      tpu.wait_dma2 semaphore(%arg8 : memref<!tpu.dma_semaphore, #tpu.memory_space<semaphore_mem>>) src(%dma_wait3A_868 : memref<64x128xf32, #tpu.memory_space<vmem_shared>>) dst(%dma_wait3A_864 : memref<64x128xf32, #tpu.memory_space<hbm>>)
      %run_scoped3A_869 = arith.constant 1 : i32
      %run_scoped3A_870 = arith.constant 0 : i32
      "tpu.region"() ({
        %run_scoped3A_1438 = tpu.sem_alloc : memref<!tpu.dma_semaphore, #tpu.memory_space<semaphore_mem>>
        %dma_start3A_1439 = arith.constant 0 : i32
        %dma_start3A_1440 = arith.constant 0 : i32
        %dma_start3A_1441 = tpu.memref_slice %arg6[%run_scoped3A_869, %dma_start3A_1439, %dma_start3A_1440] : memref<5x128x128xf32, #tpu.memory_space<vmem>> -> memref<1x64x128xf32, #tpu.memory_space<vmem>>
        %dma_start3A_1442 = tpu.memref_squeeze %dma_start3A_1441 : memref<1x64x128xf32, #tpu.memory_space<vmem>> -> memref<64x128xf32, #tpu.memory_space<vmem>>
        %dma_start3A_1443 = arith.constant 0 : i32
        %dma_start3A_1444 = arith.constant 0 : i32
        %dma_start3A_1445 = tpu.memref_slice %arg7[%arg1, %run_scoped3A_870, %dma_start3A_1443, %dma_start3A_1444] : memref<16x2x64x128xf32, #tpu.memory_space<vmem_shared>> -> memref<1x1x64x128xf32, #tpu.memory_space<vmem_shared>>
        %dma_start3A_1446 = tpu.memref_squeeze %dma_start3A_1445 : memref<1x1x64x128xf32, #tpu.memory_space<vmem_shared>> -> memref<64x128xf32, #tpu.memory_space<vmem_shared>>
        %dma_start3A_1447 = arith.constant 0 : i32
        %dma_start3A_1448 = arith.constant 0 : i32
        %dma_start3A_1449 = tpu.memref_slice %arg7[%arg1, %run_scoped3A_870, %dma_start3A_1447, %dma_start3A_1448] : memref<16x2x64x128xf32, #tpu.memory_space<vmem_shared>> -> memref<1x1x64x128xf32, #tpu.memory_space<vmem_shared>>
        %dma_start3A_1450 = tpu.memref_squeeze %dma_start3A_1449 : memref<1x1x64x128xf32, #tpu.memory_space<vmem_shared>> -> memref<64x128xf32, #tpu.memory_space<vmem_shared>>
        %dma_start3A_1451 = arith.constant 0 : i32
        %dma_start3A_1452 = arith.constant 0 : i32
        %dma_start3A_1453 = tpu.memref_slice %arg6[%run_scoped3A_869, %dma_start3A_1451, %dma_start3A_1452] : memref<5x128x128xf32, #tpu.memory_space<vmem>> -> memref<1x64x128xf32, #tpu.memory_space<vmem>>
        %dma_start3A_1454 = tpu.memref_squeeze %dma_start3A_1453 : memref<1x64x128xf32, #tpu.memory_space<vmem>> -> memref<64x128xf32, #tpu.memory_space<vmem>>
        tpu.enqueue_dma source(%dma_start3A_1454 : memref<64x128xf32, #tpu.memory_space<vmem>>) target(%dma_start3A_1450 : memref<64x128xf32, #tpu.memory_space<vmem_shared>>) target_semaphore(%run_scoped3A_1438 : memref<!tpu.dma_semaphore, #tpu.memory_space<semaphore_mem>>)
        %dma_wait3A_1455 = arith.constant 0 : i32
        %dma_wait3A_1456 = arith.constant 0 : i32
        %dma_wait3A_1457 = tpu.memref_slice %arg6[%run_scoped3A_869, %dma_wait3A_1455, %dma_wait3A_1456] : memref<5x128x128xf32, #tpu.memory_space<vmem>> -> memref<1x64x128xf32, #tpu.memory_space<vmem>>
        %dma_wait3A_1458 = tpu.memref_squeeze %dma_wait3A_1457 : memref<1x64x128xf32, #tpu.memory_space<vmem>> -> memref<64x128xf32, #tpu.memory_space<vmem>>
        %dma_wait3A_1459 = arith.constant 0 : i32
        %dma_wait3A_1460 = arith.constant 0 : i32
        %dma_wait3A_1461 = tpu.memref_slice %arg7[%arg1, %run_scoped3A_870, %dma_wait3A_1459, %dma_wait3A_1460] : memref<16x2x64x128xf32, #tpu.memory_space<vmem_shared>> -> memref<1x1x64x128xf32, #tpu.memory_space<vmem_shared>>
        %dma_wait3A_1462 = tpu.memref_squeeze %dma_wait3A_1461 : memref<1x1x64x128xf32, #tpu.memory_space<vmem_shared>> -> memref<64x128xf32, #tpu.memory_space<vmem_shared>>
        %dma_wait3A_1463 = arith.constant 0 : i32
        %dma_wait3A_1464 = arith.constant 0 : i32
        %dma_wait3A_1465 = tpu.memref_slice %arg7[%arg1, %run_scoped3A_870, %dma_wait3A_1463, %dma_wait3A_1464] : memref<16x2x64x128xf32, #tpu.memory_space<vmem_shared>> -> memref<1x1x64x128xf32, #tpu.memory_space<vmem_shared>>
        %dma_wait3A_1466 = tpu.memref_squeeze %dma_wait3A_1465 : memref<1x1x64x128xf32, #tpu.memory_space<vmem_shared>> -> memref<64x128xf32, #tpu.memory_space<vmem_shared>>
        %dma_wait3A_1467 = arith.constant 0 : i32
        %dma_wait3A_1468 = arith.constant 0 : i32
        %dma_wait3A_1469 = tpu.memref_slice %arg6[%run_scoped3A_869, %dma_wait3A_1467, %dma_wait3A_1468] : memref<5x128x128xf32, #tpu.memory_space<vmem>> -> memref<1x64x128xf32, #tpu.memory_space<vmem>>
        %dma_wait3A_1470 = tpu.memref_squeeze %dma_wait3A_1469 : memref<1x64x128xf32, #tpu.memory_space<vmem>> -> memref<64x128xf32, #tpu.memory_space<vmem>>
        tpu.wait_dma2 semaphore(%run_scoped3A_1438 : memref<!tpu.dma_semaphore, #tpu.memory_space<semaphore_mem>>) src(%dma_wait3A_1470 : memref<64x128xf32, #tpu.memory_space<vmem>>) dst(%dma_wait3A_1466 : memref<64x128xf32, #tpu.memory_space<vmem_shared>>)
        tpu.yield
      }) : () -> ()
      %add3A_871 = arith.addi %mul3A_2, %mul3A_10 : i32
      %add3A_872 = arith.constant 11 : i32
      %add3A_873 = arith.addi %add3A_871, %add3A_872 : i32
      %mul3A_874 = arith.constant 128 : i32
      %mul3A_875 = arith.muli %add3A_873, %mul3A_874 : i32
      %add3A_876 = arith.constant 0 : i32
      %add3A_877 = arith.addi %mul3A_875, %add3A_876 : i32
      %dma_start3A_878 = arith.constant 0 : i32
      %dma_start3A_879 = arith.constant 0 : i32
      %dma_start3A_880 = tpu.memref_slice %arg4[%add3A_877, %dma_start3A_879] : memref<819200x128xf32, #tpu.memory_space<hbm>> -> memref<64x128xf32, #tpu.memory_space<hbm>>
      %dma_start3A_881 = arith.constant 0 : i32
      %dma_start3A_882 = arith.constant 0 : i32
      %dma_start3A_883 = tpu.memref_slice %arg7[%arg1, %dma_start3A_878, %dma_start3A_881, %dma_start3A_882] : memref<16x2x64x128xf32, #tpu.memory_space<vmem_shared>> -> memref<1x1x64x128xf32, #tpu.memory_space<vmem_shared>>
      %dma_start3A_884 = tpu.memref_squeeze %dma_start3A_883 : memref<1x1x64x128xf32, #tpu.memory_space<vmem_shared>> -> memref<64x128xf32, #tpu.memory_space<vmem_shared>>
      tpu.enqueue_dma source(%dma_start3A_884 : memref<64x128xf32, #tpu.memory_space<vmem_shared>>) target(%dma_start3A_880 : memref<64x128xf32, #tpu.memory_space<hbm>>) target_semaphore(%arg8 : memref<!tpu.dma_semaphore, #tpu.memory_space<semaphore_mem>>)
      %dma_wait3A_885 = arith.constant 1 : i32
      %dma_wait3A_886 = arith.constant 0 : i32
      %dma_wait3A_887 = tpu.memref_slice %arg4[%add3A_828, %dma_wait3A_886] : memref<819200x128xf32, #tpu.memory_space<hbm>> -> memref<64x128xf32, #tpu.memory_space<hbm>>
      %dma_wait3A_888 = arith.constant 0 : i32
      %dma_wait3A_889 = arith.constant 0 : i32
      %dma_wait3A_890 = tpu.memref_slice %arg7[%arg1, %dma_wait3A_885, %dma_wait3A_888, %dma_wait3A_889] : memref<16x2x64x128xf32, #tpu.memory_space<vmem_shared>> -> memref<1x1x64x128xf32, #tpu.memory_space<vmem_shared>>
      %dma_wait3A_891 = tpu.memref_squeeze %dma_wait3A_890 : memref<1x1x64x128xf32, #tpu.memory_space<vmem_shared>> -> memref<64x128xf32, #tpu.memory_space<vmem_shared>>
      tpu.wait_dma2 semaphore(%arg9 : memref<!tpu.dma_semaphore, #tpu.memory_space<semaphore_mem>>) src(%dma_wait3A_891 : memref<64x128xf32, #tpu.memory_space<vmem_shared>>) dst(%dma_wait3A_887 : memref<64x128xf32, #tpu.memory_space<hbm>>)
      %run_scoped3A_892 = arith.constant 1 : i32
      %run_scoped3A_893 = arith.constant 1 : i32
      "tpu.region"() ({
        %run_scoped3A_1438 = tpu.sem_alloc : memref<!tpu.dma_semaphore, #tpu.memory_space<semaphore_mem>>
        %dma_start3A_1439 = arith.constant 64 : i32
        %dma_start3A_1440 = arith.constant 0 : i32
        %dma_start3A_1441 = tpu.memref_slice %arg6[%run_scoped3A_892, %dma_start3A_1439, %dma_start3A_1440] : memref<5x128x128xf32, #tpu.memory_space<vmem>> -> memref<1x64x128xf32, #tpu.memory_space<vmem>>
        %dma_start3A_1442 = tpu.memref_squeeze %dma_start3A_1441 : memref<1x64x128xf32, #tpu.memory_space<vmem>> -> memref<64x128xf32, #tpu.memory_space<vmem>>
        %dma_start3A_1443 = arith.constant 0 : i32
        %dma_start3A_1444 = arith.constant 0 : i32
        %dma_start3A_1445 = tpu.memref_slice %arg7[%arg1, %run_scoped3A_893, %dma_start3A_1443, %dma_start3A_1444] : memref<16x2x64x128xf32, #tpu.memory_space<vmem_shared>> -> memref<1x1x64x128xf32, #tpu.memory_space<vmem_shared>>
        %dma_start3A_1446 = tpu.memref_squeeze %dma_start3A_1445 : memref<1x1x64x128xf32, #tpu.memory_space<vmem_shared>> -> memref<64x128xf32, #tpu.memory_space<vmem_shared>>
        %dma_start3A_1447 = arith.constant 0 : i32
        %dma_start3A_1448 = arith.constant 0 : i32
        %dma_start3A_1449 = tpu.memref_slice %arg7[%arg1, %run_scoped3A_893, %dma_start3A_1447, %dma_start3A_1448] : memref<16x2x64x128xf32, #tpu.memory_space<vmem_shared>> -> memref<1x1x64x128xf32, #tpu.memory_space<vmem_shared>>
        %dma_start3A_1450 = tpu.memref_squeeze %dma_start3A_1449 : memref<1x1x64x128xf32, #tpu.memory_space<vmem_shared>> -> memref<64x128xf32, #tpu.memory_space<vmem_shared>>
        %dma_start3A_1451 = arith.constant 64 : i32
        %dma_start3A_1452 = arith.constant 0 : i32
        %dma_start3A_1453 = tpu.memref_slice %arg6[%run_scoped3A_892, %dma_start3A_1451, %dma_start3A_1452] : memref<5x128x128xf32, #tpu.memory_space<vmem>> -> memref<1x64x128xf32, #tpu.memory_space<vmem>>
        %dma_start3A_1454 = tpu.memref_squeeze %dma_start3A_1453 : memref<1x64x128xf32, #tpu.memory_space<vmem>> -> memref<64x128xf32, #tpu.memory_space<vmem>>
        tpu.enqueue_dma source(%dma_start3A_1454 : memref<64x128xf32, #tpu.memory_space<vmem>>) target(%dma_start3A_1450 : memref<64x128xf32, #tpu.memory_space<vmem_shared>>) target_semaphore(%run_scoped3A_1438 : memref<!tpu.dma_semaphore, #tpu.memory_space<semaphore_mem>>)
        %dma_wait3A_1455 = arith.constant 64 : i32
        %dma_wait3A_1456 = arith.constant 0 : i32
        %dma_wait3A_1457 = tpu.memref_slice %arg6[%run_scoped3A_892, %dma_wait3A_1455, %dma_wait3A_1456] : memref<5x128x128xf32, #tpu.memory_space<vmem>> -> memref<1x64x128xf32, #tpu.memory_space<vmem>>
        %dma_wait3A_1458 = tpu.memref_squeeze %dma_wait3A_1457 : memref<1x64x128xf32, #tpu.memory_space<vmem>> -> memref<64x128xf32, #tpu.memory_space<vmem>>
        %dma_wait3A_1459 = arith.constant 0 : i32
        %dma_wait3A_1460 = arith.constant 0 : i32
        %dma_wait3A_1461 = tpu.memref_slice %arg7[%arg1, %run_scoped3A_893, %dma_wait3A_1459, %dma_wait3A_1460] : memref<16x2x64x128xf32, #tpu.memory_space<vmem_shared>> -> memref<1x1x64x128xf32, #tpu.memory_space<vmem_shared>>
        %dma_wait3A_1462 = tpu.memref_squeeze %dma_wait3A_1461 : memref<1x1x64x128xf32, #tpu.memory_space<vmem_shared>> -> memref<64x128xf32, #tpu.memory_space<vmem_shared>>
        %dma_wait3A_1463 = arith.constant 0 : i32
        %dma_wait3A_1464 = arith.constant 0 : i32
        %dma_wait3A_1465 = tpu.memref_slice %arg7[%arg1, %run_scoped3A_893, %dma_wait3A_1463, %dma_wait3A_1464] : memref<16x2x64x128xf32, #tpu.memory_space<vmem_shared>> -> memref<1x1x64x128xf32, #tpu.memory_space<vmem_shared>>
        %dma_wait3A_1466 = tpu.memref_squeeze %dma_wait3A_1465 : memref<1x1x64x128xf32, #tpu.memory_space<vmem_shared>> -> memref<64x128xf32, #tpu.memory_space<vmem_shared>>
        %dma_wait3A_1467 = arith.constant 64 : i32
        %dma_wait3A_1468 = arith.constant 0 : i32
        %dma_wait3A_1469 = tpu.memref_slice %arg6[%run_scoped3A_892, %dma_wait3A_1467, %dma_wait3A_1468] : memref<5x128x128xf32, #tpu.memory_space<vmem>> -> memref<1x64x128xf32, #tpu.memory_space<vmem>>
        %dma_wait3A_1470 = tpu.memref_squeeze %dma_wait3A_1469 : memref<1x64x128xf32, #tpu.memory_space<vmem>> -> memref<64x128xf32, #tpu.memory_space<vmem>>
        tpu.wait_dma2 semaphore(%run_scoped3A_1438 : memref<!tpu.dma_semaphore, #tpu.memory_space<semaphore_mem>>) src(%dma_wait3A_1470 : memref<64x128xf32, #tpu.memory_space<vmem>>) dst(%dma_wait3A_1466 : memref<64x128xf32, #tpu.memory_space<vmem_shared>>)
        tpu.yield
      }) : () -> ()
      %add3A_894 = arith.addi %mul3A_2, %mul3A_10 : i32
      %add3A_895 = arith.constant 11 : i32
      %add3A_896 = arith.addi %add3A_894, %add3A_895 : i32
      %mul3A_897 = arith.constant 128 : i32
      %mul3A_898 = arith.muli %add3A_896, %mul3A_897 : i32
      %add3A_899 = arith.constant 64 : i32
      %add3A_900 = arith.addi %mul3A_898, %add3A_899 : i32
      %dma_start3A_901 = arith.constant 1 : i32
      %dma_start3A_902 = arith.constant 0 : i32
      %dma_start3A_903 = tpu.memref_slice %arg4[%add3A_900, %dma_start3A_902] : memref<819200x128xf32, #tpu.memory_space<hbm>> -> memref<64x128xf32, #tpu.memory_space<hbm>>
      %dma_start3A_904 = arith.constant 0 : i32
      %dma_start3A_905 = arith.constant 0 : i32
      %dma_start3A_906 = tpu.memref_slice %arg7[%arg1, %dma_start3A_901, %dma_start3A_904, %dma_start3A_905] : memref<16x2x64x128xf32, #tpu.memory_space<vmem_shared>> -> memref<1x1x64x128xf32, #tpu.memory_space<vmem_shared>>
      %dma_start3A_907 = tpu.memref_squeeze %dma_start3A_906 : memref<1x1x64x128xf32, #tpu.memory_space<vmem_shared>> -> memref<64x128xf32, #tpu.memory_space<vmem_shared>>
      tpu.enqueue_dma source(%dma_start3A_907 : memref<64x128xf32, #tpu.memory_space<vmem_shared>>) target(%dma_start3A_903 : memref<64x128xf32, #tpu.memory_space<hbm>>) target_semaphore(%arg9 : memref<!tpu.dma_semaphore, #tpu.memory_space<semaphore_mem>>)
      %add3A_908 = arith.constant 11 : i32
      %add3A_909 = arith.addi %mul3A_10, %add3A_908 : i32
      %add3A_910 = arith.constant 5 : i32
      %add3A_911 = arith.addi %add3A_909, %add3A_910 : i32
      %dma_start3A_912 = arith.constant 1 : i32
      %dma_start3A_913 = arith.constant 0 : i32
      %dma_start3A_914 = arith.constant 0 : i32
      %dma_start3A_915 = tpu.memref_slice %arg6[%dma_start3A_912, %dma_start3A_913, %dma_start3A_914] : memref<5x128x128xf32, #tpu.memory_space<vmem>> -> memref<1x128x128xf32, #tpu.memory_space<vmem>>
      %dma_start3A_916 = tpu.memref_squeeze %dma_start3A_915 : memref<1x128x128xf32, #tpu.memory_space<vmem>> -> memref<128x128xf32, #tpu.memory_space<vmem>>
      %dma_start3A_917 = arith.constant 0 : i32
      %dma_start3A_918 = tpu.memref_slice %arg5[%add3A_911, %dma_start3A_917] : memref<200x128xi32, #tpu.memory_space<vmem>> -> memref<1x128xi32, #tpu.memory_space<vmem>>
      %dma_start3A_919 = tpu.memref_squeeze %dma_start3A_918 : memref<1x128xi32, #tpu.memory_space<vmem>> -> memref<128xi32, #tpu.memory_space<vmem>>
      %dma_start3A_920 = arith.constant 0 : i32
      %dma_start3A_921 = arith.constant 0 : i32
      %dma_start3A_922 = tpu.memref_slice %arg2[%dma_start3A_920, %dma_start3A_921] : memref<100000x128xf32, #tpu.memory_space<hbm>> -> memref<100000x128xf32, #tpu.memory_space<hbm>>
      tpu.enqueue_indirect_dma source(%dma_start3A_922 : memref<100000x128xf32, #tpu.memory_space<hbm>>) target(%dma_start3A_916 : memref<128x128xf32, #tpu.memory_space<vmem>>) offsets(%dma_start3A_919 : memref<128xi32, #tpu.memory_space<vmem>>) semaphore(%arg11 : memref<!tpu.dma_semaphore, #tpu.memory_space<semaphore_mem>>)
      %dma_wait3A_923 = arith.constant 2 : i32
      %dma_wait3A_924 = arith.constant 0 : i32
      %dma_wait3A_925 = arith.constant 0 : i32
      %dma_wait3A_926 = tpu.memref_slice %arg6[%dma_wait3A_923, %dma_wait3A_924, %dma_wait3A_925] : memref<5x128x128xf32, #tpu.memory_space<vmem>> -> memref<1x128x128xf32, #tpu.memory_space<vmem>>
      %dma_wait3A_927 = tpu.memref_squeeze %dma_wait3A_926 : memref<1x128x128xf32, #tpu.memory_space<vmem>> -> memref<128x128xf32, #tpu.memory_space<vmem>>
      %dma_wait3A_928 = arith.constant 0 : i32
      %dma_wait3A_929 = tpu.memref_slice %arg5[%add3A_623, %dma_wait3A_928] : memref<200x128xi32, #tpu.memory_space<vmem>> -> memref<1x128xi32, #tpu.memory_space<vmem>>
      %dma_wait3A_930 = tpu.memref_squeeze %dma_wait3A_929 : memref<1x128xi32, #tpu.memory_space<vmem>> -> memref<128xi32, #tpu.memory_space<vmem>>
      %dma_wait3A_931 = arith.constant 0 : i32
      %dma_wait3A_932 = arith.constant 0 : i32
      %dma_wait3A_933 = tpu.memref_slice %arg2[%dma_wait3A_931, %dma_wait3A_932] : memref<100000x128xf32, #tpu.memory_space<hbm>> -> memref<100000x128xf32, #tpu.memory_space<hbm>>
      tpu.wait_indirect_dma semaphore(%arg12 : memref<!tpu.dma_semaphore, #tpu.memory_space<semaphore_mem>>) src(%dma_wait3A_933 : memref<100000x128xf32, #tpu.memory_space<hbm>>) dst(%dma_wait3A_927 : memref<128x128xf32, #tpu.memory_space<vmem>>)
      %dma_wait3A_934 = arith.constant 0 : i32
      %dma_wait3A_935 = arith.constant 0 : i32
      %dma_wait3A_936 = tpu.memref_slice %arg4[%add3A_877, %dma_wait3A_935] : memref<819200x128xf32, #tpu.memory_space<hbm>> -> memref<64x128xf32, #tpu.memory_space<hbm>>
      %dma_wait3A_937 = arith.constant 0 : i32
      %dma_wait3A_938 = arith.constant 0 : i32
      %dma_wait3A_939 = tpu.memref_slice %arg7[%arg1, %dma_wait3A_934, %dma_wait3A_937, %dma_wait3A_938] : memref<16x2x64x128xf32, #tpu.memory_space<vmem_shared>> -> memref<1x1x64x128xf32, #tpu.memory_space<vmem_shared>>
      %dma_wait3A_940 = tpu.memref_squeeze %dma_wait3A_939 : memref<1x1x64x128xf32, #tpu.memory_space<vmem_shared>> -> memref<64x128xf32, #tpu.memory_space<vmem_shared>>
      tpu.wait_dma2 semaphore(%arg8 : memref<!tpu.dma_semaphore, #tpu.memory_space<semaphore_mem>>) src(%dma_wait3A_940 : memref<64x128xf32, #tpu.memory_space<vmem_shared>>) dst(%dma_wait3A_936 : memref<64x128xf32, #tpu.memory_space<hbm>>)
      %run_scoped3A_941 = arith.constant 2 : i32
      %run_scoped3A_942 = arith.constant 0 : i32
      "tpu.region"() ({
        %run_scoped3A_1438 = tpu.sem_alloc : memref<!tpu.dma_semaphore, #tpu.memory_space<semaphore_mem>>
        %dma_start3A_1439 = arith.constant 0 : i32
        %dma_start3A_1440 = arith.constant 0 : i32
        %dma_start3A_1441 = tpu.memref_slice %arg6[%run_scoped3A_941, %dma_start3A_1439, %dma_start3A_1440] : memref<5x128x128xf32, #tpu.memory_space<vmem>> -> memref<1x64x128xf32, #tpu.memory_space<vmem>>
        %dma_start3A_1442 = tpu.memref_squeeze %dma_start3A_1441 : memref<1x64x128xf32, #tpu.memory_space<vmem>> -> memref<64x128xf32, #tpu.memory_space<vmem>>
        %dma_start3A_1443 = arith.constant 0 : i32
        %dma_start3A_1444 = arith.constant 0 : i32
        %dma_start3A_1445 = tpu.memref_slice %arg7[%arg1, %run_scoped3A_942, %dma_start3A_1443, %dma_start3A_1444] : memref<16x2x64x128xf32, #tpu.memory_space<vmem_shared>> -> memref<1x1x64x128xf32, #tpu.memory_space<vmem_shared>>
        %dma_start3A_1446 = tpu.memref_squeeze %dma_start3A_1445 : memref<1x1x64x128xf32, #tpu.memory_space<vmem_shared>> -> memref<64x128xf32, #tpu.memory_space<vmem_shared>>
        %dma_start3A_1447 = arith.constant 0 : i32
        %dma_start3A_1448 = arith.constant 0 : i32
        %dma_start3A_1449 = tpu.memref_slice %arg7[%arg1, %run_scoped3A_942, %dma_start3A_1447, %dma_start3A_1448] : memref<16x2x64x128xf32, #tpu.memory_space<vmem_shared>> -> memref<1x1x64x128xf32, #tpu.memory_space<vmem_shared>>
        %dma_start3A_1450 = tpu.memref_squeeze %dma_start3A_1449 : memref<1x1x64x128xf32, #tpu.memory_space<vmem_shared>> -> memref<64x128xf32, #tpu.memory_space<vmem_shared>>
        %dma_start3A_1451 = arith.constant 0 : i32
        %dma_start3A_1452 = arith.constant 0 : i32
        %dma_start3A_1453 = tpu.memref_slice %arg6[%run_scoped3A_941, %dma_start3A_1451, %dma_start3A_1452] : memref<5x128x128xf32, #tpu.memory_space<vmem>> -> memref<1x64x128xf32, #tpu.memory_space<vmem>>
        %dma_start3A_1454 = tpu.memref_squeeze %dma_start3A_1453 : memref<1x64x128xf32, #tpu.memory_space<vmem>> -> memref<64x128xf32, #tpu.memory_space<vmem>>
        tpu.enqueue_dma source(%dma_start3A_1454 : memref<64x128xf32, #tpu.memory_space<vmem>>) target(%dma_start3A_1450 : memref<64x128xf32, #tpu.memory_space<vmem_shared>>) target_semaphore(%run_scoped3A_1438 : memref<!tpu.dma_semaphore, #tpu.memory_space<semaphore_mem>>)
        %dma_wait3A_1455 = arith.constant 0 : i32
        %dma_wait3A_1456 = arith.constant 0 : i32
        %dma_wait3A_1457 = tpu.memref_slice %arg6[%run_scoped3A_941, %dma_wait3A_1455, %dma_wait3A_1456] : memref<5x128x128xf32, #tpu.memory_space<vmem>> -> memref<1x64x128xf32, #tpu.memory_space<vmem>>
        %dma_wait3A_1458 = tpu.memref_squeeze %dma_wait3A_1457 : memref<1x64x128xf32, #tpu.memory_space<vmem>> -> memref<64x128xf32, #tpu.memory_space<vmem>>
        %dma_wait3A_1459 = arith.constant 0 : i32
        %dma_wait3A_1460 = arith.constant 0 : i32
        %dma_wait3A_1461 = tpu.memref_slice %arg7[%arg1, %run_scoped3A_942, %dma_wait3A_1459, %dma_wait3A_1460] : memref<16x2x64x128xf32, #tpu.memory_space<vmem_shared>> -> memref<1x1x64x128xf32, #tpu.memory_space<vmem_shared>>
        %dma_wait3A_1462 = tpu.memref_squeeze %dma_wait3A_1461 : memref<1x1x64x128xf32, #tpu.memory_space<vmem_shared>> -> memref<64x128xf32, #tpu.memory_space<vmem_shared>>
        %dma_wait3A_1463 = arith.constant 0 : i32
        %dma_wait3A_1464 = arith.constant 0 : i32
        %dma_wait3A_1465 = tpu.memref_slice %arg7[%arg1, %run_scoped3A_942, %dma_wait3A_1463, %dma_wait3A_1464] : memref<16x2x64x128xf32, #tpu.memory_space<vmem_shared>> -> memref<1x1x64x128xf32, #tpu.memory_space<vmem_shared>>
        %dma_wait3A_1466 = tpu.memref_squeeze %dma_wait3A_1465 : memref<1x1x64x128xf32, #tpu.memory_space<vmem_shared>> -> memref<64x128xf32, #tpu.memory_space<vmem_shared>>
        %dma_wait3A_1467 = arith.constant 0 : i32
        %dma_wait3A_1468 = arith.constant 0 : i32
        %dma_wait3A_1469 = tpu.memref_slice %arg6[%run_scoped3A_941, %dma_wait3A_1467, %dma_wait3A_1468] : memref<5x128x128xf32, #tpu.memory_space<vmem>> -> memref<1x64x128xf32, #tpu.memory_space<vmem>>
        %dma_wait3A_1470 = tpu.memref_squeeze %dma_wait3A_1469 : memref<1x64x128xf32, #tpu.memory_space<vmem>> -> memref<64x128xf32, #tpu.memory_space<vmem>>
        tpu.wait_dma2 semaphore(%run_scoped3A_1438 : memref<!tpu.dma_semaphore, #tpu.memory_space<semaphore_mem>>) src(%dma_wait3A_1470 : memref<64x128xf32, #tpu.memory_space<vmem>>) dst(%dma_wait3A_1466 : memref<64x128xf32, #tpu.memory_space<vmem_shared>>)
        tpu.yield
      }) : () -> ()
      %add3A_943 = arith.addi %mul3A_2, %mul3A_10 : i32
      %add3A_944 = arith.constant 12 : i32
      %add3A_945 = arith.addi %add3A_943, %add3A_944 : i32
      %mul3A_946 = arith.constant 128 : i32
      %mul3A_947 = arith.muli %add3A_945, %mul3A_946 : i32
      %add3A_948 = arith.constant 0 : i32
      %add3A_949 = arith.addi %mul3A_947, %add3A_948 : i32
      %dma_start3A_950 = arith.constant 0 : i32
      %dma_start3A_951 = arith.constant 0 : i32
      %dma_start3A_952 = tpu.memref_slice %arg4[%add3A_949, %dma_start3A_951] : memref<819200x128xf32, #tpu.memory_space<hbm>> -> memref<64x128xf32, #tpu.memory_space<hbm>>
      %dma_start3A_953 = arith.constant 0 : i32
      %dma_start3A_954 = arith.constant 0 : i32
      %dma_start3A_955 = tpu.memref_slice %arg7[%arg1, %dma_start3A_950, %dma_start3A_953, %dma_start3A_954] : memref<16x2x64x128xf32, #tpu.memory_space<vmem_shared>> -> memref<1x1x64x128xf32, #tpu.memory_space<vmem_shared>>
      %dma_start3A_956 = tpu.memref_squeeze %dma_start3A_955 : memref<1x1x64x128xf32, #tpu.memory_space<vmem_shared>> -> memref<64x128xf32, #tpu.memory_space<vmem_shared>>
      tpu.enqueue_dma source(%dma_start3A_956 : memref<64x128xf32, #tpu.memory_space<vmem_shared>>) target(%dma_start3A_952 : memref<64x128xf32, #tpu.memory_space<hbm>>) target_semaphore(%arg8 : memref<!tpu.dma_semaphore, #tpu.memory_space<semaphore_mem>>)
      %dma_wait3A_957 = arith.constant 1 : i32
      %dma_wait3A_958 = arith.constant 0 : i32
      %dma_wait3A_959 = tpu.memref_slice %arg4[%add3A_900, %dma_wait3A_958] : memref<819200x128xf32, #tpu.memory_space<hbm>> -> memref<64x128xf32, #tpu.memory_space<hbm>>
      %dma_wait3A_960 = arith.constant 0 : i32
      %dma_wait3A_961 = arith.constant 0 : i32
      %dma_wait3A_962 = tpu.memref_slice %arg7[%arg1, %dma_wait3A_957, %dma_wait3A_960, %dma_wait3A_961] : memref<16x2x64x128xf32, #tpu.memory_space<vmem_shared>> -> memref<1x1x64x128xf32, #tpu.memory_space<vmem_shared>>
      %dma_wait3A_963 = tpu.memref_squeeze %dma_wait3A_962 : memref<1x1x64x128xf32, #tpu.memory_space<vmem_shared>> -> memref<64x128xf32, #tpu.memory_space<vmem_shared>>
      tpu.wait_dma2 semaphore(%arg9 : memref<!tpu.dma_semaphore, #tpu.memory_space<semaphore_mem>>) src(%dma_wait3A_963 : memref<64x128xf32, #tpu.memory_space<vmem_shared>>) dst(%dma_wait3A_959 : memref<64x128xf32, #tpu.memory_space<hbm>>)
      %run_scoped3A_964 = arith.constant 2 : i32
      %run_scoped3A_965 = arith.constant 1 : i32
      "tpu.region"() ({
        %run_scoped3A_1438 = tpu.sem_alloc : memref<!tpu.dma_semaphore, #tpu.memory_space<semaphore_mem>>
        %dma_start3A_1439 = arith.constant 64 : i32
        %dma_start3A_1440 = arith.constant 0 : i32
        %dma_start3A_1441 = tpu.memref_slice %arg6[%run_scoped3A_964, %dma_start3A_1439, %dma_start3A_1440] : memref<5x128x128xf32, #tpu.memory_space<vmem>> -> memref<1x64x128xf32, #tpu.memory_space<vmem>>
        %dma_start3A_1442 = tpu.memref_squeeze %dma_start3A_1441 : memref<1x64x128xf32, #tpu.memory_space<vmem>> -> memref<64x128xf32, #tpu.memory_space<vmem>>
        %dma_start3A_1443 = arith.constant 0 : i32
        %dma_start3A_1444 = arith.constant 0 : i32
        %dma_start3A_1445 = tpu.memref_slice %arg7[%arg1, %run_scoped3A_965, %dma_start3A_1443, %dma_start3A_1444] : memref<16x2x64x128xf32, #tpu.memory_space<vmem_shared>> -> memref<1x1x64x128xf32, #tpu.memory_space<vmem_shared>>
        %dma_start3A_1446 = tpu.memref_squeeze %dma_start3A_1445 : memref<1x1x64x128xf32, #tpu.memory_space<vmem_shared>> -> memref<64x128xf32, #tpu.memory_space<vmem_shared>>
        %dma_start3A_1447 = arith.constant 0 : i32
        %dma_start3A_1448 = arith.constant 0 : i32
        %dma_start3A_1449 = tpu.memref_slice %arg7[%arg1, %run_scoped3A_965, %dma_start3A_1447, %dma_start3A_1448] : memref<16x2x64x128xf32, #tpu.memory_space<vmem_shared>> -> memref<1x1x64x128xf32, #tpu.memory_space<vmem_shared>>
        %dma_start3A_1450 = tpu.memref_squeeze %dma_start3A_1449 : memref<1x1x64x128xf32, #tpu.memory_space<vmem_shared>> -> memref<64x128xf32, #tpu.memory_space<vmem_shared>>
        %dma_start3A_1451 = arith.constant 64 : i32
        %dma_start3A_1452 = arith.constant 0 : i32
        %dma_start3A_1453 = tpu.memref_slice %arg6[%run_scoped3A_964, %dma_start3A_1451, %dma_start3A_1452] : memref<5x128x128xf32, #tpu.memory_space<vmem>> -> memref<1x64x128xf32, #tpu.memory_space<vmem>>
        %dma_start3A_1454 = tpu.memref_squeeze %dma_start3A_1453 : memref<1x64x128xf32, #tpu.memory_space<vmem>> -> memref<64x128xf32, #tpu.memory_space<vmem>>
        tpu.enqueue_dma source(%dma_start3A_1454 : memref<64x128xf32, #tpu.memory_space<vmem>>) target(%dma_start3A_1450 : memref<64x128xf32, #tpu.memory_space<vmem_shared>>) target_semaphore(%run_scoped3A_1438 : memref<!tpu.dma_semaphore, #tpu.memory_space<semaphore_mem>>)
        %dma_wait3A_1455 = arith.constant 64 : i32
        %dma_wait3A_1456 = arith.constant 0 : i32
        %dma_wait3A_1457 = tpu.memref_slice %arg6[%run_scoped3A_964, %dma_wait3A_1455, %dma_wait3A_1456] : memref<5x128x128xf32, #tpu.memory_space<vmem>> -> memref<1x64x128xf32, #tpu.memory_space<vmem>>
        %dma_wait3A_1458 = tpu.memref_squeeze %dma_wait3A_1457 : memref<1x64x128xf32, #tpu.memory_space<vmem>> -> memref<64x128xf32, #tpu.memory_space<vmem>>
        %dma_wait3A_1459 = arith.constant 0 : i32
        %dma_wait3A_1460 = arith.constant 0 : i32
        %dma_wait3A_1461 = tpu.memref_slice %arg7[%arg1, %run_scoped3A_965, %dma_wait3A_1459, %dma_wait3A_1460] : memref<16x2x64x128xf32, #tpu.memory_space<vmem_shared>> -> memref<1x1x64x128xf32, #tpu.memory_space<vmem_shared>>
        %dma_wait3A_1462 = tpu.memref_squeeze %dma_wait3A_1461 : memref<1x1x64x128xf32, #tpu.memory_space<vmem_shared>> -> memref<64x128xf32, #tpu.memory_space<vmem_shared>>
        %dma_wait3A_1463 = arith.constant 0 : i32
        %dma_wait3A_1464 = arith.constant 0 : i32
        %dma_wait3A_1465 = tpu.memref_slice %arg7[%arg1, %run_scoped3A_965, %dma_wait3A_1463, %dma_wait3A_1464] : memref<16x2x64x128xf32, #tpu.memory_space<vmem_shared>> -> memref<1x1x64x128xf32, #tpu.memory_space<vmem_shared>>
        %dma_wait3A_1466 = tpu.memref_squeeze %dma_wait3A_1465 : memref<1x1x64x128xf32, #tpu.memory_space<vmem_shared>> -> memref<64x128xf32, #tpu.memory_space<vmem_shared>>
        %dma_wait3A_1467 = arith.constant 64 : i32
        %dma_wait3A_1468 = arith.constant 0 : i32
        %dma_wait3A_1469 = tpu.memref_slice %arg6[%run_scoped3A_964, %dma_wait3A_1467, %dma_wait3A_1468] : memref<5x128x128xf32, #tpu.memory_space<vmem>> -> memref<1x64x128xf32, #tpu.memory_space<vmem>>
        %dma_wait3A_1470 = tpu.memref_squeeze %dma_wait3A_1469 : memref<1x64x128xf32, #tpu.memory_space<vmem>> -> memref<64x128xf32, #tpu.memory_space<vmem>>
        tpu.wait_dma2 semaphore(%run_scoped3A_1438 : memref<!tpu.dma_semaphore, #tpu.memory_space<semaphore_mem>>) src(%dma_wait3A_1470 : memref<64x128xf32, #tpu.memory_space<vmem>>) dst(%dma_wait3A_1466 : memref<64x128xf32, #tpu.memory_space<vmem_shared>>)
        tpu.yield
      }) : () -> ()
      %add3A_966 = arith.addi %mul3A_2, %mul3A_10 : i32
      %add3A_967 = arith.constant 12 : i32
      %add3A_968 = arith.addi %add3A_966, %add3A_967 : i32
      %mul3A_969 = arith.constant 128 : i32
      %mul3A_970 = arith.muli %add3A_968, %mul3A_969 : i32
      %add3A_971 = arith.constant 64 : i32
      %add3A_972 = arith.addi %mul3A_970, %add3A_971 : i32
      %dma_start3A_973 = arith.constant 1 : i32
      %dma_start3A_974 = arith.constant 0 : i32
      %dma_start3A_975 = tpu.memref_slice %arg4[%add3A_972, %dma_start3A_974] : memref<819200x128xf32, #tpu.memory_space<hbm>> -> memref<64x128xf32, #tpu.memory_space<hbm>>
      %dma_start3A_976 = arith.constant 0 : i32
      %dma_start3A_977 = arith.constant 0 : i32
      %dma_start3A_978 = tpu.memref_slice %arg7[%arg1, %dma_start3A_973, %dma_start3A_976, %dma_start3A_977] : memref<16x2x64x128xf32, #tpu.memory_space<vmem_shared>> -> memref<1x1x64x128xf32, #tpu.memory_space<vmem_shared>>
      %dma_start3A_979 = tpu.memref_squeeze %dma_start3A_978 : memref<1x1x64x128xf32, #tpu.memory_space<vmem_shared>> -> memref<64x128xf32, #tpu.memory_space<vmem_shared>>
      tpu.enqueue_dma source(%dma_start3A_979 : memref<64x128xf32, #tpu.memory_space<vmem_shared>>) target(%dma_start3A_975 : memref<64x128xf32, #tpu.memory_space<hbm>>) target_semaphore(%arg9 : memref<!tpu.dma_semaphore, #tpu.memory_space<semaphore_mem>>)
      %add3A_980 = arith.constant 12 : i32
      %add3A_981 = arith.addi %mul3A_10, %add3A_980 : i32
      %add3A_982 = arith.constant 5 : i32
      %add3A_983 = arith.addi %add3A_981, %add3A_982 : i32
      %dma_start3A_984 = arith.constant 2 : i32
      %dma_start3A_985 = arith.constant 0 : i32
      %dma_start3A_986 = arith.constant 0 : i32
      %dma_start3A_987 = tpu.memref_slice %arg6[%dma_start3A_984, %dma_start3A_985, %dma_start3A_986] : memref<5x128x128xf32, #tpu.memory_space<vmem>> -> memref<1x128x128xf32, #tpu.memory_space<vmem>>
      %dma_start3A_988 = tpu.memref_squeeze %dma_start3A_987 : memref<1x128x128xf32, #tpu.memory_space<vmem>> -> memref<128x128xf32, #tpu.memory_space<vmem>>
      %dma_start3A_989 = arith.constant 0 : i32
      %dma_start3A_990 = tpu.memref_slice %arg5[%add3A_983, %dma_start3A_989] : memref<200x128xi32, #tpu.memory_space<vmem>> -> memref<1x128xi32, #tpu.memory_space<vmem>>
      %dma_start3A_991 = tpu.memref_squeeze %dma_start3A_990 : memref<1x128xi32, #tpu.memory_space<vmem>> -> memref<128xi32, #tpu.memory_space<vmem>>
      %dma_start3A_992 = arith.constant 0 : i32
      %dma_start3A_993 = arith.constant 0 : i32
      %dma_start3A_994 = tpu.memref_slice %arg2[%dma_start3A_992, %dma_start3A_993] : memref<100000x128xf32, #tpu.memory_space<hbm>> -> memref<100000x128xf32, #tpu.memory_space<hbm>>
      tpu.enqueue_indirect_dma source(%dma_start3A_994 : memref<100000x128xf32, #tpu.memory_space<hbm>>) target(%dma_start3A_988 : memref<128x128xf32, #tpu.memory_space<vmem>>) offsets(%dma_start3A_991 : memref<128xi32, #tpu.memory_space<vmem>>) semaphore(%arg12 : memref<!tpu.dma_semaphore, #tpu.memory_space<semaphore_mem>>)
      %dma_wait3A_995 = arith.constant 3 : i32
      %dma_wait3A_996 = arith.constant 0 : i32
      %dma_wait3A_997 = arith.constant 0 : i32
      %dma_wait3A_998 = tpu.memref_slice %arg6[%dma_wait3A_995, %dma_wait3A_996, %dma_wait3A_997] : memref<5x128x128xf32, #tpu.memory_space<vmem>> -> memref<1x128x128xf32, #tpu.memory_space<vmem>>
      %dma_wait3A_999 = tpu.memref_squeeze %dma_wait3A_998 : memref<1x128x128xf32, #tpu.memory_space<vmem>> -> memref<128x128xf32, #tpu.memory_space<vmem>>
      %dma_wait3A_1000 = arith.constant 0 : i32
      %dma_wait3A_1001 = tpu.memref_slice %arg5[%add3A_695, %dma_wait3A_1000] : memref<200x128xi32, #tpu.memory_space<vmem>> -> memref<1x128xi32, #tpu.memory_space<vmem>>
      %dma_wait3A_1002 = tpu.memref_squeeze %dma_wait3A_1001 : memref<1x128xi32, #tpu.memory_space<vmem>> -> memref<128xi32, #tpu.memory_space<vmem>>
      %dma_wait3A_1003 = arith.constant 0 : i32
      %dma_wait3A_1004 = arith.constant 0 : i32
      %dma_wait3A_1005 = tpu.memref_slice %arg2[%dma_wait3A_1003, %dma_wait3A_1004] : memref<100000x128xf32, #tpu.memory_space<hbm>> -> memref<100000x128xf32, #tpu.memory_space<hbm>>
      tpu.wait_indirect_dma semaphore(%arg13 : memref<!tpu.dma_semaphore, #tpu.memory_space<semaphore_mem>>) src(%dma_wait3A_1005 : memref<100000x128xf32, #tpu.memory_space<hbm>>) dst(%dma_wait3A_999 : memref<128x128xf32, #tpu.memory_space<vmem>>)
      %dma_wait3A_1006 = arith.constant 0 : i32
      %dma_wait3A_1007 = arith.constant 0 : i32
      %dma_wait3A_1008 = tpu.memref_slice %arg4[%add3A_949, %dma_wait3A_1007] : memref<819200x128xf32, #tpu.memory_space<hbm>> -> memref<64x128xf32, #tpu.memory_space<hbm>>
      %dma_wait3A_1009 = arith.constant 0 : i32
      %dma_wait3A_1010 = arith.constant 0 : i32
      %dma_wait3A_1011 = tpu.memref_slice %arg7[%arg1, %dma_wait3A_1006, %dma_wait3A_1009, %dma_wait3A_1010] : memref<16x2x64x128xf32, #tpu.memory_space<vmem_shared>> -> memref<1x1x64x128xf32, #tpu.memory_space<vmem_shared>>
      %dma_wait3A_1012 = tpu.memref_squeeze %dma_wait3A_1011 : memref<1x1x64x128xf32, #tpu.memory_space<vmem_shared>> -> memref<64x128xf32, #tpu.memory_space<vmem_shared>>
      tpu.wait_dma2 semaphore(%arg8 : memref<!tpu.dma_semaphore, #tpu.memory_space<semaphore_mem>>) src(%dma_wait3A_1012 : memref<64x128xf32, #tpu.memory_space<vmem_shared>>) dst(%dma_wait3A_1008 : memref<64x128xf32, #tpu.memory_space<hbm>>)
      %run_scoped3A_1013 = arith.constant 3 : i32
      %run_scoped3A_1014 = arith.constant 0 : i32
      "tpu.region"() ({
        %run_scoped3A_1438 = tpu.sem_alloc : memref<!tpu.dma_semaphore, #tpu.memory_space<semaphore_mem>>
        %dma_start3A_1439 = arith.constant 0 : i32
        %dma_start3A_1440 = arith.constant 0 : i32
        %dma_start3A_1441 = tpu.memref_slice %arg6[%run_scoped3A_1013, %dma_start3A_1439, %dma_start3A_1440] : memref<5x128x128xf32, #tpu.memory_space<vmem>> -> memref<1x64x128xf32, #tpu.memory_space<vmem>>
        %dma_start3A_1442 = tpu.memref_squeeze %dma_start3A_1441 : memref<1x64x128xf32, #tpu.memory_space<vmem>> -> memref<64x128xf32, #tpu.memory_space<vmem>>
        %dma_start3A_1443 = arith.constant 0 : i32
        %dma_start3A_1444 = arith.constant 0 : i32
        %dma_start3A_1445 = tpu.memref_slice %arg7[%arg1, %run_scoped3A_1014, %dma_start3A_1443, %dma_start3A_1444] : memref<16x2x64x128xf32, #tpu.memory_space<vmem_shared>> -> memref<1x1x64x128xf32, #tpu.memory_space<vmem_shared>>
        %dma_start3A_1446 = tpu.memref_squeeze %dma_start3A_1445 : memref<1x1x64x128xf32, #tpu.memory_space<vmem_shared>> -> memref<64x128xf32, #tpu.memory_space<vmem_shared>>
        %dma_start3A_1447 = arith.constant 0 : i32
        %dma_start3A_1448 = arith.constant 0 : i32
        %dma_start3A_1449 = tpu.memref_slice %arg7[%arg1, %run_scoped3A_1014, %dma_start3A_1447, %dma_start3A_1448] : memref<16x2x64x128xf32, #tpu.memory_space<vmem_shared>> -> memref<1x1x64x128xf32, #tpu.memory_space<vmem_shared>>
        %dma_start3A_1450 = tpu.memref_squeeze %dma_start3A_1449 : memref<1x1x64x128xf32, #tpu.memory_space<vmem_shared>> -> memref<64x128xf32, #tpu.memory_space<vmem_shared>>
        %dma_start3A_1451 = arith.constant 0 : i32
        %dma_start3A_1452 = arith.constant 0 : i32
        %dma_start3A_1453 = tpu.memref_slice %arg6[%run_scoped3A_1013, %dma_start3A_1451, %dma_start3A_1452] : memref<5x128x128xf32, #tpu.memory_space<vmem>> -> memref<1x64x128xf32, #tpu.memory_space<vmem>>
        %dma_start3A_1454 = tpu.memref_squeeze %dma_start3A_1453 : memref<1x64x128xf32, #tpu.memory_space<vmem>> -> memref<64x128xf32, #tpu.memory_space<vmem>>
        tpu.enqueue_dma source(%dma_start3A_1454 : memref<64x128xf32, #tpu.memory_space<vmem>>) target(%dma_start3A_1450 : memref<64x128xf32, #tpu.memory_space<vmem_shared>>) target_semaphore(%run_scoped3A_1438 : memref<!tpu.dma_semaphore, #tpu.memory_space<semaphore_mem>>)
        %dma_wait3A_1455 = arith.constant 0 : i32
        %dma_wait3A_1456 = arith.constant 0 : i32
        %dma_wait3A_1457 = tpu.memref_slice %arg6[%run_scoped3A_1013, %dma_wait3A_1455, %dma_wait3A_1456] : memref<5x128x128xf32, #tpu.memory_space<vmem>> -> memref<1x64x128xf32, #tpu.memory_space<vmem>>
        %dma_wait3A_1458 = tpu.memref_squeeze %dma_wait3A_1457 : memref<1x64x128xf32, #tpu.memory_space<vmem>> -> memref<64x128xf32, #tpu.memory_space<vmem>>
        %dma_wait3A_1459 = arith.constant 0 : i32
        %dma_wait3A_1460 = arith.constant 0 : i32
        %dma_wait3A_1461 = tpu.memref_slice %arg7[%arg1, %run_scoped3A_1014, %dma_wait3A_1459, %dma_wait3A_1460] : memref<16x2x64x128xf32, #tpu.memory_space<vmem_shared>> -> memref<1x1x64x128xf32, #tpu.memory_space<vmem_shared>>
        %dma_wait3A_1462 = tpu.memref_squeeze %dma_wait3A_1461 : memref<1x1x64x128xf32, #tpu.memory_space<vmem_shared>> -> memref<64x128xf32, #tpu.memory_space<vmem_shared>>
        %dma_wait3A_1463 = arith.constant 0 : i32
        %dma_wait3A_1464 = arith.constant 0 : i32
        %dma_wait3A_1465 = tpu.memref_slice %arg7[%arg1, %run_scoped3A_1014, %dma_wait3A_1463, %dma_wait3A_1464] : memref<16x2x64x128xf32, #tpu.memory_space<vmem_shared>> -> memref<1x1x64x128xf32, #tpu.memory_space<vmem_shared>>
        %dma_wait3A_1466 = tpu.memref_squeeze %dma_wait3A_1465 : memref<1x1x64x128xf32, #tpu.memory_space<vmem_shared>> -> memref<64x128xf32, #tpu.memory_space<vmem_shared>>
        %dma_wait3A_1467 = arith.constant 0 : i32
        %dma_wait3A_1468 = arith.constant 0 : i32
        %dma_wait3A_1469 = tpu.memref_slice %arg6[%run_scoped3A_1013, %dma_wait3A_1467, %dma_wait3A_1468] : memref<5x128x128xf32, #tpu.memory_space<vmem>> -> memref<1x64x128xf32, #tpu.memory_space<vmem>>
        %dma_wait3A_1470 = tpu.memref_squeeze %dma_wait3A_1469 : memref<1x64x128xf32, #tpu.memory_space<vmem>> -> memref<64x128xf32, #tpu.memory_space<vmem>>
        tpu.wait_dma2 semaphore(%run_scoped3A_1438 : memref<!tpu.dma_semaphore, #tpu.memory_space<semaphore_mem>>) src(%dma_wait3A_1470 : memref<64x128xf32, #tpu.memory_space<vmem>>) dst(%dma_wait3A_1466 : memref<64x128xf32, #tpu.memory_space<vmem_shared>>)
        tpu.yield
      }) : () -> ()
      %add3A_1015 = arith.addi %mul3A_2, %mul3A_10 : i32
      %add3A_1016 = arith.constant 13 : i32
      %add3A_1017 = arith.addi %add3A_1015, %add3A_1016 : i32
      %mul3A_1018 = arith.constant 128 : i32
      %mul3A_1019 = arith.muli %add3A_1017, %mul3A_1018 : i32
      %add3A_1020 = arith.constant 0 : i32
      %add3A_1021 = arith.addi %mul3A_1019, %add3A_1020 : i32
      %dma_start3A_1022 = arith.constant 0 : i32
      %dma_start3A_1023 = arith.constant 0 : i32
      %dma_start3A_1024 = tpu.memref_slice %arg4[%add3A_1021, %dma_start3A_1023] : memref<819200x128xf32, #tpu.memory_space<hbm>> -> memref<64x128xf32, #tpu.memory_space<hbm>>
      %dma_start3A_1025 = arith.constant 0 : i32
      %dma_start3A_1026 = arith.constant 0 : i32
      %dma_start3A_1027 = tpu.memref_slice %arg7[%arg1, %dma_start3A_1022, %dma_start3A_1025, %dma_start3A_1026] : memref<16x2x64x128xf32, #tpu.memory_space<vmem_shared>> -> memref<1x1x64x128xf32, #tpu.memory_space<vmem_shared>>
      %dma_start3A_1028 = tpu.memref_squeeze %dma_start3A_1027 : memref<1x1x64x128xf32, #tpu.memory_space<vmem_shared>> -> memref<64x128xf32, #tpu.memory_space<vmem_shared>>
      tpu.enqueue_dma source(%dma_start3A_1028 : memref<64x128xf32, #tpu.memory_space<vmem_shared>>) target(%dma_start3A_1024 : memref<64x128xf32, #tpu.memory_space<hbm>>) target_semaphore(%arg8 : memref<!tpu.dma_semaphore, #tpu.memory_space<semaphore_mem>>)
      %dma_wait3A_1029 = arith.constant 1 : i32
      %dma_wait3A_1030 = arith.constant 0 : i32
      %dma_wait3A_1031 = tpu.memref_slice %arg4[%add3A_972, %dma_wait3A_1030] : memref<819200x128xf32, #tpu.memory_space<hbm>> -> memref<64x128xf32, #tpu.memory_space<hbm>>
      %dma_wait3A_1032 = arith.constant 0 : i32
      %dma_wait3A_1033 = arith.constant 0 : i32
      %dma_wait3A_1034 = tpu.memref_slice %arg7[%arg1, %dma_wait3A_1029, %dma_wait3A_1032, %dma_wait3A_1033] : memref<16x2x64x128xf32, #tpu.memory_space<vmem_shared>> -> memref<1x1x64x128xf32, #tpu.memory_space<vmem_shared>>
      %dma_wait3A_1035 = tpu.memref_squeeze %dma_wait3A_1034 : memref<1x1x64x128xf32, #tpu.memory_space<vmem_shared>> -> memref<64x128xf32, #tpu.memory_space<vmem_shared>>
      tpu.wait_dma2 semaphore(%arg9 : memref<!tpu.dma_semaphore, #tpu.memory_space<semaphore_mem>>) src(%dma_wait3A_1035 : memref<64x128xf32, #tpu.memory_space<vmem_shared>>) dst(%dma_wait3A_1031 : memref<64x128xf32, #tpu.memory_space<hbm>>)
      %run_scoped3A_1036 = arith.constant 3 : i32
      %run_scoped3A_1037 = arith.constant 1 : i32
      "tpu.region"() ({
        %run_scoped3A_1438 = tpu.sem_alloc : memref<!tpu.dma_semaphore, #tpu.memory_space<semaphore_mem>>
        %dma_start3A_1439 = arith.constant 64 : i32
        %dma_start3A_1440 = arith.constant 0 : i32
        %dma_start3A_1441 = tpu.memref_slice %arg6[%run_scoped3A_1036, %dma_start3A_1439, %dma_start3A_1440] : memref<5x128x128xf32, #tpu.memory_space<vmem>> -> memref<1x64x128xf32, #tpu.memory_space<vmem>>
        %dma_start3A_1442 = tpu.memref_squeeze %dma_start3A_1441 : memref<1x64x128xf32, #tpu.memory_space<vmem>> -> memref<64x128xf32, #tpu.memory_space<vmem>>
        %dma_start3A_1443 = arith.constant 0 : i32
        %dma_start3A_1444 = arith.constant 0 : i32
        %dma_start3A_1445 = tpu.memref_slice %arg7[%arg1, %run_scoped3A_1037, %dma_start3A_1443, %dma_start3A_1444] : memref<16x2x64x128xf32, #tpu.memory_space<vmem_shared>> -> memref<1x1x64x128xf32, #tpu.memory_space<vmem_shared>>
        %dma_start3A_1446 = tpu.memref_squeeze %dma_start3A_1445 : memref<1x1x64x128xf32, #tpu.memory_space<vmem_shared>> -> memref<64x128xf32, #tpu.memory_space<vmem_shared>>
        %dma_start3A_1447 = arith.constant 0 : i32
        %dma_start3A_1448 = arith.constant 0 : i32
        %dma_start3A_1449 = tpu.memref_slice %arg7[%arg1, %run_scoped3A_1037, %dma_start3A_1447, %dma_start3A_1448] : memref<16x2x64x128xf32, #tpu.memory_space<vmem_shared>> -> memref<1x1x64x128xf32, #tpu.memory_space<vmem_shared>>
        %dma_start3A_1450 = tpu.memref_squeeze %dma_start3A_1449 : memref<1x1x64x128xf32, #tpu.memory_space<vmem_shared>> -> memref<64x128xf32, #tpu.memory_space<vmem_shared>>
        %dma_start3A_1451 = arith.constant 64 : i32
        %dma_start3A_1452 = arith.constant 0 : i32
        %dma_start3A_1453 = tpu.memref_slice %arg6[%run_scoped3A_1036, %dma_start3A_1451, %dma_start3A_1452] : memref<5x128x128xf32, #tpu.memory_space<vmem>> -> memref<1x64x128xf32, #tpu.memory_space<vmem>>
        %dma_start3A_1454 = tpu.memref_squeeze %dma_start3A_1453 : memref<1x64x128xf32, #tpu.memory_space<vmem>> -> memref<64x128xf32, #tpu.memory_space<vmem>>
        tpu.enqueue_dma source(%dma_start3A_1454 : memref<64x128xf32, #tpu.memory_space<vmem>>) target(%dma_start3A_1450 : memref<64x128xf32, #tpu.memory_space<vmem_shared>>) target_semaphore(%run_scoped3A_1438 : memref<!tpu.dma_semaphore, #tpu.memory_space<semaphore_mem>>)
        %dma_wait3A_1455 = arith.constant 64 : i32
        %dma_wait3A_1456 = arith.constant 0 : i32
        %dma_wait3A_1457 = tpu.memref_slice %arg6[%run_scoped3A_1036, %dma_wait3A_1455, %dma_wait3A_1456] : memref<5x128x128xf32, #tpu.memory_space<vmem>> -> memref<1x64x128xf32, #tpu.memory_space<vmem>>
        %dma_wait3A_1458 = tpu.memref_squeeze %dma_wait3A_1457 : memref<1x64x128xf32, #tpu.memory_space<vmem>> -> memref<64x128xf32, #tpu.memory_space<vmem>>
        %dma_wait3A_1459 = arith.constant 0 : i32
        %dma_wait3A_1460 = arith.constant 0 : i32
        %dma_wait3A_1461 = tpu.memref_slice %arg7[%arg1, %run_scoped3A_1037, %dma_wait3A_1459, %dma_wait3A_1460] : memref<16x2x64x128xf32, #tpu.memory_space<vmem_shared>> -> memref<1x1x64x128xf32, #tpu.memory_space<vmem_shared>>
        %dma_wait3A_1462 = tpu.memref_squeeze %dma_wait3A_1461 : memref<1x1x64x128xf32, #tpu.memory_space<vmem_shared>> -> memref<64x128xf32, #tpu.memory_space<vmem_shared>>
        %dma_wait3A_1463 = arith.constant 0 : i32
        %dma_wait3A_1464 = arith.constant 0 : i32
        %dma_wait3A_1465 = tpu.memref_slice %arg7[%arg1, %run_scoped3A_1037, %dma_wait3A_1463, %dma_wait3A_1464] : memref<16x2x64x128xf32, #tpu.memory_space<vmem_shared>> -> memref<1x1x64x128xf32, #tpu.memory_space<vmem_shared>>
        %dma_wait3A_1466 = tpu.memref_squeeze %dma_wait3A_1465 : memref<1x1x64x128xf32, #tpu.memory_space<vmem_shared>> -> memref<64x128xf32, #tpu.memory_space<vmem_shared>>
        %dma_wait3A_1467 = arith.constant 64 : i32
        %dma_wait3A_1468 = arith.constant 0 : i32
        %dma_wait3A_1469 = tpu.memref_slice %arg6[%run_scoped3A_1036, %dma_wait3A_1467, %dma_wait3A_1468] : memref<5x128x128xf32, #tpu.memory_space<vmem>> -> memref<1x64x128xf32, #tpu.memory_space<vmem>>
        %dma_wait3A_1470 = tpu.memref_squeeze %dma_wait3A_1469 : memref<1x64x128xf32, #tpu.memory_space<vmem>> -> memref<64x128xf32, #tpu.memory_space<vmem>>
        tpu.wait_dma2 semaphore(%run_scoped3A_1438 : memref<!tpu.dma_semaphore, #tpu.memory_space<semaphore_mem>>) src(%dma_wait3A_1470 : memref<64x128xf32, #tpu.memory_space<vmem>>) dst(%dma_wait3A_1466 : memref<64x128xf32, #tpu.memory_space<vmem_shared>>)
        tpu.yield
      }) : () -> ()
      %add3A_1038 = arith.addi %mul3A_2, %mul3A_10 : i32
      %add3A_1039 = arith.constant 13 : i32
      %add3A_1040 = arith.addi %add3A_1038, %add3A_1039 : i32
      %mul3A_1041 = arith.constant 128 : i32
      %mul3A_1042 = arith.muli %add3A_1040, %mul3A_1041 : i32
      %add3A_1043 = arith.constant 64 : i32
      %add3A_1044 = arith.addi %mul3A_1042, %add3A_1043 : i32
      %dma_start3A_1045 = arith.constant 1 : i32
      %dma_start3A_1046 = arith.constant 0 : i32
      %dma_start3A_1047 = tpu.memref_slice %arg4[%add3A_1044, %dma_start3A_1046] : memref<819200x128xf32, #tpu.memory_space<hbm>> -> memref<64x128xf32, #tpu.memory_space<hbm>>
      %dma_start3A_1048 = arith.constant 0 : i32
      %dma_start3A_1049 = arith.constant 0 : i32
      %dma_start3A_1050 = tpu.memref_slice %arg7[%arg1, %dma_start3A_1045, %dma_start3A_1048, %dma_start3A_1049] : memref<16x2x64x128xf32, #tpu.memory_space<vmem_shared>> -> memref<1x1x64x128xf32, #tpu.memory_space<vmem_shared>>
      %dma_start3A_1051 = tpu.memref_squeeze %dma_start3A_1050 : memref<1x1x64x128xf32, #tpu.memory_space<vmem_shared>> -> memref<64x128xf32, #tpu.memory_space<vmem_shared>>
      tpu.enqueue_dma source(%dma_start3A_1051 : memref<64x128xf32, #tpu.memory_space<vmem_shared>>) target(%dma_start3A_1047 : memref<64x128xf32, #tpu.memory_space<hbm>>) target_semaphore(%arg9 : memref<!tpu.dma_semaphore, #tpu.memory_space<semaphore_mem>>)
      %add3A_1052 = arith.constant 13 : i32
      %add3A_1053 = arith.addi %mul3A_10, %add3A_1052 : i32
      %add3A_1054 = arith.constant 5 : i32
      %add3A_1055 = arith.addi %add3A_1053, %add3A_1054 : i32
      %dma_start3A_1056 = arith.constant 3 : i32
      %dma_start3A_1057 = arith.constant 0 : i32
      %dma_start3A_1058 = arith.constant 0 : i32
      %dma_start3A_1059 = tpu.memref_slice %arg6[%dma_start3A_1056, %dma_start3A_1057, %dma_start3A_1058] : memref<5x128x128xf32, #tpu.memory_space<vmem>> -> memref<1x128x128xf32, #tpu.memory_space<vmem>>
      %dma_start3A_1060 = tpu.memref_squeeze %dma_start3A_1059 : memref<1x128x128xf32, #tpu.memory_space<vmem>> -> memref<128x128xf32, #tpu.memory_space<vmem>>
      %dma_start3A_1061 = arith.constant 0 : i32
      %dma_start3A_1062 = tpu.memref_slice %arg5[%add3A_1055, %dma_start3A_1061] : memref<200x128xi32, #tpu.memory_space<vmem>> -> memref<1x128xi32, #tpu.memory_space<vmem>>
      %dma_start3A_1063 = tpu.memref_squeeze %dma_start3A_1062 : memref<1x128xi32, #tpu.memory_space<vmem>> -> memref<128xi32, #tpu.memory_space<vmem>>
      %dma_start3A_1064 = arith.constant 0 : i32
      %dma_start3A_1065 = arith.constant 0 : i32
      %dma_start3A_1066 = tpu.memref_slice %arg2[%dma_start3A_1064, %dma_start3A_1065] : memref<100000x128xf32, #tpu.memory_space<hbm>> -> memref<100000x128xf32, #tpu.memory_space<hbm>>
      tpu.enqueue_indirect_dma source(%dma_start3A_1066 : memref<100000x128xf32, #tpu.memory_space<hbm>>) target(%dma_start3A_1060 : memref<128x128xf32, #tpu.memory_space<vmem>>) offsets(%dma_start3A_1063 : memref<128xi32, #tpu.memory_space<vmem>>) semaphore(%arg13 : memref<!tpu.dma_semaphore, #tpu.memory_space<semaphore_mem>>)
      %dma_wait3A_1067 = arith.constant 4 : i32
      %dma_wait3A_1068 = arith.constant 0 : i32
      %dma_wait3A_1069 = arith.constant 0 : i32
      %dma_wait3A_1070 = tpu.memref_slice %arg6[%dma_wait3A_1067, %dma_wait3A_1068, %dma_wait3A_1069] : memref<5x128x128xf32, #tpu.memory_space<vmem>> -> memref<1x128x128xf32, #tpu.memory_space<vmem>>
      %dma_wait3A_1071 = tpu.memref_squeeze %dma_wait3A_1070 : memref<1x128x128xf32, #tpu.memory_space<vmem>> -> memref<128x128xf32, #tpu.memory_space<vmem>>
      %dma_wait3A_1072 = arith.constant 0 : i32
      %dma_wait3A_1073 = tpu.memref_slice %arg5[%add3A_767, %dma_wait3A_1072] : memref<200x128xi32, #tpu.memory_space<vmem>> -> memref<1x128xi32, #tpu.memory_space<vmem>>
      %dma_wait3A_1074 = tpu.memref_squeeze %dma_wait3A_1073 : memref<1x128xi32, #tpu.memory_space<vmem>> -> memref<128xi32, #tpu.memory_space<vmem>>
      %dma_wait3A_1075 = arith.constant 0 : i32
      %dma_wait3A_1076 = arith.constant 0 : i32
      %dma_wait3A_1077 = tpu.memref_slice %arg2[%dma_wait3A_1075, %dma_wait3A_1076] : memref<100000x128xf32, #tpu.memory_space<hbm>> -> memref<100000x128xf32, #tpu.memory_space<hbm>>
      tpu.wait_indirect_dma semaphore(%arg14 : memref<!tpu.dma_semaphore, #tpu.memory_space<semaphore_mem>>) src(%dma_wait3A_1077 : memref<100000x128xf32, #tpu.memory_space<hbm>>) dst(%dma_wait3A_1071 : memref<128x128xf32, #tpu.memory_space<vmem>>)
      %dma_wait3A_1078 = arith.constant 0 : i32
      %dma_wait3A_1079 = arith.constant 0 : i32
      %dma_wait3A_1080 = tpu.memref_slice %arg4[%add3A_1021, %dma_wait3A_1079] : memref<819200x128xf32, #tpu.memory_space<hbm>> -> memref<64x128xf32, #tpu.memory_space<hbm>>
      %dma_wait3A_1081 = arith.constant 0 : i32
      %dma_wait3A_1082 = arith.constant 0 : i32
      %dma_wait3A_1083 = tpu.memref_slice %arg7[%arg1, %dma_wait3A_1078, %dma_wait3A_1081, %dma_wait3A_1082] : memref<16x2x64x128xf32, #tpu.memory_space<vmem_shared>> -> memref<1x1x64x128xf32, #tpu.memory_space<vmem_shared>>
      %dma_wait3A_1084 = tpu.memref_squeeze %dma_wait3A_1083 : memref<1x1x64x128xf32, #tpu.memory_space<vmem_shared>> -> memref<64x128xf32, #tpu.memory_space<vmem_shared>>
      tpu.wait_dma2 semaphore(%arg8 : memref<!tpu.dma_semaphore, #tpu.memory_space<semaphore_mem>>) src(%dma_wait3A_1084 : memref<64x128xf32, #tpu.memory_space<vmem_shared>>) dst(%dma_wait3A_1080 : memref<64x128xf32, #tpu.memory_space<hbm>>)
      %run_scoped3A_1085 = arith.constant 4 : i32
      %run_scoped3A_1086 = arith.constant 0 : i32
      "tpu.region"() ({
        %run_scoped3A_1438 = tpu.sem_alloc : memref<!tpu.dma_semaphore, #tpu.memory_space<semaphore_mem>>
        %dma_start3A_1439 = arith.constant 0 : i32
        %dma_start3A_1440 = arith.constant 0 : i32
        %dma_start3A_1441 = tpu.memref_slice %arg6[%run_scoped3A_1085, %dma_start3A_1439, %dma_start3A_1440] : memref<5x128x128xf32, #tpu.memory_space<vmem>> -> memref<1x64x128xf32, #tpu.memory_space<vmem>>
        %dma_start3A_1442 = tpu.memref_squeeze %dma_start3A_1441 : memref<1x64x128xf32, #tpu.memory_space<vmem>> -> memref<64x128xf32, #tpu.memory_space<vmem>>
        %dma_start3A_1443 = arith.constant 0 : i32
        %dma_start3A_1444 = arith.constant 0 : i32
        %dma_start3A_1445 = tpu.memref_slice %arg7[%arg1, %run_scoped3A_1086, %dma_start3A_1443, %dma_start3A_1444] : memref<16x2x64x128xf32, #tpu.memory_space<vmem_shared>> -> memref<1x1x64x128xf32, #tpu.memory_space<vmem_shared>>
        %dma_start3A_1446 = tpu.memref_squeeze %dma_start3A_1445 : memref<1x1x64x128xf32, #tpu.memory_space<vmem_shared>> -> memref<64x128xf32, #tpu.memory_space<vmem_shared>>
        %dma_start3A_1447 = arith.constant 0 : i32
        %dma_start3A_1448 = arith.constant 0 : i32
        %dma_start3A_1449 = tpu.memref_slice %arg7[%arg1, %run_scoped3A_1086, %dma_start3A_1447, %dma_start3A_1448] : memref<16x2x64x128xf32, #tpu.memory_space<vmem_shared>> -> memref<1x1x64x128xf32, #tpu.memory_space<vmem_shared>>
        %dma_start3A_1450 = tpu.memref_squeeze %dma_start3A_1449 : memref<1x1x64x128xf32, #tpu.memory_space<vmem_shared>> -> memref<64x128xf32, #tpu.memory_space<vmem_shared>>
        %dma_start3A_1451 = arith.constant 0 : i32
        %dma_start3A_1452 = arith.constant 0 : i32
        %dma_start3A_1453 = tpu.memref_slice %arg6[%run_scoped3A_1085, %dma_start3A_1451, %dma_start3A_1452] : memref<5x128x128xf32, #tpu.memory_space<vmem>> -> memref<1x64x128xf32, #tpu.memory_space<vmem>>
        %dma_start3A_1454 = tpu.memref_squeeze %dma_start3A_1453 : memref<1x64x128xf32, #tpu.memory_space<vmem>> -> memref<64x128xf32, #tpu.memory_space<vmem>>
        tpu.enqueue_dma source(%dma_start3A_1454 : memref<64x128xf32, #tpu.memory_space<vmem>>) target(%dma_start3A_1450 : memref<64x128xf32, #tpu.memory_space<vmem_shared>>) target_semaphore(%run_scoped3A_1438 : memref<!tpu.dma_semaphore, #tpu.memory_space<semaphore_mem>>)
        %dma_wait3A_1455 = arith.constant 0 : i32
        %dma_wait3A_1456 = arith.constant 0 : i32
        %dma_wait3A_1457 = tpu.memref_slice %arg6[%run_scoped3A_1085, %dma_wait3A_1455, %dma_wait3A_1456] : memref<5x128x128xf32, #tpu.memory_space<vmem>> -> memref<1x64x128xf32, #tpu.memory_space<vmem>>
        %dma_wait3A_1458 = tpu.memref_squeeze %dma_wait3A_1457 : memref<1x64x128xf32, #tpu.memory_space<vmem>> -> memref<64x128xf32, #tpu.memory_space<vmem>>
        %dma_wait3A_1459 = arith.constant 0 : i32
        %dma_wait3A_1460 = arith.constant 0 : i32
        %dma_wait3A_1461 = tpu.memref_slice %arg7[%arg1, %run_scoped3A_1086, %dma_wait3A_1459, %dma_wait3A_1460] : memref<16x2x64x128xf32, #tpu.memory_space<vmem_shared>> -> memref<1x1x64x128xf32, #tpu.memory_space<vmem_shared>>
        %dma_wait3A_1462 = tpu.memref_squeeze %dma_wait3A_1461 : memref<1x1x64x128xf32, #tpu.memory_space<vmem_shared>> -> memref<64x128xf32, #tpu.memory_space<vmem_shared>>
        %dma_wait3A_1463 = arith.constant 0 : i32
        %dma_wait3A_1464 = arith.constant 0 : i32
        %dma_wait3A_1465 = tpu.memref_slice %arg7[%arg1, %run_scoped3A_1086, %dma_wait3A_1463, %dma_wait3A_1464] : memref<16x2x64x128xf32, #tpu.memory_space<vmem_shared>> -> memref<1x1x64x128xf32, #tpu.memory_space<vmem_shared>>
        %dma_wait3A_1466 = tpu.memref_squeeze %dma_wait3A_1465 : memref<1x1x64x128xf32, #tpu.memory_space<vmem_shared>> -> memref<64x128xf32, #tpu.memory_space<vmem_shared>>
        %dma_wait3A_1467 = arith.constant 0 : i32
        %dma_wait3A_1468 = arith.constant 0 : i32
        %dma_wait3A_1469 = tpu.memref_slice %arg6[%run_scoped3A_1085, %dma_wait3A_1467, %dma_wait3A_1468] : memref<5x128x128xf32, #tpu.memory_space<vmem>> -> memref<1x64x128xf32, #tpu.memory_space<vmem>>
        %dma_wait3A_1470 = tpu.memref_squeeze %dma_wait3A_1469 : memref<1x64x128xf32, #tpu.memory_space<vmem>> -> memref<64x128xf32, #tpu.memory_space<vmem>>
        tpu.wait_dma2 semaphore(%run_scoped3A_1438 : memref<!tpu.dma_semaphore, #tpu.memory_space<semaphore_mem>>) src(%dma_wait3A_1470 : memref<64x128xf32, #tpu.memory_space<vmem>>) dst(%dma_wait3A_1466 : memref<64x128xf32, #tpu.memory_space<vmem_shared>>)
        tpu.yield
      }) : () -> ()
      %add3A_1087 = arith.addi %mul3A_2, %mul3A_10 : i32
      %add3A_1088 = arith.constant 14 : i32
      %add3A_1089 = arith.addi %add3A_1087, %add3A_1088 : i32
      %mul3A_1090 = arith.constant 128 : i32
      %mul3A_1091 = arith.muli %add3A_1089, %mul3A_1090 : i32
      %add3A_1092 = arith.constant 0 : i32
      %add3A_1093 = arith.addi %mul3A_1091, %add3A_1092 : i32
      %dma_start3A_1094 = arith.constant 0 : i32
      %dma_start3A_1095 = arith.constant 0 : i32
      %dma_start3A_1096 = tpu.memref_slice %arg4[%add3A_1093, %dma_start3A_1095] : memref<819200x128xf32, #tpu.memory_space<hbm>> -> memref<64x128xf32, #tpu.memory_space<hbm>>
      %dma_start3A_1097 = arith.constant 0 : i32
      %dma_start3A_1098 = arith.constant 0 : i32
      %dma_start3A_1099 = tpu.memref_slice %arg7[%arg1, %dma_start3A_1094, %dma_start3A_1097, %dma_start3A_1098] : memref<16x2x64x128xf32, #tpu.memory_space<vmem_shared>> -> memref<1x1x64x128xf32, #tpu.memory_space<vmem_shared>>
      %dma_start3A_1100 = tpu.memref_squeeze %dma_start3A_1099 : memref<1x1x64x128xf32, #tpu.memory_space<vmem_shared>> -> memref<64x128xf32, #tpu.memory_space<vmem_shared>>
      tpu.enqueue_dma source(%dma_start3A_1100 : memref<64x128xf32, #tpu.memory_space<vmem_shared>>) target(%dma_start3A_1096 : memref<64x128xf32, #tpu.memory_space<hbm>>) target_semaphore(%arg8 : memref<!tpu.dma_semaphore, #tpu.memory_space<semaphore_mem>>)
      %dma_wait3A_1101 = arith.constant 1 : i32
      %dma_wait3A_1102 = arith.constant 0 : i32
      %dma_wait3A_1103 = tpu.memref_slice %arg4[%add3A_1044, %dma_wait3A_1102] : memref<819200x128xf32, #tpu.memory_space<hbm>> -> memref<64x128xf32, #tpu.memory_space<hbm>>
      %dma_wait3A_1104 = arith.constant 0 : i32
      %dma_wait3A_1105 = arith.constant 0 : i32
      %dma_wait3A_1106 = tpu.memref_slice %arg7[%arg1, %dma_wait3A_1101, %dma_wait3A_1104, %dma_wait3A_1105] : memref<16x2x64x128xf32, #tpu.memory_space<vmem_shared>> -> memref<1x1x64x128xf32, #tpu.memory_space<vmem_shared>>
      %dma_wait3A_1107 = tpu.memref_squeeze %dma_wait3A_1106 : memref<1x1x64x128xf32, #tpu.memory_space<vmem_shared>> -> memref<64x128xf32, #tpu.memory_space<vmem_shared>>
      tpu.wait_dma2 semaphore(%arg9 : memref<!tpu.dma_semaphore, #tpu.memory_space<semaphore_mem>>) src(%dma_wait3A_1107 : memref<64x128xf32, #tpu.memory_space<vmem_shared>>) dst(%dma_wait3A_1103 : memref<64x128xf32, #tpu.memory_space<hbm>>)
      %run_scoped3A_1108 = arith.constant 4 : i32
      %run_scoped3A_1109 = arith.constant 1 : i32
      "tpu.region"() ({
        %run_scoped3A_1438 = tpu.sem_alloc : memref<!tpu.dma_semaphore, #tpu.memory_space<semaphore_mem>>
        %dma_start3A_1439 = arith.constant 64 : i32
        %dma_start3A_1440 = arith.constant 0 : i32
        %dma_start3A_1441 = tpu.memref_slice %arg6[%run_scoped3A_1108, %dma_start3A_1439, %dma_start3A_1440] : memref<5x128x128xf32, #tpu.memory_space<vmem>> -> memref<1x64x128xf32, #tpu.memory_space<vmem>>
        %dma_start3A_1442 = tpu.memref_squeeze %dma_start3A_1441 : memref<1x64x128xf32, #tpu.memory_space<vmem>> -> memref<64x128xf32, #tpu.memory_space<vmem>>
        %dma_start3A_1443 = arith.constant 0 : i32
        %dma_start3A_1444 = arith.constant 0 : i32
        %dma_start3A_1445 = tpu.memref_slice %arg7[%arg1, %run_scoped3A_1109, %dma_start3A_1443, %dma_start3A_1444] : memref<16x2x64x128xf32, #tpu.memory_space<vmem_shared>> -> memref<1x1x64x128xf32, #tpu.memory_space<vmem_shared>>
        %dma_start3A_1446 = tpu.memref_squeeze %dma_start3A_1445 : memref<1x1x64x128xf32, #tpu.memory_space<vmem_shared>> -> memref<64x128xf32, #tpu.memory_space<vmem_shared>>
        %dma_start3A_1447 = arith.constant 0 : i32
        %dma_start3A_1448 = arith.constant 0 : i32
        %dma_start3A_1449 = tpu.memref_slice %arg7[%arg1, %run_scoped3A_1109, %dma_start3A_1447, %dma_start3A_1448] : memref<16x2x64x128xf32, #tpu.memory_space<vmem_shared>> -> memref<1x1x64x128xf32, #tpu.memory_space<vmem_shared>>
        %dma_start3A_1450 = tpu.memref_squeeze %dma_start3A_1449 : memref<1x1x64x128xf32, #tpu.memory_space<vmem_shared>> -> memref<64x128xf32, #tpu.memory_space<vmem_shared>>
        %dma_start3A_1451 = arith.constant 64 : i32
        %dma_start3A_1452 = arith.constant 0 : i32
        %dma_start3A_1453 = tpu.memref_slice %arg6[%run_scoped3A_1108, %dma_start3A_1451, %dma_start3A_1452] : memref<5x128x128xf32, #tpu.memory_space<vmem>> -> memref<1x64x128xf32, #tpu.memory_space<vmem>>
        %dma_start3A_1454 = tpu.memref_squeeze %dma_start3A_1453 : memref<1x64x128xf32, #tpu.memory_space<vmem>> -> memref<64x128xf32, #tpu.memory_space<vmem>>
        tpu.enqueue_dma source(%dma_start3A_1454 : memref<64x128xf32, #tpu.memory_space<vmem>>) target(%dma_start3A_1450 : memref<64x128xf32, #tpu.memory_space<vmem_shared>>) target_semaphore(%run_scoped3A_1438 : memref<!tpu.dma_semaphore, #tpu.memory_space<semaphore_mem>>)
        %dma_wait3A_1455 = arith.constant 64 : i32
        %dma_wait3A_1456 = arith.constant 0 : i32
        %dma_wait3A_1457 = tpu.memref_slice %arg6[%run_scoped3A_1108, %dma_wait3A_1455, %dma_wait3A_1456] : memref<5x128x128xf32, #tpu.memory_space<vmem>> -> memref<1x64x128xf32, #tpu.memory_space<vmem>>
        %dma_wait3A_1458 = tpu.memref_squeeze %dma_wait3A_1457 : memref<1x64x128xf32, #tpu.memory_space<vmem>> -> memref<64x128xf32, #tpu.memory_space<vmem>>
        %dma_wait3A_1459 = arith.constant 0 : i32
        %dma_wait3A_1460 = arith.constant 0 : i32
        %dma_wait3A_1461 = tpu.memref_slice %arg7[%arg1, %run_scoped3A_1109, %dma_wait3A_1459, %dma_wait3A_1460] : memref<16x2x64x128xf32, #tpu.memory_space<vmem_shared>> -> memref<1x1x64x128xf32, #tpu.memory_space<vmem_shared>>
        %dma_wait3A_1462 = tpu.memref_squeeze %dma_wait3A_1461 : memref<1x1x64x128xf32, #tpu.memory_space<vmem_shared>> -> memref<64x128xf32, #tpu.memory_space<vmem_shared>>
        %dma_wait3A_1463 = arith.constant 0 : i32
        %dma_wait3A_1464 = arith.constant 0 : i32
        %dma_wait3A_1465 = tpu.memref_slice %arg7[%arg1, %run_scoped3A_1109, %dma_wait3A_1463, %dma_wait3A_1464] : memref<16x2x64x128xf32, #tpu.memory_space<vmem_shared>> -> memref<1x1x64x128xf32, #tpu.memory_space<vmem_shared>>
        %dma_wait3A_1466 = tpu.memref_squeeze %dma_wait3A_1465 : memref<1x1x64x128xf32, #tpu.memory_space<vmem_shared>> -> memref<64x128xf32, #tpu.memory_space<vmem_shared>>
        %dma_wait3A_1467 = arith.constant 64 : i32
        %dma_wait3A_1468 = arith.constant 0 : i32
        %dma_wait3A_1469 = tpu.memref_slice %arg6[%run_scoped3A_1108, %dma_wait3A_1467, %dma_wait3A_1468] : memref<5x128x128xf32, #tpu.memory_space<vmem>> -> memref<1x64x128xf32, #tpu.memory_space<vmem>>
        %dma_wait3A_1470 = tpu.memref_squeeze %dma_wait3A_1469 : memref<1x64x128xf32, #tpu.memory_space<vmem>> -> memref<64x128xf32, #tpu.memory_space<vmem>>
        tpu.wait_dma2 semaphore(%run_scoped3A_1438 : memref<!tpu.dma_semaphore, #tpu.memory_space<semaphore_mem>>) src(%dma_wait3A_1470 : memref<64x128xf32, #tpu.memory_space<vmem>>) dst(%dma_wait3A_1466 : memref<64x128xf32, #tpu.memory_space<vmem_shared>>)
        tpu.yield
      }) : () -> ()
      %add3A_1110 = arith.addi %mul3A_2, %mul3A_10 : i32
      %add3A_1111 = arith.constant 14 : i32
      %add3A_1112 = arith.addi %add3A_1110, %add3A_1111 : i32
      %mul3A_1113 = arith.constant 128 : i32
      %mul3A_1114 = arith.muli %add3A_1112, %mul3A_1113 : i32
      %add3A_1115 = arith.constant 64 : i32
      %add3A_1116 = arith.addi %mul3A_1114, %add3A_1115 : i32
      %dma_start3A_1117 = arith.constant 1 : i32
      %dma_start3A_1118 = arith.constant 0 : i32
      %dma_start3A_1119 = tpu.memref_slice %arg4[%add3A_1116, %dma_start3A_1118] : memref<819200x128xf32, #tpu.memory_space<hbm>> -> memref<64x128xf32, #tpu.memory_space<hbm>>
      %dma_start3A_1120 = arith.constant 0 : i32
      %dma_start3A_1121 = arith.constant 0 : i32
      %dma_start3A_1122 = tpu.memref_slice %arg7[%arg1, %dma_start3A_1117, %dma_start3A_1120, %dma_start3A_1121] : memref<16x2x64x128xf32, #tpu.memory_space<vmem_shared>> -> memref<1x1x64x128xf32, #tpu.memory_space<vmem_shared>>
      %dma_start3A_1123 = tpu.memref_squeeze %dma_start3A_1122 : memref<1x1x64x128xf32, #tpu.memory_space<vmem_shared>> -> memref<64x128xf32, #tpu.memory_space<vmem_shared>>
      tpu.enqueue_dma source(%dma_start3A_1123 : memref<64x128xf32, #tpu.memory_space<vmem_shared>>) target(%dma_start3A_1119 : memref<64x128xf32, #tpu.memory_space<hbm>>) target_semaphore(%arg9 : memref<!tpu.dma_semaphore, #tpu.memory_space<semaphore_mem>>)
      %add3A_1124 = arith.constant 14 : i32
      %add3A_1125 = arith.addi %mul3A_10, %add3A_1124 : i32
      %add3A_1126 = arith.constant 5 : i32
      %add3A_1127 = arith.addi %add3A_1125, %add3A_1126 : i32
      %dma_start3A_1128 = arith.constant 4 : i32
      %dma_start3A_1129 = arith.constant 0 : i32
      %dma_start3A_1130 = arith.constant 0 : i32
      %dma_start3A_1131 = tpu.memref_slice %arg6[%dma_start3A_1128, %dma_start3A_1129, %dma_start3A_1130] : memref<5x128x128xf32, #tpu.memory_space<vmem>> -> memref<1x128x128xf32, #tpu.memory_space<vmem>>
      %dma_start3A_1132 = tpu.memref_squeeze %dma_start3A_1131 : memref<1x128x128xf32, #tpu.memory_space<vmem>> -> memref<128x128xf32, #tpu.memory_space<vmem>>
      %dma_start3A_1133 = arith.constant 0 : i32
      %dma_start3A_1134 = tpu.memref_slice %arg5[%add3A_1127, %dma_start3A_1133] : memref<200x128xi32, #tpu.memory_space<vmem>> -> memref<1x128xi32, #tpu.memory_space<vmem>>
      %dma_start3A_1135 = tpu.memref_squeeze %dma_start3A_1134 : memref<1x128xi32, #tpu.memory_space<vmem>> -> memref<128xi32, #tpu.memory_space<vmem>>
      %dma_start3A_1136 = arith.constant 0 : i32
      %dma_start3A_1137 = arith.constant 0 : i32
      %dma_start3A_1138 = tpu.memref_slice %arg2[%dma_start3A_1136, %dma_start3A_1137] : memref<100000x128xf32, #tpu.memory_space<hbm>> -> memref<100000x128xf32, #tpu.memory_space<hbm>>
      tpu.enqueue_indirect_dma source(%dma_start3A_1138 : memref<100000x128xf32, #tpu.memory_space<hbm>>) target(%dma_start3A_1132 : memref<128x128xf32, #tpu.memory_space<vmem>>) offsets(%dma_start3A_1135 : memref<128xi32, #tpu.memory_space<vmem>>) semaphore(%arg14 : memref<!tpu.dma_semaphore, #tpu.memory_space<semaphore_mem>>)
      %dma_wait3A_1139 = arith.constant 0 : i32
      %dma_wait3A_1140 = arith.constant 0 : i32
      %dma_wait3A_1141 = arith.constant 0 : i32
      %dma_wait3A_1142 = tpu.memref_slice %arg6[%dma_wait3A_1139, %dma_wait3A_1140, %dma_wait3A_1141] : memref<5x128x128xf32, #tpu.memory_space<vmem>> -> memref<1x128x128xf32, #tpu.memory_space<vmem>>
      %dma_wait3A_1143 = tpu.memref_squeeze %dma_wait3A_1142 : memref<1x128x128xf32, #tpu.memory_space<vmem>> -> memref<128x128xf32, #tpu.memory_space<vmem>>
      %dma_wait3A_1144 = arith.constant 0 : i32
      %dma_wait3A_1145 = tpu.memref_slice %arg5[%add3A_839, %dma_wait3A_1144] : memref<200x128xi32, #tpu.memory_space<vmem>> -> memref<1x128xi32, #tpu.memory_space<vmem>>
      %dma_wait3A_1146 = tpu.memref_squeeze %dma_wait3A_1145 : memref<1x128xi32, #tpu.memory_space<vmem>> -> memref<128xi32, #tpu.memory_space<vmem>>
      %dma_wait3A_1147 = arith.constant 0 : i32
      %dma_wait3A_1148 = arith.constant 0 : i32
      %dma_wait3A_1149 = tpu.memref_slice %arg2[%dma_wait3A_1147, %dma_wait3A_1148] : memref<100000x128xf32, #tpu.memory_space<hbm>> -> memref<100000x128xf32, #tpu.memory_space<hbm>>
      tpu.wait_indirect_dma semaphore(%arg10 : memref<!tpu.dma_semaphore, #tpu.memory_space<semaphore_mem>>) src(%dma_wait3A_1149 : memref<100000x128xf32, #tpu.memory_space<hbm>>) dst(%dma_wait3A_1143 : memref<128x128xf32, #tpu.memory_space<vmem>>)
      %dma_wait3A_1150 = arith.constant 0 : i32
      %dma_wait3A_1151 = arith.constant 0 : i32
      %dma_wait3A_1152 = tpu.memref_slice %arg4[%add3A_1093, %dma_wait3A_1151] : memref<819200x128xf32, #tpu.memory_space<hbm>> -> memref<64x128xf32, #tpu.memory_space<hbm>>
      %dma_wait3A_1153 = arith.constant 0 : i32
      %dma_wait3A_1154 = arith.constant 0 : i32
      %dma_wait3A_1155 = tpu.memref_slice %arg7[%arg1, %dma_wait3A_1150, %dma_wait3A_1153, %dma_wait3A_1154] : memref<16x2x64x128xf32, #tpu.memory_space<vmem_shared>> -> memref<1x1x64x128xf32, #tpu.memory_space<vmem_shared>>
      %dma_wait3A_1156 = tpu.memref_squeeze %dma_wait3A_1155 : memref<1x1x64x128xf32, #tpu.memory_space<vmem_shared>> -> memref<64x128xf32, #tpu.memory_space<vmem_shared>>
      tpu.wait_dma2 semaphore(%arg8 : memref<!tpu.dma_semaphore, #tpu.memory_space<semaphore_mem>>) src(%dma_wait3A_1156 : memref<64x128xf32, #tpu.memory_space<vmem_shared>>) dst(%dma_wait3A_1152 : memref<64x128xf32, #tpu.memory_space<hbm>>)
      %run_scoped3A_1157 = arith.constant 0 : i32
      %run_scoped3A_1158 = arith.constant 0 : i32
      "tpu.region"() ({
        %run_scoped3A_1438 = tpu.sem_alloc : memref<!tpu.dma_semaphore, #tpu.memory_space<semaphore_mem>>
        %dma_start3A_1439 = arith.constant 0 : i32
        %dma_start3A_1440 = arith.constant 0 : i32
        %dma_start3A_1441 = tpu.memref_slice %arg6[%run_scoped3A_1157, %dma_start3A_1439, %dma_start3A_1440] : memref<5x128x128xf32, #tpu.memory_space<vmem>> -> memref<1x64x128xf32, #tpu.memory_space<vmem>>
        %dma_start3A_1442 = tpu.memref_squeeze %dma_start3A_1441 : memref<1x64x128xf32, #tpu.memory_space<vmem>> -> memref<64x128xf32, #tpu.memory_space<vmem>>
        %dma_start3A_1443 = arith.constant 0 : i32
        %dma_start3A_1444 = arith.constant 0 : i32
        %dma_start3A_1445 = tpu.memref_slice %arg7[%arg1, %run_scoped3A_1158, %dma_start3A_1443, %dma_start3A_1444] : memref<16x2x64x128xf32, #tpu.memory_space<vmem_shared>> -> memref<1x1x64x128xf32, #tpu.memory_space<vmem_shared>>
        %dma_start3A_1446 = tpu.memref_squeeze %dma_start3A_1445 : memref<1x1x64x128xf32, #tpu.memory_space<vmem_shared>> -> memref<64x128xf32, #tpu.memory_space<vmem_shared>>
        %dma_start3A_1447 = arith.constant 0 : i32
        %dma_start3A_1448 = arith.constant 0 : i32
        %dma_start3A_1449 = tpu.memref_slice %arg7[%arg1, %run_scoped3A_1158, %dma_start3A_1447, %dma_start3A_1448] : memref<16x2x64x128xf32, #tpu.memory_space<vmem_shared>> -> memref<1x1x64x128xf32, #tpu.memory_space<vmem_shared>>
        %dma_start3A_1450 = tpu.memref_squeeze %dma_start3A_1449 : memref<1x1x64x128xf32, #tpu.memory_space<vmem_shared>> -> memref<64x128xf32, #tpu.memory_space<vmem_shared>>
        %dma_start3A_1451 = arith.constant 0 : i32
        %dma_start3A_1452 = arith.constant 0 : i32
        %dma_start3A_1453 = tpu.memref_slice %arg6[%run_scoped3A_1157, %dma_start3A_1451, %dma_start3A_1452] : memref<5x128x128xf32, #tpu.memory_space<vmem>> -> memref<1x64x128xf32, #tpu.memory_space<vmem>>
        %dma_start3A_1454 = tpu.memref_squeeze %dma_start3A_1453 : memref<1x64x128xf32, #tpu.memory_space<vmem>> -> memref<64x128xf32, #tpu.memory_space<vmem>>
        tpu.enqueue_dma source(%dma_start3A_1454 : memref<64x128xf32, #tpu.memory_space<vmem>>) target(%dma_start3A_1450 : memref<64x128xf32, #tpu.memory_space<vmem_shared>>) target_semaphore(%run_scoped3A_1438 : memref<!tpu.dma_semaphore, #tpu.memory_space<semaphore_mem>>)
        %dma_wait3A_1455 = arith.constant 0 : i32
        %dma_wait3A_1456 = arith.constant 0 : i32
        %dma_wait3A_1457 = tpu.memref_slice %arg6[%run_scoped3A_1157, %dma_wait3A_1455, %dma_wait3A_1456] : memref<5x128x128xf32, #tpu.memory_space<vmem>> -> memref<1x64x128xf32, #tpu.memory_space<vmem>>
        %dma_wait3A_1458 = tpu.memref_squeeze %dma_wait3A_1457 : memref<1x64x128xf32, #tpu.memory_space<vmem>> -> memref<64x128xf32, #tpu.memory_space<vmem>>
        %dma_wait3A_1459 = arith.constant 0 : i32
        %dma_wait3A_1460 = arith.constant 0 : i32
        %dma_wait3A_1461 = tpu.memref_slice %arg7[%arg1, %run_scoped3A_1158, %dma_wait3A_1459, %dma_wait3A_1460] : memref<16x2x64x128xf32, #tpu.memory_space<vmem_shared>> -> memref<1x1x64x128xf32, #tpu.memory_space<vmem_shared>>
        %dma_wait3A_1462 = tpu.memref_squeeze %dma_wait3A_1461 : memref<1x1x64x128xf32, #tpu.memory_space<vmem_shared>> -> memref<64x128xf32, #tpu.memory_space<vmem_shared>>
        %dma_wait3A_1463 = arith.constant 0 : i32
        %dma_wait3A_1464 = arith.constant 0 : i32
        %dma_wait3A_1465 = tpu.memref_slice %arg7[%arg1, %run_scoped3A_1158, %dma_wait3A_1463, %dma_wait3A_1464] : memref<16x2x64x128xf32, #tpu.memory_space<vmem_shared>> -> memref<1x1x64x128xf32, #tpu.memory_space<vmem_shared>>
        %dma_wait3A_1466 = tpu.memref_squeeze %dma_wait3A_1465 : memref<1x1x64x128xf32, #tpu.memory_space<vmem_shared>> -> memref<64x128xf32, #tpu.memory_space<vmem_shared>>
        %dma_wait3A_1467 = arith.constant 0 : i32
        %dma_wait3A_1468 = arith.constant 0 : i32
        %dma_wait3A_1469 = tpu.memref_slice %arg6[%run_scoped3A_1157, %dma_wait3A_1467, %dma_wait3A_1468] : memref<5x128x128xf32, #tpu.memory_space<vmem>> -> memref<1x64x128xf32, #tpu.memory_space<vmem>>
        %dma_wait3A_1470 = tpu.memref_squeeze %dma_wait3A_1469 : memref<1x64x128xf32, #tpu.memory_space<vmem>> -> memref<64x128xf32, #tpu.memory_space<vmem>>
        tpu.wait_dma2 semaphore(%run_scoped3A_1438 : memref<!tpu.dma_semaphore, #tpu.memory_space<semaphore_mem>>) src(%dma_wait3A_1470 : memref<64x128xf32, #tpu.memory_space<vmem>>) dst(%dma_wait3A_1466 : memref<64x128xf32, #tpu.memory_space<vmem_shared>>)
        tpu.yield
      }) : () -> ()
      %add3A_1159 = arith.addi %mul3A_2, %mul3A_10 : i32
      %add3A_1160 = arith.constant 15 : i32
      %add3A_1161 = arith.addi %add3A_1159, %add3A_1160 : i32
      %mul3A_1162 = arith.constant 128 : i32
      %mul3A_1163 = arith.muli %add3A_1161, %mul3A_1162 : i32
      %add3A_1164 = arith.constant 0 : i32
      %add3A_1165 = arith.addi %mul3A_1163, %add3A_1164 : i32
      %dma_start3A_1166 = arith.constant 0 : i32
      %dma_start3A_1167 = arith.constant 0 : i32
      %dma_start3A_1168 = tpu.memref_slice %arg4[%add3A_1165, %dma_start3A_1167] : memref<819200x128xf32, #tpu.memory_space<hbm>> -> memref<64x128xf32, #tpu.memory_space<hbm>>
      %dma_start3A_1169 = arith.constant 0 : i32
      %dma_start3A_1170 = arith.constant 0 : i32
      %dma_start3A_1171 = tpu.memref_slice %arg7[%arg1, %dma_start3A_1166, %dma_start3A_1169, %dma_start3A_1170] : memref<16x2x64x128xf32, #tpu.memory_space<vmem_shared>> -> memref<1x1x64x128xf32, #tpu.memory_space<vmem_shared>>
      %dma_start3A_1172 = tpu.memref_squeeze %dma_start3A_1171 : memref<1x1x64x128xf32, #tpu.memory_space<vmem_shared>> -> memref<64x128xf32, #tpu.memory_space<vmem_shared>>
      tpu.enqueue_dma source(%dma_start3A_1172 : memref<64x128xf32, #tpu.memory_space<vmem_shared>>) target(%dma_start3A_1168 : memref<64x128xf32, #tpu.memory_space<hbm>>) target_semaphore(%arg8 : memref<!tpu.dma_semaphore, #tpu.memory_space<semaphore_mem>>)
      %dma_wait3A_1173 = arith.constant 1 : i32
      %dma_wait3A_1174 = arith.constant 0 : i32
      %dma_wait3A_1175 = tpu.memref_slice %arg4[%add3A_1116, %dma_wait3A_1174] : memref<819200x128xf32, #tpu.memory_space<hbm>> -> memref<64x128xf32, #tpu.memory_space<hbm>>
      %dma_wait3A_1176 = arith.constant 0 : i32
      %dma_wait3A_1177 = arith.constant 0 : i32
      %dma_wait3A_1178 = tpu.memref_slice %arg7[%arg1, %dma_wait3A_1173, %dma_wait3A_1176, %dma_wait3A_1177] : memref<16x2x64x128xf32, #tpu.memory_space<vmem_shared>> -> memref<1x1x64x128xf32, #tpu.memory_space<vmem_shared>>
      %dma_wait3A_1179 = tpu.memref_squeeze %dma_wait3A_1178 : memref<1x1x64x128xf32, #tpu.memory_space<vmem_shared>> -> memref<64x128xf32, #tpu.memory_space<vmem_shared>>
      tpu.wait_dma2 semaphore(%arg9 : memref<!tpu.dma_semaphore, #tpu.memory_space<semaphore_mem>>) src(%dma_wait3A_1179 : memref<64x128xf32, #tpu.memory_space<vmem_shared>>) dst(%dma_wait3A_1175 : memref<64x128xf32, #tpu.memory_space<hbm>>)
      %run_scoped3A_1180 = arith.constant 0 : i32
      %run_scoped3A_1181 = arith.constant 1 : i32
      "tpu.region"() ({
        %run_scoped3A_1438 = tpu.sem_alloc : memref<!tpu.dma_semaphore, #tpu.memory_space<semaphore_mem>>
        %dma_start3A_1439 = arith.constant 64 : i32
        %dma_start3A_1440 = arith.constant 0 : i32
        %dma_start3A_1441 = tpu.memref_slice %arg6[%run_scoped3A_1180, %dma_start3A_1439, %dma_start3A_1440] : memref<5x128x128xf32, #tpu.memory_space<vmem>> -> memref<1x64x128xf32, #tpu.memory_space<vmem>>
        %dma_start3A_1442 = tpu.memref_squeeze %dma_start3A_1441 : memref<1x64x128xf32, #tpu.memory_space<vmem>> -> memref<64x128xf32, #tpu.memory_space<vmem>>
        %dma_start3A_1443 = arith.constant 0 : i32
        %dma_start3A_1444 = arith.constant 0 : i32
        %dma_start3A_1445 = tpu.memref_slice %arg7[%arg1, %run_scoped3A_1181, %dma_start3A_1443, %dma_start3A_1444] : memref<16x2x64x128xf32, #tpu.memory_space<vmem_shared>> -> memref<1x1x64x128xf32, #tpu.memory_space<vmem_shared>>
        %dma_start3A_1446 = tpu.memref_squeeze %dma_start3A_1445 : memref<1x1x64x128xf32, #tpu.memory_space<vmem_shared>> -> memref<64x128xf32, #tpu.memory_space<vmem_shared>>
        %dma_start3A_1447 = arith.constant 0 : i32
        %dma_start3A_1448 = arith.constant 0 : i32
        %dma_start3A_1449 = tpu.memref_slice %arg7[%arg1, %run_scoped3A_1181, %dma_start3A_1447, %dma_start3A_1448] : memref<16x2x64x128xf32, #tpu.memory_space<vmem_shared>> -> memref<1x1x64x128xf32, #tpu.memory_space<vmem_shared>>
        %dma_start3A_1450 = tpu.memref_squeeze %dma_start3A_1449 : memref<1x1x64x128xf32, #tpu.memory_space<vmem_shared>> -> memref<64x128xf32, #tpu.memory_space<vmem_shared>>
        %dma_start3A_1451 = arith.constant 64 : i32
        %dma_start3A_1452 = arith.constant 0 : i32
        %dma_start3A_1453 = tpu.memref_slice %arg6[%run_scoped3A_1180, %dma_start3A_1451, %dma_start3A_1452] : memref<5x128x128xf32, #tpu.memory_space<vmem>> -> memref<1x64x128xf32, #tpu.memory_space<vmem>>
        %dma_start3A_1454 = tpu.memref_squeeze %dma_start3A_1453 : memref<1x64x128xf32, #tpu.memory_space<vmem>> -> memref<64x128xf32, #tpu.memory_space<vmem>>
        tpu.enqueue_dma source(%dma_start3A_1454 : memref<64x128xf32, #tpu.memory_space<vmem>>) target(%dma_start3A_1450 : memref<64x128xf32, #tpu.memory_space<vmem_shared>>) target_semaphore(%run_scoped3A_1438 : memref<!tpu.dma_semaphore, #tpu.memory_space<semaphore_mem>>)
        %dma_wait3A_1455 = arith.constant 64 : i32
        %dma_wait3A_1456 = arith.constant 0 : i32
        %dma_wait3A_1457 = tpu.memref_slice %arg6[%run_scoped3A_1180, %dma_wait3A_1455, %dma_wait3A_1456] : memref<5x128x128xf32, #tpu.memory_space<vmem>> -> memref<1x64x128xf32, #tpu.memory_space<vmem>>
        %dma_wait3A_1458 = tpu.memref_squeeze %dma_wait3A_1457 : memref<1x64x128xf32, #tpu.memory_space<vmem>> -> memref<64x128xf32, #tpu.memory_space<vmem>>
        %dma_wait3A_1459 = arith.constant 0 : i32
        %dma_wait3A_1460 = arith.constant 0 : i32
        %dma_wait3A_1461 = tpu.memref_slice %arg7[%arg1, %run_scoped3A_1181, %dma_wait3A_1459, %dma_wait3A_1460] : memref<16x2x64x128xf32, #tpu.memory_space<vmem_shared>> -> memref<1x1x64x128xf32, #tpu.memory_space<vmem_shared>>
        %dma_wait3A_1462 = tpu.memref_squeeze %dma_wait3A_1461 : memref<1x1x64x128xf32, #tpu.memory_space<vmem_shared>> -> memref<64x128xf32, #tpu.memory_space<vmem_shared>>
        %dma_wait3A_1463 = arith.constant 0 : i32
        %dma_wait3A_1464 = arith.constant 0 : i32
        %dma_wait3A_1465 = tpu.memref_slice %arg7[%arg1, %run_scoped3A_1181, %dma_wait3A_1463, %dma_wait3A_1464] : memref<16x2x64x128xf32, #tpu.memory_space<vmem_shared>> -> memref<1x1x64x128xf32, #tpu.memory_space<vmem_shared>>
        %dma_wait3A_1466 = tpu.memref_squeeze %dma_wait3A_1465 : memref<1x1x64x128xf32, #tpu.memory_space<vmem_shared>> -> memref<64x128xf32, #tpu.memory_space<vmem_shared>>
        %dma_wait3A_1467 = arith.constant 64 : i32
        %dma_wait3A_1468 = arith.constant 0 : i32
        %dma_wait3A_1469 = tpu.memref_slice %arg6[%run_scoped3A_1180, %dma_wait3A_1467, %dma_wait3A_1468] : memref<5x128x128xf32, #tpu.memory_space<vmem>> -> memref<1x64x128xf32, #tpu.memory_space<vmem>>
        %dma_wait3A_1470 = tpu.memref_squeeze %dma_wait3A_1469 : memref<1x64x128xf32, #tpu.memory_space<vmem>> -> memref<64x128xf32, #tpu.memory_space<vmem>>
        tpu.wait_dma2 semaphore(%run_scoped3A_1438 : memref<!tpu.dma_semaphore, #tpu.memory_space<semaphore_mem>>) src(%dma_wait3A_1470 : memref<64x128xf32, #tpu.memory_space<vmem>>) dst(%dma_wait3A_1466 : memref<64x128xf32, #tpu.memory_space<vmem_shared>>)
        tpu.yield
      }) : () -> ()
      %add3A_1182 = arith.addi %mul3A_2, %mul3A_10 : i32
      %add3A_1183 = arith.constant 15 : i32
      %add3A_1184 = arith.addi %add3A_1182, %add3A_1183 : i32
      %mul3A_1185 = arith.constant 128 : i32
      %mul3A_1186 = arith.muli %add3A_1184, %mul3A_1185 : i32
      %add3A_1187 = arith.constant 64 : i32
      %add3A_1188 = arith.addi %mul3A_1186, %add3A_1187 : i32
      %dma_start3A_1189 = arith.constant 1 : i32
      %dma_start3A_1190 = arith.constant 0 : i32
      %dma_start3A_1191 = tpu.memref_slice %arg4[%add3A_1188, %dma_start3A_1190] : memref<819200x128xf32, #tpu.memory_space<hbm>> -> memref<64x128xf32, #tpu.memory_space<hbm>>
      %dma_start3A_1192 = arith.constant 0 : i32
      %dma_start3A_1193 = arith.constant 0 : i32
      %dma_start3A_1194 = tpu.memref_slice %arg7[%arg1, %dma_start3A_1189, %dma_start3A_1192, %dma_start3A_1193] : memref<16x2x64x128xf32, #tpu.memory_space<vmem_shared>> -> memref<1x1x64x128xf32, #tpu.memory_space<vmem_shared>>
      %dma_start3A_1195 = tpu.memref_squeeze %dma_start3A_1194 : memref<1x1x64x128xf32, #tpu.memory_space<vmem_shared>> -> memref<64x128xf32, #tpu.memory_space<vmem_shared>>
      tpu.enqueue_dma source(%dma_start3A_1195 : memref<64x128xf32, #tpu.memory_space<vmem_shared>>) target(%dma_start3A_1191 : memref<64x128xf32, #tpu.memory_space<hbm>>) target_semaphore(%arg9 : memref<!tpu.dma_semaphore, #tpu.memory_space<semaphore_mem>>)
      %dma_wait3A_1196 = arith.constant 1 : i32
      %dma_wait3A_1197 = arith.constant 0 : i32
      %dma_wait3A_1198 = arith.constant 0 : i32
      %dma_wait3A_1199 = tpu.memref_slice %arg6[%dma_wait3A_1196, %dma_wait3A_1197, %dma_wait3A_1198] : memref<5x128x128xf32, #tpu.memory_space<vmem>> -> memref<1x128x128xf32, #tpu.memory_space<vmem>>
      %dma_wait3A_1200 = tpu.memref_squeeze %dma_wait3A_1199 : memref<1x128x128xf32, #tpu.memory_space<vmem>> -> memref<128x128xf32, #tpu.memory_space<vmem>>
      %dma_wait3A_1201 = arith.constant 0 : i32
      %dma_wait3A_1202 = tpu.memref_slice %arg5[%add3A_911, %dma_wait3A_1201] : memref<200x128xi32, #tpu.memory_space<vmem>> -> memref<1x128xi32, #tpu.memory_space<vmem>>
      %dma_wait3A_1203 = tpu.memref_squeeze %dma_wait3A_1202 : memref<1x128xi32, #tpu.memory_space<vmem>> -> memref<128xi32, #tpu.memory_space<vmem>>
      %dma_wait3A_1204 = arith.constant 0 : i32
      %dma_wait3A_1205 = arith.constant 0 : i32
      %dma_wait3A_1206 = tpu.memref_slice %arg2[%dma_wait3A_1204, %dma_wait3A_1205] : memref<100000x128xf32, #tpu.memory_space<hbm>> -> memref<100000x128xf32, #tpu.memory_space<hbm>>
      tpu.wait_indirect_dma semaphore(%arg11 : memref<!tpu.dma_semaphore, #tpu.memory_space<semaphore_mem>>) src(%dma_wait3A_1206 : memref<100000x128xf32, #tpu.memory_space<hbm>>) dst(%dma_wait3A_1200 : memref<128x128xf32, #tpu.memory_space<vmem>>)
      %dma_wait3A_1207 = arith.constant 0 : i32
      %dma_wait3A_1208 = arith.constant 0 : i32
      %dma_wait3A_1209 = tpu.memref_slice %arg4[%add3A_1165, %dma_wait3A_1208] : memref<819200x128xf32, #tpu.memory_space<hbm>> -> memref<64x128xf32, #tpu.memory_space<hbm>>
      %dma_wait3A_1210 = arith.constant 0 : i32
      %dma_wait3A_1211 = arith.constant 0 : i32
      %dma_wait3A_1212 = tpu.memref_slice %arg7[%arg1, %dma_wait3A_1207, %dma_wait3A_1210, %dma_wait3A_1211] : memref<16x2x64x128xf32, #tpu.memory_space<vmem_shared>> -> memref<1x1x64x128xf32, #tpu.memory_space<vmem_shared>>
      %dma_wait3A_1213 = tpu.memref_squeeze %dma_wait3A_1212 : memref<1x1x64x128xf32, #tpu.memory_space<vmem_shared>> -> memref<64x128xf32, #tpu.memory_space<vmem_shared>>
      tpu.wait_dma2 semaphore(%arg8 : memref<!tpu.dma_semaphore, #tpu.memory_space<semaphore_mem>>) src(%dma_wait3A_1213 : memref<64x128xf32, #tpu.memory_space<vmem_shared>>) dst(%dma_wait3A_1209 : memref<64x128xf32, #tpu.memory_space<hbm>>)
      %run_scoped3A_1214 = arith.constant 1 : i32
      %run_scoped3A_1215 = arith.constant 0 : i32
      "tpu.region"() ({
        %run_scoped3A_1438 = tpu.sem_alloc : memref<!tpu.dma_semaphore, #tpu.memory_space<semaphore_mem>>
        %dma_start3A_1439 = arith.constant 0 : i32
        %dma_start3A_1440 = arith.constant 0 : i32
        %dma_start3A_1441 = tpu.memref_slice %arg6[%run_scoped3A_1214, %dma_start3A_1439, %dma_start3A_1440] : memref<5x128x128xf32, #tpu.memory_space<vmem>> -> memref<1x64x128xf32, #tpu.memory_space<vmem>>
        %dma_start3A_1442 = tpu.memref_squeeze %dma_start3A_1441 : memref<1x64x128xf32, #tpu.memory_space<vmem>> -> memref<64x128xf32, #tpu.memory_space<vmem>>
        %dma_start3A_1443 = arith.constant 0 : i32
        %dma_start3A_1444 = arith.constant 0 : i32
        %dma_start3A_1445 = tpu.memref_slice %arg7[%arg1, %run_scoped3A_1215, %dma_start3A_1443, %dma_start3A_1444] : memref<16x2x64x128xf32, #tpu.memory_space<vmem_shared>> -> memref<1x1x64x128xf32, #tpu.memory_space<vmem_shared>>
        %dma_start3A_1446 = tpu.memref_squeeze %dma_start3A_1445 : memref<1x1x64x128xf32, #tpu.memory_space<vmem_shared>> -> memref<64x128xf32, #tpu.memory_space<vmem_shared>>
        %dma_start3A_1447 = arith.constant 0 : i32
        %dma_start3A_1448 = arith.constant 0 : i32
        %dma_start3A_1449 = tpu.memref_slice %arg7[%arg1, %run_scoped3A_1215, %dma_start3A_1447, %dma_start3A_1448] : memref<16x2x64x128xf32, #tpu.memory_space<vmem_shared>> -> memref<1x1x64x128xf32, #tpu.memory_space<vmem_shared>>
        %dma_start3A_1450 = tpu.memref_squeeze %dma_start3A_1449 : memref<1x1x64x128xf32, #tpu.memory_space<vmem_shared>> -> memref<64x128xf32, #tpu.memory_space<vmem_shared>>
        %dma_start3A_1451 = arith.constant 0 : i32
        %dma_start3A_1452 = arith.constant 0 : i32
        %dma_start3A_1453 = tpu.memref_slice %arg6[%run_scoped3A_1214, %dma_start3A_1451, %dma_start3A_1452] : memref<5x128x128xf32, #tpu.memory_space<vmem>> -> memref<1x64x128xf32, #tpu.memory_space<vmem>>
        %dma_start3A_1454 = tpu.memref_squeeze %dma_start3A_1453 : memref<1x64x128xf32, #tpu.memory_space<vmem>> -> memref<64x128xf32, #tpu.memory_space<vmem>>
        tpu.enqueue_dma source(%dma_start3A_1454 : memref<64x128xf32, #tpu.memory_space<vmem>>) target(%dma_start3A_1450 : memref<64x128xf32, #tpu.memory_space<vmem_shared>>) target_semaphore(%run_scoped3A_1438 : memref<!tpu.dma_semaphore, #tpu.memory_space<semaphore_mem>>)
        %dma_wait3A_1455 = arith.constant 0 : i32
        %dma_wait3A_1456 = arith.constant 0 : i32
        %dma_wait3A_1457 = tpu.memref_slice %arg6[%run_scoped3A_1214, %dma_wait3A_1455, %dma_wait3A_1456] : memref<5x128x128xf32, #tpu.memory_space<vmem>> -> memref<1x64x128xf32, #tpu.memory_space<vmem>>
        %dma_wait3A_1458 = tpu.memref_squeeze %dma_wait3A_1457 : memref<1x64x128xf32, #tpu.memory_space<vmem>> -> memref<64x128xf32, #tpu.memory_space<vmem>>
        %dma_wait3A_1459 = arith.constant 0 : i32
        %dma_wait3A_1460 = arith.constant 0 : i32
        %dma_wait3A_1461 = tpu.memref_slice %arg7[%arg1, %run_scoped3A_1215, %dma_wait3A_1459, %dma_wait3A_1460] : memref<16x2x64x128xf32, #tpu.memory_space<vmem_shared>> -> memref<1x1x64x128xf32, #tpu.memory_space<vmem_shared>>
        %dma_wait3A_1462 = tpu.memref_squeeze %dma_wait3A_1461 : memref<1x1x64x128xf32, #tpu.memory_space<vmem_shared>> -> memref<64x128xf32, #tpu.memory_space<vmem_shared>>
        %dma_wait3A_1463 = arith.constant 0 : i32
        %dma_wait3A_1464 = arith.constant 0 : i32
        %dma_wait3A_1465 = tpu.memref_slice %arg7[%arg1, %run_scoped3A_1215, %dma_wait3A_1463, %dma_wait3A_1464] : memref<16x2x64x128xf32, #tpu.memory_space<vmem_shared>> -> memref<1x1x64x128xf32, #tpu.memory_space<vmem_shared>>
        %dma_wait3A_1466 = tpu.memref_squeeze %dma_wait3A_1465 : memref<1x1x64x128xf32, #tpu.memory_space<vmem_shared>> -> memref<64x128xf32, #tpu.memory_space<vmem_shared>>
        %dma_wait3A_1467 = arith.constant 0 : i32
        %dma_wait3A_1468 = arith.constant 0 : i32
        %dma_wait3A_1469 = tpu.memref_slice %arg6[%run_scoped3A_1214, %dma_wait3A_1467, %dma_wait3A_1468] : memref<5x128x128xf32, #tpu.memory_space<vmem>> -> memref<1x64x128xf32, #tpu.memory_space<vmem>>
        %dma_wait3A_1470 = tpu.memref_squeeze %dma_wait3A_1469 : memref<1x64x128xf32, #tpu.memory_space<vmem>> -> memref<64x128xf32, #tpu.memory_space<vmem>>
        tpu.wait_dma2 semaphore(%run_scoped3A_1438 : memref<!tpu.dma_semaphore, #tpu.memory_space<semaphore_mem>>) src(%dma_wait3A_1470 : memref<64x128xf32, #tpu.memory_space<vmem>>) dst(%dma_wait3A_1466 : memref<64x128xf32, #tpu.memory_space<vmem_shared>>)
        tpu.yield
      }) : () -> ()
      %add3A_1216 = arith.addi %mul3A_2, %mul3A_10 : i32
      %add3A_1217 = arith.constant 16 : i32
      %add3A_1218 = arith.addi %add3A_1216, %add3A_1217 : i32
      %mul3A_1219 = arith.constant 128 : i32
      %mul3A_1220 = arith.muli %add3A_1218, %mul3A_1219 : i32
      %add3A_1221 = arith.constant 0 : i32
      %add3A_1222 = arith.addi %mul3A_1220, %add3A_1221 : i32
      %dma_start3A_1223 = arith.constant 0 : i32
      %dma_start3A_1224 = arith.constant 0 : i32
      %dma_start3A_1225 = tpu.memref_slice %arg4[%add3A_1222, %dma_start3A_1224] : memref<819200x128xf32, #tpu.memory_space<hbm>> -> memref<64x128xf32, #tpu.memory_space<hbm>>
      %dma_start3A_1226 = arith.constant 0 : i32
      %dma_start3A_1227 = arith.constant 0 : i32
      %dma_start3A_1228 = tpu.memref_slice %arg7[%arg1, %dma_start3A_1223, %dma_start3A_1226, %dma_start3A_1227] : memref<16x2x64x128xf32, #tpu.memory_space<vmem_shared>> -> memref<1x1x64x128xf32, #tpu.memory_space<vmem_shared>>
      %dma_start3A_1229 = tpu.memref_squeeze %dma_start3A_1228 : memref<1x1x64x128xf32, #tpu.memory_space<vmem_shared>> -> memref<64x128xf32, #tpu.memory_space<vmem_shared>>
      tpu.enqueue_dma source(%dma_start3A_1229 : memref<64x128xf32, #tpu.memory_space<vmem_shared>>) target(%dma_start3A_1225 : memref<64x128xf32, #tpu.memory_space<hbm>>) target_semaphore(%arg8 : memref<!tpu.dma_semaphore, #tpu.memory_space<semaphore_mem>>)
      %dma_wait3A_1230 = arith.constant 1 : i32
      %dma_wait3A_1231 = arith.constant 0 : i32
      %dma_wait3A_1232 = tpu.memref_slice %arg4[%add3A_1188, %dma_wait3A_1231] : memref<819200x128xf32, #tpu.memory_space<hbm>> -> memref<64x128xf32, #tpu.memory_space<hbm>>
      %dma_wait3A_1233 = arith.constant 0 : i32
      %dma_wait3A_1234 = arith.constant 0 : i32
      %dma_wait3A_1235 = tpu.memref_slice %arg7[%arg1, %dma_wait3A_1230, %dma_wait3A_1233, %dma_wait3A_1234] : memref<16x2x64x128xf32, #tpu.memory_space<vmem_shared>> -> memref<1x1x64x128xf32, #tpu.memory_space<vmem_shared>>
      %dma_wait3A_1236 = tpu.memref_squeeze %dma_wait3A_1235 : memref<1x1x64x128xf32, #tpu.memory_space<vmem_shared>> -> memref<64x128xf32, #tpu.memory_space<vmem_shared>>
      tpu.wait_dma2 semaphore(%arg9 : memref<!tpu.dma_semaphore, #tpu.memory_space<semaphore_mem>>) src(%dma_wait3A_1236 : memref<64x128xf32, #tpu.memory_space<vmem_shared>>) dst(%dma_wait3A_1232 : memref<64x128xf32, #tpu.memory_space<hbm>>)
      %run_scoped3A_1237 = arith.constant 1 : i32
      %run_scoped3A_1238 = arith.constant 1 : i32
      "tpu.region"() ({
        %run_scoped3A_1438 = tpu.sem_alloc : memref<!tpu.dma_semaphore, #tpu.memory_space<semaphore_mem>>
        %dma_start3A_1439 = arith.constant 64 : i32
        %dma_start3A_1440 = arith.constant 0 : i32
        %dma_start3A_1441 = tpu.memref_slice %arg6[%run_scoped3A_1237, %dma_start3A_1439, %dma_start3A_1440] : memref<5x128x128xf32, #tpu.memory_space<vmem>> -> memref<1x64x128xf32, #tpu.memory_space<vmem>>
        %dma_start3A_1442 = tpu.memref_squeeze %dma_start3A_1441 : memref<1x64x128xf32, #tpu.memory_space<vmem>> -> memref<64x128xf32, #tpu.memory_space<vmem>>
        %dma_start3A_1443 = arith.constant 0 : i32
        %dma_start3A_1444 = arith.constant 0 : i32
        %dma_start3A_1445 = tpu.memref_slice %arg7[%arg1, %run_scoped3A_1238, %dma_start3A_1443, %dma_start3A_1444] : memref<16x2x64x128xf32, #tpu.memory_space<vmem_shared>> -> memref<1x1x64x128xf32, #tpu.memory_space<vmem_shared>>
        %dma_start3A_1446 = tpu.memref_squeeze %dma_start3A_1445 : memref<1x1x64x128xf32, #tpu.memory_space<vmem_shared>> -> memref<64x128xf32, #tpu.memory_space<vmem_shared>>
        %dma_start3A_1447 = arith.constant 0 : i32
        %dma_start3A_1448 = arith.constant 0 : i32
        %dma_start3A_1449 = tpu.memref_slice %arg7[%arg1, %run_scoped3A_1238, %dma_start3A_1447, %dma_start3A_1448] : memref<16x2x64x128xf32, #tpu.memory_space<vmem_shared>> -> memref<1x1x64x128xf32, #tpu.memory_space<vmem_shared>>
        %dma_start3A_1450 = tpu.memref_squeeze %dma_start3A_1449 : memref<1x1x64x128xf32, #tpu.memory_space<vmem_shared>> -> memref<64x128xf32, #tpu.memory_space<vmem_shared>>
        %dma_start3A_1451 = arith.constant 64 : i32
        %dma_start3A_1452 = arith.constant 0 : i32
        %dma_start3A_1453 = tpu.memref_slice %arg6[%run_scoped3A_1237, %dma_start3A_1451, %dma_start3A_1452] : memref<5x128x128xf32, #tpu.memory_space<vmem>> -> memref<1x64x128xf32, #tpu.memory_space<vmem>>
        %dma_start3A_1454 = tpu.memref_squeeze %dma_start3A_1453 : memref<1x64x128xf32, #tpu.memory_space<vmem>> -> memref<64x128xf32, #tpu.memory_space<vmem>>
        tpu.enqueue_dma source(%dma_start3A_1454 : memref<64x128xf32, #tpu.memory_space<vmem>>) target(%dma_start3A_1450 : memref<64x128xf32, #tpu.memory_space<vmem_shared>>) target_semaphore(%run_scoped3A_1438 : memref<!tpu.dma_semaphore, #tpu.memory_space<semaphore_mem>>)
        %dma_wait3A_1455 = arith.constant 64 : i32
        %dma_wait3A_1456 = arith.constant 0 : i32
        %dma_wait3A_1457 = tpu.memref_slice %arg6[%run_scoped3A_1237, %dma_wait3A_1455, %dma_wait3A_1456] : memref<5x128x128xf32, #tpu.memory_space<vmem>> -> memref<1x64x128xf32, #tpu.memory_space<vmem>>
        %dma_wait3A_1458 = tpu.memref_squeeze %dma_wait3A_1457 : memref<1x64x128xf32, #tpu.memory_space<vmem>> -> memref<64x128xf32, #tpu.memory_space<vmem>>
        %dma_wait3A_1459 = arith.constant 0 : i32
        %dma_wait3A_1460 = arith.constant 0 : i32
        %dma_wait3A_1461 = tpu.memref_slice %arg7[%arg1, %run_scoped3A_1238, %dma_wait3A_1459, %dma_wait3A_1460] : memref<16x2x64x128xf32, #tpu.memory_space<vmem_shared>> -> memref<1x1x64x128xf32, #tpu.memory_space<vmem_shared>>
        %dma_wait3A_1462 = tpu.memref_squeeze %dma_wait3A_1461 : memref<1x1x64x128xf32, #tpu.memory_space<vmem_shared>> -> memref<64x128xf32, #tpu.memory_space<vmem_shared>>
        %dma_wait3A_1463 = arith.constant 0 : i32
        %dma_wait3A_1464 = arith.constant 0 : i32
        %dma_wait3A_1465 = tpu.memref_slice %arg7[%arg1, %run_scoped3A_1238, %dma_wait3A_1463, %dma_wait3A_1464] : memref<16x2x64x128xf32, #tpu.memory_space<vmem_shared>> -> memref<1x1x64x128xf32, #tpu.memory_space<vmem_shared>>
        %dma_wait3A_1466 = tpu.memref_squeeze %dma_wait3A_1465 : memref<1x1x64x128xf32, #tpu.memory_space<vmem_shared>> -> memref<64x128xf32, #tpu.memory_space<vmem_shared>>
        %dma_wait3A_1467 = arith.constant 64 : i32
        %dma_wait3A_1468 = arith.constant 0 : i32
        %dma_wait3A_1469 = tpu.memref_slice %arg6[%run_scoped3A_1237, %dma_wait3A_1467, %dma_wait3A_1468] : memref<5x128x128xf32, #tpu.memory_space<vmem>> -> memref<1x64x128xf32, #tpu.memory_space<vmem>>
        %dma_wait3A_1470 = tpu.memref_squeeze %dma_wait3A_1469 : memref<1x64x128xf32, #tpu.memory_space<vmem>> -> memref<64x128xf32, #tpu.memory_space<vmem>>
        tpu.wait_dma2 semaphore(%run_scoped3A_1438 : memref<!tpu.dma_semaphore, #tpu.memory_space<semaphore_mem>>) src(%dma_wait3A_1470 : memref<64x128xf32, #tpu.memory_space<vmem>>) dst(%dma_wait3A_1466 : memref<64x128xf32, #tpu.memory_space<vmem_shared>>)
        tpu.yield
      }) : () -> ()
      %add3A_1239 = arith.addi %mul3A_2, %mul3A_10 : i32
      %add3A_1240 = arith.constant 16 : i32
      %add3A_1241 = arith.addi %add3A_1239, %add3A_1240 : i32
      %mul3A_1242 = arith.constant 128 : i32
      %mul3A_1243 = arith.muli %add3A_1241, %mul3A_1242 : i32
      %add3A_1244 = arith.constant 64 : i32
      %add3A_1245 = arith.addi %mul3A_1243, %add3A_1244 : i32
      %dma_start3A_1246 = arith.constant 1 : i32
      %dma_start3A_1247 = arith.constant 0 : i32
      %dma_start3A_1248 = tpu.memref_slice %arg4[%add3A_1245, %dma_start3A_1247] : memref<819200x128xf32, #tpu.memory_space<hbm>> -> memref<64x128xf32, #tpu.memory_space<hbm>>
      %dma_start3A_1249 = arith.constant 0 : i32
      %dma_start3A_1250 = arith.constant 0 : i32
      %dma_start3A_1251 = tpu.memref_slice %arg7[%arg1, %dma_start3A_1246, %dma_start3A_1249, %dma_start3A_1250] : memref<16x2x64x128xf32, #tpu.memory_space<vmem_shared>> -> memref<1x1x64x128xf32, #tpu.memory_space<vmem_shared>>
      %dma_start3A_1252 = tpu.memref_squeeze %dma_start3A_1251 : memref<1x1x64x128xf32, #tpu.memory_space<vmem_shared>> -> memref<64x128xf32, #tpu.memory_space<vmem_shared>>
      tpu.enqueue_dma source(%dma_start3A_1252 : memref<64x128xf32, #tpu.memory_space<vmem_shared>>) target(%dma_start3A_1248 : memref<64x128xf32, #tpu.memory_space<hbm>>) target_semaphore(%arg9 : memref<!tpu.dma_semaphore, #tpu.memory_space<semaphore_mem>>)
      %dma_wait3A_1253 = arith.constant 2 : i32
      %dma_wait3A_1254 = arith.constant 0 : i32
      %dma_wait3A_1255 = arith.constant 0 : i32
      %dma_wait3A_1256 = tpu.memref_slice %arg6[%dma_wait3A_1253, %dma_wait3A_1254, %dma_wait3A_1255] : memref<5x128x128xf32, #tpu.memory_space<vmem>> -> memref<1x128x128xf32, #tpu.memory_space<vmem>>
      %dma_wait3A_1257 = tpu.memref_squeeze %dma_wait3A_1256 : memref<1x128x128xf32, #tpu.memory_space<vmem>> -> memref<128x128xf32, #tpu.memory_space<vmem>>
      %dma_wait3A_1258 = arith.constant 0 : i32
      %dma_wait3A_1259 = tpu.memref_slice %arg5[%add3A_983, %dma_wait3A_1258] : memref<200x128xi32, #tpu.memory_space<vmem>> -> memref<1x128xi32, #tpu.memory_space<vmem>>
      %dma_wait3A_1260 = tpu.memref_squeeze %dma_wait3A_1259 : memref<1x128xi32, #tpu.memory_space<vmem>> -> memref<128xi32, #tpu.memory_space<vmem>>
      %dma_wait3A_1261 = arith.constant 0 : i32
      %dma_wait3A_1262 = arith.constant 0 : i32
      %dma_wait3A_1263 = tpu.memref_slice %arg2[%dma_wait3A_1261, %dma_wait3A_1262] : memref<100000x128xf32, #tpu.memory_space<hbm>> -> memref<100000x128xf32, #tpu.memory_space<hbm>>
      tpu.wait_indirect_dma semaphore(%arg12 : memref<!tpu.dma_semaphore, #tpu.memory_space<semaphore_mem>>) src(%dma_wait3A_1263 : memref<100000x128xf32, #tpu.memory_space<hbm>>) dst(%dma_wait3A_1257 : memref<128x128xf32, #tpu.memory_space<vmem>>)
      %dma_wait3A_1264 = arith.constant 0 : i32
      %dma_wait3A_1265 = arith.constant 0 : i32
      %dma_wait3A_1266 = tpu.memref_slice %arg4[%add3A_1222, %dma_wait3A_1265] : memref<819200x128xf32, #tpu.memory_space<hbm>> -> memref<64x128xf32, #tpu.memory_space<hbm>>
      %dma_wait3A_1267 = arith.constant 0 : i32
      %dma_wait3A_1268 = arith.constant 0 : i32
      %dma_wait3A_1269 = tpu.memref_slice %arg7[%arg1, %dma_wait3A_1264, %dma_wait3A_1267, %dma_wait3A_1268] : memref<16x2x64x128xf32, #tpu.memory_space<vmem_shared>> -> memref<1x1x64x128xf32, #tpu.memory_space<vmem_shared>>
      %dma_wait3A_1270 = tpu.memref_squeeze %dma_wait3A_1269 : memref<1x1x64x128xf32, #tpu.memory_space<vmem_shared>> -> memref<64x128xf32, #tpu.memory_space<vmem_shared>>
      tpu.wait_dma2 semaphore(%arg8 : memref<!tpu.dma_semaphore, #tpu.memory_space<semaphore_mem>>) src(%dma_wait3A_1270 : memref<64x128xf32, #tpu.memory_space<vmem_shared>>) dst(%dma_wait3A_1266 : memref<64x128xf32, #tpu.memory_space<hbm>>)
      %run_scoped3A_1271 = arith.constant 2 : i32
      %run_scoped3A_1272 = arith.constant 0 : i32
      "tpu.region"() ({
        %run_scoped3A_1438 = tpu.sem_alloc : memref<!tpu.dma_semaphore, #tpu.memory_space<semaphore_mem>>
        %dma_start3A_1439 = arith.constant 0 : i32
        %dma_start3A_1440 = arith.constant 0 : i32
        %dma_start3A_1441 = tpu.memref_slice %arg6[%run_scoped3A_1271, %dma_start3A_1439, %dma_start3A_1440] : memref<5x128x128xf32, #tpu.memory_space<vmem>> -> memref<1x64x128xf32, #tpu.memory_space<vmem>>
        %dma_start3A_1442 = tpu.memref_squeeze %dma_start3A_1441 : memref<1x64x128xf32, #tpu.memory_space<vmem>> -> memref<64x128xf32, #tpu.memory_space<vmem>>
        %dma_start3A_1443 = arith.constant 0 : i32
        %dma_start3A_1444 = arith.constant 0 : i32
        %dma_start3A_1445 = tpu.memref_slice %arg7[%arg1, %run_scoped3A_1272, %dma_start3A_1443, %dma_start3A_1444] : memref<16x2x64x128xf32, #tpu.memory_space<vmem_shared>> -> memref<1x1x64x128xf32, #tpu.memory_space<vmem_shared>>
        %dma_start3A_1446 = tpu.memref_squeeze %dma_start3A_1445 : memref<1x1x64x128xf32, #tpu.memory_space<vmem_shared>> -> memref<64x128xf32, #tpu.memory_space<vmem_shared>>
        %dma_start3A_1447 = arith.constant 0 : i32
        %dma_start3A_1448 = arith.constant 0 : i32
        %dma_start3A_1449 = tpu.memref_slice %arg7[%arg1, %run_scoped3A_1272, %dma_start3A_1447, %dma_start3A_1448] : memref<16x2x64x128xf32, #tpu.memory_space<vmem_shared>> -> memref<1x1x64x128xf32, #tpu.memory_space<vmem_shared>>
        %dma_start3A_1450 = tpu.memref_squeeze %dma_start3A_1449 : memref<1x1x64x128xf32, #tpu.memory_space<vmem_shared>> -> memref<64x128xf32, #tpu.memory_space<vmem_shared>>
        %dma_start3A_1451 = arith.constant 0 : i32
        %dma_start3A_1452 = arith.constant 0 : i32
        %dma_start3A_1453 = tpu.memref_slice %arg6[%run_scoped3A_1271, %dma_start3A_1451, %dma_start3A_1452] : memref<5x128x128xf32, #tpu.memory_space<vmem>> -> memref<1x64x128xf32, #tpu.memory_space<vmem>>
        %dma_start3A_1454 = tpu.memref_squeeze %dma_start3A_1453 : memref<1x64x128xf32, #tpu.memory_space<vmem>> -> memref<64x128xf32, #tpu.memory_space<vmem>>
        tpu.enqueue_dma source(%dma_start3A_1454 : memref<64x128xf32, #tpu.memory_space<vmem>>) target(%dma_start3A_1450 : memref<64x128xf32, #tpu.memory_space<vmem_shared>>) target_semaphore(%run_scoped3A_1438 : memref<!tpu.dma_semaphore, #tpu.memory_space<semaphore_mem>>)
        %dma_wait3A_1455 = arith.constant 0 : i32
        %dma_wait3A_1456 = arith.constant 0 : i32
        %dma_wait3A_1457 = tpu.memref_slice %arg6[%run_scoped3A_1271, %dma_wait3A_1455, %dma_wait3A_1456] : memref<5x128x128xf32, #tpu.memory_space<vmem>> -> memref<1x64x128xf32, #tpu.memory_space<vmem>>
        %dma_wait3A_1458 = tpu.memref_squeeze %dma_wait3A_1457 : memref<1x64x128xf32, #tpu.memory_space<vmem>> -> memref<64x128xf32, #tpu.memory_space<vmem>>
        %dma_wait3A_1459 = arith.constant 0 : i32
        %dma_wait3A_1460 = arith.constant 0 : i32
        %dma_wait3A_1461 = tpu.memref_slice %arg7[%arg1, %run_scoped3A_1272, %dma_wait3A_1459, %dma_wait3A_1460] : memref<16x2x64x128xf32, #tpu.memory_space<vmem_shared>> -> memref<1x1x64x128xf32, #tpu.memory_space<vmem_shared>>
        %dma_wait3A_1462 = tpu.memref_squeeze %dma_wait3A_1461 : memref<1x1x64x128xf32, #tpu.memory_space<vmem_shared>> -> memref<64x128xf32, #tpu.memory_space<vmem_shared>>
        %dma_wait3A_1463 = arith.constant 0 : i32
        %dma_wait3A_1464 = arith.constant 0 : i32
        %dma_wait3A_1465 = tpu.memref_slice %arg7[%arg1, %run_scoped3A_1272, %dma_wait3A_1463, %dma_wait3A_1464] : memref<16x2x64x128xf32, #tpu.memory_space<vmem_shared>> -> memref<1x1x64x128xf32, #tpu.memory_space<vmem_shared>>
        %dma_wait3A_1466 = tpu.memref_squeeze %dma_wait3A_1465 : memref<1x1x64x128xf32, #tpu.memory_space<vmem_shared>> -> memref<64x128xf32, #tpu.memory_space<vmem_shared>>
        %dma_wait3A_1467 = arith.constant 0 : i32
        %dma_wait3A_1468 = arith.constant 0 : i32
        %dma_wait3A_1469 = tpu.memref_slice %arg6[%run_scoped3A_1271, %dma_wait3A_1467, %dma_wait3A_1468] : memref<5x128x128xf32, #tpu.memory_space<vmem>> -> memref<1x64x128xf32, #tpu.memory_space<vmem>>
        %dma_wait3A_1470 = tpu.memref_squeeze %dma_wait3A_1469 : memref<1x64x128xf32, #tpu.memory_space<vmem>> -> memref<64x128xf32, #tpu.memory_space<vmem>>
        tpu.wait_dma2 semaphore(%run_scoped3A_1438 : memref<!tpu.dma_semaphore, #tpu.memory_space<semaphore_mem>>) src(%dma_wait3A_1470 : memref<64x128xf32, #tpu.memory_space<vmem>>) dst(%dma_wait3A_1466 : memref<64x128xf32, #tpu.memory_space<vmem_shared>>)
        tpu.yield
      }) : () -> ()
      %add3A_1273 = arith.addi %mul3A_2, %mul3A_10 : i32
      %add3A_1274 = arith.constant 17 : i32
      %add3A_1275 = arith.addi %add3A_1273, %add3A_1274 : i32
      %mul3A_1276 = arith.constant 128 : i32
      %mul3A_1277 = arith.muli %add3A_1275, %mul3A_1276 : i32
      %add3A_1278 = arith.constant 0 : i32
      %add3A_1279 = arith.addi %mul3A_1277, %add3A_1278 : i32
      %dma_start3A_1280 = arith.constant 0 : i32
      %dma_start3A_1281 = arith.constant 0 : i32
      %dma_start3A_1282 = tpu.memref_slice %arg4[%add3A_1279, %dma_start3A_1281] : memref<819200x128xf32, #tpu.memory_space<hbm>> -> memref<64x128xf32, #tpu.memory_space<hbm>>
      %dma_start3A_1283 = arith.constant 0 : i32
      %dma_start3A_1284 = arith.constant 0 : i32
      %dma_start3A_1285 = tpu.memref_slice %arg7[%arg1, %dma_start3A_1280, %dma_start3A_1283, %dma_start3A_1284] : memref<16x2x64x128xf32, #tpu.memory_space<vmem_shared>> -> memref<1x1x64x128xf32, #tpu.memory_space<vmem_shared>>
      %dma_start3A_1286 = tpu.memref_squeeze %dma_start3A_1285 : memref<1x1x64x128xf32, #tpu.memory_space<vmem_shared>> -> memref<64x128xf32, #tpu.memory_space<vmem_shared>>
      tpu.enqueue_dma source(%dma_start3A_1286 : memref<64x128xf32, #tpu.memory_space<vmem_shared>>) target(%dma_start3A_1282 : memref<64x128xf32, #tpu.memory_space<hbm>>) target_semaphore(%arg8 : memref<!tpu.dma_semaphore, #tpu.memory_space<semaphore_mem>>)
      %dma_wait3A_1287 = arith.constant 1 : i32
      %dma_wait3A_1288 = arith.constant 0 : i32
      %dma_wait3A_1289 = tpu.memref_slice %arg4[%add3A_1245, %dma_wait3A_1288] : memref<819200x128xf32, #tpu.memory_space<hbm>> -> memref<64x128xf32, #tpu.memory_space<hbm>>
      %dma_wait3A_1290 = arith.constant 0 : i32
      %dma_wait3A_1291 = arith.constant 0 : i32
      %dma_wait3A_1292 = tpu.memref_slice %arg7[%arg1, %dma_wait3A_1287, %dma_wait3A_1290, %dma_wait3A_1291] : memref<16x2x64x128xf32, #tpu.memory_space<vmem_shared>> -> memref<1x1x64x128xf32, #tpu.memory_space<vmem_shared>>
      %dma_wait3A_1293 = tpu.memref_squeeze %dma_wait3A_1292 : memref<1x1x64x128xf32, #tpu.memory_space<vmem_shared>> -> memref<64x128xf32, #tpu.memory_space<vmem_shared>>
      tpu.wait_dma2 semaphore(%arg9 : memref<!tpu.dma_semaphore, #tpu.memory_space<semaphore_mem>>) src(%dma_wait3A_1293 : memref<64x128xf32, #tpu.memory_space<vmem_shared>>) dst(%dma_wait3A_1289 : memref<64x128xf32, #tpu.memory_space<hbm>>)
      %run_scoped3A_1294 = arith.constant 2 : i32
      %run_scoped3A_1295 = arith.constant 1 : i32
      "tpu.region"() ({
        %run_scoped3A_1438 = tpu.sem_alloc : memref<!tpu.dma_semaphore, #tpu.memory_space<semaphore_mem>>
        %dma_start3A_1439 = arith.constant 64 : i32
        %dma_start3A_1440 = arith.constant 0 : i32
        %dma_start3A_1441 = tpu.memref_slice %arg6[%run_scoped3A_1294, %dma_start3A_1439, %dma_start3A_1440] : memref<5x128x128xf32, #tpu.memory_space<vmem>> -> memref<1x64x128xf32, #tpu.memory_space<vmem>>
        %dma_start3A_1442 = tpu.memref_squeeze %dma_start3A_1441 : memref<1x64x128xf32, #tpu.memory_space<vmem>> -> memref<64x128xf32, #tpu.memory_space<vmem>>
        %dma_start3A_1443 = arith.constant 0 : i32
        %dma_start3A_1444 = arith.constant 0 : i32
        %dma_start3A_1445 = tpu.memref_slice %arg7[%arg1, %run_scoped3A_1295, %dma_start3A_1443, %dma_start3A_1444] : memref<16x2x64x128xf32, #tpu.memory_space<vmem_shared>> -> memref<1x1x64x128xf32, #tpu.memory_space<vmem_shared>>
        %dma_start3A_1446 = tpu.memref_squeeze %dma_start3A_1445 : memref<1x1x64x128xf32, #tpu.memory_space<vmem_shared>> -> memref<64x128xf32, #tpu.memory_space<vmem_shared>>
        %dma_start3A_1447 = arith.constant 0 : i32
        %dma_start3A_1448 = arith.constant 0 : i32
        %dma_start3A_1449 = tpu.memref_slice %arg7[%arg1, %run_scoped3A_1295, %dma_start3A_1447, %dma_start3A_1448] : memref<16x2x64x128xf32, #tpu.memory_space<vmem_shared>> -> memref<1x1x64x128xf32, #tpu.memory_space<vmem_shared>>
        %dma_start3A_1450 = tpu.memref_squeeze %dma_start3A_1449 : memref<1x1x64x128xf32, #tpu.memory_space<vmem_shared>> -> memref<64x128xf32, #tpu.memory_space<vmem_shared>>
        %dma_start3A_1451 = arith.constant 64 : i32
        %dma_start3A_1452 = arith.constant 0 : i32
        %dma_start3A_1453 = tpu.memref_slice %arg6[%run_scoped3A_1294, %dma_start3A_1451, %dma_start3A_1452] : memref<5x128x128xf32, #tpu.memory_space<vmem>> -> memref<1x64x128xf32, #tpu.memory_space<vmem>>
        %dma_start3A_1454 = tpu.memref_squeeze %dma_start3A_1453 : memref<1x64x128xf32, #tpu.memory_space<vmem>> -> memref<64x128xf32, #tpu.memory_space<vmem>>
        tpu.enqueue_dma source(%dma_start3A_1454 : memref<64x128xf32, #tpu.memory_space<vmem>>) target(%dma_start3A_1450 : memref<64x128xf32, #tpu.memory_space<vmem_shared>>) target_semaphore(%run_scoped3A_1438 : memref<!tpu.dma_semaphore, #tpu.memory_space<semaphore_mem>>)
        %dma_wait3A_1455 = arith.constant 64 : i32
        %dma_wait3A_1456 = arith.constant 0 : i32
        %dma_wait3A_1457 = tpu.memref_slice %arg6[%run_scoped3A_1294, %dma_wait3A_1455, %dma_wait3A_1456] : memref<5x128x128xf32, #tpu.memory_space<vmem>> -> memref<1x64x128xf32, #tpu.memory_space<vmem>>
        %dma_wait3A_1458 = tpu.memref_squeeze %dma_wait3A_1457 : memref<1x64x128xf32, #tpu.memory_space<vmem>> -> memref<64x128xf32, #tpu.memory_space<vmem>>
        %dma_wait3A_1459 = arith.constant 0 : i32
        %dma_wait3A_1460 = arith.constant 0 : i32
        %dma_wait3A_1461 = tpu.memref_slice %arg7[%arg1, %run_scoped3A_1295, %dma_wait3A_1459, %dma_wait3A_1460] : memref<16x2x64x128xf32, #tpu.memory_space<vmem_shared>> -> memref<1x1x64x128xf32, #tpu.memory_space<vmem_shared>>
        %dma_wait3A_1462 = tpu.memref_squeeze %dma_wait3A_1461 : memref<1x1x64x128xf32, #tpu.memory_space<vmem_shared>> -> memref<64x128xf32, #tpu.memory_space<vmem_shared>>
        %dma_wait3A_1463 = arith.constant 0 : i32
        %dma_wait3A_1464 = arith.constant 0 : i32
        %dma_wait3A_1465 = tpu.memref_slice %arg7[%arg1, %run_scoped3A_1295, %dma_wait3A_1463, %dma_wait3A_1464] : memref<16x2x64x128xf32, #tpu.memory_space<vmem_shared>> -> memref<1x1x64x128xf32, #tpu.memory_space<vmem_shared>>
        %dma_wait3A_1466 = tpu.memref_squeeze %dma_wait3A_1465 : memref<1x1x64x128xf32, #tpu.memory_space<vmem_shared>> -> memref<64x128xf32, #tpu.memory_space<vmem_shared>>
        %dma_wait3A_1467 = arith.constant 64 : i32
        %dma_wait3A_1468 = arith.constant 0 : i32
        %dma_wait3A_1469 = tpu.memref_slice %arg6[%run_scoped3A_1294, %dma_wait3A_1467, %dma_wait3A_1468] : memref<5x128x128xf32, #tpu.memory_space<vmem>> -> memref<1x64x128xf32, #tpu.memory_space<vmem>>
        %dma_wait3A_1470 = tpu.memref_squeeze %dma_wait3A_1469 : memref<1x64x128xf32, #tpu.memory_space<vmem>> -> memref<64x128xf32, #tpu.memory_space<vmem>>
        tpu.wait_dma2 semaphore(%run_scoped3A_1438 : memref<!tpu.dma_semaphore, #tpu.memory_space<semaphore_mem>>) src(%dma_wait3A_1470 : memref<64x128xf32, #tpu.memory_space<vmem>>) dst(%dma_wait3A_1466 : memref<64x128xf32, #tpu.memory_space<vmem_shared>>)
        tpu.yield
      }) : () -> ()
      %add3A_1296 = arith.addi %mul3A_2, %mul3A_10 : i32
      %add3A_1297 = arith.constant 17 : i32
      %add3A_1298 = arith.addi %add3A_1296, %add3A_1297 : i32
      %mul3A_1299 = arith.constant 128 : i32
      %mul3A_1300 = arith.muli %add3A_1298, %mul3A_1299 : i32
      %add3A_1301 = arith.constant 64 : i32
      %add3A_1302 = arith.addi %mul3A_1300, %add3A_1301 : i32
      %dma_start3A_1303 = arith.constant 1 : i32
      %dma_start3A_1304 = arith.constant 0 : i32
      %dma_start3A_1305 = tpu.memref_slice %arg4[%add3A_1302, %dma_start3A_1304] : memref<819200x128xf32, #tpu.memory_space<hbm>> -> memref<64x128xf32, #tpu.memory_space<hbm>>
      %dma_start3A_1306 = arith.constant 0 : i32
      %dma_start3A_1307 = arith.constant 0 : i32
      %dma_start3A_1308 = tpu.memref_slice %arg7[%arg1, %dma_start3A_1303, %dma_start3A_1306, %dma_start3A_1307] : memref<16x2x64x128xf32, #tpu.memory_space<vmem_shared>> -> memref<1x1x64x128xf32, #tpu.memory_space<vmem_shared>>
      %dma_start3A_1309 = tpu.memref_squeeze %dma_start3A_1308 : memref<1x1x64x128xf32, #tpu.memory_space<vmem_shared>> -> memref<64x128xf32, #tpu.memory_space<vmem_shared>>
      tpu.enqueue_dma source(%dma_start3A_1309 : memref<64x128xf32, #tpu.memory_space<vmem_shared>>) target(%dma_start3A_1305 : memref<64x128xf32, #tpu.memory_space<hbm>>) target_semaphore(%arg9 : memref<!tpu.dma_semaphore, #tpu.memory_space<semaphore_mem>>)
      %dma_wait3A_1310 = arith.constant 3 : i32
      %dma_wait3A_1311 = arith.constant 0 : i32
      %dma_wait3A_1312 = arith.constant 0 : i32
      %dma_wait3A_1313 = tpu.memref_slice %arg6[%dma_wait3A_1310, %dma_wait3A_1311, %dma_wait3A_1312] : memref<5x128x128xf32, #tpu.memory_space<vmem>> -> memref<1x128x128xf32, #tpu.memory_space<vmem>>
      %dma_wait3A_1314 = tpu.memref_squeeze %dma_wait3A_1313 : memref<1x128x128xf32, #tpu.memory_space<vmem>> -> memref<128x128xf32, #tpu.memory_space<vmem>>
      %dma_wait3A_1315 = arith.constant 0 : i32
      %dma_wait3A_1316 = tpu.memref_slice %arg5[%add3A_1055, %dma_wait3A_1315] : memref<200x128xi32, #tpu.memory_space<vmem>> -> memref<1x128xi32, #tpu.memory_space<vmem>>
      %dma_wait3A_1317 = tpu.memref_squeeze %dma_wait3A_1316 : memref<1x128xi32, #tpu.memory_space<vmem>> -> memref<128xi32, #tpu.memory_space<vmem>>
      %dma_wait3A_1318 = arith.constant 0 : i32
      %dma_wait3A_1319 = arith.constant 0 : i32
      %dma_wait3A_1320 = tpu.memref_slice %arg2[%dma_wait3A_1318, %dma_wait3A_1319] : memref<100000x128xf32, #tpu.memory_space<hbm>> -> memref<100000x128xf32, #tpu.memory_space<hbm>>
      tpu.wait_indirect_dma semaphore(%arg13 : memref<!tpu.dma_semaphore, #tpu.memory_space<semaphore_mem>>) src(%dma_wait3A_1320 : memref<100000x128xf32, #tpu.memory_space<hbm>>) dst(%dma_wait3A_1314 : memref<128x128xf32, #tpu.memory_space<vmem>>)
      %dma_wait3A_1321 = arith.constant 0 : i32
      %dma_wait3A_1322 = arith.constant 0 : i32
      %dma_wait3A_1323 = tpu.memref_slice %arg4[%add3A_1279, %dma_wait3A_1322] : memref<819200x128xf32, #tpu.memory_space<hbm>> -> memref<64x128xf32, #tpu.memory_space<hbm>>
      %dma_wait3A_1324 = arith.constant 0 : i32
      %dma_wait3A_1325 = arith.constant 0 : i32
      %dma_wait3A_1326 = tpu.memref_slice %arg7[%arg1, %dma_wait3A_1321, %dma_wait3A_1324, %dma_wait3A_1325] : memref<16x2x64x128xf32, #tpu.memory_space<vmem_shared>> -> memref<1x1x64x128xf32, #tpu.memory_space<vmem_shared>>
      %dma_wait3A_1327 = tpu.memref_squeeze %dma_wait3A_1326 : memref<1x1x64x128xf32, #tpu.memory_space<vmem_shared>> -> memref<64x128xf32, #tpu.memory_space<vmem_shared>>
      tpu.wait_dma2 semaphore(%arg8 : memref<!tpu.dma_semaphore, #tpu.memory_space<semaphore_mem>>) src(%dma_wait3A_1327 : memref<64x128xf32, #tpu.memory_space<vmem_shared>>) dst(%dma_wait3A_1323 : memref<64x128xf32, #tpu.memory_space<hbm>>)
      %run_scoped3A_1328 = arith.constant 3 : i32
      %run_scoped3A_1329 = arith.constant 0 : i32
      "tpu.region"() ({
        %run_scoped3A_1438 = tpu.sem_alloc : memref<!tpu.dma_semaphore, #tpu.memory_space<semaphore_mem>>
        %dma_start3A_1439 = arith.constant 0 : i32
        %dma_start3A_1440 = arith.constant 0 : i32
        %dma_start3A_1441 = tpu.memref_slice %arg6[%run_scoped3A_1328, %dma_start3A_1439, %dma_start3A_1440] : memref<5x128x128xf32, #tpu.memory_space<vmem>> -> memref<1x64x128xf32, #tpu.memory_space<vmem>>
        %dma_start3A_1442 = tpu.memref_squeeze %dma_start3A_1441 : memref<1x64x128xf32, #tpu.memory_space<vmem>> -> memref<64x128xf32, #tpu.memory_space<vmem>>
        %dma_start3A_1443 = arith.constant 0 : i32
        %dma_start3A_1444 = arith.constant 0 : i32
        %dma_start3A_1445 = tpu.memref_slice %arg7[%arg1, %run_scoped3A_1329, %dma_start3A_1443, %dma_start3A_1444] : memref<16x2x64x128xf32, #tpu.memory_space<vmem_shared>> -> memref<1x1x64x128xf32, #tpu.memory_space<vmem_shared>>
        %dma_start3A_1446 = tpu.memref_squeeze %dma_start3A_1445 : memref<1x1x64x128xf32, #tpu.memory_space<vmem_shared>> -> memref<64x128xf32, #tpu.memory_space<vmem_shared>>
        %dma_start3A_1447 = arith.constant 0 : i32
        %dma_start3A_1448 = arith.constant 0 : i32
        %dma_start3A_1449 = tpu.memref_slice %arg7[%arg1, %run_scoped3A_1329, %dma_start3A_1447, %dma_start3A_1448] : memref<16x2x64x128xf32, #tpu.memory_space<vmem_shared>> -> memref<1x1x64x128xf32, #tpu.memory_space<vmem_shared>>
        %dma_start3A_1450 = tpu.memref_squeeze %dma_start3A_1449 : memref<1x1x64x128xf32, #tpu.memory_space<vmem_shared>> -> memref<64x128xf32, #tpu.memory_space<vmem_shared>>
        %dma_start3A_1451 = arith.constant 0 : i32
        %dma_start3A_1452 = arith.constant 0 : i32
        %dma_start3A_1453 = tpu.memref_slice %arg6[%run_scoped3A_1328, %dma_start3A_1451, %dma_start3A_1452] : memref<5x128x128xf32, #tpu.memory_space<vmem>> -> memref<1x64x128xf32, #tpu.memory_space<vmem>>
        %dma_start3A_1454 = tpu.memref_squeeze %dma_start3A_1453 : memref<1x64x128xf32, #tpu.memory_space<vmem>> -> memref<64x128xf32, #tpu.memory_space<vmem>>
        tpu.enqueue_dma source(%dma_start3A_1454 : memref<64x128xf32, #tpu.memory_space<vmem>>) target(%dma_start3A_1450 : memref<64x128xf32, #tpu.memory_space<vmem_shared>>) target_semaphore(%run_scoped3A_1438 : memref<!tpu.dma_semaphore, #tpu.memory_space<semaphore_mem>>)
        %dma_wait3A_1455 = arith.constant 0 : i32
        %dma_wait3A_1456 = arith.constant 0 : i32
        %dma_wait3A_1457 = tpu.memref_slice %arg6[%run_scoped3A_1328, %dma_wait3A_1455, %dma_wait3A_1456] : memref<5x128x128xf32, #tpu.memory_space<vmem>> -> memref<1x64x128xf32, #tpu.memory_space<vmem>>
        %dma_wait3A_1458 = tpu.memref_squeeze %dma_wait3A_1457 : memref<1x64x128xf32, #tpu.memory_space<vmem>> -> memref<64x128xf32, #tpu.memory_space<vmem>>
        %dma_wait3A_1459 = arith.constant 0 : i32
        %dma_wait3A_1460 = arith.constant 0 : i32
        %dma_wait3A_1461 = tpu.memref_slice %arg7[%arg1, %run_scoped3A_1329, %dma_wait3A_1459, %dma_wait3A_1460] : memref<16x2x64x128xf32, #tpu.memory_space<vmem_shared>> -> memref<1x1x64x128xf32, #tpu.memory_space<vmem_shared>>
        %dma_wait3A_1462 = tpu.memref_squeeze %dma_wait3A_1461 : memref<1x1x64x128xf32, #tpu.memory_space<vmem_shared>> -> memref<64x128xf32, #tpu.memory_space<vmem_shared>>
        %dma_wait3A_1463 = arith.constant 0 : i32
        %dma_wait3A_1464 = arith.constant 0 : i32
        %dma_wait3A_1465 = tpu.memref_slice %arg7[%arg1, %run_scoped3A_1329, %dma_wait3A_1463, %dma_wait3A_1464] : memref<16x2x64x128xf32, #tpu.memory_space<vmem_shared>> -> memref<1x1x64x128xf32, #tpu.memory_space<vmem_shared>>
        %dma_wait3A_1466 = tpu.memref_squeeze %dma_wait3A_1465 : memref<1x1x64x128xf32, #tpu.memory_space<vmem_shared>> -> memref<64x128xf32, #tpu.memory_space<vmem_shared>>
        %dma_wait3A_1467 = arith.constant 0 : i32
        %dma_wait3A_1468 = arith.constant 0 : i32
        %dma_wait3A_1469 = tpu.memref_slice %arg6[%run_scoped3A_1328, %dma_wait3A_1467, %dma_wait3A_1468] : memref<5x128x128xf32, #tpu.memory_space<vmem>> -> memref<1x64x128xf32, #tpu.memory_space<vmem>>
        %dma_wait3A_1470 = tpu.memref_squeeze %dma_wait3A_1469 : memref<1x64x128xf32, #tpu.memory_space<vmem>> -> memref<64x128xf32, #tpu.memory_space<vmem>>
        tpu.wait_dma2 semaphore(%run_scoped3A_1438 : memref<!tpu.dma_semaphore, #tpu.memory_space<semaphore_mem>>) src(%dma_wait3A_1470 : memref<64x128xf32, #tpu.memory_space<vmem>>) dst(%dma_wait3A_1466 : memref<64x128xf32, #tpu.memory_space<vmem_shared>>)
        tpu.yield
      }) : () -> ()
      %add3A_1330 = arith.addi %mul3A_2, %mul3A_10 : i32
      %add3A_1331 = arith.constant 18 : i32
      %add3A_1332 = arith.addi %add3A_1330, %add3A_1331 : i32
      %mul3A_1333 = arith.constant 128 : i32
      %mul3A_1334 = arith.muli %add3A_1332, %mul3A_1333 : i32
      %add3A_1335 = arith.constant 0 : i32
      %add3A_1336 = arith.addi %mul3A_1334, %add3A_1335 : i32
      %dma_start3A_1337 = arith.constant 0 : i32
      %dma_start3A_1338 = arith.constant 0 : i32
      %dma_start3A_1339 = tpu.memref_slice %arg4[%add3A_1336, %dma_start3A_1338] : memref<819200x128xf32, #tpu.memory_space<hbm>> -> memref<64x128xf32, #tpu.memory_space<hbm>>
      %dma_start3A_1340 = arith.constant 0 : i32
      %dma_start3A_1341 = arith.constant 0 : i32
      %dma_start3A_1342 = tpu.memref_slice %arg7[%arg1, %dma_start3A_1337, %dma_start3A_1340, %dma_start3A_1341] : memref<16x2x64x128xf32, #tpu.memory_space<vmem_shared>> -> memref<1x1x64x128xf32, #tpu.memory_space<vmem_shared>>
      %dma_start3A_1343 = tpu.memref_squeeze %dma_start3A_1342 : memref<1x1x64x128xf32, #tpu.memory_space<vmem_shared>> -> memref<64x128xf32, #tpu.memory_space<vmem_shared>>
      tpu.enqueue_dma source(%dma_start3A_1343 : memref<64x128xf32, #tpu.memory_space<vmem_shared>>) target(%dma_start3A_1339 : memref<64x128xf32, #tpu.memory_space<hbm>>) target_semaphore(%arg8 : memref<!tpu.dma_semaphore, #tpu.memory_space<semaphore_mem>>)
      %dma_wait3A_1344 = arith.constant 1 : i32
      %dma_wait3A_1345 = arith.constant 0 : i32
      %dma_wait3A_1346 = tpu.memref_slice %arg4[%add3A_1302, %dma_wait3A_1345] : memref<819200x128xf32, #tpu.memory_space<hbm>> -> memref<64x128xf32, #tpu.memory_space<hbm>>
      %dma_wait3A_1347 = arith.constant 0 : i32
      %dma_wait3A_1348 = arith.constant 0 : i32
      %dma_wait3A_1349 = tpu.memref_slice %arg7[%arg1, %dma_wait3A_1344, %dma_wait3A_1347, %dma_wait3A_1348] : memref<16x2x64x128xf32, #tpu.memory_space<vmem_shared>> -> memref<1x1x64x128xf32, #tpu.memory_space<vmem_shared>>
      %dma_wait3A_1350 = tpu.memref_squeeze %dma_wait3A_1349 : memref<1x1x64x128xf32, #tpu.memory_space<vmem_shared>> -> memref<64x128xf32, #tpu.memory_space<vmem_shared>>
      tpu.wait_dma2 semaphore(%arg9 : memref<!tpu.dma_semaphore, #tpu.memory_space<semaphore_mem>>) src(%dma_wait3A_1350 : memref<64x128xf32, #tpu.memory_space<vmem_shared>>) dst(%dma_wait3A_1346 : memref<64x128xf32, #tpu.memory_space<hbm>>)
      %run_scoped3A_1351 = arith.constant 3 : i32
      %run_scoped3A_1352 = arith.constant 1 : i32
      "tpu.region"() ({
        %run_scoped3A_1438 = tpu.sem_alloc : memref<!tpu.dma_semaphore, #tpu.memory_space<semaphore_mem>>
        %dma_start3A_1439 = arith.constant 64 : i32
        %dma_start3A_1440 = arith.constant 0 : i32
        %dma_start3A_1441 = tpu.memref_slice %arg6[%run_scoped3A_1351, %dma_start3A_1439, %dma_start3A_1440] : memref<5x128x128xf32, #tpu.memory_space<vmem>> -> memref<1x64x128xf32, #tpu.memory_space<vmem>>
        %dma_start3A_1442 = tpu.memref_squeeze %dma_start3A_1441 : memref<1x64x128xf32, #tpu.memory_space<vmem>> -> memref<64x128xf32, #tpu.memory_space<vmem>>
        %dma_start3A_1443 = arith.constant 0 : i32
        %dma_start3A_1444 = arith.constant 0 : i32
        %dma_start3A_1445 = tpu.memref_slice %arg7[%arg1, %run_scoped3A_1352, %dma_start3A_1443, %dma_start3A_1444] : memref<16x2x64x128xf32, #tpu.memory_space<vmem_shared>> -> memref<1x1x64x128xf32, #tpu.memory_space<vmem_shared>>
        %dma_start3A_1446 = tpu.memref_squeeze %dma_start3A_1445 : memref<1x1x64x128xf32, #tpu.memory_space<vmem_shared>> -> memref<64x128xf32, #tpu.memory_space<vmem_shared>>
        %dma_start3A_1447 = arith.constant 0 : i32
        %dma_start3A_1448 = arith.constant 0 : i32
        %dma_start3A_1449 = tpu.memref_slice %arg7[%arg1, %run_scoped3A_1352, %dma_start3A_1447, %dma_start3A_1448] : memref<16x2x64x128xf32, #tpu.memory_space<vmem_shared>> -> memref<1x1x64x128xf32, #tpu.memory_space<vmem_shared>>
        %dma_start3A_1450 = tpu.memref_squeeze %dma_start3A_1449 : memref<1x1x64x128xf32, #tpu.memory_space<vmem_shared>> -> memref<64x128xf32, #tpu.memory_space<vmem_shared>>
        %dma_start3A_1451 = arith.constant 64 : i32
        %dma_start3A_1452 = arith.constant 0 : i32
        %dma_start3A_1453 = tpu.memref_slice %arg6[%run_scoped3A_1351, %dma_start3A_1451, %dma_start3A_1452] : memref<5x128x128xf32, #tpu.memory_space<vmem>> -> memref<1x64x128xf32, #tpu.memory_space<vmem>>
        %dma_start3A_1454 = tpu.memref_squeeze %dma_start3A_1453 : memref<1x64x128xf32, #tpu.memory_space<vmem>> -> memref<64x128xf32, #tpu.memory_space<vmem>>
        tpu.enqueue_dma source(%dma_start3A_1454 : memref<64x128xf32, #tpu.memory_space<vmem>>) target(%dma_start3A_1450 : memref<64x128xf32, #tpu.memory_space<vmem_shared>>) target_semaphore(%run_scoped3A_1438 : memref<!tpu.dma_semaphore, #tpu.memory_space<semaphore_mem>>)
        %dma_wait3A_1455 = arith.constant 64 : i32
        %dma_wait3A_1456 = arith.constant 0 : i32
        %dma_wait3A_1457 = tpu.memref_slice %arg6[%run_scoped3A_1351, %dma_wait3A_1455, %dma_wait3A_1456] : memref<5x128x128xf32, #tpu.memory_space<vmem>> -> memref<1x64x128xf32, #tpu.memory_space<vmem>>
        %dma_wait3A_1458 = tpu.memref_squeeze %dma_wait3A_1457 : memref<1x64x128xf32, #tpu.memory_space<vmem>> -> memref<64x128xf32, #tpu.memory_space<vmem>>
        %dma_wait3A_1459 = arith.constant 0 : i32
        %dma_wait3A_1460 = arith.constant 0 : i32
        %dma_wait3A_1461 = tpu.memref_slice %arg7[%arg1, %run_scoped3A_1352, %dma_wait3A_1459, %dma_wait3A_1460] : memref<16x2x64x128xf32, #tpu.memory_space<vmem_shared>> -> memref<1x1x64x128xf32, #tpu.memory_space<vmem_shared>>
        %dma_wait3A_1462 = tpu.memref_squeeze %dma_wait3A_1461 : memref<1x1x64x128xf32, #tpu.memory_space<vmem_shared>> -> memref<64x128xf32, #tpu.memory_space<vmem_shared>>
        %dma_wait3A_1463 = arith.constant 0 : i32
        %dma_wait3A_1464 = arith.constant 0 : i32
        %dma_wait3A_1465 = tpu.memref_slice %arg7[%arg1, %run_scoped3A_1352, %dma_wait3A_1463, %dma_wait3A_1464] : memref<16x2x64x128xf32, #tpu.memory_space<vmem_shared>> -> memref<1x1x64x128xf32, #tpu.memory_space<vmem_shared>>
        %dma_wait3A_1466 = tpu.memref_squeeze %dma_wait3A_1465 : memref<1x1x64x128xf32, #tpu.memory_space<vmem_shared>> -> memref<64x128xf32, #tpu.memory_space<vmem_shared>>
        %dma_wait3A_1467 = arith.constant 64 : i32
        %dma_wait3A_1468 = arith.constant 0 : i32
        %dma_wait3A_1469 = tpu.memref_slice %arg6[%run_scoped3A_1351, %dma_wait3A_1467, %dma_wait3A_1468] : memref<5x128x128xf32, #tpu.memory_space<vmem>> -> memref<1x64x128xf32, #tpu.memory_space<vmem>>
        %dma_wait3A_1470 = tpu.memref_squeeze %dma_wait3A_1469 : memref<1x64x128xf32, #tpu.memory_space<vmem>> -> memref<64x128xf32, #tpu.memory_space<vmem>>
        tpu.wait_dma2 semaphore(%run_scoped3A_1438 : memref<!tpu.dma_semaphore, #tpu.memory_space<semaphore_mem>>) src(%dma_wait3A_1470 : memref<64x128xf32, #tpu.memory_space<vmem>>) dst(%dma_wait3A_1466 : memref<64x128xf32, #tpu.memory_space<vmem_shared>>)
        tpu.yield
      }) : () -> ()
      %add3A_1353 = arith.addi %mul3A_2, %mul3A_10 : i32
      %add3A_1354 = arith.constant 18 : i32
      %add3A_1355 = arith.addi %add3A_1353, %add3A_1354 : i32
      %mul3A_1356 = arith.constant 128 : i32
      %mul3A_1357 = arith.muli %add3A_1355, %mul3A_1356 : i32
      %add3A_1358 = arith.constant 64 : i32
      %add3A_1359 = arith.addi %mul3A_1357, %add3A_1358 : i32
      %dma_start3A_1360 = arith.constant 1 : i32
      %dma_start3A_1361 = arith.constant 0 : i32
      %dma_start3A_1362 = tpu.memref_slice %arg4[%add3A_1359, %dma_start3A_1361] : memref<819200x128xf32, #tpu.memory_space<hbm>> -> memref<64x128xf32, #tpu.memory_space<hbm>>
      %dma_start3A_1363 = arith.constant 0 : i32
      %dma_start3A_1364 = arith.constant 0 : i32
      %dma_start3A_1365 = tpu.memref_slice %arg7[%arg1, %dma_start3A_1360, %dma_start3A_1363, %dma_start3A_1364] : memref<16x2x64x128xf32, #tpu.memory_space<vmem_shared>> -> memref<1x1x64x128xf32, #tpu.memory_space<vmem_shared>>
      %dma_start3A_1366 = tpu.memref_squeeze %dma_start3A_1365 : memref<1x1x64x128xf32, #tpu.memory_space<vmem_shared>> -> memref<64x128xf32, #tpu.memory_space<vmem_shared>>
      tpu.enqueue_dma source(%dma_start3A_1366 : memref<64x128xf32, #tpu.memory_space<vmem_shared>>) target(%dma_start3A_1362 : memref<64x128xf32, #tpu.memory_space<hbm>>) target_semaphore(%arg9 : memref<!tpu.dma_semaphore, #tpu.memory_space<semaphore_mem>>)
      %dma_wait3A_1367 = arith.constant 4 : i32
      %dma_wait3A_1368 = arith.constant 0 : i32
      %dma_wait3A_1369 = arith.constant 0 : i32
      %dma_wait3A_1370 = tpu.memref_slice %arg6[%dma_wait3A_1367, %dma_wait3A_1368, %dma_wait3A_1369] : memref<5x128x128xf32, #tpu.memory_space<vmem>> -> memref<1x128x128xf32, #tpu.memory_space<vmem>>
      %dma_wait3A_1371 = tpu.memref_squeeze %dma_wait3A_1370 : memref<1x128x128xf32, #tpu.memory_space<vmem>> -> memref<128x128xf32, #tpu.memory_space<vmem>>
      %dma_wait3A_1372 = arith.constant 0 : i32
      %dma_wait3A_1373 = tpu.memref_slice %arg5[%add3A_1127, %dma_wait3A_1372] : memref<200x128xi32, #tpu.memory_space<vmem>> -> memref<1x128xi32, #tpu.memory_space<vmem>>
      %dma_wait3A_1374 = tpu.memref_squeeze %dma_wait3A_1373 : memref<1x128xi32, #tpu.memory_space<vmem>> -> memref<128xi32, #tpu.memory_space<vmem>>
      %dma_wait3A_1375 = arith.constant 0 : i32
      %dma_wait3A_1376 = arith.constant 0 : i32
      %dma_wait3A_1377 = tpu.memref_slice %arg2[%dma_wait3A_1375, %dma_wait3A_1376] : memref<100000x128xf32, #tpu.memory_space<hbm>> -> memref<100000x128xf32, #tpu.memory_space<hbm>>
      tpu.wait_indirect_dma semaphore(%arg14 : memref<!tpu.dma_semaphore, #tpu.memory_space<semaphore_mem>>) src(%dma_wait3A_1377 : memref<100000x128xf32, #tpu.memory_space<hbm>>) dst(%dma_wait3A_1371 : memref<128x128xf32, #tpu.memory_space<vmem>>)
      %dma_wait3A_1378 = arith.constant 0 : i32
      %dma_wait3A_1379 = arith.constant 0 : i32
      %dma_wait3A_1380 = tpu.memref_slice %arg4[%add3A_1336, %dma_wait3A_1379] : memref<819200x128xf32, #tpu.memory_space<hbm>> -> memref<64x128xf32, #tpu.memory_space<hbm>>
      %dma_wait3A_1381 = arith.constant 0 : i32
      %dma_wait3A_1382 = arith.constant 0 : i32
      %dma_wait3A_1383 = tpu.memref_slice %arg7[%arg1, %dma_wait3A_1378, %dma_wait3A_1381, %dma_wait3A_1382] : memref<16x2x64x128xf32, #tpu.memory_space<vmem_shared>> -> memref<1x1x64x128xf32, #tpu.memory_space<vmem_shared>>
      %dma_wait3A_1384 = tpu.memref_squeeze %dma_wait3A_1383 : memref<1x1x64x128xf32, #tpu.memory_space<vmem_shared>> -> memref<64x128xf32, #tpu.memory_space<vmem_shared>>
      tpu.wait_dma2 semaphore(%arg8 : memref<!tpu.dma_semaphore, #tpu.memory_space<semaphore_mem>>) src(%dma_wait3A_1384 : memref<64x128xf32, #tpu.memory_space<vmem_shared>>) dst(%dma_wait3A_1380 : memref<64x128xf32, #tpu.memory_space<hbm>>)
      %run_scoped3A_1385 = arith.constant 4 : i32
      %run_scoped3A_1386 = arith.constant 0 : i32
      "tpu.region"() ({
        %run_scoped3A_1438 = tpu.sem_alloc : memref<!tpu.dma_semaphore, #tpu.memory_space<semaphore_mem>>
        %dma_start3A_1439 = arith.constant 0 : i32
        %dma_start3A_1440 = arith.constant 0 : i32
        %dma_start3A_1441 = tpu.memref_slice %arg6[%run_scoped3A_1385, %dma_start3A_1439, %dma_start3A_1440] : memref<5x128x128xf32, #tpu.memory_space<vmem>> -> memref<1x64x128xf32, #tpu.memory_space<vmem>>
        %dma_start3A_1442 = tpu.memref_squeeze %dma_start3A_1441 : memref<1x64x128xf32, #tpu.memory_space<vmem>> -> memref<64x128xf32, #tpu.memory_space<vmem>>
        %dma_start3A_1443 = arith.constant 0 : i32
        %dma_start3A_1444 = arith.constant 0 : i32
        %dma_start3A_1445 = tpu.memref_slice %arg7[%arg1, %run_scoped3A_1386, %dma_start3A_1443, %dma_start3A_1444] : memref<16x2x64x128xf32, #tpu.memory_space<vmem_shared>> -> memref<1x1x64x128xf32, #tpu.memory_space<vmem_shared>>
        %dma_start3A_1446 = tpu.memref_squeeze %dma_start3A_1445 : memref<1x1x64x128xf32, #tpu.memory_space<vmem_shared>> -> memref<64x128xf32, #tpu.memory_space<vmem_shared>>
        %dma_start3A_1447 = arith.constant 0 : i32
        %dma_start3A_1448 = arith.constant 0 : i32
        %dma_start3A_1449 = tpu.memref_slice %arg7[%arg1, %run_scoped3A_1386, %dma_start3A_1447, %dma_start3A_1448] : memref<16x2x64x128xf32, #tpu.memory_space<vmem_shared>> -> memref<1x1x64x128xf32, #tpu.memory_space<vmem_shared>>
        %dma_start3A_1450 = tpu.memref_squeeze %dma_start3A_1449 : memref<1x1x64x128xf32, #tpu.memory_space<vmem_shared>> -> memref<64x128xf32, #tpu.memory_space<vmem_shared>>
        %dma_start3A_1451 = arith.constant 0 : i32
        %dma_start3A_1452 = arith.constant 0 : i32
        %dma_start3A_1453 = tpu.memref_slice %arg6[%run_scoped3A_1385, %dma_start3A_1451, %dma_start3A_1452] : memref<5x128x128xf32, #tpu.memory_space<vmem>> -> memref<1x64x128xf32, #tpu.memory_space<vmem>>
        %dma_start3A_1454 = tpu.memref_squeeze %dma_start3A_1453 : memref<1x64x128xf32, #tpu.memory_space<vmem>> -> memref<64x128xf32, #tpu.memory_space<vmem>>
        tpu.enqueue_dma source(%dma_start3A_1454 : memref<64x128xf32, #tpu.memory_space<vmem>>) target(%dma_start3A_1450 : memref<64x128xf32, #tpu.memory_space<vmem_shared>>) target_semaphore(%run_scoped3A_1438 : memref<!tpu.dma_semaphore, #tpu.memory_space<semaphore_mem>>)
        %dma_wait3A_1455 = arith.constant 0 : i32
        %dma_wait3A_1456 = arith.constant 0 : i32
        %dma_wait3A_1457 = tpu.memref_slice %arg6[%run_scoped3A_1385, %dma_wait3A_1455, %dma_wait3A_1456] : memref<5x128x128xf32, #tpu.memory_space<vmem>> -> memref<1x64x128xf32, #tpu.memory_space<vmem>>
        %dma_wait3A_1458 = tpu.memref_squeeze %dma_wait3A_1457 : memref<1x64x128xf32, #tpu.memory_space<vmem>> -> memref<64x128xf32, #tpu.memory_space<vmem>>
        %dma_wait3A_1459 = arith.constant 0 : i32
        %dma_wait3A_1460 = arith.constant 0 : i32
        %dma_wait3A_1461 = tpu.memref_slice %arg7[%arg1, %run_scoped3A_1386, %dma_wait3A_1459, %dma_wait3A_1460] : memref<16x2x64x128xf32, #tpu.memory_space<vmem_shared>> -> memref<1x1x64x128xf32, #tpu.memory_space<vmem_shared>>
        %dma_wait3A_1462 = tpu.memref_squeeze %dma_wait3A_1461 : memref<1x1x64x128xf32, #tpu.memory_space<vmem_shared>> -> memref<64x128xf32, #tpu.memory_space<vmem_shared>>
        %dma_wait3A_1463 = arith.constant 0 : i32
        %dma_wait3A_1464 = arith.constant 0 : i32
        %dma_wait3A_1465 = tpu.memref_slice %arg7[%arg1, %run_scoped3A_1386, %dma_wait3A_1463, %dma_wait3A_1464] : memref<16x2x64x128xf32, #tpu.memory_space<vmem_shared>> -> memref<1x1x64x128xf32, #tpu.memory_space<vmem_shared>>
        %dma_wait3A_1466 = tpu.memref_squeeze %dma_wait3A_1465 : memref<1x1x64x128xf32, #tpu.memory_space<vmem_shared>> -> memref<64x128xf32, #tpu.memory_space<vmem_shared>>
        %dma_wait3A_1467 = arith.constant 0 : i32
        %dma_wait3A_1468 = arith.constant 0 : i32
        %dma_wait3A_1469 = tpu.memref_slice %arg6[%run_scoped3A_1385, %dma_wait3A_1467, %dma_wait3A_1468] : memref<5x128x128xf32, #tpu.memory_space<vmem>> -> memref<1x64x128xf32, #tpu.memory_space<vmem>>
        %dma_wait3A_1470 = tpu.memref_squeeze %dma_wait3A_1469 : memref<1x64x128xf32, #tpu.memory_space<vmem>> -> memref<64x128xf32, #tpu.memory_space<vmem>>
        tpu.wait_dma2 semaphore(%run_scoped3A_1438 : memref<!tpu.dma_semaphore, #tpu.memory_space<semaphore_mem>>) src(%dma_wait3A_1470 : memref<64x128xf32, #tpu.memory_space<vmem>>) dst(%dma_wait3A_1466 : memref<64x128xf32, #tpu.memory_space<vmem_shared>>)
        tpu.yield
      }) : () -> ()
      %add3A_1387 = arith.addi %mul3A_2, %mul3A_10 : i32
      %add3A_1388 = arith.constant 19 : i32
      %add3A_1389 = arith.addi %add3A_1387, %add3A_1388 : i32
      %mul3A_1390 = arith.constant 128 : i32
      %mul3A_1391 = arith.muli %add3A_1389, %mul3A_1390 : i32
      %add3A_1392 = arith.constant 0 : i32
      %add3A_1393 = arith.addi %mul3A_1391, %add3A_1392 : i32
      %dma_start3A_1394 = arith.constant 0 : i32
      %dma_start3A_1395 = arith.constant 0 : i32
      %dma_start3A_1396 = tpu.memref_slice %arg4[%add3A_1393, %dma_start3A_1395] : memref<819200x128xf32, #tpu.memory_space<hbm>> -> memref<64x128xf32, #tpu.memory_space<hbm>>
      %dma_start3A_1397 = arith.constant 0 : i32
      %dma_start3A_1398 = arith.constant 0 : i32
      %dma_start3A_1399 = tpu.memref_slice %arg7[%arg1, %dma_start3A_1394, %dma_start3A_1397, %dma_start3A_1398] : memref<16x2x64x128xf32, #tpu.memory_space<vmem_shared>> -> memref<1x1x64x128xf32, #tpu.memory_space<vmem_shared>>
      %dma_start3A_1400 = tpu.memref_squeeze %dma_start3A_1399 : memref<1x1x64x128xf32, #tpu.memory_space<vmem_shared>> -> memref<64x128xf32, #tpu.memory_space<vmem_shared>>
      tpu.enqueue_dma source(%dma_start3A_1400 : memref<64x128xf32, #tpu.memory_space<vmem_shared>>) target(%dma_start3A_1396 : memref<64x128xf32, #tpu.memory_space<hbm>>) target_semaphore(%arg8 : memref<!tpu.dma_semaphore, #tpu.memory_space<semaphore_mem>>)
      %dma_wait3A_1401 = arith.constant 1 : i32
      %dma_wait3A_1402 = arith.constant 0 : i32
      %dma_wait3A_1403 = tpu.memref_slice %arg4[%add3A_1359, %dma_wait3A_1402] : memref<819200x128xf32, #tpu.memory_space<hbm>> -> memref<64x128xf32, #tpu.memory_space<hbm>>
      %dma_wait3A_1404 = arith.constant 0 : i32
      %dma_wait3A_1405 = arith.constant 0 : i32
      %dma_wait3A_1406 = tpu.memref_slice %arg7[%arg1, %dma_wait3A_1401, %dma_wait3A_1404, %dma_wait3A_1405] : memref<16x2x64x128xf32, #tpu.memory_space<vmem_shared>> -> memref<1x1x64x128xf32, #tpu.memory_space<vmem_shared>>
      %dma_wait3A_1407 = tpu.memref_squeeze %dma_wait3A_1406 : memref<1x1x64x128xf32, #tpu.memory_space<vmem_shared>> -> memref<64x128xf32, #tpu.memory_space<vmem_shared>>
      tpu.wait_dma2 semaphore(%arg9 : memref<!tpu.dma_semaphore, #tpu.memory_space<semaphore_mem>>) src(%dma_wait3A_1407 : memref<64x128xf32, #tpu.memory_space<vmem_shared>>) dst(%dma_wait3A_1403 : memref<64x128xf32, #tpu.memory_space<hbm>>)
      %run_scoped3A_1408 = arith.constant 4 : i32
      %run_scoped3A_1409 = arith.constant 1 : i32
      "tpu.region"() ({
        %run_scoped3A_1438 = tpu.sem_alloc : memref<!tpu.dma_semaphore, #tpu.memory_space<semaphore_mem>>
        %dma_start3A_1439 = arith.constant 64 : i32
        %dma_start3A_1440 = arith.constant 0 : i32
        %dma_start3A_1441 = tpu.memref_slice %arg6[%run_scoped3A_1408, %dma_start3A_1439, %dma_start3A_1440] : memref<5x128x128xf32, #tpu.memory_space<vmem>> -> memref<1x64x128xf32, #tpu.memory_space<vmem>>
        %dma_start3A_1442 = tpu.memref_squeeze %dma_start3A_1441 : memref<1x64x128xf32, #tpu.memory_space<vmem>> -> memref<64x128xf32, #tpu.memory_space<vmem>>
        %dma_start3A_1443 = arith.constant 0 : i32
        %dma_start3A_1444 = arith.constant 0 : i32
        %dma_start3A_1445 = tpu.memref_slice %arg7[%arg1, %run_scoped3A_1409, %dma_start3A_1443, %dma_start3A_1444] : memref<16x2x64x128xf32, #tpu.memory_space<vmem_shared>> -> memref<1x1x64x128xf32, #tpu.memory_space<vmem_shared>>
        %dma_start3A_1446 = tpu.memref_squeeze %dma_start3A_1445 : memref<1x1x64x128xf32, #tpu.memory_space<vmem_shared>> -> memref<64x128xf32, #tpu.memory_space<vmem_shared>>
        %dma_start3A_1447 = arith.constant 0 : i32
        %dma_start3A_1448 = arith.constant 0 : i32
        %dma_start3A_1449 = tpu.memref_slice %arg7[%arg1, %run_scoped3A_1409, %dma_start3A_1447, %dma_start3A_1448] : memref<16x2x64x128xf32, #tpu.memory_space<vmem_shared>> -> memref<1x1x64x128xf32, #tpu.memory_space<vmem_shared>>
        %dma_start3A_1450 = tpu.memref_squeeze %dma_start3A_1449 : memref<1x1x64x128xf32, #tpu.memory_space<vmem_shared>> -> memref<64x128xf32, #tpu.memory_space<vmem_shared>>
        %dma_start3A_1451 = arith.constant 64 : i32
        %dma_start3A_1452 = arith.constant 0 : i32
        %dma_start3A_1453 = tpu.memref_slice %arg6[%run_scoped3A_1408, %dma_start3A_1451, %dma_start3A_1452] : memref<5x128x128xf32, #tpu.memory_space<vmem>> -> memref<1x64x128xf32, #tpu.memory_space<vmem>>
        %dma_start3A_1454 = tpu.memref_squeeze %dma_start3A_1453 : memref<1x64x128xf32, #tpu.memory_space<vmem>> -> memref<64x128xf32, #tpu.memory_space<vmem>>
        tpu.enqueue_dma source(%dma_start3A_1454 : memref<64x128xf32, #tpu.memory_space<vmem>>) target(%dma_start3A_1450 : memref<64x128xf32, #tpu.memory_space<vmem_shared>>) target_semaphore(%run_scoped3A_1438 : memref<!tpu.dma_semaphore, #tpu.memory_space<semaphore_mem>>)
        %dma_wait3A_1455 = arith.constant 64 : i32
        %dma_wait3A_1456 = arith.constant 0 : i32
        %dma_wait3A_1457 = tpu.memref_slice %arg6[%run_scoped3A_1408, %dma_wait3A_1455, %dma_wait3A_1456] : memref<5x128x128xf32, #tpu.memory_space<vmem>> -> memref<1x64x128xf32, #tpu.memory_space<vmem>>
        %dma_wait3A_1458 = tpu.memref_squeeze %dma_wait3A_1457 : memref<1x64x128xf32, #tpu.memory_space<vmem>> -> memref<64x128xf32, #tpu.memory_space<vmem>>
        %dma_wait3A_1459 = arith.constant 0 : i32
        %dma_wait3A_1460 = arith.constant 0 : i32
        %dma_wait3A_1461 = tpu.memref_slice %arg7[%arg1, %run_scoped3A_1409, %dma_wait3A_1459, %dma_wait3A_1460] : memref<16x2x64x128xf32, #tpu.memory_space<vmem_shared>> -> memref<1x1x64x128xf32, #tpu.memory_space<vmem_shared>>
        %dma_wait3A_1462 = tpu.memref_squeeze %dma_wait3A_1461 : memref<1x1x64x128xf32, #tpu.memory_space<vmem_shared>> -> memref<64x128xf32, #tpu.memory_space<vmem_shared>>
        %dma_wait3A_1463 = arith.constant 0 : i32
        %dma_wait3A_1464 = arith.constant 0 : i32
        %dma_wait3A_1465 = tpu.memref_slice %arg7[%arg1, %run_scoped3A_1409, %dma_wait3A_1463, %dma_wait3A_1464] : memref<16x2x64x128xf32, #tpu.memory_space<vmem_shared>> -> memref<1x1x64x128xf32, #tpu.memory_space<vmem_shared>>
        %dma_wait3A_1466 = tpu.memref_squeeze %dma_wait3A_1465 : memref<1x1x64x128xf32, #tpu.memory_space<vmem_shared>> -> memref<64x128xf32, #tpu.memory_space<vmem_shared>>
        %dma_wait3A_1467 = arith.constant 64 : i32
        %dma_wait3A_1468 = arith.constant 0 : i32
        %dma_wait3A_1469 = tpu.memref_slice %arg6[%run_scoped3A_1408, %dma_wait3A_1467, %dma_wait3A_1468] : memref<5x128x128xf32, #tpu.memory_space<vmem>> -> memref<1x64x128xf32, #tpu.memory_space<vmem>>
        %dma_wait3A_1470 = tpu.memref_squeeze %dma_wait3A_1469 : memref<1x64x128xf32, #tpu.memory_space<vmem>> -> memref<64x128xf32, #tpu.memory_space<vmem>>
        tpu.wait_dma2 semaphore(%run_scoped3A_1438 : memref<!tpu.dma_semaphore, #tpu.memory_space<semaphore_mem>>) src(%dma_wait3A_1470 : memref<64x128xf32, #tpu.memory_space<vmem>>) dst(%dma_wait3A_1466 : memref<64x128xf32, #tpu.memory_space<vmem_shared>>)
        tpu.yield
      }) : () -> ()
      %add3A_1410 = arith.addi %mul3A_2, %mul3A_10 : i32
      %add3A_1411 = arith.constant 19 : i32
      %add3A_1412 = arith.addi %add3A_1410, %add3A_1411 : i32
      %mul3A_1413 = arith.constant 128 : i32
      %mul3A_1414 = arith.muli %add3A_1412, %mul3A_1413 : i32
      %add3A_1415 = arith.constant 64 : i32
      %add3A_1416 = arith.addi %mul3A_1414, %add3A_1415 : i32
      %dma_start3A_1417 = arith.constant 1 : i32
      %dma_start3A_1418 = arith.constant 0 : i32
      %dma_start3A_1419 = tpu.memref_slice %arg4[%add3A_1416, %dma_start3A_1418] : memref<819200x128xf32, #tpu.memory_space<hbm>> -> memref<64x128xf32, #tpu.memory_space<hbm>>
      %dma_start3A_1420 = arith.constant 0 : i32
      %dma_start3A_1421 = arith.constant 0 : i32
      %dma_start3A_1422 = tpu.memref_slice %arg7[%arg1, %dma_start3A_1417, %dma_start3A_1420, %dma_start3A_1421] : memref<16x2x64x128xf32, #tpu.memory_space<vmem_shared>> -> memref<1x1x64x128xf32, #tpu.memory_space<vmem_shared>>
      %dma_start3A_1423 = tpu.memref_squeeze %dma_start3A_1422 : memref<1x1x64x128xf32, #tpu.memory_space<vmem_shared>> -> memref<64x128xf32, #tpu.memory_space<vmem_shared>>
      tpu.enqueue_dma source(%dma_start3A_1423 : memref<64x128xf32, #tpu.memory_space<vmem_shared>>) target(%dma_start3A_1419 : memref<64x128xf32, #tpu.memory_space<hbm>>) target_semaphore(%arg9 : memref<!tpu.dma_semaphore, #tpu.memory_space<semaphore_mem>>)
      %dma_wait3A_1424 = arith.constant 0 : i32
      %dma_wait3A_1425 = arith.constant 0 : i32
      %dma_wait3A_1426 = tpu.memref_slice %arg4[%add3A_1393, %dma_wait3A_1425] : memref<819200x128xf32, #tpu.memory_space<hbm>> -> memref<64x128xf32, #tpu.memory_space<hbm>>
      %dma_wait3A_1427 = arith.constant 0 : i32
      %dma_wait3A_1428 = arith.constant 0 : i32
      %dma_wait3A_1429 = tpu.memref_slice %arg7[%arg1, %dma_wait3A_1424, %dma_wait3A_1427, %dma_wait3A_1428] : memref<16x2x64x128xf32, #tpu.memory_space<vmem_shared>> -> memref<1x1x64x128xf32, #tpu.memory_space<vmem_shared>>
      %dma_wait3A_1430 = tpu.memref_squeeze %dma_wait3A_1429 : memref<1x1x64x128xf32, #tpu.memory_space<vmem_shared>> -> memref<64x128xf32, #tpu.memory_space<vmem_shared>>
      tpu.wait_dma2 semaphore(%arg8 : memref<!tpu.dma_semaphore, #tpu.memory_space<semaphore_mem>>) src(%dma_wait3A_1430 : memref<64x128xf32, #tpu.memory_space<vmem_shared>>) dst(%dma_wait3A_1426 : memref<64x128xf32, #tpu.memory_space<hbm>>)
      %dma_wait3A_1431 = arith.constant 1 : i32
      %dma_wait3A_1432 = arith.constant 0 : i32
      %dma_wait3A_1433 = tpu.memref_slice %arg4[%add3A_1416, %dma_wait3A_1432] : memref<819200x128xf32, #tpu.memory_space<hbm>> -> memref<64x128xf32, #tpu.memory_space<hbm>>
      %dma_wait3A_1434 = arith.constant 0 : i32
      %dma_wait3A_1435 = arith.constant 0 : i32
      %dma_wait3A_1436 = tpu.memref_slice %arg7[%arg1, %dma_wait3A_1431, %dma_wait3A_1434, %dma_wait3A_1435] : memref<16x2x64x128xf32, #tpu.memory_space<vmem_shared>> -> memref<1x1x64x128xf32, #tpu.memory_space<vmem_shared>>
      %dma_wait3A_1437 = tpu.memref_squeeze %dma_wait3A_1436 : memref<1x1x64x128xf32, #tpu.memory_space<vmem_shared>> -> memref<64x128xf32, #tpu.memory_space<vmem_shared>>
      tpu.wait_dma2 semaphore(%arg9 : memref<!tpu.dma_semaphore, #tpu.memory_space<semaphore_mem>>) src(%dma_wait3A_1437 : memref<64x128xf32, #tpu.memory_space<vmem_shared>>) dst(%dma_wait3A_1433 : memref<64x128xf32, #tpu.memory_space<hbm>>)
    }
    %scan3A_7 = arith.constant 10 : i32
    return
  }
}

</mosaic_0001>

<sc_bundles>
// kernel: kernel.3.cloned.1.call-start
scs
__scs_entry_jumppad:
0x0: {  	(pc) =	sbr.rel $0x88, $3  }
0x1: {  	(tag) =	ssettag $0x0;
	lr =	simm.s32 $0x1  }
0x2: {  	[smem:$0x3F9F] =	sst lr;
	_ =	strace $0xD0000000  }
0x3: {  	_ = 	snop  }
0x4: {  	_ = 	snop  }
0x5: {  	_ = 	snop  }
0x6: {  	_ = 	snop  }
0x7: {  	_ = 	snop  }
__scs_overlays_trampoline_lowered:
0x8: {  	[smem:$0x3FAE] =	sst s0  }
0x9: {  	[smem:$0x3FAF] =	sst s1  }
0xa: {  	[smem:$0x3FB0] =	sst s2  }
0xb: {  	[smem:$0x3FB1] =	sst s3  }
0xc: {  	[smem:$0x3FB2] =	sst s4  }
0xd: {  	[smem:$0x3FB3] =	sst s5  }
0xe: {  	[smem:$0x3FB4] =	sst s6  }
0xf: {  	[smem:$0x3FB5] =	sst s7  }
0x10: {  	[smem:$0x3FB6] =	sst s8  }
0x11: {  	[smem:$0x3FB7] =	sst s9;
	s0 =	simm.s32 @!p0 $0x0  }
0x12: {  	s1 =	sld [smem:$0x3F9D];
	s0 =	simm.s32 @p0 $0x1  }
0x13: {  	[smem:$0x3FB8] =	sst s0;
	s0 =	simm.s32 @!p1 $0x0  }
0x14: {  	s2 =	sld [smem:$0x3F9C];
	s0 =	simm.s32 @p1 $0x1  }
0x15: {  	[smem:$0x3FB9] =	sst s0;
	s0 =	simm.s32 @!p2 $0x0  }
0x16: {  	s3 =	sld [smem:$0x3FDB];
	s0 =	simm.s32 @p2 $0x1  }
0x17: {  	s4 =	simm.s32 $0x1BF5;
	[smem:$0x3FBB] =	sst s0  }
0x18: {  	s0 =	sld [smem:$0x3F9E];
	_ =	swait.ge [sflag:s4], $0x0  }
0x19: {  	s7 =	sld [smem:$0x3F9F]  }
0x1a: {  	s8 =	sadd.s32 $0xFFFFE003, lr  }
0x1b: {  	s9 =	sadd.s32 $0xFFFFFEF7, lr;
	s5 =	simm.s32 $0xFFFFFFFF;
	p2 =	slt.u32 s8, $0xFFFFF086  }
0x1c: {  	p1 =	slt.u32 s9, $0xF7A;
	s5 =	simm.s32 @!p2 $0x0  }
0x1d: {  	s5 =	simm.s32 @p1 $0x1;
	p0 =	seq.s32 s7, s2  }
0x1e: {  	s7 =	smul.u32 @!p0 $0xF7A, s2;
	p2 =	seq.s32 @!p0 s5, $0x0  }
0x1f: {  	s9 =	smul.u32 $0xF7A, s1;
	s8 =	simm.s32 @!p0 $0x1BF5;
	p2 =	por !p2, p0  }
0x20: {  	[sflag:s8] =	ssyncset.s32 @!p0 $0xFFFFF086;
	s6 =	sadd.s32 @!p0 s3, s7;
	s7 =	simm.s32 @!p0 $0x108  }
0x21: {  	s3 =	sadd.s32 s3, s9;
	s6 =	sadd.s32 @!p0 $0x88, s6;
	s7 =	simm.s32 @p2 $0x1082  }
0x22: {  	[simem:s7], [sflag:s8] =	dma.local @!p0 [hbm:s6], $0xF7A  }
0x23: {  	s9 =	sor.u32 $0xD0000000, s2;
	s6 =	simm.s32 $0x108;
	_ =	swait.ge @!p0 [sflag:s8], $0x0  }
0x24: {  	s3 =	sadd.s32 $0x88, s3;
	s6 =	simm.s32 @!p1 $0x1082;
	[sflag:s4] =	ssyncset.s32 $0xFFFFF086  }
0x25: {  	[simem:s6], [sflag:s4] =	dma.local [hbm:s3], $0xF7A  }
0x26: {  	[smem:$0x3F9F] =	sst s1;
	(tag) =	ssettag s2;
	_ =	strace s9  }
0x27: {  	s1 =	sld [smem:$0x3FAF]  }
0x28: {  	s2 =	sld [smem:$0x3FB0]  }
0x29: {  	s4 =	sld [smem:$0x3FB2]  }
0x2a: {  	p0 =	seq.s32 s5, $0x0;
	s5 =	sld [smem:$0x3FB3]  }
0x2b: {  	s6 =	sld [smem:$0x3FB4]  }
0x2c: {  	s7 =	sld [smem:$0x3FB5]  }
0x2d: {  	s3 =	simm.s32 $0x108;
	s8 =	sld [smem:$0x3FB6]  }
0x2e: {  	s3 =	simm.s32 @!p0 $0x1082;
	s9 =	sld [smem:$0x3FB7]  }
0x2f: {  	lr =	sadd.s32 s0, s3;
	s0 =	sld [smem:$0x3FAE]  }
0x30: {  	s3 =	sld [smem:$0x3FB1]  }
0x31: {  	[smem:$0x3FBA] =	sst s10  }
0x32: {  	s10 =	sld [smem:$0x3FB8];
	_ =	sdelay $0x3  }
0x33: {  	p0 =	seq.s32 s10, $0x1;
	s10 =	sld [smem:$0x3FBA];
	_ =	sdelay $0x3  }
0x34: {  	[smem:$0x3FBA] =	sst s10  }
0x35: {  	s10 =	sld [smem:$0x3FB9];
	_ =	sdelay $0x3  }
0x36: {  	p1 =	seq.s32 s10, $0x1;
	s10 =	sld [smem:$0x3FBA];
	_ =	sdelay $0x3  }
0x37: {  	[smem:$0x3FBA] =	sst s10  }
0x38: {  	s10 =	sld [smem:$0x3FBB]  }
0x39: {  	_ = 	snop;
	(pc) =	sbr.ind lr, $3  }
0x3a: {  	_ = 	snop  }
0x3b: {  	_ = 	snop  }
0x3c: {  	p2 =	seq.s32 s10, $0x1;
	s10 =	sld [smem:$0x3FBA]  }
0x3d: {  	_ =	shalt  }
0x3e: {  	_ =	shalt  }
0x3f: {  	_ =	shalt  }
0x40: {  	_ =	shalt  }
0x41: {  	_ =	shalt  }
0x42: {  	_ =	shalt  }
0x43: {  	_ =	shalt  }
0x44: {  	_ =	shalt  }
0x45: {  	_ =	shalt  }
0x46: {  	_ =	shalt  }
0x47: {  	_ =	shalt  }
0x48: {  	_ =	shalt  }
0x49: {  	_ =	shalt  }
0x4a: {  	_ =	shalt  }
0x4b: {  	_ =	shalt  }
0x4c: {  	_ =	shalt  }
0x4d: {  	_ =	shalt  }
0x4e: {  	_ =	shalt  }
0x4f: {  	_ =	shalt  }
0x50: {  	_ =	shalt  }
0x51: {  	_ =	shalt  }
0x52: {  	_ =	shalt  }
0x53: {  	_ =	shalt  }
0x54: {  	_ =	shalt  }
0x55: {  	_ =	shalt  }
0x56: {  	_ =	shalt  }
0x57: {  	_ =	shalt  }
0x58: {  	_ =	shalt  }
0x59: {  	_ =	shalt  }
0x5a: {  	_ =	shalt  }
0x5b: {  	_ =	shalt  }
0x5c: {  	_ =	shalt  }
0x5d: {  	_ =	shalt  }
0x5e: {  	_ =	shalt  }
0x5f: {  	_ =	shalt  }
0x60: {  	_ =	shalt  }
0x61: {  	_ =	shalt  }
0x62: {  	_ =	shalt  }
0x63: {  	_ =	shalt  }
0x64: {  	_ =	shalt  }
0x65: {  	_ =	shalt  }
0x66: {  	_ =	shalt  }
0x67: {  	_ =	shalt  }
0x68: {  	_ =	shalt  }
0x69: {  	_ =	shalt  }
0x6a: {  	_ =	shalt  }
0x6b: {  	_ =	shalt  }
0x6c: {  	_ =	shalt  }
0x6d: {  	_ =	shalt  }
0x6e: {  	_ =	shalt  }
0x6f: {  	_ =	shalt  }
0x70: {  	_ =	shalt  }
0x71: {  	_ =	shalt  }
0x72: {  	_ =	shalt  }
0x73: {  	_ =	shalt  }
0x74: {  	_ =	shalt  }
0x75: {  	_ =	shalt  }
0x76: {  	_ =	shalt  }
0x77: {  	_ =	shalt  }
0x78: {  	_ =	shalt  }
0x79: {  	_ =	shalt  }
0x7a: {  	_ =	shalt  }
0x7b: {  	_ =	shalt  }
0x7c: {  	_ =	shalt  }
0x7d: {  	_ =	shalt  }
0x7e: {  	_ =	shalt  }
0x7f: {  	_ =	shalt  }
0x80: {  	_ =	shalt  }
0x81: {  	_ =	shalt  }
0x82: {  	_ =	shalt  }
0x83: {  	_ =	shalt  }
0x84: {  	_ =	shalt  }
0x85: {  	_ =	shalt  }
0x86: {  	_ =	shalt  }
0x87: {  	_ =	shalt  }
.Lfunc_end0:
.L_simem_size_0:
called_computation_lowered:
.L_overlay_start_0:
0x88: {  	s2 =	sld [smem:$0x3FD9]  }
0x89: {  	s3 =	sld [smem:$0x3FFE];
	_ =	sdelay $0x1  }
0x8a: {  	s1 =	srdreg.scid  }
0x8b: {  	s0 =	sand.u32 $0x1, s1  }
0x8c: {  	s17 =	sshll.u32 s0, $0xA;
	s2 =	sadd.s32 s3, s2  }
0x8d: {  	s2 =	sadd.s32 s2, s17  }
0x8e: {  	[smem:$0x3FC6] =	sst s2  }
0x8f: {  	_ = 	snop  }
0x90: {  	s2 =	sld [smem:$0x3FC8]  }
0x91: {  	s18 =	sld [smem:$0x3FD0];
	(tm) =	ssettm $0x1  }
0x92: {  	s4 =	sld [smem:$0x3FFB];
	_ =	sdelay $0x3  }
0x93: {  	_ =	strace s4  }
0x94: {  	s4 =	sld [smem:$0x3FFC];
	_ =	sdelay $0x3  }
0x95: {  	_ =	strace s4  }
0x96: {  	s4 =	sld [smem:$0x3FFD];
	_ =	sdelay $0x3  }
0x97: {  	_ =	strace s4  }
0x98: {  	_ =	strace $0x8FFFFFFF  }
0x99: {  	s19 =	sld [smem:$0x3FDB];
	_ =	sdelay $0x1  }
0x9a: {  	s5 =	simm.s32 $_scs_section_size  }
0x9b: {  	s6 =	simm.s32 $_size__tile_overlayer_lowered;
	s7 =	simm.s32 $_tile_overlayer_lowered  }
0x9c: {  	s22 =	simm.s32 $0x1BFF;
	s21 =	sshll.u32 s7, $0x1;
	s4 =	sadd.s32 s5, s19  }
0x9d: {  	s8 =	simm.s32 $0x0;
	s20 =	sshll.u32 s6, $0x1;
	s6 =	sadd.s32 s21, s4  }
0x9e: {  	[timem:s8], [sflag:s22] =	dma.local [hbm:s6], s20  }
0x9f: {  	_ =	swait.ge [sflag:s22], s20  }
0xa0: {  	s5 =	ssub.s32 $0x0, s20;
	[sflag:s22] =	ssyncset.done $0x0  }
0xa1: {  	[sflag:s22] =	ssyncadd.s32 s5;
	_ =	sdelay $0x1  }
0xa2: {  	s23 =	simm.s32 $0x1B8B  }
0xa3: {  	_ =	swait.ge [sflag:s23], $0x1  }
0xa4: {  	[sflag:s23] =	ssyncset.done $0x0  }
0xa5: {  	s25 =	simm.s32 $0x1B8E;
	s24 =	sld [smem:$0x3FFE];
	[sflag:s23] =	ssyncadd.s32 $0xFFFFFFFF  }
0xa6: {  	s26 =	simm.s32 $execute0_lowered;
	[smem:$0x3FD2] =	sst s25  }
0xa7: {  	s6 =	sshll.u32 s26, $0x1;
	_ =	strace $0x80000046;
	[dreg:$0x1] =	wrdreg $0xFFFFFFFF  }
0xa8: {  	s28 =	simm.s32 $_size_execute0_lowered;
	s4 =	sadd.s32 s4, s6;
	[dreg:$0x0] =	wrdreg $0x0  }
0xa9: {  	s6 =	sshll.u32 s28, $0x1;
	[dreg:$0x2] =	wrdreg s4  }
0xaa: {  	[dreg:$0x3] =	wrdreg s6  }
0xab: {  	[dreg:$0x4] =	wrdreg $0xC0  }
0xac: {  	_ =	task [dreg:s8], $0x5FFFF  }
0xad: {  	[dreg:$0x1] =	wrdreg $0xFFFFFFFF  }
0xae: {  	[dreg:$0x0] =	wrdreg $0x60  }
0xaf: {  	[dreg:$0x2] =	wrdreg s2  }
0xb0: {  	[dreg:$0x3] =	wrdreg s24  }
0xb1: {  	[dreg:$0x4] =	wrdreg s18  }
0xb2: {  	[dreg:$0x5] =	wrdreg $0x1A4000  }
0xb3: {  	[dreg:$0x6] =	wrdreg $0x9  }
0xb4: {  	_ =	task.clear_ibuf [dreg:s8], $0x7FFFF;
	_ =	strace $0x90000046  }
0xb5: {  	s29 =	simm.s32 $0x9;
	_ =	strace $0x80000048  }
0xb6: {  	_ =	swait.ge [sflag:s29], $0x1  }
0xb7: {  	[sflag:s29] =	ssyncadd.s32 $0xFFFFFFFF  }
0xb8: {  	_ =	strace $0x90000048  }
0xb9: {  	_ =	sfence  }
0xba: {  	s30 =	sld [smem:$0x0];
	_ =	sdelay $0x2  }
0xbb: {  	s31 =	sshll.u32 s1, $0xD;
	s1 =	sshrl.u32 s1, $0x2  }
0xbc: {  	s3 =	sand.u32 $0x4000, s31;
	s1 =	sadd.s32 s1, s30  }
0xbd: {  	s0 =	sor.u32 s3, s0;
	s1 =	sshll.u32 s1, $0x11  }
0xbe: {  	s0 =	sor.u32 s1, s0  }
0xbf: {  	s0 =	sadd.s32 $0x8F2B, s0  }
0xc0: {  	[sflag:s0] =	ssyncadd.remote.s32 $0x1  }
0xc1: {  	_ =	sfence.sel $0xFFFF  }
0xc2: {  	[dreg:$0x0] =	wrdreg $0xFFFFFFFF;
	(pc) =	sbr.abs _section_cstart, $3  }
0xc3: {  	[dreg:$0x1] =	wrdreg $0xFFFFFFFF  }
0xc4: {  	_ =	task.clear_ibuf [dreg:s8], $0x2FFFF;
	_ =	strace $0x9FFFFFFF  }
0xc5: {  	(tm) =	ssettm $0x7FFFFFFF  }
tec
execute0_lowered:
.L_overlay_start_1:
0x0: {  	(tag) =	ssettag $0x1  }
0x1: {  	s1 =	rddreg [dreg:$0x0]  }
0x2: {  	s0 =	rddreg [dreg:$0x1]  }
0x3: {  	s2 =	rddreg [dreg:$0x2];
	s3 =	srdreg.scid  }
0x4: {  	s14 =	stileid.u32;
	s4 =	rddreg [dreg:$0x3];
	s6 =	simm.s32 $0x0  }
0x5: {  	s9 =	simm.s32 $0x80;
	s22 =	simm.s32 $0x1;
	s23 =	simm.s32 $0x2  }
0x6: {  	s30 =	simm.s32 $0x6;
	s3 =	sand.u32 $0x1, s3;
	s5 =	sshll.u32 s14, $0x1  }
0x7: {  	[smem:$0x7FF] =	sst s6;
	s26 =	smul.u32 $0xC8000, s14;
	s8 =	sshll.u32 s14, $0xE  }
0x8: {  	s31 =	sshll.u32 s14, $0x6;
	s5 =	sor.u32 s3, s5;
	_ =	strace $0x80000047  }
0x9: {  	s25 =	ssub.s32 $0x2, s3;
	s3 =	smul.u32 $0x64000, s3;
	s4 =	sadd.s32 s8, s4  }
0xa: {  	s8 =	simm.s32 $0x8;
	s16 =	sor.u32 $0x1C01, s31;
	s5 =	smul.u32 $0xC80, s5  }
0xb: {  	s19 =	sor.u32 $0x1C02, s31;
	s7 =	sshrl.u32 s25, $0x1;
	s2 =	sadd.s32 s26, s2  }
0xc: {  	s6 =	sadd.s32 $0x2000, s4;
	s28 =	sadd.s32 s3, s2;
	s0 =	sadd.s32 s5, s0  }
0xd: {  	s5 =	ssub.s32 s25, s7;
	[dreg:$0x5] =	wrdreg s28;
	s0 =	sadd.s32 $0x400, s0  }
0xe: {  	s17 =	sshrl.u32 s4, $0x3;
	s29 =	smax.u32 s5, $0x1;
	[dreg:$0x6] =	wrdreg s0  }
0xf: {  	s20 =	sshrl.u32 s6, $0x3;
	s2 =	simm.s32 $0x0;
	[dreg:$0x7] =	wrdreg s29  }
.LBB2_1:
0x10: {  	[dreg:$0x8] =	wrdreg s2  }
0x11: {  	s0 =	simm.s32 $0x0;
	s29 =	rddreg [dreg:$0x6]  }
0x12: {  	[tilespmem:s0], [sflag:$0x8] =	stream.linear.gather [hbm4b:s29+s0], $0x6400, $0x38;
	[tilespmem:$0x1E400] =	vst v63  }
0x13: {  	_ =	swait.ge [sflag:s8], $0x6400  }
0x14: {  	[sflag:s8] =	ssyncset.done $0x0  }
0x15: {  	s31 =	simm.s32 $0x0;
	s11 =	simm.s32 $0x6400;
	[sflag:s8] =	ssyncadd.s32 $0xFFFF9C00  }
0x16: {  	[tilespmem:s11], [sflag:$0x3] =	stream.indirect.gather [hbm4b:s1+s9], $0x80, s31, s9, $0xb8;
	[tilespmem:$0x1E400] =	vst v63  }
0x17: {  	s2 =	simm.s32 $0x80;
	s12 =	simm.s32 $0xA400  }
0x18: {  	[tilespmem:s12], [sflag:$0x4] =	stream.indirect.gather [hbm4b:s1+s9], $0x80, s2, s9, $0xb8;
	[tilespmem:$0x1E400] =	vst v63  }
0x19: {  	s3 =	simm.s32 $0x100;
	s13 =	simm.s32 $0xE400  }
0x1a: {  	[tilespmem:s13], [sflag:$0x5] =	stream.indirect.gather [hbm4b:s1+s9], $0x80, s3, s9, $0xb8;
	[tilespmem:$0x1E400] =	vst v63  }
0x1b: {  	s5 =	simm.s32 $0x180;
	s14 =	simm.s32 $0x12400  }
0x1c: {  	[tilespmem:s14], [sflag:$0x6] =	stream.indirect.gather [hbm4b:s1+s9], $0x80, s5, s9, $0xb8;
	[tilespmem:$0x1E400] =	vst v63  }
0x1d: {  	s7 =	simm.s32 $0x200;
	s15 =	simm.s32 $0x16400;
	s21 =	simm.s32 $0x3  }
0x1e: {  	[tilespmem:s15], [sflag:$0x7] =	stream.indirect.gather [hbm4b:s1+s9], $0x80, s7, s9, $0xb8;
	[tilespmem:$0x1E400] =	vst v63  }
0x1f: {  	_ =	swait.ge [sflag:s21], $0x4000  }
0x20: {  	[sflag:s21] =	ssyncset.done $0x0  }
0x21: {  	[sflag:s21] =	ssyncadd.s32 $0xFFFFC000  }
0x22: {  	[spmem:s4] =	stream.linear.scatter [tilespmem:s11], [sflag:$0x8], $0x2000, $0x38;
	[tilespmem:$0x1E400] =	vst v63  }
0x23: {  	_ =	swait.ge [sflag:s8], $0x2000  }
0x24: {  	s10 =	rddreg [dreg:$0x5];
	[sflag:s8] =	ssyncset.done $0x0  }
0x25: {  	s2 =	simm.s32 $0x8400;
	[sflag:s8] =	ssyncadd.s32 $0xFFFFE000;
	s0 =	sadd.s32 $0x0, s10  }
0x26: {  	[hbm:s0], [sflag:s16] =	dma.local [spmem:s17], $0x400  }
0x27: {  	[spmem:s6] =	stream.linear.scatter [tilespmem:s2], [sflag:$0x8], $0x2000, $0x38;
	[tilespmem:$0x1E400] =	vst v63  }
0x28: {  	_ =	swait.ge [sflag:s8], $0x2000  }
0x29: {  	s25 =	simm.s32 $0x4;
	[sflag:s8] =	ssyncset.done $0x0  }
0x2a: {  	s5 =	simm.s32 $0x280;
	s3 =	sadd.s32 $0x400, s0;
	[sflag:s8] =	ssyncadd.s32 $0xFFFFE000  }
0x2b: {  	[hbm:s3], [sflag:s19] =	dma.local [spmem:s20], $0x400  }
0x2c: {  	[tilespmem:s11], [sflag:$0x3] =	stream.indirect.gather [hbm4b:s1+s9], $0x80, s5, s9, $0xb8;
	[tilespmem:$0x1E400] =	vst v63  }
0x2d: {  	_ =	swait.ge [sflag:s25], $0x4000  }
0x2e: {  	[sflag:s25] =	ssyncset.done $0x0  }
0x2f: {  	[sflag:s25] =	ssyncadd.s32 $0xFFFFC000  }
0x30: {  	_ =	swait.ge [sflag:s22], $0x400  }
0x31: {  	[sflag:s22] =	ssyncset.done $0x0  }
0x32: {  	[sflag:s22] =	ssyncadd.s32 $0xFFFFFC00  }
0x33: {  	[spmem:s4] =	stream.linear.scatter [tilespmem:s12], [sflag:$0x8], $0x2000, $0x38;
	[tilespmem:$0x1E400] =	vst v63  }
0x34: {  	_ =	swait.ge [sflag:s8], $0x2000  }
0x35: {  	[sflag:s8] =	ssyncset.done $0x0  }
0x36: {  	s18 =	sadd.s32 $0x800, s0;
	[sflag:s8] =	ssyncadd.s32 $0xFFFFE000  }
0x37: {  	[hbm:s18], [sflag:s16] =	dma.local [spmem:s17], $0x400  }
0x38: {  	_ =	swait.ge [sflag:s23], $0x400  }
0x39: {  	[sflag:s23] =	ssyncset.done $0x0  }
0x3a: {  	s7 =	simm.s32 $0xC400;
	[sflag:s23] =	ssyncadd.s32 $0xFFFFFC00  }
0x3b: {  	[spmem:s6] =	stream.linear.scatter [tilespmem:s7], [sflag:$0x8], $0x2000, $0x38;
	[tilespmem:$0x1E400] =	vst v63  }
0x3c: {  	_ =	swait.ge [sflag:s8], $0x2000  }
0x3d: {  	[sflag:s8] =	ssyncset.done $0x0  }
0x3e: {  	s26 =	simm.s32 $0x300;
	s24 =	sadd.s32 $0xC00, s0;
	[sflag:s8] =	ssyncadd.s32 $0xFFFFE000  }
0x3f: {  	[hbm:s24], [sflag:s19] =	dma.local [spmem:s20], $0x400  }
0x40: {  	[tilespmem:s12], [sflag:$0x4] =	stream.indirect.gather [hbm4b:s1+s9], $0x80, s26, s9, $0xb8;
	[tilespmem:$0x1E400] =	vst v63  }
0x41: {  	s26 =	simm.s32 $0x5  }
0x42: {  	_ =	swait.ge [sflag:s26], $0x4000  }
0x43: {  	[sflag:s26] =	ssyncset.done $0x0  }
0x44: {  	[sflag:s26] =	ssyncadd.s32 $0xFFFFC000  }
0x45: {  	_ =	swait.ge [sflag:s22], $0x400  }
0x46: {  	[sflag:s22] =	ssyncset.done $0x0  }
0x47: {  	[sflag:s22] =	ssyncadd.s32 $0xFFFFFC00  }
0x48: {  	[spmem:s4] =	stream.linear.scatter [tilespmem:s13], [sflag:$0x8], $0x2000, $0x38;
	[tilespmem:$0x1E400] =	vst v63  }
0x49: {  	_ =	swait.ge [sflag:s8], $0x2000  }
0x4a: {  	[sflag:s8] =	ssyncset.done $0x0  }
0x4b: {  	s28 =	sadd.s32 $0x1000, s0;
	[sflag:s8] =	ssyncadd.s32 $0xFFFFE000  }
0x4c: {  	[hbm:s28], [sflag:s16] =	dma.local [spmem:s17], $0x400  }
0x4d: {  	_ =	swait.ge [sflag:s23], $0x400  }
0x4e: {  	[sflag:s23] =	ssyncset.done $0x0  }
0x4f: {  	s18 =	simm.s32 $0x10400;
	[sflag:s23] =	ssyncadd.s32 $0xFFFFFC00  }
0x50: {  	[spmem:s6] =	stream.linear.scatter [tilespmem:s18], [sflag:$0x8], $0x2000, $0x38;
	[tilespmem:$0x1E400] =	vst v63  }
0x51: {  	_ =	swait.ge [sflag:s8], $0x2000  }
0x52: {  	s31 =	simm.s32 $0x380;
	[sflag:s8] =	ssyncset.done $0x0  }
0x53: {  	s29 =	sadd.s32 $0x1400, s0;
	s28 =	simm.s32 $0x6;
	[sflag:s8] =	ssyncadd.s32 $0xFFFFE000  }
0x54: {  	[hbm:s29], [sflag:s19] =	dma.local [spmem:s20], $0x400  }
0x55: {  	[tilespmem:s13], [sflag:$0x5] =	stream.indirect.gather [hbm4b:s1+s9], $0x80, s31, s9, $0xb8;
	[tilespmem:$0x1E400] =	vst v63  }
0x56: {  	_ =	swait.ge [sflag:s28], $0x4000  }
0x57: {  	[sflag:s28] =	ssyncset.done $0x0  }
0x58: {  	[sflag:s28] =	ssyncadd.s32 $0xFFFFC000  }
0x59: {  	_ =	swait.ge [sflag:s22], $0x400  }
0x5a: {  	[sflag:s22] =	ssyncset.done $0x0  }
0x5b: {  	[sflag:s22] =	ssyncadd.s32 $0xFFFFFC00  }
0x5c: {  	[spmem:s4] =	stream.linear.scatter [tilespmem:s14], [sflag:$0x8], $0x2000, $0x38;
	[tilespmem:$0x1E400] =	vst v63  }
0x5d: {  	_ =	swait.ge [sflag:s8], $0x2000  }
0x5e: {  	[sflag:s8] =	ssyncset.done $0x0  }
0x5f: {  	s5 =	sadd.s32 $0x1800, s0;
	[sflag:s8] =	ssyncadd.s32 $0xFFFFE000  }
0x60: {  	[hbm:s5], [sflag:s16] =	dma.local [spmem:s17], $0x400  }
0x61: {  	_ =	swait.ge [sflag:s23], $0x400  }
0x62: {  	[sflag:s23] =	ssyncset.done $0x0  }
0x63: {  	s24 =	simm.s32 $0x14400;
	[sflag:s23] =	ssyncadd.s32 $0xFFFFFC00  }
0x64: {  	[spmem:s6] =	stream.linear.scatter [tilespmem:s24], [sflag:$0x8], $0x2000, $0x38;
	[tilespmem:$0x1E400] =	vst v63  }
0x65: {  	_ =	swait.ge [sflag:s8], $0x2000  }
0x66: {  	[sflag:s8] =	ssyncset.done $0x0  }
0x67: {  	s10 =	sadd.s32 $0x1C00, s0;
	s29 =	simm.s32 $0x400;
	[sflag:s8] =	ssyncadd.s32 $0xFFFFE000  }
0x68: {  	[hbm:s10], [sflag:s19] =	dma.local [spmem:s20], $0x400  }
0x69: {  	[tilespmem:s14], [sflag:$0x6] =	stream.indirect.gather [hbm4b:s1+s9], $0x80, s29, s9, $0xb8;
	[tilespmem:$0x1E400] =	vst v63  }
0x6a: {  	s29 =	simm.s32 $0x7  }
0x6b: {  	_ =	swait.ge [sflag:s29], $0x4000  }
0x6c: {  	[sflag:s29] =	ssyncset.done $0x0  }
0x6d: {  	[sflag:s29] =	ssyncadd.s32 $0xFFFFC000  }
0x6e: {  	_ =	swait.ge [sflag:s22], $0x400  }
0x6f: {  	[sflag:s22] =	ssyncset.done $0x0  }
0x70: {  	[sflag:s22] =	ssyncadd.s32 $0xFFFFFC00  }
0x71: {  	[spmem:s4] =	stream.linear.scatter [tilespmem:s15], [sflag:$0x8], $0x2000, $0x38;
	[tilespmem:$0x1E400] =	vst v63  }
0x72: {  	_ =	swait.ge [sflag:s8], $0x2000  }
0x73: {  	[sflag:s8] =	ssyncset.done $0x0  }
0x74: {  	s31 =	sadd.s32 $0x2000, s0;
	[sflag:s8] =	ssyncadd.s32 $0xFFFFE000  }
0x75: {  	[hbm:s31], [sflag:s16] =	dma.local [spmem:s17], $0x400  }
0x76: {  	_ =	swait.ge [sflag:s23], $0x400  }
0x77: {  	[sflag:s23] =	ssyncset.done $0x0  }
0x78: {  	s10 =	simm.s32 $0x18400;
	[sflag:s23] =	ssyncadd.s32 $0xFFFFFC00  }
0x79: {  	[spmem:s6] =	stream.linear.scatter [tilespmem:s10], [sflag:$0x8], $0x2000, $0x38;
	[tilespmem:$0x1E400] =	vst v63  }
0x7a: {  	_ =	swait.ge [sflag:s8], $0x2000  }
0x7b: {  	[sflag:s8] =	ssyncset.done $0x0  }
0x7c: {  	s5 =	sadd.s32 $0x2400, s0;
	s31 =	simm.s32 $0x480;
	[sflag:s8] =	ssyncadd.s32 $0xFFFFE000  }
0x7d: {  	[hbm:s5], [sflag:s19] =	dma.local [spmem:s20], $0x400  }
0x7e: {  	[tilespmem:s15], [sflag:$0x7] =	stream.indirect.gather [hbm4b:s1+s9], $0x80, s31, s9, $0xb8;
	[tilespmem:$0x1E400] =	vst v63  }
0x7f: {  	_ =	swait.ge [sflag:s21], $0x4000  }
0x80: {  	[sflag:s21] =	ssyncset.done $0x0  }
0x81: {  	[sflag:s21] =	ssyncadd.s32 $0xFFFFC000  }
0x82: {  	_ =	swait.ge [sflag:s22], $0x400  }
0x83: {  	[sflag:s22] =	ssyncset.done $0x0  }
0x84: {  	[sflag:s22] =	ssyncadd.s32 $0xFFFFFC00  }
0x85: {  	[spmem:s4] =	stream.linear.scatter [tilespmem:s11], [sflag:$0x8], $0x2000, $0x38;
	[tilespmem:$0x1E400] =	vst v63  }
0x86: {  	_ =	swait.ge [sflag:s8], $0x2000  }
0x87: {  	[sflag:s8] =	ssyncset.done $0x0  }
0x88: {  	s31 =	sadd.s32 $0x2800, s0;
	[sflag:s8] =	ssyncadd.s32 $0xFFFFE000  }
0x89: {  	[hbm:s31], [sflag:s16] =	dma.local [spmem:s17], $0x400  }
0x8a: {  	_ =	swait.ge [sflag:s23], $0x400  }
0x8b: {  	[sflag:s23] =	ssyncset.done $0x0  }
0x8c: {  	[sflag:s23] =	ssyncadd.s32 $0xFFFFFC00  }
0x8d: {  	[spmem:s6] =	stream.linear.scatter [tilespmem:s2], [sflag:$0x8], $0x2000, $0x38;
	[tilespmem:$0x1E400] =	vst v63  }
0x8e: {  	_ =	swait.ge [sflag:s8], $0x2000  }
0x8f: {  	[sflag:s8] =	ssyncset.done $0x0  }
0x90: {  	s5 =	sadd.s32 $0x2C00, s0;
	s31 =	simm.s32 $0x500;
	[sflag:s8] =	ssyncadd.s32 $0xFFFFE000  }
0x91: {  	[hbm:s5], [sflag:s19] =	dma.local [spmem:s20], $0x400  }
0x92: {  	[tilespmem:s11], [sflag:$0x3] =	stream.indirect.gather [hbm4b:s1+s9], $0x80, s31, s9, $0xb8;
	[tilespmem:$0x1E400] =	vst v63  }
0x93: {  	_ =	swait.ge [sflag:s25], $0x4000  }
0x94: {  	[sflag:s25] =	ssyncset.done $0x0  }
0x95: {  	[sflag:s25] =	ssyncadd.s32 $0xFFFFC000  }
0x96: {  	_ =	swait.ge [sflag:s22], $0x400  }
0x97: {  	[sflag:s22] =	ssyncset.done $0x0  }
0x98: {  	[sflag:s22] =	ssyncadd.s32 $0xFFFFFC00  }
0x99: {  	[spmem:s4] =	stream.linear.scatter [tilespmem:s12], [sflag:$0x8], $0x2000, $0x38;
	[tilespmem:$0x1E400] =	vst v63  }
0x9a: {  	_ =	swait.ge [sflag:s8], $0x2000  }
0x9b: {  	[sflag:s8] =	ssyncset.done $0x0  }
0x9c: {  	s31 =	sadd.s32 $0x3000, s0;
	[sflag:s8] =	ssyncadd.s32 $0xFFFFE000  }
0x9d: {  	[hbm:s31], [sflag:s16] =	dma.local [spmem:s17], $0x400  }
0x9e: {  	_ =	swait.ge [sflag:s23], $0x400  }
0x9f: {  	[sflag:s23] =	ssyncset.done $0x0  }
0xa0: {  	[sflag:s23] =	ssyncadd.s32 $0xFFFFFC00  }
0xa1: {  	[spmem:s6] =	stream.linear.scatter [tilespmem:s7], [sflag:$0x8], $0x2000, $0x38;
	[tilespmem:$0x1E400] =	vst v63  }
0xa2: {  	_ =	swait.ge [sflag:s8], $0x2000  }
0xa3: {  	[sflag:s8] =	ssyncset.done $0x0  }
0xa4: {  	s5 =	sadd.s32 $0x3400, s0;
	s31 =	simm.s32 $0x580;
	[sflag:s8] =	ssyncadd.s32 $0xFFFFE000  }
0xa5: {  	[hbm:s5], [sflag:s19] =	dma.local [spmem:s20], $0x400  }
0xa6: {  	[tilespmem:s12], [sflag:$0x4] =	stream.indirect.gather [hbm4b:s1+s9], $0x80, s31, s9, $0xb8;
	[tilespmem:$0x1E400] =	vst v63  }
0xa7: {  	_ =	swait.ge [sflag:s26], $0x4000  }
0xa8: {  	[sflag:s26] =	ssyncset.done $0x0  }
0xa9: {  	[sflag:s26] =	ssyncadd.s32 $0xFFFFC000  }
0xaa: {  	_ =	swait.ge [sflag:s22], $0x400  }
0xab: {  	[sflag:s22] =	ssyncset.done $0x0  }
0xac: {  	[sflag:s22] =	ssyncadd.s32 $0xFFFFFC00  }
0xad: {  	[spmem:s4] =	stream.linear.scatter [tilespmem:s13], [sflag:$0x8], $0x2000, $0x38;
	[tilespmem:$0x1E400] =	vst v63  }
0xae: {  	_ =	swait.ge [sflag:s8], $0x2000  }
0xaf: {  	[sflag:s8] =	ssyncset.done $0x0  }
0xb0: {  	s31 =	sadd.s32 $0x3800, s0;
	[sflag:s8] =	ssyncadd.s32 $0xFFFFE000  }
0xb1: {  	[hbm:s31], [sflag:s16] =	dma.local [spmem:s17], $0x400  }
0xb2: {  	_ =	swait.ge [sflag:s23], $0x400  }
0xb3: {  	[sflag:s23] =	ssyncset.done $0x0  }
0xb4: {  	[sflag:s23] =	ssyncadd.s32 $0xFFFFFC00  }
0xb5: {  	[spmem:s6] =	stream.linear.scatter [tilespmem:s18], [sflag:$0x8], $0x2000, $0x38;
	[tilespmem:$0x1E400] =	vst v63  }
0xb6: {  	_ =	swait.ge [sflag:s8], $0x2000  }
0xb7: {  	[sflag:s8] =	ssyncset.done $0x0  }
0xb8: {  	s5 =	sadd.s32 $0x3C00, s0;
	s31 =	simm.s32 $0x600;
	[sflag:s8] =	ssyncadd.s32 $0xFFFFE000  }
0xb9: {  	[hbm:s5], [sflag:s19] =	dma.local [spmem:s20], $0x400  }
0xba: {  	[tilespmem:s13], [sflag:$0x5] =	stream.indirect.gather [hbm4b:s1+s9], $0x80, s31, s9, $0xb8;
	[tilespmem:$0x1E400] =	vst v63  }
0xbb: {  	_ =	swait.ge [sflag:s28], $0x4000  }
0xbc: {  	[sflag:s28] =	ssyncset.done $0x0  }
0xbd: {  	[sflag:s28] =	ssyncadd.s32 $0xFFFFC000  }
0xbe: {  	_ =	swait.ge [sflag:s22], $0x400  }
0xbf: {  	[sflag:s22] =	ssyncset.done $0x0  }
0xc0: {  	[sflag:s22] =	ssyncadd.s32 $0xFFFFFC00  }
0xc1: {  	[spmem:s4] =	stream.linear.scatter [tilespmem:s14], [sflag:$0x8], $0x2000, $0x38;
	[tilespmem:$0x1E400] =	vst v63  }
0xc2: {  	_ =	swait.ge [sflag:s8], $0x2000  }
0xc3: {  	[sflag:s8] =	ssyncset.done $0x0  }
0xc4: {  	s31 =	sadd.s32 $0x4000, s0;
	[sflag:s8] =	ssyncadd.s32 $0xFFFFE000  }
0xc5: {  	[hbm:s31], [sflag:s16] =	dma.local [spmem:s17], $0x400  }
0xc6: {  	_ =	swait.ge [sflag:s23], $0x400  }
0xc7: {  	[sflag:s23] =	ssyncset.done $0x0  }
0xc8: {  	[sflag:s23] =	ssyncadd.s32 $0xFFFFFC00  }
0xc9: {  	[spmem:s6] =	stream.linear.scatter [tilespmem:s24], [sflag:$0x8], $0x2000, $0x38;
	[tilespmem:$0x1E400] =	vst v63  }
0xca: {  	_ =	swait.ge [sflag:s8], $0x2000  }
0xcb: {  	[sflag:s8] =	ssyncset.done $0x0  }
0xcc: {  	s5 =	sadd.s32 $0x4400, s0;
	s31 =	simm.s32 $0x680;
	[sflag:s8] =	ssyncadd.s32 $0xFFFFE000  }
0xcd: {  	[hbm:s5], [sflag:s19] =	dma.local [spmem:s20], $0x400  }
0xce: {  	[tilespmem:s14], [sflag:$0x6] =	stream.indirect.gather [hbm4b:s1+s9], $0x80, s31, s9, $0xb8;
	[tilespmem:$0x1E400] =	vst v63  }
0xcf: {  	_ =	swait.ge [sflag:s29], $0x4000  }
0xd0: {  	[sflag:s29] =	ssyncset.done $0x0  }
0xd1: {  	[sflag:s29] =	ssyncadd.s32 $0xFFFFC000  }
0xd2: {  	_ =	swait.ge [sflag:s22], $0x400  }
0xd3: {  	[sflag:s22] =	ssyncset.done $0x0  }
0xd4: {  	[sflag:s22] =	ssyncadd.s32 $0xFFFFFC00  }
0xd5: {  	[spmem:s4] =	stream.linear.scatter [tilespmem:s15], [sflag:$0x8], $0x2000, $0x38;
	[tilespmem:$0x1E400] =	vst v63  }
0xd6: {  	_ =	swait.ge [sflag:s8], $0x2000  }
0xd7: {  	[sflag:s8] =	ssyncset.done $0x0  }
0xd8: {  	s31 =	sadd.s32 $0x4800, s0;
	[sflag:s8] =	ssyncadd.s32 $0xFFFFE000  }
0xd9: {  	[hbm:s31], [sflag:s16] =	dma.local [spmem:s17], $0x400  }
0xda: {  	_ =	swait.ge [sflag:s23], $0x400  }
0xdb: {  	[sflag:s23] =	ssyncset.done $0x0  }
0xdc: {  	[sflag:s23] =	ssyncadd.s32 $0xFFFFFC00  }
0xdd: {  	[spmem:s6] =	stream.linear.scatter [tilespmem:s10], [sflag:$0x8], $0x2000, $0x38;
	[tilespmem:$0x1E400] =	vst v63  }
0xde: {  	_ =	swait.ge [sflag:s8], $0x2000  }
0xdf: {  	[sflag:s8] =	ssyncset.done $0x0  }
0xe0: {  	s5 =	sadd.s32 $0x4C00, s0;
	s31 =	simm.s32 $0x700;
	[sflag:s8] =	ssyncadd.s32 $0xFFFFE000  }
0xe1: {  	[hbm:s5], [sflag:s19] =	dma.local [spmem:s20], $0x400  }
0xe2: {  	[tilespmem:s15], [sflag:$0x7] =	stream.indirect.gather [hbm4b:s1+s9], $0x80, s31, s9, $0xb8;
	[tilespmem:$0x1E400] =	vst v63  }
0xe3: {  	_ =	swait.ge [sflag:s21], $0x4000  }
0xe4: {  	[sflag:s21] =	ssyncset.done $0x0  }
0xe5: {  	[sflag:s21] =	ssyncadd.s32 $0xFFFFC000  }
0xe6: {  	_ =	swait.ge [sflag:s22], $0x400  }
0xe7: {  	[sflag:s22] =	ssyncset.done $0x0  }
0xe8: {  	[sflag:s22] =	ssyncadd.s32 $0xFFFFFC00  }
0xe9: {  	[spmem:s4] =	stream.linear.scatter [tilespmem:s11], [sflag:$0x8], $0x2000, $0x38;
	[tilespmem:$0x1E400] =	vst v63  }
0xea: {  	_ =	swait.ge [sflag:s8], $0x2000  }
0xeb: {  	[sflag:s8] =	ssyncset.done $0x0  }
0xec: {  	s31 =	sadd.s32 $0x5000, s0;
	[sflag:s8] =	ssyncadd.s32 $0xFFFFE000  }
0xed: {  	[hbm:s31], [sflag:s16] =	dma.local [spmem:s17], $0x400  }
0xee: {  	_ =	swait.ge [sflag:s23], $0x400  }
0xef: {  	[sflag:s23] =	ssyncset.done $0x0  }
0xf0: {  	[sflag:s23] =	ssyncadd.s32 $0xFFFFFC00  }
0xf1: {  	[spmem:s6] =	stream.linear.scatter [tilespmem:s2], [sflag:$0x8], $0x2000, $0x38;
	[tilespmem:$0x1E400] =	vst v63  }
0xf2: {  	_ =	swait.ge [sflag:s8], $0x2000  }
0xf3: {  	[sflag:s8] =	ssyncset.done $0x0  }
0xf4: {  	s5 =	sadd.s32 $0x5400, s0;
	s31 =	simm.s32 $0x780;
	[sflag:s8] =	ssyncadd.s32 $0xFFFFE000  }
0xf5: {  	[hbm:s5], [sflag:s19] =	dma.local [spmem:s20], $0x400  }
0xf6: {  	[tilespmem:s11], [sflag:$0x3] =	stream.indirect.gather [hbm4b:s1+s9], $0x80, s31, s9, $0xb8;
	[tilespmem:$0x1E400] =	vst v63  }
0xf7: {  	_ =	swait.ge [sflag:s25], $0x4000  }
0xf8: {  	[sflag:s25] =	ssyncset.done $0x0  }
0xf9: {  	[sflag:s25] =	ssyncadd.s32 $0xFFFFC000  }
0xfa: {  	_ =	swait.ge [sflag:s22], $0x400  }
0xfb: {  	[sflag:s22] =	ssyncset.done $0x0  }
0xfc: {  	[sflag:s22] =	ssyncadd.s32 $0xFFFFFC00  }
0xfd: {  	[spmem:s4] =	stream.linear.scatter [tilespmem:s12], [sflag:$0x8], $0x2000, $0x38;
	[tilespmem:$0x1E400] =	vst v63  }
0xfe: {  	_ =	swait.ge [sflag:s8], $0x2000  }
0xff: {  	[sflag:s8] =	ssyncset.done $0x0  }
0x100: {  	s31 =	sadd.s32 $0x5800, s0;
	[sflag:s8] =	ssyncadd.s32 $0xFFFFE000  }
0x101: {  	[hbm:s31], [sflag:s16] =	dma.local [spmem:s17], $0x400  }
0x102: {  	_ =	swait.ge [sflag:s23], $0x400  }
0x103: {  	[sflag:s23] =	ssyncset.done $0x0  }
0x104: {  	[sflag:s23] =	ssyncadd.s32 $0xFFFFFC00  }
0x105: {  	[spmem:s6] =	stream.linear.scatter [tilespmem:s7], [sflag:$0x8], $0x2000, $0x38;
	[tilespmem:$0x1E400] =	vst v63  }
0x106: {  	_ =	swait.ge [sflag:s8], $0x2000  }
0x107: {  	[sflag:s8] =	ssyncset.done $0x0  }
0x108: {  	s5 =	sadd.s32 $0x5C00, s0;
	s31 =	simm.s32 $0x800;
	[sflag:s8] =	ssyncadd.s32 $0xFFFFE000  }
0x109: {  	[hbm:s5], [sflag:s19] =	dma.local [spmem:s20], $0x400  }
0x10a: {  	[tilespmem:s12], [sflag:$0x4] =	stream.indirect.gather [hbm4b:s1+s9], $0x80, s31, s9, $0xb8;
	[tilespmem:$0x1E400] =	vst v63  }
0x10b: {  	_ =	swait.ge [sflag:s26], $0x4000  }
0x10c: {  	[sflag:s26] =	ssyncset.done $0x0  }
0x10d: {  	[sflag:s26] =	ssyncadd.s32 $0xFFFFC000  }
0x10e: {  	_ =	swait.ge [sflag:s22], $0x400  }
0x10f: {  	[sflag:s22] =	ssyncset.done $0x0  }
0x110: {  	[sflag:s22] =	ssyncadd.s32 $0xFFFFFC00  }
0x111: {  	[spmem:s4] =	stream.linear.scatter [tilespmem:s13], [sflag:$0x8], $0x2000, $0x38;
	[tilespmem:$0x1E400] =	vst v63  }
0x112: {  	_ =	swait.ge [sflag:s8], $0x2000  }
0x113: {  	[sflag:s8] =	ssyncset.done $0x0  }
0x114: {  	s31 =	sadd.s32 $0x6000, s0;
	[sflag:s8] =	ssyncadd.s32 $0xFFFFE000  }
0x115: {  	[hbm:s31], [sflag:s16] =	dma.local [spmem:s17], $0x400  }
0x116: {  	_ =	swait.ge [sflag:s23], $0x400  }
0x117: {  	[sflag:s23] =	ssyncset.done $0x0  }
0x118: {  	[sflag:s23] =	ssyncadd.s32 $0xFFFFFC00  }
0x119: {  	[spmem:s6] =	stream.linear.scatter [tilespmem:s18], [sflag:$0x8], $0x2000, $0x38;
	[tilespmem:$0x1E400] =	vst v63  }
0x11a: {  	_ =	swait.ge [sflag:s8], $0x2000  }
0x11b: {  	[sflag:s8] =	ssyncset.done $0x0  }
0x11c: {  	s5 =	sadd.s32 $0x6400, s0;
	s31 =	simm.s32 $0x880;
	[sflag:s8] =	ssyncadd.s32 $0xFFFFE000  }
0x11d: {  	[hbm:s5], [sflag:s19] =	dma.local [spmem:s20], $0x400  }
0x11e: {  	[tilespmem:s13], [sflag:$0x5] =	stream.indirect.gather [hbm4b:s1+s9], $0x80, s31, s9, $0xb8;
	[tilespmem:$0x1E400] =	vst v63  }
0x11f: {  	_ =	swait.ge [sflag:s28], $0x4000  }
0x120: {  	[sflag:s28] =	ssyncset.done $0x0  }
0x121: {  	[sflag:s28] =	ssyncadd.s32 $0xFFFFC000  }
0x122: {  	_ =	swait.ge [sflag:s22], $0x400  }
0x123: {  	[sflag:s22] =	ssyncset.done $0x0  }
0x124: {  	[sflag:s22] =	ssyncadd.s32 $0xFFFFFC00  }
0x125: {  	[spmem:s4] =	stream.linear.scatter [tilespmem:s14], [sflag:$0x8], $0x2000, $0x38;
	[tilespmem:$0x1E400] =	vst v63  }
0x126: {  	_ =	swait.ge [sflag:s8], $0x2000  }
0x127: {  	[sflag:s8] =	ssyncset.done $0x0  }
0x128: {  	s31 =	sadd.s32 $0x6800, s0;
	[sflag:s8] =	ssyncadd.s32 $0xFFFFE000  }
0x129: {  	[hbm:s31], [sflag:s16] =	dma.local [spmem:s17], $0x400  }
0x12a: {  	_ =	swait.ge [sflag:s23], $0x400  }
0x12b: {  	[sflag:s23] =	ssyncset.done $0x0  }
0x12c: {  	[sflag:s23] =	ssyncadd.s32 $0xFFFFFC00  }
0x12d: {  	[spmem:s6] =	stream.linear.scatter [tilespmem:s24], [sflag:$0x8], $0x2000, $0x38;
	[tilespmem:$0x1E400] =	vst v63  }
0x12e: {  	_ =	swait.ge [sflag:s8], $0x2000  }
0x12f: {  	[sflag:s8] =	ssyncset.done $0x0  }
0x130: {  	s5 =	sadd.s32 $0x6C00, s0;
	s31 =	simm.s32 $0x900;
	[sflag:s8] =	ssyncadd.s32 $0xFFFFE000  }
0x131: {  	[hbm:s5], [sflag:s19] =	dma.local [spmem:s20], $0x400  }
0x132: {  	[tilespmem:s14], [sflag:$0x6] =	stream.indirect.gather [hbm4b:s1+s9], $0x80, s31, s9, $0xb8;
	[tilespmem:$0x1E400] =	vst v63  }
0x133: {  	_ =	swait.ge [sflag:s29], $0x4000  }
0x134: {  	[sflag:s29] =	ssyncset.done $0x0  }
0x135: {  	[sflag:s29] =	ssyncadd.s32 $0xFFFFC000  }
0x136: {  	_ =	swait.ge [sflag:s22], $0x400  }
0x137: {  	[sflag:s22] =	ssyncset.done $0x0  }
0x138: {  	[sflag:s22] =	ssyncadd.s32 $0xFFFFFC00  }
0x139: {  	[spmem:s4] =	stream.linear.scatter [tilespmem:s15], [sflag:$0x8], $0x2000, $0x38;
	[tilespmem:$0x1E400] =	vst v63  }
0x13a: {  	_ =	swait.ge [sflag:s8], $0x2000  }
0x13b: {  	[sflag:s8] =	ssyncset.done $0x0  }
0x13c: {  	s5 =	sadd.s32 $0x7000, s0;
	[sflag:s8] =	ssyncadd.s32 $0xFFFFE000  }
0x13d: {  	[hbm:s5], [sflag:s16] =	dma.local [spmem:s17], $0x400  }
0x13e: {  	_ =	swait.ge [sflag:s23], $0x400  }
0x13f: {  	[sflag:s23] =	ssyncset.done $0x0  }
0x140: {  	[sflag:s23] =	ssyncadd.s32 $0xFFFFFC00  }
0x141: {  	[spmem:s6] =	stream.linear.scatter [tilespmem:s10], [sflag:$0x8], $0x2000, $0x38;
	[tilespmem:$0x1E400] =	vst v63  }
0x142: {  	_ =	swait.ge [sflag:s8], $0x2000  }
0x143: {  	[sflag:s8] =	ssyncset.done $0x0  }
0x144: {  	s3 =	simm.s32 $0x980;
	s31 =	sadd.s32 $0x7400, s0;
	[sflag:s8] =	ssyncadd.s32 $0xFFFFE000  }
0x145: {  	[hbm:s31], [sflag:s19] =	dma.local [spmem:s20], $0x400  }
0x146: {  	[tilespmem:s15], [sflag:$0x7] =	stream.indirect.gather [hbm4b:s1+s9], $0x80, s3, s9, $0xb8;
	[tilespmem:$0x1E400] =	vst v63  }
0x147: {  	_ =	swait.ge [sflag:s21], $0x4000  }
0x148: {  	[sflag:s21] =	ssyncset.done $0x0  }
0x149: {  	[sflag:s21] =	ssyncadd.s32 $0xFFFFC000  }
0x14a: {  	_ =	swait.ge [sflag:s22], $0x400  }
0x14b: {  	[sflag:s22] =	ssyncset.done $0x0  }
0x14c: {  	[sflag:s22] =	ssyncadd.s32 $0xFFFFFC00  }
0x14d: {  	[spmem:s4] =	stream.linear.scatter [tilespmem:s11], [sflag:$0x8], $0x2000, $0x38;
	[tilespmem:$0x1E400] =	vst v63  }
0x14e: {  	_ =	swait.ge [sflag:s8], $0x2000  }
0x14f: {  	[sflag:s8] =	ssyncset.done $0x0  }
0x150: {  	s31 =	sadd.s32 $0x7800, s0;
	[sflag:s8] =	ssyncadd.s32 $0xFFFFE000  }
0x151: {  	[hbm:s31], [sflag:s16] =	dma.local [spmem:s17], $0x400  }
0x152: {  	_ =	swait.ge [sflag:s23], $0x400  }
0x153: {  	[sflag:s23] =	ssyncset.done $0x0  }
0x154: {  	[sflag:s23] =	ssyncadd.s32 $0xFFFFFC00  }
0x155: {  	[spmem:s6] =	stream.linear.scatter [tilespmem:s2], [sflag:$0x8], $0x2000, $0x38;
	[tilespmem:$0x1E400] =	vst v63  }
0x156: {  	_ =	swait.ge [sflag:s8], $0x2000  }
0x157: {  	[sflag:s8] =	ssyncset.done $0x0  }
0x158: {  	s5 =	sadd.s32 $0x7C00, s0;
	[sflag:s8] =	ssyncadd.s32 $0xFFFFE000  }
0x159: {  	[hbm:s5], [sflag:s19] =	dma.local [spmem:s20], $0x400  }
0x15a: {  	_ =	swait.ge [sflag:s25], $0x4000  }
0x15b: {  	[sflag:s25] =	ssyncset.done $0x0  }
0x15c: {  	[sflag:s25] =	ssyncadd.s32 $0xFFFFC000  }
0x15d: {  	_ =	swait.ge [sflag:s22], $0x400  }
0x15e: {  	[sflag:s22] =	ssyncset.done $0x0  }
0x15f: {  	[sflag:s22] =	ssyncadd.s32 $0xFFFFFC00  }
0x160: {  	[spmem:s4] =	stream.linear.scatter [tilespmem:s12], [sflag:$0x8], $0x2000, $0x38;
	[tilespmem:$0x1E400] =	vst v63  }
0x161: {  	_ =	swait.ge [sflag:s8], $0x2000  }
0x162: {  	[sflag:s8] =	ssyncset.done $0x0  }
0x163: {  	s11 =	sadd.s32 $0x8000, s0;
	[sflag:s8] =	ssyncadd.s32 $0xFFFFE000  }
0x164: {  	[hbm:s11], [sflag:s16] =	dma.local [spmem:s17], $0x400  }
0x165: {  	_ =	swait.ge [sflag:s23], $0x400  }
0x166: {  	[sflag:s23] =	ssyncset.done $0x0  }
0x167: {  	[sflag:s23] =	ssyncadd.s32 $0xFFFFFC00  }
0x168: {  	[spmem:s6] =	stream.linear.scatter [tilespmem:s7], [sflag:$0x8], $0x2000, $0x38;
	[tilespmem:$0x1E400] =	vst v63  }
0x169: {  	_ =	swait.ge [sflag:s8], $0x2000  }
0x16a: {  	[sflag:s8] =	ssyncset.done $0x0  }
0x16b: {  	s12 =	sadd.s32 $0x8400, s0;
	[sflag:s8] =	ssyncadd.s32 $0xFFFFE000  }
0x16c: {  	[hbm:s12], [sflag:s19] =	dma.local [spmem:s20], $0x400  }
0x16d: {  	_ =	swait.ge [sflag:s26], $0x4000  }
0x16e: {  	[sflag:s26] =	ssyncset.done $0x0  }
0x16f: {  	[sflag:s26] =	ssyncadd.s32 $0xFFFFC000  }
0x170: {  	_ =	swait.ge [sflag:s22], $0x400  }
0x171: {  	[sflag:s22] =	ssyncset.done $0x0  }
0x172: {  	[sflag:s22] =	ssyncadd.s32 $0xFFFFFC00  }
0x173: {  	[spmem:s4] =	stream.linear.scatter [tilespmem:s13], [sflag:$0x8], $0x2000, $0x38;
	[tilespmem:$0x1E400] =	vst v63  }
0x174: {  	_ =	swait.ge [sflag:s8], $0x2000  }
0x175: {  	[sflag:s8] =	ssyncset.done $0x0  }
0x176: {  	s21 =	sadd.s32 $0x8800, s0;
	[sflag:s8] =	ssyncadd.s32 $0xFFFFE000  }
0x177: {  	[hbm:s21], [sflag:s16] =	dma.local [spmem:s17], $0x400  }
0x178: {  	_ =	swait.ge [sflag:s23], $0x400  }
0x179: {  	[sflag:s23] =	ssyncset.done $0x0  }
0x17a: {  	[sflag:s23] =	ssyncadd.s32 $0xFFFFFC00  }
0x17b: {  	[spmem:s6] =	stream.linear.scatter [tilespmem:s18], [sflag:$0x8], $0x2000, $0x38;
	[tilespmem:$0x1E400] =	vst v63  }
0x17c: {  	_ =	swait.ge [sflag:s8], $0x2000  }
0x17d: {  	[sflag:s8] =	ssyncset.done $0x0  }
0x17e: {  	s25 =	sadd.s32 $0x8C00, s0;
	[sflag:s8] =	ssyncadd.s32 $0xFFFFE000  }
0x17f: {  	[hbm:s25], [sflag:s19] =	dma.local [spmem:s20], $0x400  }
0x180: {  	_ =	swait.ge [sflag:s28], $0x4000  }
0x181: {  	[sflag:s28] =	ssyncset.done $0x0  }
0x182: {  	[sflag:s28] =	ssyncadd.s32 $0xFFFFC000  }
0x183: {  	_ =	swait.ge [sflag:s22], $0x400  }
0x184: {  	[sflag:s22] =	ssyncset.done $0x0  }
0x185: {  	[sflag:s22] =	ssyncadd.s32 $0xFFFFFC00  }
0x186: {  	[spmem:s4] =	stream.linear.scatter [tilespmem:s14], [sflag:$0x8], $0x2000, $0x38;
	[tilespmem:$0x1E400] =	vst v63  }
0x187: {  	_ =	swait.ge [sflag:s8], $0x2000  }
0x188: {  	[sflag:s8] =	ssyncset.done $0x0  }
0x189: {  	s26 =	sadd.s32 $0x9000, s0;
	[sflag:s8] =	ssyncadd.s32 $0xFFFFE000  }
0x18a: {  	[hbm:s26], [sflag:s16] =	dma.local [spmem:s17], $0x400  }
0x18b: {  	_ =	swait.ge [sflag:s23], $0x400  }
0x18c: {  	[sflag:s23] =	ssyncset.done $0x0  }
0x18d: {  	[sflag:s23] =	ssyncadd.s32 $0xFFFFFC00  }
0x18e: {  	[spmem:s6] =	stream.linear.scatter [tilespmem:s24], [sflag:$0x8], $0x2000, $0x38;
	[tilespmem:$0x1E400] =	vst v63  }
0x18f: {  	_ =	swait.ge [sflag:s8], $0x2000  }
0x190: {  	[sflag:s8] =	ssyncset.done $0x0  }
0x191: {  	s28 =	sadd.s32 $0x9400, s0;
	[sflag:s8] =	ssyncadd.s32 $0xFFFFE000  }
0x192: {  	[hbm:s28], [sflag:s19] =	dma.local [spmem:s20], $0x400  }
0x193: {  	_ =	swait.ge [sflag:s29], $0x4000  }
0x194: {  	[sflag:s29] =	ssyncset.done $0x0  }
0x195: {  	[sflag:s29] =	ssyncadd.s32 $0xFFFFC000  }
0x196: {  	_ =	swait.ge [sflag:s22], $0x400  }
0x197: {  	[sflag:s22] =	ssyncset.done $0x0  }
0x198: {  	[sflag:s22] =	ssyncadd.s32 $0xFFFFFC00  }
0x199: {  	[spmem:s4] =	stream.linear.scatter [tilespmem:s15], [sflag:$0x8], $0x2000, $0x38;
	[tilespmem:$0x1E400] =	vst v63  }
0x19a: {  	_ =	swait.ge [sflag:s8], $0x2000  }
0x19b: {  	[sflag:s8] =	ssyncset.done $0x0  }
0x19c: {  	s31 =	sadd.s32 $0x9800, s0;
	[sflag:s8] =	ssyncadd.s32 $0xFFFFE000  }
0x19d: {  	[hbm:s31], [sflag:s16] =	dma.local [spmem:s17], $0x400  }
0x19e: {  	_ =	swait.ge [sflag:s23], $0x400  }
0x19f: {  	[sflag:s23] =	ssyncset.done $0x0  }
0x1a0: {  	[sflag:s23] =	ssyncadd.s32 $0xFFFFFC00  }
0x1a1: {  	[spmem:s6] =	stream.linear.scatter [tilespmem:s10], [sflag:$0x8], $0x2000, $0x38;
	[tilespmem:$0x1E400] =	vst v63  }
0x1a2: {  	_ =	swait.ge [sflag:s8], $0x2000  }
0x1a3: {  	[sflag:s8] =	ssyncset.done $0x0  }
0x1a4: {  	s0 =	sadd.s32 $0x9C00, s0;
	[sflag:s8] =	ssyncadd.s32 $0xFFFFE000  }
0x1a5: {  	[hbm:s0], [sflag:s19] =	dma.local [spmem:s20], $0x400  }
0x1a6: {  	_ =	swait.ge [sflag:s22], $0x400  }
0x1a7: {  	[sflag:s22] =	ssyncset.done $0x0  }
0x1a8: {  	[sflag:s22] =	ssyncadd.s32 $0xFFFFFC00  }
0x1a9: {  	s5 =	simm.s32 $0x14000;
	_ =	swait.ge [sflag:s23], $0x400  }
0x1aa: {  	s24 =	simm.s32 $0xA000;
	s0 =	simm.s32 $0x1380;
	[sflag:s23] =	ssyncset.done $0x0  }
.LBB2_2:
0x1ab: {  	s7 =	sadd.s32 $0xFFFFF680, s0;
	[sflag:s23] =	ssyncadd.s32 $0xFFFFFC00;
	s11 =	simm.s32 $0x6400  }
0x1ac: {  	[tilespmem:s11], [sflag:$0x3] =	stream.indirect.gather [hbm4b:s1+s9], $0x80, s7, s9, $0xb8;
	[tilespmem:$0x1E400] =	vst v63  }
0x1ad: {  	s29 =	sadd.s32 $0xFFFFF700, s0;
	s12 =	simm.s32 $0xA400  }
0x1ae: {  	[tilespmem:s12], [sflag:$0x4] =	stream.indirect.gather [hbm4b:s1+s9], $0x80, s29, s9, $0xb8;
	[tilespmem:$0x1E400] =	vst v63  }
0x1af: {  	s31 =	sadd.s32 $0xFFFFF780, s0;
	s13 =	simm.s32 $0xE400  }
0x1b0: {  	[tilespmem:s13], [sflag:$0x5] =	stream.indirect.gather [hbm4b:s1+s9], $0x80, s31, s9, $0xb8;
	[tilespmem:$0x1E400] =	vst v63  }
0x1b1: {  	s3 =	sadd.s32 $0xFFFFF800, s0;
	s14 =	simm.s32 $0x12400  }
0x1b2: {  	[tilespmem:s14], [sflag:$0x6] =	stream.indirect.gather [hbm4b:s1+s9], $0x80, s3, s9, $0xb8;
	[tilespmem:$0x1E400] =	vst v63  }
0x1b3: {  	s10 =	sadd.s32 $0xFFFFF880, s0;
	s15 =	simm.s32 $0x16400;
	s21 =	simm.s32 $0x3  }
0x1b4: {  	[tilespmem:s15], [sflag:$0x7] =	stream.indirect.gather [hbm4b:s1+s9], $0x80, s10, s9, $0xb8;
	[tilespmem:$0x1E400] =	vst v63  }
0x1b5: {  	_ =	swait.ge [sflag:s21], $0x4000  }
0x1b6: {  	[sflag:s21] =	ssyncset.done $0x0  }
0x1b7: {  	[sflag:s21] =	ssyncadd.s32 $0xFFFFC000  }
0x1b8: {  	[spmem:s4] =	stream.linear.scatter [tilespmem:s11], [sflag:$0x8], $0x2000, $0x38;
	[tilespmem:$0x1E400] =	vst v63  }
0x1b9: {  	_ =	swait.ge [sflag:s8], $0x2000  }
0x1ba: {  	[sflag:s8] =	ssyncset.done $0x0;
	s18 =	rddreg [dreg:$0x5]  }
0x1bb: {  	s25 =	simm.s32 $0x8400;
	[sflag:s8] =	ssyncadd.s32 $0xFFFFE000;
	s7 =	sadd.s32 s24, s18  }
0x1bc: {  	[hbm:s7], [sflag:s16] =	dma.local [spmem:s17], $0x400  }
0x1bd: {  	[spmem:s6] =	stream.linear.scatter [tilespmem:s25], [sflag:$0x8], $0x2000, $0x38;
	[tilespmem:$0x1E400] =	vst v63  }
0x1be: {  	_ =	swait.ge [sflag:s8], $0x2000  }
0x1bf: {  	s18 =	sadd.s32 $0xFFFFF900, s0;
	[sflag:s8] =	ssyncset.done $0x0  }
0x1c0: {  	s26 =	sadd.s32 $0x400, s7;
	s25 =	simm.s32 $0x4;
	[sflag:s8] =	ssyncadd.s32 $0xFFFFE000  }
0x1c1: {  	[hbm:s26], [sflag:s19] =	dma.local [spmem:s20], $0x400  }
0x1c2: {  	[tilespmem:s11], [sflag:$0x3] =	stream.indirect.gather [hbm4b:s1+s9], $0x80, s18, s9, $0xb8;
	[tilespmem:$0x1E400] =	vst v63  }
0x1c3: {  	_ =	swait.ge [sflag:s25], $0x4000  }
0x1c4: {  	[sflag:s25] =	ssyncset.done $0x0  }
0x1c5: {  	[sflag:s25] =	ssyncadd.s32 $0xFFFFC000  }
0x1c6: {  	_ =	swait.ge [sflag:s22], $0x400  }
0x1c7: {  	[sflag:s22] =	ssyncset.done $0x0  }
0x1c8: {  	[sflag:s22] =	ssyncadd.s32 $0xFFFFFC00  }
0x1c9: {  	[spmem:s4] =	stream.linear.scatter [tilespmem:s12], [sflag:$0x8], $0x2000, $0x38;
	[tilespmem:$0x1E400] =	vst v63  }
0x1ca: {  	_ =	swait.ge [sflag:s8], $0x2000  }
0x1cb: {  	[sflag:s8] =	ssyncset.done $0x0  }
0x1cc: {  	s28 =	sadd.s32 $0x800, s7;
	[sflag:s8] =	ssyncadd.s32 $0xFFFFE000  }
0x1cd: {  	[hbm:s28], [sflag:s16] =	dma.local [spmem:s17], $0x400  }
0x1ce: {  	_ =	swait.ge [sflag:s23], $0x400  }
0x1cf: {  	[sflag:s23] =	ssyncset.done $0x0  }
0x1d0: {  	s29 =	simm.s32 $0xC400;
	[sflag:s23] =	ssyncadd.s32 $0xFFFFFC00  }
0x1d1: {  	[spmem:s6] =	stream.linear.scatter [tilespmem:s29], [sflag:$0x8], $0x2000, $0x38;
	[tilespmem:$0x1E400] =	vst v63  }
0x1d2: {  	_ =	swait.ge [sflag:s8], $0x2000  }
0x1d3: {  	s3 =	sadd.s32 $0xFFFFF980, s0;
	[sflag:s8] =	ssyncset.done $0x0  }
0x1d4: {  	s31 =	sadd.s32 $0xC00, s7;
	s28 =	simm.s32 $0x5;
	[sflag:s8] =	ssyncadd.s32 $0xFFFFE000  }
0x1d5: {  	[hbm:s31], [sflag:s19] =	dma.local [spmem:s20], $0x400  }
0x1d6: {  	[tilespmem:s12], [sflag:$0x4] =	stream.indirect.gather [hbm4b:s1+s9], $0x80, s3, s9, $0xb8;
	[tilespmem:$0x1E400] =	vst v63  }
0x1d7: {  	_ =	swait.ge [sflag:s28], $0x4000  }
0x1d8: {  	[sflag:s28] =	ssyncset.done $0x0  }
0x1d9: {  	[sflag:s28] =	ssyncadd.s32 $0xFFFFC000  }
0x1da: {  	_ =	swait.ge [sflag:s22], $0x400  }
0x1db: {  	[sflag:s22] =	ssyncset.done $0x0  }
0x1dc: {  	[sflag:s22] =	ssyncadd.s32 $0xFFFFFC00  }
0x1dd: {  	[spmem:s4] =	stream.linear.scatter [tilespmem:s13], [sflag:$0x8], $0x2000, $0x38;
	[tilespmem:$0x1E400] =	vst v63  }
0x1de: {  	_ =	swait.ge [sflag:s8], $0x2000  }
0x1df: {  	[sflag:s8] =	ssyncset.done $0x0  }
0x1e0: {  	s18 =	sadd.s32 $0x1000, s7;
	[sflag:s8] =	ssyncadd.s32 $0xFFFFE000  }
0x1e1: {  	[hbm:s18], [sflag:s16] =	dma.local [spmem:s17], $0x400  }
0x1e2: {  	_ =	swait.ge [sflag:s23], $0x400  }
0x1e3: {  	[sflag:s23] =	ssyncset.done $0x0  }
0x1e4: {  	s29 =	simm.s32 $0x10400;
	[sflag:s23] =	ssyncadd.s32 $0xFFFFFC00  }
0x1e5: {  	[spmem:s6] =	stream.linear.scatter [tilespmem:s29], [sflag:$0x8], $0x2000, $0x38;
	[tilespmem:$0x1E400] =	vst v63  }
0x1e6: {  	_ =	swait.ge [sflag:s8], $0x2000  }
0x1e7: {  	[sflag:s8] =	ssyncset.done $0x0  }
0x1e8: {  	s31 =	sadd.s32 $0x1400, s7;
	s3 =	sadd.s32 $0xFFFFFA00, s0;
	[sflag:s8] =	ssyncadd.s32 $0xFFFFE000  }
0x1e9: {  	[hbm:s31], [sflag:s19] =	dma.local [spmem:s20], $0x400  }
0x1ea: {  	[tilespmem:s13], [sflag:$0x5] =	stream.indirect.gather [hbm4b:s1+s9], $0x80, s3, s9, $0xb8;
	[tilespmem:$0x1E400] =	vst v63  }
0x1eb: {  	_ =	swait.ge [sflag:s30], $0x4000  }
0x1ec: {  	[sflag:s30] =	ssyncset.done $0x0  }
0x1ed: {  	[sflag:s30] =	ssyncadd.s32 $0xFFFFC000  }
0x1ee: {  	_ =	swait.ge [sflag:s22], $0x400  }
0x1ef: {  	[sflag:s22] =	ssyncset.done $0x0  }
0x1f0: {  	[sflag:s22] =	ssyncadd.s32 $0xFFFFFC00  }
0x1f1: {  	[spmem:s4] =	stream.linear.scatter [tilespmem:s14], [sflag:$0x8], $0x2000, $0x38;
	[tilespmem:$0x1E400] =	vst v63  }
0x1f2: {  	_ =	swait.ge [sflag:s8], $0x2000  }
0x1f3: {  	[sflag:s8] =	ssyncset.done $0x0  }
0x1f4: {  	s31 =	sadd.s32 $0x1800, s7;
	[sflag:s8] =	ssyncadd.s32 $0xFFFFE000  }
0x1f5: {  	[hbm:s31], [sflag:s16] =	dma.local [spmem:s17], $0x400  }
0x1f6: {  	_ =	swait.ge [sflag:s23], $0x400  }
0x1f7: {  	[sflag:s23] =	ssyncset.done $0x0  }
0x1f8: {  	s3 =	simm.s32 $0x14400;
	[sflag:s23] =	ssyncadd.s32 $0xFFFFFC00  }
0x1f9: {  	[spmem:s6] =	stream.linear.scatter [tilespmem:s3], [sflag:$0x8], $0x2000, $0x38;
	[tilespmem:$0x1E400] =	vst v63  }
0x1fa: {  	_ =	swait.ge [sflag:s8], $0x2000  }
0x1fb: {  	[sflag:s8] =	ssyncset.done $0x0  }
0x1fc: {  	s18 =	sadd.s32 $0x1C00, s7;
	s3 =	sadd.s32 $0xFFFFFA80, s0;
	[sflag:s8] =	ssyncadd.s32 $0xFFFFE000  }
0x1fd: {  	[hbm:s18], [sflag:s19] =	dma.local [spmem:s20], $0x400  }
0x1fe: {  	[tilespmem:s14], [sflag:$0x6] =	stream.indirect.gather [hbm4b:s1+s9], $0x80, s3, s9, $0xb8;
	[tilespmem:$0x1E400] =	vst v63  }
0x1ff: {  	s3 =	simm.s32 $0x7  }
0x200: {  	_ =	swait.ge [sflag:s3], $0x4000  }
0x201: {  	[sflag:s3] =	ssyncset.done $0x0  }
0x202: {  	[sflag:s3] =	ssyncadd.s32 $0xFFFFC000  }
0x203: {  	_ =	swait.ge [sflag:s22], $0x400  }
0x204: {  	[sflag:s22] =	ssyncset.done $0x0  }
0x205: {  	[sflag:s22] =	ssyncadd.s32 $0xFFFFFC00  }
0x206: {  	[spmem:s4] =	stream.linear.scatter [tilespmem:s15], [sflag:$0x8], $0x2000, $0x38;
	[tilespmem:$0x1E400] =	vst v63  }
0x207: {  	_ =	swait.ge [sflag:s8], $0x2000  }
0x208: {  	[sflag:s8] =	ssyncset.done $0x0  }
0x209: {  	s18 =	sadd.s32 $0x2000, s7;
	[sflag:s8] =	ssyncadd.s32 $0xFFFFE000  }
0x20a: {  	[hbm:s18], [sflag:s16] =	dma.local [spmem:s17], $0x400  }
0x20b: {  	_ =	swait.ge [sflag:s23], $0x400  }
0x20c: {  	[sflag:s23] =	ssyncset.done $0x0  }
0x20d: {  	s18 =	simm.s32 $0x18400;
	[sflag:s23] =	ssyncadd.s32 $0xFFFFFC00  }
0x20e: {  	[spmem:s6] =	stream.linear.scatter [tilespmem:s18], [sflag:$0x8], $0x2000, $0x38;
	[tilespmem:$0x1E400] =	vst v63  }
0x20f: {  	s2 =	smov.u32 s5;
	_ =	swait.ge [sflag:s8], $0x2000  }
0x210: {  	s24 =	smov.u32 s2;
	[sflag:s8] =	ssyncset.done $0x0  }
0x211: {  	s2 =	sadd.s32 $0x2400, s7;
	s18 =	sadd.s32 $0xFFFFFB00, s0;
	[sflag:s8] =	ssyncadd.s32 $0xFFFFE000  }
0x212: {  	[hbm:s2], [sflag:s19] =	dma.local [spmem:s20], $0x400  }
0x213: {  	[tilespmem:s15], [sflag:$0x7] =	stream.indirect.gather [hbm4b:s1+s9], $0x80, s18, s9, $0xb8;
	[tilespmem:$0x1E400] =	vst v63  }
0x214: {  	_ =	swait.ge [sflag:s21], $0x4000  }
0x215: {  	[sflag:s21] =	ssyncset.done $0x0  }
0x216: {  	[sflag:s21] =	ssyncadd.s32 $0xFFFFC000  }
0x217: {  	_ =	swait.ge [sflag:s22], $0x400  }
0x218: {  	[sflag:s22] =	ssyncset.done $0x0  }
0x219: {  	[sflag:s22] =	ssyncadd.s32 $0xFFFFFC00  }
0x21a: {  	[spmem:s4] =	stream.linear.scatter [tilespmem:s11], [sflag:$0x8], $0x2000, $0x38;
	[tilespmem:$0x1E400] =	vst v63  }
0x21b: {  	_ =	swait.ge [sflag:s8], $0x2000  }
0x21c: {  	[sflag:s8] =	ssyncset.done $0x0  }
0x21d: {  	s18 =	sadd.s32 $0x2800, s7;
	[sflag:s8] =	ssyncadd.s32 $0xFFFFE000  }
0x21e: {  	[hbm:s18], [sflag:s16] =	dma.local [spmem:s17], $0x400  }
0x21f: {  	_ =	swait.ge [sflag:s23], $0x400  }
0x220: {  	[sflag:s23] =	ssyncset.done $0x0  }
0x221: {  	s10 =	simm.s32 $0x8400;
	[sflag:s23] =	ssyncadd.s32 $0xFFFFFC00  }
0x222: {  	[spmem:s6] =	stream.linear.scatter [tilespmem:s10], [sflag:$0x8], $0x2000, $0x38;
	[tilespmem:$0x1E400] =	vst v63  }
0x223: {  	_ =	swait.ge [sflag:s8], $0x2000  }
0x224: {  	[sflag:s8] =	ssyncset.done $0x0  }
0x225: {  	s2 =	sadd.s32 $0x2C00, s7;
	s18 =	sadd.s32 $0xFFFFFB80, s0;
	[sflag:s8] =	ssyncadd.s32 $0xFFFFE000  }
0x226: {  	[hbm:s2], [sflag:s19] =	dma.local [spmem:s20], $0x400  }
0x227: {  	[tilespmem:s11], [sflag:$0x3] =	stream.indirect.gather [hbm4b:s1+s9], $0x80, s18, s9, $0xb8;
	[tilespmem:$0x1E400] =	vst v63  }
0x228: {  	_ =	swait.ge [sflag:s25], $0x4000  }
0x229: {  	[sflag:s25] =	ssyncset.done $0x0  }
0x22a: {  	[sflag:s25] =	ssyncadd.s32 $0xFFFFC000  }
0x22b: {  	_ =	swait.ge [sflag:s22], $0x400  }
0x22c: {  	[sflag:s22] =	ssyncset.done $0x0  }
0x22d: {  	[sflag:s22] =	ssyncadd.s32 $0xFFFFFC00  }
0x22e: {  	[spmem:s4] =	stream.linear.scatter [tilespmem:s12], [sflag:$0x8], $0x2000, $0x38;
	[tilespmem:$0x1E400] =	vst v63  }
0x22f: {  	_ =	swait.ge [sflag:s8], $0x2000  }
0x230: {  	[sflag:s8] =	ssyncset.done $0x0  }
0x231: {  	s18 =	sadd.s32 $0x3000, s7;
	[sflag:s8] =	ssyncadd.s32 $0xFFFFE000  }
0x232: {  	[hbm:s18], [sflag:s16] =	dma.local [spmem:s17], $0x400  }
0x233: {  	_ =	swait.ge [sflag:s23], $0x400  }
0x234: {  	[sflag:s23] =	ssyncset.done $0x0  }
0x235: {  	s26 =	simm.s32 $0xC400;
	[sflag:s23] =	ssyncadd.s32 $0xFFFFFC00  }
0x236: {  	[spmem:s6] =	stream.linear.scatter [tilespmem:s26], [sflag:$0x8], $0x2000, $0x38;
	[tilespmem:$0x1E400] =	vst v63  }
0x237: {  	_ =	swait.ge [sflag:s8], $0x2000  }
0x238: {  	[sflag:s8] =	ssyncset.done $0x0  }
0x239: {  	s2 =	sadd.s32 $0x3400, s7;
	s18 =	sadd.s32 $0xFFFFFC00, s0;
	[sflag:s8] =	ssyncadd.s32 $0xFFFFE000  }
0x23a: {  	[hbm:s2], [sflag:s19] =	dma.local [spmem:s20], $0x400  }
0x23b: {  	[tilespmem:s12], [sflag:$0x4] =	stream.indirect.gather [hbm4b:s1+s9], $0x80, s18, s9, $0xb8;
	[tilespmem:$0x1E400] =	vst v63  }
0x23c: {  	_ =	swait.ge [sflag:s28], $0x4000  }
0x23d: {  	[sflag:s28] =	ssyncset.done $0x0  }
0x23e: {  	[sflag:s28] =	ssyncadd.s32 $0xFFFFC000  }
0x23f: {  	_ =	swait.ge [sflag:s22], $0x400  }
0x240: {  	[sflag:s22] =	ssyncset.done $0x0  }
0x241: {  	[sflag:s22] =	ssyncadd.s32 $0xFFFFFC00  }
0x242: {  	[spmem:s4] =	stream.linear.scatter [tilespmem:s13], [sflag:$0x8], $0x2000, $0x38;
	[tilespmem:$0x1E400] =	vst v63  }
0x243: {  	_ =	swait.ge [sflag:s8], $0x2000  }
0x244: {  	[sflag:s8] =	ssyncset.done $0x0  }
0x245: {  	s18 =	sadd.s32 $0x3800, s7;
	[sflag:s8] =	ssyncadd.s32 $0xFFFFE000  }
0x246: {  	[hbm:s18], [sflag:s16] =	dma.local [spmem:s17], $0x400  }
0x247: {  	_ =	swait.ge [sflag:s23], $0x400  }
0x248: {  	[sflag:s23] =	ssyncset.done $0x0  }
0x249: {  	s29 =	simm.s32 $0x10400;
	[sflag:s23] =	ssyncadd.s32 $0xFFFFFC00  }
0x24a: {  	[spmem:s6] =	stream.linear.scatter [tilespmem:s29], [sflag:$0x8], $0x2000, $0x38;
	[tilespmem:$0x1E400] =	vst v63  }
0x24b: {  	_ =	swait.ge [sflag:s8], $0x2000  }
0x24c: {  	[sflag:s8] =	ssyncset.done $0x0  }
0x24d: {  	s2 =	sadd.s32 $0x3C00, s7;
	s18 =	sadd.s32 $0xFFFFFC80, s0;
	[sflag:s8] =	ssyncadd.s32 $0xFFFFE000  }
0x24e: {  	[hbm:s2], [sflag:s19] =	dma.local [spmem:s20], $0x400  }
0x24f: {  	[tilespmem:s13], [sflag:$0x5] =	stream.indirect.gather [hbm4b:s1+s9], $0x80, s18, s9, $0xb8;
	[tilespmem:$0x1E400] =	vst v63  }
0x250: {  	_ =	swait.ge [sflag:s30], $0x4000  }
0x251: {  	[sflag:s30] =	ssyncset.done $0x0  }
0x252: {  	[sflag:s30] =	ssyncadd.s32 $0xFFFFC000  }
0x253: {  	_ =	swait.ge [sflag:s22], $0x400  }
0x254: {  	[sflag:s22] =	ssyncset.done $0x0  }
0x255: {  	[sflag:s22] =	ssyncadd.s32 $0xFFFFFC00  }
0x256: {  	[spmem:s4] =	stream.linear.scatter [tilespmem:s14], [sflag:$0x8], $0x2000, $0x38;
	[tilespmem:$0x1E400] =	vst v63  }
0x257: {  	_ =	swait.ge [sflag:s8], $0x2000  }
0x258: {  	[sflag:s8] =	ssyncset.done $0x0  }
0x259: {  	s18 =	sadd.s32 $0x4000, s7;
	[sflag:s8] =	ssyncadd.s32 $0xFFFFE000  }
0x25a: {  	[hbm:s18], [sflag:s16] =	dma.local [spmem:s17], $0x400  }
0x25b: {  	_ =	swait.ge [sflag:s23], $0x400  }
0x25c: {  	[sflag:s23] =	ssyncset.done $0x0  }
0x25d: {  	s31 =	simm.s32 $0x14400;
	[sflag:s23] =	ssyncadd.s32 $0xFFFFFC00  }
0x25e: {  	[spmem:s6] =	stream.linear.scatter [tilespmem:s31], [sflag:$0x8], $0x2000, $0x38;
	[tilespmem:$0x1E400] =	vst v63  }
0x25f: {  	_ =	swait.ge [sflag:s8], $0x2000  }
0x260: {  	[sflag:s8] =	ssyncset.done $0x0  }
0x261: {  	s2 =	sadd.s32 $0x4400, s7;
	s18 =	sadd.s32 $0xFFFFFD00, s0;
	[sflag:s8] =	ssyncadd.s32 $0xFFFFE000  }
0x262: {  	[hbm:s2], [sflag:s19] =	dma.local [spmem:s20], $0x400  }
0x263: {  	[tilespmem:s14], [sflag:$0x6] =	stream.indirect.gather [hbm4b:s1+s9], $0x80, s18, s9, $0xb8;
	[tilespmem:$0x1E400] =	vst v63  }
0x264: {  	_ =	swait.ge [sflag:s3], $0x4000  }
0x265: {  	[sflag:s3] =	ssyncset.done $0x0  }
0x266: {  	[sflag:s3] =	ssyncadd.s32 $0xFFFFC000  }
0x267: {  	_ =	swait.ge [sflag:s22], $0x400  }
0x268: {  	[sflag:s22] =	ssyncset.done $0x0  }
0x269: {  	[sflag:s22] =	ssyncadd.s32 $0xFFFFFC00  }
0x26a: {  	[spmem:s4] =	stream.linear.scatter [tilespmem:s15], [sflag:$0x8], $0x2000, $0x38;
	[tilespmem:$0x1E400] =	vst v63  }
0x26b: {  	_ =	swait.ge [sflag:s8], $0x2000  }
0x26c: {  	[sflag:s8] =	ssyncset.done $0x0  }
0x26d: {  	s18 =	sadd.s32 $0x4800, s7;
	[sflag:s8] =	ssyncadd.s32 $0xFFFFE000  }
0x26e: {  	[hbm:s18], [sflag:s16] =	dma.local [spmem:s17], $0x400  }
0x26f: {  	_ =	swait.ge [sflag:s23], $0x400  }
0x270: {  	[sflag:s23] =	ssyncset.done $0x0  }
0x271: {  	s18 =	simm.s32 $0x18400;
	[sflag:s23] =	ssyncadd.s32 $0xFFFFFC00  }
0x272: {  	[spmem:s6] =	stream.linear.scatter [tilespmem:s18], [sflag:$0x8], $0x2000, $0x38;
	[tilespmem:$0x1E400] =	vst v63  }
0x273: {  	_ =	swait.ge [sflag:s8], $0x2000  }
0x274: {  	[sflag:s8] =	ssyncset.done $0x0  }
0x275: {  	s2 =	sadd.s32 $0x4C00, s7;
	s18 =	sadd.s32 $0xFFFFFD80, s0;
	[sflag:s8] =	ssyncadd.s32 $0xFFFFE000  }
0x276: {  	[hbm:s2], [sflag:s19] =	dma.local [spmem:s20], $0x400  }
0x277: {  	[tilespmem:s15], [sflag:$0x7] =	stream.indirect.gather [hbm4b:s1+s9], $0x80, s18, s9, $0xb8;
	[tilespmem:$0x1E400] =	vst v63  }
0x278: {  	_ =	swait.ge [sflag:s21], $0x4000  }
0x279: {  	[sflag:s21] =	ssyncset.done $0x0  }
0x27a: {  	[sflag:s21] =	ssyncadd.s32 $0xFFFFC000  }
0x27b: {  	_ =	swait.ge [sflag:s22], $0x400  }
0x27c: {  	[sflag:s22] =	ssyncset.done $0x0  }
0x27d: {  	[sflag:s22] =	ssyncadd.s32 $0xFFFFFC00  }
0x27e: {  	[spmem:s4] =	stream.linear.scatter [tilespmem:s11], [sflag:$0x8], $0x2000, $0x38;
	[tilespmem:$0x1E400] =	vst v63  }
0x27f: {  	_ =	swait.ge [sflag:s8], $0x2000  }
0x280: {  	[sflag:s8] =	ssyncset.done $0x0  }
0x281: {  	s18 =	sadd.s32 $0x5000, s7;
	[sflag:s8] =	ssyncadd.s32 $0xFFFFE000  }
0x282: {  	[hbm:s18], [sflag:s16] =	dma.local [spmem:s17], $0x400  }
0x283: {  	_ =	swait.ge [sflag:s23], $0x400  }
0x284: {  	[sflag:s23] =	ssyncset.done $0x0  }
0x285: {  	s10 =	simm.s32 $0x8400;
	[sflag:s23] =	ssyncadd.s32 $0xFFFFFC00  }
0x286: {  	[spmem:s6] =	stream.linear.scatter [tilespmem:s10], [sflag:$0x8], $0x2000, $0x38;
	[tilespmem:$0x1E400] =	vst v63  }
0x287: {  	_ =	swait.ge [sflag:s8], $0x2000  }
0x288: {  	[sflag:s8] =	ssyncset.done $0x0  }
0x289: {  	s2 =	sadd.s32 $0x5400, s7;
	s18 =	sadd.s32 $0xFFFFFE00, s0;
	[sflag:s8] =	ssyncadd.s32 $0xFFFFE000  }
0x28a: {  	[hbm:s2], [sflag:s19] =	dma.local [spmem:s20], $0x400  }
0x28b: {  	[tilespmem:s11], [sflag:$0x3] =	stream.indirect.gather [hbm4b:s1+s9], $0x80, s18, s9, $0xb8;
	[tilespmem:$0x1E400] =	vst v63  }
0x28c: {  	_ =	swait.ge [sflag:s25], $0x4000  }
0x28d: {  	[sflag:s25] =	ssyncset.done $0x0  }
0x28e: {  	[sflag:s25] =	ssyncadd.s32 $0xFFFFC000  }
0x28f: {  	_ =	swait.ge [sflag:s22], $0x400  }
0x290: {  	[sflag:s22] =	ssyncset.done $0x0  }
0x291: {  	[sflag:s22] =	ssyncadd.s32 $0xFFFFFC00  }
0x292: {  	[spmem:s4] =	stream.linear.scatter [tilespmem:s12], [sflag:$0x8], $0x2000, $0x38;
	[tilespmem:$0x1E400] =	vst v63  }
0x293: {  	_ =	swait.ge [sflag:s8], $0x2000  }
0x294: {  	[sflag:s8] =	ssyncset.done $0x0  }
0x295: {  	s18 =	sadd.s32 $0x5800, s7;
	[sflag:s8] =	ssyncadd.s32 $0xFFFFE000  }
0x296: {  	[hbm:s18], [sflag:s16] =	dma.local [spmem:s17], $0x400  }
0x297: {  	_ =	swait.ge [sflag:s23], $0x400  }
0x298: {  	[sflag:s23] =	ssyncset.done $0x0  }
0x299: {  	s26 =	simm.s32 $0xC400;
	[sflag:s23] =	ssyncadd.s32 $0xFFFFFC00  }
0x29a: {  	[spmem:s6] =	stream.linear.scatter [tilespmem:s26], [sflag:$0x8], $0x2000, $0x38;
	[tilespmem:$0x1E400] =	vst v63  }
0x29b: {  	_ =	swait.ge [sflag:s8], $0x2000  }
0x29c: {  	[sflag:s8] =	ssyncset.done $0x0  }
0x29d: {  	s2 =	sadd.s32 $0x5C00, s7;
	s18 =	sadd.s32 $0xFFFFFE80, s0;
	[sflag:s8] =	ssyncadd.s32 $0xFFFFE000  }
0x29e: {  	[hbm:s2], [sflag:s19] =	dma.local [spmem:s20], $0x400  }
0x29f: {  	[tilespmem:s12], [sflag:$0x4] =	stream.indirect.gather [hbm4b:s1+s9], $0x80, s18, s9, $0xb8;
	[tilespmem:$0x1E400] =	vst v63  }
0x2a0: {  	_ =	swait.ge [sflag:s28], $0x4000  }
0x2a1: {  	[sflag:s28] =	ssyncset.done $0x0  }
0x2a2: {  	[sflag:s28] =	ssyncadd.s32 $0xFFFFC000  }
0x2a3: {  	_ =	swait.ge [sflag:s22], $0x400  }
0x2a4: {  	[sflag:s22] =	ssyncset.done $0x0  }
0x2a5: {  	[sflag:s22] =	ssyncadd.s32 $0xFFFFFC00  }
0x2a6: {  	[spmem:s4] =	stream.linear.scatter [tilespmem:s13], [sflag:$0x8], $0x2000, $0x38;
	[tilespmem:$0x1E400] =	vst v63  }
0x2a7: {  	_ =	swait.ge [sflag:s8], $0x2000  }
0x2a8: {  	[sflag:s8] =	ssyncset.done $0x0  }
0x2a9: {  	s18 =	sadd.s32 $0x6000, s7;
	[sflag:s8] =	ssyncadd.s32 $0xFFFFE000  }
0x2aa: {  	[hbm:s18], [sflag:s16] =	dma.local [spmem:s17], $0x400  }
0x2ab: {  	_ =	swait.ge [sflag:s23], $0x400  }
0x2ac: {  	[sflag:s23] =	ssyncset.done $0x0  }
0x2ad: {  	s29 =	simm.s32 $0x10400;
	[sflag:s23] =	ssyncadd.s32 $0xFFFFFC00  }
0x2ae: {  	[spmem:s6] =	stream.linear.scatter [tilespmem:s29], [sflag:$0x8], $0x2000, $0x38;
	[tilespmem:$0x1E400] =	vst v63  }
0x2af: {  	_ =	swait.ge [sflag:s8], $0x2000  }
0x2b0: {  	[sflag:s8] =	ssyncset.done $0x0  }
0x2b1: {  	s2 =	sadd.s32 $0x6400, s7;
	s18 =	sadd.s32 $0xFFFFFF00, s0;
	[sflag:s8] =	ssyncadd.s32 $0xFFFFE000  }
0x2b2: {  	[hbm:s2], [sflag:s19] =	dma.local [spmem:s20], $0x400  }
0x2b3: {  	[tilespmem:s13], [sflag:$0x5] =	stream.indirect.gather [hbm4b:s1+s9], $0x80, s18, s9, $0xb8;
	[tilespmem:$0x1E400] =	vst v63  }
0x2b4: {  	_ =	swait.ge [sflag:s30], $0x4000  }
0x2b5: {  	[sflag:s30] =	ssyncset.done $0x0  }
0x2b6: {  	[sflag:s30] =	ssyncadd.s32 $0xFFFFC000  }
0x2b7: {  	_ =	swait.ge [sflag:s22], $0x400  }
0x2b8: {  	[sflag:s22] =	ssyncset.done $0x0  }
0x2b9: {  	[sflag:s22] =	ssyncadd.s32 $0xFFFFFC00  }
0x2ba: {  	[spmem:s4] =	stream.linear.scatter [tilespmem:s14], [sflag:$0x8], $0x2000, $0x38;
	[tilespmem:$0x1E400] =	vst v63  }
0x2bb: {  	_ =	swait.ge [sflag:s8], $0x2000  }
0x2bc: {  	[sflag:s8] =	ssyncset.done $0x0  }
0x2bd: {  	s18 =	sadd.s32 $0x6800, s7;
	[sflag:s8] =	ssyncadd.s32 $0xFFFFE000  }
0x2be: {  	[hbm:s18], [sflag:s16] =	dma.local [spmem:s17], $0x400  }
0x2bf: {  	_ =	swait.ge [sflag:s23], $0x400  }
0x2c0: {  	[sflag:s23] =	ssyncset.done $0x0  }
0x2c1: {  	s31 =	simm.s32 $0x14400;
	[sflag:s23] =	ssyncadd.s32 $0xFFFFFC00  }
0x2c2: {  	[spmem:s6] =	stream.linear.scatter [tilespmem:s31], [sflag:$0x8], $0x2000, $0x38;
	[tilespmem:$0x1E400] =	vst v63  }
0x2c3: {  	_ =	swait.ge [sflag:s8], $0x2000  }
0x2c4: {  	[sflag:s8] =	ssyncset.done $0x0  }
0x2c5: {  	s2 =	sadd.s32 $0x6C00, s7;
	s18 =	sadd.s32 $0xFFFFFF80, s0;
	[sflag:s8] =	ssyncadd.s32 $0xFFFFE000  }
0x2c6: {  	[hbm:s2], [sflag:s19] =	dma.local [spmem:s20], $0x400  }
0x2c7: {  	[tilespmem:s14], [sflag:$0x6] =	stream.indirect.gather [hbm4b:s1+s9], $0x80, s18, s9, $0xb8;
	[tilespmem:$0x1E400] =	vst v63  }
0x2c8: {  	_ =	swait.ge [sflag:s3], $0x4000  }
0x2c9: {  	[sflag:s3] =	ssyncset.done $0x0  }
0x2ca: {  	[sflag:s3] =	ssyncadd.s32 $0xFFFFC000  }
0x2cb: {  	_ =	swait.ge [sflag:s22], $0x400  }
0x2cc: {  	[sflag:s22] =	ssyncset.done $0x0  }
0x2cd: {  	[sflag:s22] =	ssyncadd.s32 $0xFFFFFC00  }
0x2ce: {  	[spmem:s4] =	stream.linear.scatter [tilespmem:s15], [sflag:$0x8], $0x2000, $0x38;
	[tilespmem:$0x1E400] =	vst v63  }
0x2cf: {  	_ =	swait.ge [sflag:s8], $0x2000  }
0x2d0: {  	[sflag:s8] =	ssyncset.done $0x0  }
0x2d1: {  	s18 =	sadd.s32 $0x7000, s7;
	[sflag:s8] =	ssyncadd.s32 $0xFFFFE000  }
0x2d2: {  	[hbm:s18], [sflag:s16] =	dma.local [spmem:s17], $0x400  }
0x2d3: {  	_ =	swait.ge [sflag:s23], $0x400  }
0x2d4: {  	[sflag:s23] =	ssyncset.done $0x0  }
0x2d5: {  	s18 =	simm.s32 $0x18400;
	[sflag:s23] =	ssyncadd.s32 $0xFFFFFC00  }
0x2d6: {  	[spmem:s6] =	stream.linear.scatter [tilespmem:s18], [sflag:$0x8], $0x2000, $0x38;
	[tilespmem:$0x1E400] =	vst v63  }
0x2d7: {  	_ =	swait.ge [sflag:s8], $0x2000  }
0x2d8: {  	[sflag:s8] =	ssyncset.done $0x0  }
0x2d9: {  	s2 =	sadd.s32 $0x7400, s7;
	[sflag:s8] =	ssyncadd.s32 $0xFFFFE000  }
0x2da: {  	[hbm:s2], [sflag:s19] =	dma.local [spmem:s20], $0x400  }
0x2db: {  	[tilespmem:s15], [sflag:$0x7] =	stream.indirect.gather [hbm4b:s1+s9], $0x80, s0, s9, $0xb8;
	[tilespmem:$0x1E400] =	vst v63  }
0x2dc: {  	_ =	swait.ge [sflag:s21], $0x4000  }
0x2dd: {  	[sflag:s21] =	ssyncset.done $0x0  }
0x2de: {  	[sflag:s21] =	ssyncadd.s32 $0xFFFFC000  }
0x2df: {  	_ =	swait.ge [sflag:s22], $0x400  }
0x2e0: {  	[sflag:s22] =	ssyncset.done $0x0  }
0x2e1: {  	[sflag:s22] =	ssyncadd.s32 $0xFFFFFC00  }
0x2e2: {  	[spmem:s4] =	stream.linear.scatter [tilespmem:s11], [sflag:$0x8], $0x2000, $0x38;
	[tilespmem:$0x1E400] =	vst v63  }
0x2e3: {  	_ =	swait.ge [sflag:s8], $0x2000  }
0x2e4: {  	[sflag:s8] =	ssyncset.done $0x0  }
0x2e5: {  	s21 =	sadd.s32 $0x7800, s7;
	[sflag:s8] =	ssyncadd.s32 $0xFFFFE000  }
0x2e6: {  	[hbm:s21], [sflag:s16] =	dma.local [spmem:s17], $0x400  }
0x2e7: {  	_ =	swait.ge [sflag:s23], $0x400  }
0x2e8: {  	[sflag:s23] =	ssyncset.done $0x0  }
0x2e9: {  	s10 =	simm.s32 $0x8400;
	[sflag:s23] =	ssyncadd.s32 $0xFFFFFC00  }
0x2ea: {  	[spmem:s6] =	stream.linear.scatter [tilespmem:s10], [sflag:$0x8], $0x2000, $0x38;
	[tilespmem:$0x1E400] =	vst v63  }
0x2eb: {  	_ =	swait.ge [sflag:s8], $0x2000  }
0x2ec: {  	[sflag:s8] =	ssyncset.done $0x0  }
0x2ed: {  	s10 =	sadd.s32 $0x7C00, s7;
	[sflag:s8] =	ssyncadd.s32 $0xFFFFE000  }
0x2ee: {  	[hbm:s10], [sflag:s19] =	dma.local [spmem:s20], $0x400  }
0x2ef: {  	_ =	swait.ge [sflag:s25], $0x4000  }
0x2f0: {  	[sflag:s25] =	ssyncset.done $0x0  }
0x2f1: {  	[sflag:s25] =	ssyncadd.s32 $0xFFFFC000  }
0x2f2: {  	_ =	swait.ge [sflag:s22], $0x400  }
0x2f3: {  	[sflag:s22] =	ssyncset.done $0x0  }
0x2f4: {  	[sflag:s22] =	ssyncadd.s32 $0xFFFFFC00  }
0x2f5: {  	[spmem:s4] =	stream.linear.scatter [tilespmem:s12], [sflag:$0x8], $0x2000, $0x38;
	[tilespmem:$0x1E400] =	vst v63  }
0x2f6: {  	_ =	swait.ge [sflag:s8], $0x2000  }
0x2f7: {  	[sflag:s8] =	ssyncset.done $0x0  }
0x2f8: {  	s11 =	sadd.s32 $0x8000, s7;
	[sflag:s8] =	ssyncadd.s32 $0xFFFFE000  }
0x2f9: {  	[hbm:s11], [sflag:s16] =	dma.local [spmem:s17], $0x400  }
0x2fa: {  	_ =	swait.ge [sflag:s23], $0x400  }
0x2fb: {  	[sflag:s23] =	ssyncset.done $0x0  }
0x2fc: {  	s26 =	simm.s32 $0xC400;
	[sflag:s23] =	ssyncadd.s32 $0xFFFFFC00  }
0x2fd: {  	[spmem:s6] =	stream.linear.scatter [tilespmem:s26], [sflag:$0x8], $0x2000, $0x38;
	[tilespmem:$0x1E400] =	vst v63  }
0x2fe: {  	_ =	swait.ge [sflag:s8], $0x2000  }
0x2ff: {  	[sflag:s8] =	ssyncset.done $0x0  }
0x300: {  	s12 =	sadd.s32 $0x8400, s7;
	[sflag:s8] =	ssyncadd.s32 $0xFFFFE000  }
0x301: {  	[hbm:s12], [sflag:s19] =	dma.local [spmem:s20], $0x400  }
0x302: {  	_ =	swait.ge [sflag:s28], $0x4000  }
0x303: {  	[sflag:s28] =	ssyncset.done $0x0  }
0x304: {  	[sflag:s28] =	ssyncadd.s32 $0xFFFFC000  }
0x305: {  	_ =	swait.ge [sflag:s22], $0x400  }
0x306: {  	[sflag:s22] =	ssyncset.done $0x0  }
0x307: {  	[sflag:s22] =	ssyncadd.s32 $0xFFFFFC00  }
0x308: {  	[spmem:s4] =	stream.linear.scatter [tilespmem:s13], [sflag:$0x8], $0x2000, $0x38;
	[tilespmem:$0x1E400] =	vst v63  }
0x309: {  	_ =	swait.ge [sflag:s8], $0x2000  }
0x30a: {  	[sflag:s8] =	ssyncset.done $0x0  }
0x30b: {  	s21 =	sadd.s32 $0x8800, s7;
	[sflag:s8] =	ssyncadd.s32 $0xFFFFE000  }
0x30c: {  	[hbm:s21], [sflag:s16] =	dma.local [spmem:s17], $0x400  }
0x30d: {  	_ =	swait.ge [sflag:s23], $0x400  }
0x30e: {  	[sflag:s23] =	ssyncset.done $0x0  }
0x30f: {  	s29 =	simm.s32 $0x10400;
	[sflag:s23] =	ssyncadd.s32 $0xFFFFFC00  }
0x310: {  	[spmem:s6] =	stream.linear.scatter [tilespmem:s29], [sflag:$0x8], $0x2000, $0x38;
	[tilespmem:$0x1E400] =	vst v63  }
0x311: {  	_ =	swait.ge [sflag:s8], $0x2000  }
0x312: {  	[sflag:s8] =	ssyncset.done $0x0  }
0x313: {  	s25 =	sadd.s32 $0x8C00, s7;
	[sflag:s8] =	ssyncadd.s32 $0xFFFFE000  }
0x314: {  	[hbm:s25], [sflag:s19] =	dma.local [spmem:s20], $0x400  }
0x315: {  	_ =	swait.ge [sflag:s30], $0x4000  }
0x316: {  	[sflag:s30] =	ssyncset.done $0x0  }
0x317: {  	[sflag:s30] =	ssyncadd.s32 $0xFFFFC000  }
0x318: {  	_ =	swait.ge [sflag:s22], $0x400  }
0x319: {  	[sflag:s22] =	ssyncset.done $0x0  }
0x31a: {  	[sflag:s22] =	ssyncadd.s32 $0xFFFFFC00  }
0x31b: {  	[spmem:s4] =	stream.linear.scatter [tilespmem:s14], [sflag:$0x8], $0x2000, $0x38;
	[tilespmem:$0x1E400] =	vst v63  }
0x31c: {  	_ =	swait.ge [sflag:s8], $0x2000  }
0x31d: {  	[sflag:s8] =	ssyncset.done $0x0  }
0x31e: {  	s26 =	sadd.s32 $0x9000, s7;
	[sflag:s8] =	ssyncadd.s32 $0xFFFFE000  }
0x31f: {  	[hbm:s26], [sflag:s16] =	dma.local [spmem:s17], $0x400  }
0x320: {  	_ =	swait.ge [sflag:s23], $0x400  }
0x321: {  	[sflag:s23] =	ssyncset.done $0x0  }
0x322: {  	[sflag:s23] =	ssyncadd.s32 $0xFFFFFC00  }
0x323: {  	[spmem:s6] =	stream.linear.scatter [tilespmem:s31], [sflag:$0x8], $0x2000, $0x38;
	[tilespmem:$0x1E400] =	vst v63  }
0x324: {  	_ =	swait.ge [sflag:s8], $0x2000  }
0x325: {  	[sflag:s8] =	ssyncset.done $0x0  }
0x326: {  	s28 =	sadd.s32 $0x9400, s7;
	[sflag:s8] =	ssyncadd.s32 $0xFFFFE000  }
0x327: {  	[hbm:s28], [sflag:s19] =	dma.local [spmem:s20], $0x400  }
0x328: {  	_ =	swait.ge [sflag:s3], $0x4000  }
0x329: {  	[sflag:s3] =	ssyncset.done $0x0  }
0x32a: {  	[sflag:s3] =	ssyncadd.s32 $0xFFFFC000  }
0x32b: {  	_ =	swait.ge [sflag:s22], $0x400  }
0x32c: {  	[sflag:s22] =	ssyncset.done $0x0  }
0x32d: {  	[sflag:s22] =	ssyncadd.s32 $0xFFFFFC00  }
0x32e: {  	[spmem:s4] =	stream.linear.scatter [tilespmem:s15], [sflag:$0x8], $0x2000, $0x38;
	[tilespmem:$0x1E400] =	vst v63  }
0x32f: {  	_ =	swait.ge [sflag:s8], $0x2000  }
0x330: {  	[sflag:s8] =	ssyncset.done $0x0  }
0x331: {  	s29 =	sadd.s32 $0x9800, s7;
	[sflag:s8] =	ssyncadd.s32 $0xFFFFE000  }
0x332: {  	[hbm:s29], [sflag:s16] =	dma.local [spmem:s17], $0x400  }
0x333: {  	_ =	swait.ge [sflag:s23], $0x400  }
0x334: {  	[sflag:s23] =	ssyncset.done $0x0  }
0x335: {  	[sflag:s23] =	ssyncadd.s32 $0xFFFFFC00  }
0x336: {  	[spmem:s6] =	stream.linear.scatter [tilespmem:s18], [sflag:$0x8], $0x2000, $0x38;
	[tilespmem:$0x1E400] =	vst v63  }
0x337: {  	_ =	swait.ge [sflag:s8], $0x2000  }
0x338: {  	[sflag:s8] =	ssyncset.done $0x0  }
0x339: {  	p0 =	sne.s32 s5, $0x5A000;
	s31 =	sadd.s32 $0x9C00, s7;
	[sflag:s8] =	ssyncadd.s32 $0xFFFFE000  }
0x33a: {  	[hbm:s31], [sflag:s19] =	dma.local [spmem:s20], $0x400  }
.Ltmp0:
0x33b: {  	_ =	swait.ge [sflag:s22], $0x400;
	(pc) =	sbr.rel @p0 .LBB2_2-.Ltmp0, $4  }
0x33c: {  	[sflag:s22] =	ssyncset.done $0x0  }
0x33d: {  	[sflag:s22] =	ssyncadd.s32 $0xFFFFFC00  }
0x33e: {  	_ =	swait.ge [sflag:s23], $0x400  }
0x33f: {  	s5 =	sadd.s32 $0xA000, s5;
	s0 =	sadd.s32 $0xA00, s0;
	[sflag:s23] =	ssyncset.done $0x0  }
0x340: {  	s2 =	sadd.s32 $0xFFFFF680, s0;
	[sflag:s23] =	ssyncadd.s32 $0xFFFFFC00;
	s11 =	simm.s32 $0x6400  }
0x341: {  	[tilespmem:s11], [sflag:$0x3] =	stream.indirect.gather [hbm4b:s1+s9], $0x80, s2, s9, $0xb8;
	[tilespmem:$0x1E400] =	vst v63  }
0x342: {  	s31 =	sadd.s32 $0xFFFFF700, s0;
	s12 =	simm.s32 $0xA400  }
0x343: {  	[tilespmem:s12], [sflag:$0x4] =	stream.indirect.gather [hbm4b:s1+s9], $0x80, s31, s9, $0xb8;
	[tilespmem:$0x1E400] =	vst v63  }
0x344: {  	s3 =	sadd.s32 $0xFFFFF780, s0;
	s13 =	simm.s32 $0xE400  }
0x345: {  	[tilespmem:s13], [sflag:$0x5] =	stream.indirect.gather [hbm4b:s1+s9], $0x80, s3, s9, $0xb8;
	[tilespmem:$0x1E400] =	vst v63  }
0x346: {  	s5 =	sadd.s32 $0xFFFFF800, s0;
	s14 =	simm.s32 $0x12400  }
0x347: {  	[tilespmem:s14], [sflag:$0x6] =	stream.indirect.gather [hbm4b:s1+s9], $0x80, s5, s9, $0xb8;
	[tilespmem:$0x1E400] =	vst v63  }
0x348: {  	s7 =	sadd.s32 $0xFFFFF880, s0;
	s15 =	simm.s32 $0x16400;
	s21 =	simm.s32 $0x3  }
0x349: {  	[tilespmem:s15], [sflag:$0x7] =	stream.indirect.gather [hbm4b:s1+s9], $0x80, s7, s9, $0xb8;
	[tilespmem:$0x1E400] =	vst v63  }
0x34a: {  	_ =	swait.ge [sflag:s21], $0x4000  }
0x34b: {  	[sflag:s21] =	ssyncset.done $0x0  }
0x34c: {  	[sflag:s21] =	ssyncadd.s32 $0xFFFFC000  }
0x34d: {  	[spmem:s4] =	stream.linear.scatter [tilespmem:s11], [sflag:$0x8], $0x2000, $0x38;
	[tilespmem:$0x1E400] =	vst v63  }
0x34e: {  	_ =	swait.ge [sflag:s8], $0x2000  }
0x34f: {  	s10 =	rddreg [dreg:$0x5];
	[sflag:s8] =	ssyncset.done $0x0  }
0x350: {  	s5 =	simm.s32 $0x8400;
	[sflag:s8] =	ssyncadd.s32 $0xFFFFE000;
	s3 =	sadd.s32 s24, s10  }
0x351: {  	[hbm:s3], [sflag:s16] =	dma.local [spmem:s17], $0x400  }
0x352: {  	[spmem:s6] =	stream.linear.scatter [tilespmem:s5], [sflag:$0x8], $0x2000, $0x38;
	[tilespmem:$0x1E400] =	vst v63  }
0x353: {  	_ =	swait.ge [sflag:s8], $0x2000  }
0x354: {  	s18 =	sadd.s32 $0xFFFFF900, s0;
	[sflag:s8] =	ssyncset.done $0x0  }
0x355: {  	s25 =	simm.s32 $0x4;
	s2 =	sadd.s32 $0x400, s3;
	[sflag:s8] =	ssyncadd.s32 $0xFFFFE000  }
0x356: {  	[hbm:s2], [sflag:s19] =	dma.local [spmem:s20], $0x400  }
0x357: {  	[tilespmem:s11], [sflag:$0x3] =	stream.indirect.gather [hbm4b:s1+s9], $0x80, s18, s9, $0xb8;
	[tilespmem:$0x1E400] =	vst v63  }
0x358: {  	_ =	swait.ge [sflag:s25], $0x4000  }
0x359: {  	[sflag:s25] =	ssyncset.done $0x0  }
0x35a: {  	[sflag:s25] =	ssyncadd.s32 $0xFFFFC000  }
0x35b: {  	_ =	swait.ge [sflag:s22], $0x400  }
0x35c: {  	[sflag:s22] =	ssyncset.done $0x0  }
0x35d: {  	[sflag:s22] =	ssyncadd.s32 $0xFFFFFC00  }
0x35e: {  	[spmem:s4] =	stream.linear.scatter [tilespmem:s12], [sflag:$0x8], $0x2000, $0x38;
	[tilespmem:$0x1E400] =	vst v63  }
0x35f: {  	_ =	swait.ge [sflag:s8], $0x2000  }
0x360: {  	[sflag:s8] =	ssyncset.done $0x0  }
0x361: {  	s24 =	sadd.s32 $0x800, s3;
	[sflag:s8] =	ssyncadd.s32 $0xFFFFE000  }
0x362: {  	[hbm:s24], [sflag:s16] =	dma.local [spmem:s17], $0x400  }
0x363: {  	_ =	swait.ge [sflag:s23], $0x400  }
0x364: {  	[sflag:s23] =	ssyncset.done $0x0  }
0x365: {  	s7 =	simm.s32 $0xC400;
	[sflag:s23] =	ssyncadd.s32 $0xFFFFFC00  }
0x366: {  	[spmem:s6] =	stream.linear.scatter [tilespmem:s7], [sflag:$0x8], $0x2000, $0x38;
	[tilespmem:$0x1E400] =	vst v63  }
0x367: {  	_ =	swait.ge [sflag:s8], $0x2000  }
0x368: {  	[sflag:s8] =	ssyncset.done $0x0  }
0x369: {  	s26 =	sadd.s32 $0xC00, s3;
	[sflag:s8] =	ssyncadd.s32 $0xFFFFE000  }
0x36a: {  	[hbm:s26], [sflag:s19] =	dma.local [spmem:s20], $0x400  }
0x36b: {  	s28 =	sadd.s32 $0xFFFFF980, s0;
	s26 =	simm.s32 $0x5  }
0x36c: {  	[tilespmem:s12], [sflag:$0x4] =	stream.indirect.gather [hbm4b:s1+s9], $0x80, s28, s9, $0xb8;
	[tilespmem:$0x1E400] =	vst v63  }
0x36d: {  	_ =	swait.ge [sflag:s26], $0x4000  }
0x36e: {  	[sflag:s26] =	ssyncset.done $0x0  }
0x36f: {  	[sflag:s26] =	ssyncadd.s32 $0xFFFFC000  }
0x370: {  	_ =	swait.ge [sflag:s22], $0x400  }
0x371: {  	[sflag:s22] =	ssyncset.done $0x0  }
0x372: {  	[sflag:s22] =	ssyncadd.s32 $0xFFFFFC00  }
0x373: {  	[spmem:s4] =	stream.linear.scatter [tilespmem:s13], [sflag:$0x8], $0x2000, $0x38;
	[tilespmem:$0x1E400] =	vst v63  }
0x374: {  	_ =	swait.ge [sflag:s8], $0x2000  }
0x375: {  	[sflag:s8] =	ssyncset.done $0x0  }
0x376: {  	s29 =	sadd.s32 $0x1000, s3;
	[sflag:s8] =	ssyncadd.s32 $0xFFFFE000  }
0x377: {  	[hbm:s29], [sflag:s16] =	dma.local [spmem:s17], $0x400  }
0x378: {  	_ =	swait.ge [sflag:s23], $0x400  }
0x379: {  	[sflag:s23] =	ssyncset.done $0x0  }
0x37a: {  	s18 =	simm.s32 $0x10400;
	[sflag:s23] =	ssyncadd.s32 $0xFFFFFC00  }
0x37b: {  	[spmem:s6] =	stream.linear.scatter [tilespmem:s18], [sflag:$0x8], $0x2000, $0x38;
	[tilespmem:$0x1E400] =	vst v63  }
0x37c: {  	_ =	swait.ge [sflag:s8], $0x2000  }
0x37d: {  	s10 =	sadd.s32 $0xFFFFFA00, s0;
	[sflag:s8] =	ssyncset.done $0x0  }
0x37e: {  	s31 =	sadd.s32 $0x1400, s3;
	s28 =	simm.s32 $0x6;
	[sflag:s8] =	ssyncadd.s32 $0xFFFFE000  }
0x37f: {  	[hbm:s31], [sflag:s19] =	dma.local [spmem:s20], $0x400  }
0x380: {  	[tilespmem:s13], [sflag:$0x5] =	stream.indirect.gather [hbm4b:s1+s9], $0x80, s10, s9, $0xb8;
	[tilespmem:$0x1E400] =	vst v63  }
0x381: {  	_ =	swait.ge [sflag:s28], $0x4000  }
0x382: {  	[sflag:s28] =	ssyncset.done $0x0  }
0x383: {  	[sflag:s28] =	ssyncadd.s32 $0xFFFFC000  }
0x384: {  	_ =	swait.ge [sflag:s22], $0x400  }
0x385: {  	[sflag:s22] =	ssyncset.done $0x0  }
0x386: {  	[sflag:s22] =	ssyncadd.s32 $0xFFFFFC00  }
0x387: {  	[spmem:s4] =	stream.linear.scatter [tilespmem:s14], [sflag:$0x8], $0x2000, $0x38;
	[tilespmem:$0x1E400] =	vst v63  }
0x388: {  	_ =	swait.ge [sflag:s8], $0x2000  }
0x389: {  	[sflag:s8] =	ssyncset.done $0x0  }
0x38a: {  	s24 =	sadd.s32 $0x1800, s3;
	[sflag:s8] =	ssyncadd.s32 $0xFFFFE000  }
0x38b: {  	[hbm:s24], [sflag:s16] =	dma.local [spmem:s17], $0x400  }
0x38c: {  	_ =	swait.ge [sflag:s23], $0x400  }
0x38d: {  	[sflag:s23] =	ssyncset.done $0x0  }
0x38e: {  	s24 =	simm.s32 $0x14400;
	[sflag:s23] =	ssyncadd.s32 $0xFFFFFC00  }
0x38f: {  	[spmem:s6] =	stream.linear.scatter [tilespmem:s24], [sflag:$0x8], $0x2000, $0x38;
	[tilespmem:$0x1E400] =	vst v63  }
0x390: {  	_ =	swait.ge [sflag:s8], $0x2000  }
0x391: {  	[sflag:s8] =	ssyncset.done $0x0  }
0x392: {  	s29 =	sadd.s32 $0x1C00, s3;
	[sflag:s8] =	ssyncadd.s32 $0xFFFFE000  }
0x393: {  	[hbm:s29], [sflag:s19] =	dma.local [spmem:s20], $0x400  }
0x394: {  	s31 =	sadd.s32 $0xFFFFFA80, s0;
	s29 =	simm.s32 $0x7  }
0x395: {  	[tilespmem:s14], [sflag:$0x6] =	stream.indirect.gather [hbm4b:s1+s9], $0x80, s31, s9, $0xb8;
	[tilespmem:$0x1E400] =	vst v63  }
0x396: {  	_ =	swait.ge [sflag:s29], $0x4000  }
0x397: {  	[sflag:s29] =	ssyncset.done $0x0  }
0x398: {  	[sflag:s29] =	ssyncadd.s32 $0xFFFFC000  }
0x399: {  	_ =	swait.ge [sflag:s22], $0x400  }
0x39a: {  	[sflag:s22] =	ssyncset.done $0x0  }
0x39b: {  	[sflag:s22] =	ssyncadd.s32 $0xFFFFFC00  }
0x39c: {  	[spmem:s4] =	stream.linear.scatter [tilespmem:s15], [sflag:$0x8], $0x2000, $0x38;
	[tilespmem:$0x1E400] =	vst v63  }
0x39d: {  	_ =	swait.ge [sflag:s8], $0x2000  }
0x39e: {  	[sflag:s8] =	ssyncset.done $0x0  }
0x39f: {  	s10 =	sadd.s32 $0x2000, s3;
	[sflag:s8] =	ssyncadd.s32 $0xFFFFE000  }
0x3a0: {  	[hbm:s10], [sflag:s16] =	dma.local [spmem:s17], $0x400  }
0x3a1: {  	_ =	swait.ge [sflag:s23], $0x400  }
0x3a2: {  	[sflag:s23] =	ssyncset.done $0x0  }
0x3a3: {  	s10 =	simm.s32 $0x18400;
	[sflag:s23] =	ssyncadd.s32 $0xFFFFFC00  }
0x3a4: {  	[spmem:s6] =	stream.linear.scatter [tilespmem:s10], [sflag:$0x8], $0x2000, $0x38;
	[tilespmem:$0x1E400] =	vst v63  }
0x3a5: {  	_ =	swait.ge [sflag:s8], $0x2000  }
0x3a6: {  	[sflag:s8] =	ssyncset.done $0x0  }
0x3a7: {  	s31 =	sadd.s32 $0x2400, s3;
	[sflag:s8] =	ssyncadd.s32 $0xFFFFE000  }
0x3a8: {  	[hbm:s31], [sflag:s19] =	dma.local [spmem:s20], $0x400  }
0x3a9: {  	s31 =	sadd.s32 $0xFFFFFB00, s0  }
0x3aa: {  	[tilespmem:s15], [sflag:$0x7] =	stream.indirect.gather [hbm4b:s1+s9], $0x80, s31, s9, $0xb8;
	[tilespmem:$0x1E400] =	vst v63  }
0x3ab: {  	_ =	swait.ge [sflag:s21], $0x4000  }
0x3ac: {  	[sflag:s21] =	ssyncset.done $0x0  }
0x3ad: {  	[sflag:s21] =	ssyncadd.s32 $0xFFFFC000  }
0x3ae: {  	_ =	swait.ge [sflag:s22], $0x400  }
0x3af: {  	[sflag:s22] =	ssyncset.done $0x0  }
0x3b0: {  	[sflag:s22] =	ssyncadd.s32 $0xFFFFFC00  }
0x3b1: {  	[spmem:s4] =	stream.linear.scatter [tilespmem:s11], [sflag:$0x8], $0x2000, $0x38;
	[tilespmem:$0x1E400] =	vst v63  }
0x3b2: {  	_ =	swait.ge [sflag:s8], $0x2000  }
0x3b3: {  	[sflag:s8] =	ssyncset.done $0x0  }
0x3b4: {  	s31 =	sadd.s32 $0x2800, s3;
	[sflag:s8] =	ssyncadd.s32 $0xFFFFE000  }
0x3b5: {  	[hbm:s31], [sflag:s16] =	dma.local [spmem:s17], $0x400  }
0x3b6: {  	_ =	swait.ge [sflag:s23], $0x400  }
0x3b7: {  	[sflag:s23] =	ssyncset.done $0x0  }
0x3b8: {  	[sflag:s23] =	ssyncadd.s32 $0xFFFFFC00  }
0x3b9: {  	[spmem:s6] =	stream.linear.scatter [tilespmem:s5], [sflag:$0x8], $0x2000, $0x38;
	[tilespmem:$0x1E400] =	vst v63  }
0x3ba: {  	_ =	swait.ge [sflag:s8], $0x2000  }
0x3bb: {  	[sflag:s8] =	ssyncset.done $0x0  }
0x3bc: {  	s31 =	sadd.s32 $0x2C00, s3;
	[sflag:s8] =	ssyncadd.s32 $0xFFFFE000  }
0x3bd: {  	[hbm:s31], [sflag:s19] =	dma.local [spmem:s20], $0x400  }
0x3be: {  	s31 =	sadd.s32 $0xFFFFFB80, s0  }
0x3bf: {  	[tilespmem:s11], [sflag:$0x3] =	stream.indirect.gather [hbm4b:s1+s9], $0x80, s31, s9, $0xb8;
	[tilespmem:$0x1E400] =	vst v63  }
0x3c0: {  	_ =	swait.ge [sflag:s25], $0x4000  }
0x3c1: {  	[sflag:s25] =	ssyncset.done $0x0  }
0x3c2: {  	[sflag:s25] =	ssyncadd.s32 $0xFFFFC000  }
0x3c3: {  	_ =	swait.ge [sflag:s22], $0x400  }
0x3c4: {  	[sflag:s22] =	ssyncset.done $0x0  }
0x3c5: {  	[sflag:s22] =	ssyncadd.s32 $0xFFFFFC00  }
0x3c6: {  	[spmem:s4] =	stream.linear.scatter [tilespmem:s12], [sflag:$0x8], $0x2000, $0x38;
	[tilespmem:$0x1E400] =	vst v63  }
0x3c7: {  	_ =	swait.ge [sflag:s8], $0x2000  }
0x3c8: {  	[sflag:s8] =	ssyncset.done $0x0  }
0x3c9: {  	s31 =	sadd.s32 $0x3000, s3;
	[sflag:s8] =	ssyncadd.s32 $0xFFFFE000  }
0x3ca: {  	[hbm:s31], [sflag:s16] =	dma.local [spmem:s17], $0x400  }
0x3cb: {  	_ =	swait.ge [sflag:s23], $0x400  }
0x3cc: {  	[sflag:s23] =	ssyncset.done $0x0  }
0x3cd: {  	[sflag:s23] =	ssyncadd.s32 $0xFFFFFC00  }
0x3ce: {  	[spmem:s6] =	stream.linear.scatter [tilespmem:s7], [sflag:$0x8], $0x2000, $0x38;
	[tilespmem:$0x1E400] =	vst v63  }
0x3cf: {  	_ =	swait.ge [sflag:s8], $0x2000  }
0x3d0: {  	[sflag:s8] =	ssyncset.done $0x0  }
0x3d1: {  	s31 =	sadd.s32 $0x3400, s3;
	[sflag:s8] =	ssyncadd.s32 $0xFFFFE000  }
0x3d2: {  	[hbm:s31], [sflag:s19] =	dma.local [spmem:s20], $0x400  }
0x3d3: {  	s31 =	sadd.s32 $0xFFFFFC00, s0  }
0x3d4: {  	[tilespmem:s12], [sflag:$0x4] =	stream.indirect.gather [hbm4b:s1+s9], $0x80, s31, s9, $0xb8;
	[tilespmem:$0x1E400] =	vst v63  }
0x3d5: {  	_ =	swait.ge [sflag:s26], $0x4000  }
0x3d6: {  	[sflag:s26] =	ssyncset.done $0x0  }
0x3d7: {  	[sflag:s26] =	ssyncadd.s32 $0xFFFFC000  }
0x3d8: {  	_ =	swait.ge [sflag:s22], $0x400  }
0x3d9: {  	[sflag:s22] =	ssyncset.done $0x0  }
0x3da: {  	[sflag:s22] =	ssyncadd.s32 $0xFFFFFC00  }
0x3db: {  	[spmem:s4] =	stream.linear.scatter [tilespmem:s13], [sflag:$0x8], $0x2000, $0x38;
	[tilespmem:$0x1E400] =	vst v63  }
0x3dc: {  	_ =	swait.ge [sflag:s8], $0x2000  }
0x3dd: {  	[sflag:s8] =	ssyncset.done $0x0  }
0x3de: {  	s31 =	sadd.s32 $0x3800, s3;
	[sflag:s8] =	ssyncadd.s32 $0xFFFFE000  }
0x3df: {  	[hbm:s31], [sflag:s16] =	dma.local [spmem:s17], $0x400  }
0x3e0: {  	_ =	swait.ge [sflag:s23], $0x400  }
0x3e1: {  	[sflag:s23] =	ssyncset.done $0x0  }
0x3e2: {  	[sflag:s23] =	ssyncadd.s32 $0xFFFFFC00  }
0x3e3: {  	[spmem:s6] =	stream.linear.scatter [tilespmem:s18], [sflag:$0x8], $0x2000, $0x38;
	[tilespmem:$0x1E400] =	vst v63  }
0x3e4: {  	_ =	swait.ge [sflag:s8], $0x2000  }
0x3e5: {  	[sflag:s8] =	ssyncset.done $0x0  }
0x3e6: {  	s31 =	sadd.s32 $0x3C00, s3;
	[sflag:s8] =	ssyncadd.s32 $0xFFFFE000  }
0x3e7: {  	[hbm:s31], [sflag:s19] =	dma.local [spmem:s20], $0x400  }
0x3e8: {  	s31 =	sadd.s32 $0xFFFFFC80, s0  }
0x3e9: {  	[tilespmem:s13], [sflag:$0x5] =	stream.indirect.gather [hbm4b:s1+s9], $0x80, s31, s9, $0xb8;
	[tilespmem:$0x1E400] =	vst v63  }
0x3ea: {  	_ =	swait.ge [sflag:s28], $0x4000  }
0x3eb: {  	[sflag:s28] =	ssyncset.done $0x0  }
0x3ec: {  	[sflag:s28] =	ssyncadd.s32 $0xFFFFC000  }
0x3ed: {  	_ =	swait.ge [sflag:s22], $0x400  }
0x3ee: {  	[sflag:s22] =	ssyncset.done $0x0  }
0x3ef: {  	[sflag:s22] =	ssyncadd.s32 $0xFFFFFC00  }
0x3f0: {  	[spmem:s4] =	stream.linear.scatter [tilespmem:s14], [sflag:$0x8], $0x2000, $0x38;
	[tilespmem:$0x1E400] =	vst v63  }
0x3f1: {  	_ =	swait.ge [sflag:s8], $0x2000  }
0x3f2: {  	[sflag:s8] =	ssyncset.done $0x0  }
0x3f3: {  	s31 =	sadd.s32 $0x4000, s3;
	[sflag:s8] =	ssyncadd.s32 $0xFFFFE000  }
0x3f4: {  	[hbm:s31], [sflag:s16] =	dma.local [spmem:s17], $0x400  }
0x3f5: {  	_ =	swait.ge [sflag:s23], $0x400  }
0x3f6: {  	[sflag:s23] =	ssyncset.done $0x0  }
0x3f7: {  	[sflag:s23] =	ssyncadd.s32 $0xFFFFFC00  }
0x3f8: {  	[spmem:s6] =	stream.linear.scatter [tilespmem:s24], [sflag:$0x8], $0x2000, $0x38;
	[tilespmem:$0x1E400] =	vst v63  }
0x3f9: {  	_ =	swait.ge [sflag:s8], $0x2000  }
0x3fa: {  	[sflag:s8] =	ssyncset.done $0x0  }
0x3fb: {  	s31 =	sadd.s32 $0x4400, s3;
	[sflag:s8] =	ssyncadd.s32 $0xFFFFE000  }
0x3fc: {  	[hbm:s31], [sflag:s19] =	dma.local [spmem:s20], $0x400  }
0x3fd: {  	s31 =	sadd.s32 $0xFFFFFD00, s0  }
0x3fe: {  	[tilespmem:s14], [sflag:$0x6] =	stream.indirect.gather [hbm4b:s1+s9], $0x80, s31, s9, $0xb8;
	[tilespmem:$0x1E400] =	vst v63  }
0x3ff: {  	_ =	swait.ge [sflag:s29], $0x4000  }
0x400: {  	[sflag:s29] =	ssyncset.done $0x0  }
0x401: {  	[sflag:s29] =	ssyncadd.s32 $0xFFFFC000  }
0x402: {  	_ =	swait.ge [sflag:s22], $0x400  }
0x403: {  	[sflag:s22] =	ssyncset.done $0x0  }
0x404: {  	[sflag:s22] =	ssyncadd.s32 $0xFFFFFC00  }
0x405: {  	[spmem:s4] =	stream.linear.scatter [tilespmem:s15], [sflag:$0x8], $0x2000, $0x38;
	[tilespmem:$0x1E400] =	vst v63  }
0x406: {  	_ =	swait.ge [sflag:s8], $0x2000  }
0x407: {  	[sflag:s8] =	ssyncset.done $0x0  }
0x408: {  	s31 =	sadd.s32 $0x4800, s3;
	[sflag:s8] =	ssyncadd.s32 $0xFFFFE000  }
0x409: {  	[hbm:s31], [sflag:s16] =	dma.local [spmem:s17], $0x400  }
0x40a: {  	_ =	swait.ge [sflag:s23], $0x400  }
0x40b: {  	[sflag:s23] =	ssyncset.done $0x0  }
0x40c: {  	[sflag:s23] =	ssyncadd.s32 $0xFFFFFC00  }
0x40d: {  	[spmem:s6] =	stream.linear.scatter [tilespmem:s10], [sflag:$0x8], $0x2000, $0x38;
	[tilespmem:$0x1E400] =	vst v63  }
0x40e: {  	_ =	swait.ge [sflag:s8], $0x2000  }
0x40f: {  	[sflag:s8] =	ssyncset.done $0x0  }
0x410: {  	s31 =	sadd.s32 $0x4C00, s3;
	[sflag:s8] =	ssyncadd.s32 $0xFFFFE000  }
0x411: {  	[hbm:s31], [sflag:s19] =	dma.local [spmem:s20], $0x400  }
0x412: {  	s31 =	sadd.s32 $0xFFFFFD80, s0  }
0x413: {  	[tilespmem:s15], [sflag:$0x7] =	stream.indirect.gather [hbm4b:s1+s9], $0x80, s31, s9, $0xb8;
	[tilespmem:$0x1E400] =	vst v63  }
0x414: {  	_ =	swait.ge [sflag:s21], $0x4000  }
0x415: {  	[sflag:s21] =	ssyncset.done $0x0  }
0x416: {  	[sflag:s21] =	ssyncadd.s32 $0xFFFFC000  }
0x417: {  	_ =	swait.ge [sflag:s22], $0x400  }
0x418: {  	[sflag:s22] =	ssyncset.done $0x0  }
0x419: {  	[sflag:s22] =	ssyncadd.s32 $0xFFFFFC00  }
0x41a: {  	[spmem:s4] =	stream.linear.scatter [tilespmem:s11], [sflag:$0x8], $0x2000, $0x38;
	[tilespmem:$0x1E400] =	vst v63  }
0x41b: {  	_ =	swait.ge [sflag:s8], $0x2000  }
0x41c: {  	[sflag:s8] =	ssyncset.done $0x0  }
0x41d: {  	s31 =	sadd.s32 $0x5000, s3;
	[sflag:s8] =	ssyncadd.s32 $0xFFFFE000  }
0x41e: {  	[hbm:s31], [sflag:s16] =	dma.local [spmem:s17], $0x400  }
0x41f: {  	_ =	swait.ge [sflag:s23], $0x400  }
0x420: {  	[sflag:s23] =	ssyncset.done $0x0  }
0x421: {  	[sflag:s23] =	ssyncadd.s32 $0xFFFFFC00  }
0x422: {  	[spmem:s6] =	stream.linear.scatter [tilespmem:s5], [sflag:$0x8], $0x2000, $0x38;
	[tilespmem:$0x1E400] =	vst v63  }
0x423: {  	_ =	swait.ge [sflag:s8], $0x2000  }
0x424: {  	[sflag:s8] =	ssyncset.done $0x0  }
0x425: {  	s31 =	sadd.s32 $0x5400, s3;
	[sflag:s8] =	ssyncadd.s32 $0xFFFFE000  }
0x426: {  	[hbm:s31], [sflag:s19] =	dma.local [spmem:s20], $0x400  }
0x427: {  	s31 =	sadd.s32 $0xFFFFFE00, s0  }
0x428: {  	[tilespmem:s11], [sflag:$0x3] =	stream.indirect.gather [hbm4b:s1+s9], $0x80, s31, s9, $0xb8;
	[tilespmem:$0x1E400] =	vst v63  }
0x429: {  	_ =	swait.ge [sflag:s25], $0x4000  }
0x42a: {  	[sflag:s25] =	ssyncset.done $0x0  }
0x42b: {  	[sflag:s25] =	ssyncadd.s32 $0xFFFFC000  }
0x42c: {  	_ =	swait.ge [sflag:s22], $0x400  }
0x42d: {  	[sflag:s22] =	ssyncset.done $0x0  }
0x42e: {  	[sflag:s22] =	ssyncadd.s32 $0xFFFFFC00  }
0x42f: {  	[spmem:s4] =	stream.linear.scatter [tilespmem:s12], [sflag:$0x8], $0x2000, $0x38;
	[tilespmem:$0x1E400] =	vst v63  }
0x430: {  	_ =	swait.ge [sflag:s8], $0x2000  }
0x431: {  	[sflag:s8] =	ssyncset.done $0x0  }
0x432: {  	s31 =	sadd.s32 $0x5800, s3;
	[sflag:s8] =	ssyncadd.s32 $0xFFFFE000  }
0x433: {  	[hbm:s31], [sflag:s16] =	dma.local [spmem:s17], $0x400  }
0x434: {  	_ =	swait.ge [sflag:s23], $0x400  }
0x435: {  	[sflag:s23] =	ssyncset.done $0x0  }
0x436: {  	[sflag:s23] =	ssyncadd.s32 $0xFFFFFC00  }
0x437: {  	[spmem:s6] =	stream.linear.scatter [tilespmem:s7], [sflag:$0x8], $0x2000, $0x38;
	[tilespmem:$0x1E400] =	vst v63  }
0x438: {  	_ =	swait.ge [sflag:s8], $0x2000  }
0x439: {  	[sflag:s8] =	ssyncset.done $0x0  }
0x43a: {  	s31 =	sadd.s32 $0x5C00, s3;
	[sflag:s8] =	ssyncadd.s32 $0xFFFFE000  }
0x43b: {  	[hbm:s31], [sflag:s19] =	dma.local [spmem:s20], $0x400  }
0x43c: {  	s31 =	sadd.s32 $0xFFFFFE80, s0  }
0x43d: {  	[tilespmem:s12], [sflag:$0x4] =	stream.indirect.gather [hbm4b:s1+s9], $0x80, s31, s9, $0xb8;
	[tilespmem:$0x1E400] =	vst v63  }
0x43e: {  	_ =	swait.ge [sflag:s26], $0x4000  }
0x43f: {  	[sflag:s26] =	ssyncset.done $0x0  }
0x440: {  	[sflag:s26] =	ssyncadd.s32 $0xFFFFC000  }
0x441: {  	_ =	swait.ge [sflag:s22], $0x400  }
0x442: {  	[sflag:s22] =	ssyncset.done $0x0  }
0x443: {  	[sflag:s22] =	ssyncadd.s32 $0xFFFFFC00  }
0x444: {  	[spmem:s4] =	stream.linear.scatter [tilespmem:s13], [sflag:$0x8], $0x2000, $0x38;
	[tilespmem:$0x1E400] =	vst v63  }
0x445: {  	_ =	swait.ge [sflag:s8], $0x2000  }
0x446: {  	[sflag:s8] =	ssyncset.done $0x0  }
0x447: {  	s31 =	sadd.s32 $0x6000, s3;
	[sflag:s8] =	ssyncadd.s32 $0xFFFFE000  }
0x448: {  	[hbm:s31], [sflag:s16] =	dma.local [spmem:s17], $0x400  }
0x449: {  	_ =	swait.ge [sflag:s23], $0x400  }
0x44a: {  	[sflag:s23] =	ssyncset.done $0x0  }
0x44b: {  	[sflag:s23] =	ssyncadd.s32 $0xFFFFFC00  }
0x44c: {  	[spmem:s6] =	stream.linear.scatter [tilespmem:s18], [sflag:$0x8], $0x2000, $0x38;
	[tilespmem:$0x1E400] =	vst v63  }
0x44d: {  	_ =	swait.ge [sflag:s8], $0x2000  }
0x44e: {  	[sflag:s8] =	ssyncset.done $0x0  }
0x44f: {  	s31 =	sadd.s32 $0x6400, s3;
	[sflag:s8] =	ssyncadd.s32 $0xFFFFE000  }
0x450: {  	[hbm:s31], [sflag:s19] =	dma.local [spmem:s20], $0x400  }
0x451: {  	s31 =	sadd.s32 $0xFFFFFF00, s0  }
0x452: {  	[tilespmem:s13], [sflag:$0x5] =	stream.indirect.gather [hbm4b:s1+s9], $0x80, s31, s9, $0xb8;
	[tilespmem:$0x1E400] =	vst v63  }
0x453: {  	_ =	swait.ge [sflag:s28], $0x4000  }
0x454: {  	[sflag:s28] =	ssyncset.done $0x0  }
0x455: {  	[sflag:s28] =	ssyncadd.s32 $0xFFFFC000  }
0x456: {  	_ =	swait.ge [sflag:s22], $0x400  }
0x457: {  	[sflag:s22] =	ssyncset.done $0x0  }
0x458: {  	[sflag:s22] =	ssyncadd.s32 $0xFFFFFC00  }
0x459: {  	[spmem:s4] =	stream.linear.scatter [tilespmem:s14], [sflag:$0x8], $0x2000, $0x38;
	[tilespmem:$0x1E400] =	vst v63  }
0x45a: {  	_ =	swait.ge [sflag:s8], $0x2000  }
0x45b: {  	[sflag:s8] =	ssyncset.done $0x0  }
0x45c: {  	s31 =	sadd.s32 $0x6800, s3;
	[sflag:s8] =	ssyncadd.s32 $0xFFFFE000  }
0x45d: {  	[hbm:s31], [sflag:s16] =	dma.local [spmem:s17], $0x400  }
0x45e: {  	_ =	swait.ge [sflag:s23], $0x400  }
0x45f: {  	[sflag:s23] =	ssyncset.done $0x0  }
0x460: {  	[sflag:s23] =	ssyncadd.s32 $0xFFFFFC00  }
0x461: {  	[spmem:s6] =	stream.linear.scatter [tilespmem:s24], [sflag:$0x8], $0x2000, $0x38;
	[tilespmem:$0x1E400] =	vst v63  }
0x462: {  	_ =	swait.ge [sflag:s8], $0x2000  }
0x463: {  	[sflag:s8] =	ssyncset.done $0x0  }
0x464: {  	s31 =	sadd.s32 $0x6C00, s3;
	[sflag:s8] =	ssyncadd.s32 $0xFFFFE000  }
0x465: {  	[hbm:s31], [sflag:s19] =	dma.local [spmem:s20], $0x400  }
0x466: {  	s31 =	sadd.s32 $0xFFFFFF80, s0  }
0x467: {  	[tilespmem:s14], [sflag:$0x6] =	stream.indirect.gather [hbm4b:s1+s9], $0x80, s31, s9, $0xb8;
	[tilespmem:$0x1E400] =	vst v63  }
0x468: {  	_ =	swait.ge [sflag:s29], $0x4000  }
0x469: {  	[sflag:s29] =	ssyncset.done $0x0  }
0x46a: {  	[sflag:s29] =	ssyncadd.s32 $0xFFFFC000  }
0x46b: {  	_ =	swait.ge [sflag:s22], $0x400  }
0x46c: {  	[sflag:s22] =	ssyncset.done $0x0  }
0x46d: {  	[sflag:s22] =	ssyncadd.s32 $0xFFFFFC00  }
0x46e: {  	[spmem:s4] =	stream.linear.scatter [tilespmem:s15], [sflag:$0x8], $0x2000, $0x38;
	[tilespmem:$0x1E400] =	vst v63  }
0x46f: {  	_ =	swait.ge [sflag:s8], $0x2000  }
0x470: {  	[sflag:s8] =	ssyncset.done $0x0  }
0x471: {  	s31 =	sadd.s32 $0x7000, s3;
	[sflag:s8] =	ssyncadd.s32 $0xFFFFE000  }
0x472: {  	[hbm:s31], [sflag:s16] =	dma.local [spmem:s17], $0x400  }
0x473: {  	_ =	swait.ge [sflag:s23], $0x400  }
0x474: {  	[sflag:s23] =	ssyncset.done $0x0  }
0x475: {  	[sflag:s23] =	ssyncadd.s32 $0xFFFFFC00  }
0x476: {  	[spmem:s6] =	stream.linear.scatter [tilespmem:s10], [sflag:$0x8], $0x2000, $0x38;
	[tilespmem:$0x1E400] =	vst v63  }
0x477: {  	_ =	swait.ge [sflag:s8], $0x2000  }
0x478: {  	[sflag:s8] =	ssyncset.done $0x0  }
0x479: {  	s31 =	sadd.s32 $0x7400, s3;
	[sflag:s8] =	ssyncadd.s32 $0xFFFFE000  }
0x47a: {  	[hbm:s31], [sflag:s19] =	dma.local [spmem:s20], $0x400  }
0x47b: {  	[tilespmem:s15], [sflag:$0x7] =	stream.indirect.gather [hbm4b:s1+s9], $0x80, s0, s9, $0xb8;
	[tilespmem:$0x1E400] =	vst v63  }
0x47c: {  	_ =	swait.ge [sflag:s21], $0x4000  }
0x47d: {  	[sflag:s21] =	ssyncset.done $0x0  }
0x47e: {  	[sflag:s21] =	ssyncadd.s32 $0xFFFFC000  }
0x47f: {  	_ =	swait.ge [sflag:s22], $0x400  }
0x480: {  	[sflag:s22] =	ssyncset.done $0x0  }
0x481: {  	[sflag:s22] =	ssyncadd.s32 $0xFFFFFC00  }
0x482: {  	[spmem:s4] =	stream.linear.scatter [tilespmem:s11], [sflag:$0x8], $0x2000, $0x38;
	[tilespmem:$0x1E400] =	vst v63  }
0x483: {  	_ =	swait.ge [sflag:s8], $0x2000  }
0x484: {  	[sflag:s8] =	ssyncset.done $0x0  }
0x485: {  	s2 =	sadd.s32 $0x7800, s3;
	[sflag:s8] =	ssyncadd.s32 $0xFFFFE000  }
0x486: {  	[hbm:s2], [sflag:s16] =	dma.local [spmem:s17], $0x400  }
0x487: {  	_ =	swait.ge [sflag:s23], $0x400  }
0x488: {  	[sflag:s23] =	ssyncset.done $0x0  }
0x489: {  	[sflag:s23] =	ssyncadd.s32 $0xFFFFFC00  }
0x48a: {  	[spmem:s6] =	stream.linear.scatter [tilespmem:s5], [sflag:$0x8], $0x2000, $0x38;
	[tilespmem:$0x1E400] =	vst v63  }
0x48b: {  	_ =	swait.ge [sflag:s8], $0x2000  }
0x48c: {  	[sflag:s8] =	ssyncset.done $0x0  }
0x48d: {  	s5 =	sadd.s32 $0x7C00, s3;
	[sflag:s8] =	ssyncadd.s32 $0xFFFFE000  }
0x48e: {  	[hbm:s5], [sflag:s19] =	dma.local [spmem:s20], $0x400  }
0x48f: {  	_ =	swait.ge [sflag:s25], $0x4000  }
0x490: {  	[sflag:s25] =	ssyncset.done $0x0  }
0x491: {  	[sflag:s25] =	ssyncadd.s32 $0xFFFFC000  }
0x492: {  	_ =	swait.ge [sflag:s22], $0x400  }
0x493: {  	[sflag:s22] =	ssyncset.done $0x0  }
0x494: {  	[sflag:s22] =	ssyncadd.s32 $0xFFFFFC00  }
0x495: {  	[spmem:s4] =	stream.linear.scatter [tilespmem:s12], [sflag:$0x8], $0x2000, $0x38;
	[tilespmem:$0x1E400] =	vst v63  }
0x496: {  	_ =	swait.ge [sflag:s8], $0x2000  }
0x497: {  	[sflag:s8] =	ssyncset.done $0x0  }
0x498: {  	s11 =	sadd.s32 $0x8000, s3;
	[sflag:s8] =	ssyncadd.s32 $0xFFFFE000  }
0x499: {  	[hbm:s11], [sflag:s16] =	dma.local [spmem:s17], $0x400  }
0x49a: {  	_ =	swait.ge [sflag:s23], $0x400  }
0x49b: {  	[sflag:s23] =	ssyncset.done $0x0  }
0x49c: {  	[sflag:s23] =	ssyncadd.s32 $0xFFFFFC00  }
0x49d: {  	[spmem:s6] =	stream.linear.scatter [tilespmem:s7], [sflag:$0x8], $0x2000, $0x38;
	[tilespmem:$0x1E400] =	vst v63  }
0x49e: {  	_ =	swait.ge [sflag:s8], $0x2000  }
0x49f: {  	[sflag:s8] =	ssyncset.done $0x0  }
0x4a0: {  	s12 =	sadd.s32 $0x8400, s3;
	[sflag:s8] =	ssyncadd.s32 $0xFFFFE000  }
0x4a1: {  	[hbm:s12], [sflag:s19] =	dma.local [spmem:s20], $0x400  }
0x4a2: {  	_ =	swait.ge [sflag:s26], $0x4000  }
0x4a3: {  	[sflag:s26] =	ssyncset.done $0x0  }
0x4a4: {  	[sflag:s26] =	ssyncadd.s32 $0xFFFFC000  }
0x4a5: {  	_ =	swait.ge [sflag:s22], $0x400  }
0x4a6: {  	[sflag:s22] =	ssyncset.done $0x0  }
0x4a7: {  	[sflag:s22] =	ssyncadd.s32 $0xFFFFFC00  }
0x4a8: {  	[spmem:s4] =	stream.linear.scatter [tilespmem:s13], [sflag:$0x8], $0x2000, $0x38;
	[tilespmem:$0x1E400] =	vst v63  }
0x4a9: {  	_ =	swait.ge [sflag:s8], $0x2000  }
0x4aa: {  	[sflag:s8] =	ssyncset.done $0x0  }
0x4ab: {  	s13 =	sadd.s32 $0x8800, s3;
	[sflag:s8] =	ssyncadd.s32 $0xFFFFE000  }
0x4ac: {  	[hbm:s13], [sflag:s16] =	dma.local [spmem:s17], $0x400  }
0x4ad: {  	_ =	swait.ge [sflag:s23], $0x400  }
0x4ae: {  	[sflag:s23] =	ssyncset.done $0x0  }
0x4af: {  	[sflag:s23] =	ssyncadd.s32 $0xFFFFFC00  }
0x4b0: {  	[spmem:s6] =	stream.linear.scatter [tilespmem:s18], [sflag:$0x8], $0x2000, $0x38;
	[tilespmem:$0x1E400] =	vst v63  }
0x4b1: {  	_ =	swait.ge [sflag:s8], $0x2000  }
0x4b2: {  	[sflag:s8] =	ssyncset.done $0x0  }
0x4b3: {  	s18 =	sadd.s32 $0x8C00, s3;
	[sflag:s8] =	ssyncadd.s32 $0xFFFFE000  }
0x4b4: {  	[hbm:s18], [sflag:s19] =	dma.local [spmem:s20], $0x400  }
0x4b5: {  	_ =	swait.ge [sflag:s28], $0x4000  }
0x4b6: {  	[sflag:s28] =	ssyncset.done $0x0  }
0x4b7: {  	[sflag:s28] =	ssyncadd.s32 $0xFFFFC000  }
0x4b8: {  	_ =	swait.ge [sflag:s22], $0x400  }
0x4b9: {  	[sflag:s22] =	ssyncset.done $0x0  }
0x4ba: {  	[sflag:s22] =	ssyncadd.s32 $0xFFFFFC00  }
0x4bb: {  	[spmem:s4] =	stream.linear.scatter [tilespmem:s14], [sflag:$0x8], $0x2000, $0x38;
	[tilespmem:$0x1E400] =	vst v63  }
0x4bc: {  	_ =	swait.ge [sflag:s8], $0x2000  }
0x4bd: {  	[sflag:s8] =	ssyncset.done $0x0  }
0x4be: {  	s21 =	sadd.s32 $0x9000, s3;
	[sflag:s8] =	ssyncadd.s32 $0xFFFFE000  }
0x4bf: {  	[hbm:s21], [sflag:s16] =	dma.local [spmem:s17], $0x400  }
0x4c0: {  	_ =	swait.ge [sflag:s23], $0x400  }
0x4c1: {  	[sflag:s23] =	ssyncset.done $0x0  }
0x4c2: {  	[sflag:s23] =	ssyncadd.s32 $0xFFFFFC00  }
0x4c3: {  	[spmem:s6] =	stream.linear.scatter [tilespmem:s24], [sflag:$0x8], $0x2000, $0x38;
	[tilespmem:$0x1E400] =	vst v63  }
0x4c4: {  	_ =	swait.ge [sflag:s8], $0x2000  }
0x4c5: {  	[sflag:s8] =	ssyncset.done $0x0  }
0x4c6: {  	s25 =	sadd.s32 $0x9400, s3;
	[sflag:s8] =	ssyncadd.s32 $0xFFFFE000  }
0x4c7: {  	[hbm:s25], [sflag:s19] =	dma.local [spmem:s20], $0x400  }
0x4c8: {  	_ =	swait.ge [sflag:s29], $0x4000  }
0x4c9: {  	[sflag:s29] =	ssyncset.done $0x0  }
0x4ca: {  	[sflag:s29] =	ssyncadd.s32 $0xFFFFC000  }
0x4cb: {  	_ =	swait.ge [sflag:s22], $0x400  }
0x4cc: {  	[sflag:s22] =	ssyncset.done $0x0  }
0x4cd: {  	[sflag:s22] =	ssyncadd.s32 $0xFFFFFC00  }
0x4ce: {  	[spmem:s4] =	stream.linear.scatter [tilespmem:s15], [sflag:$0x8], $0x2000, $0x38;
	[tilespmem:$0x1E400] =	vst v63  }
0x4cf: {  	_ =	swait.ge [sflag:s8], $0x2000  }
0x4d0: {  	[sflag:s8] =	ssyncset.done $0x0  }
0x4d1: {  	s26 =	sadd.s32 $0x9800, s3;
	[sflag:s8] =	ssyncadd.s32 $0xFFFFE000  }
0x4d2: {  	[hbm:s26], [sflag:s16] =	dma.local [spmem:s17], $0x400  }
0x4d3: {  	_ =	swait.ge [sflag:s23], $0x400  }
0x4d4: {  	[sflag:s23] =	ssyncset.done $0x0  }
0x4d5: {  	[sflag:s23] =	ssyncadd.s32 $0xFFFFFC00  }
0x4d6: {  	[spmem:s6] =	stream.linear.scatter [tilespmem:s10], [sflag:$0x8], $0x2000, $0x38;
	[tilespmem:$0x1E400] =	vst v63  }
0x4d7: {  	_ =	swait.ge [sflag:s8], $0x2000  }
0x4d8: {  	[sflag:s8] =	ssyncset.done $0x0  }
0x4d9: {  	s28 =	sadd.s32 $0x9C00, s3;
	[sflag:s8] =	ssyncadd.s32 $0xFFFFE000  }
0x4da: {  	[hbm:s28], [sflag:s19] =	dma.local [spmem:s20], $0x400  }
0x4db: {  	_ =	swait.ge [sflag:s22], $0x400  }
0x4dc: {  	[sflag:s22] =	ssyncset.done $0x0  }
0x4dd: {  	[sflag:s22] =	ssyncadd.s32 $0xFFFFFC00  }
0x4de: {  	_ =	swait.ge [sflag:s23], $0x400  }
0x4df: {  	s29 =	rddreg [dreg:$0x8]  }
0x4e0: {  	s31 =	rddreg [dreg:$0x7];
	s2 =	sadd.s32 $0x1, s29  }
0x4e1: {  	p0 =	sne.s32 s2, s31  }
.Ltmp1:
0x4e2: {  	_ = 	snop;
	(pc) =	sbr.rel @p0 .LBB2_1-.Ltmp1, $3  }
0x4e3: {  	_ =	sdelay $0x1  }
0x4e4: {  	[sflag:s23] =	ssyncset.done $0x0  }
0x4e5: {  	[sflag:s23] =	ssyncadd.s32 $0xFFFFFC00  }
0x4e6: {  	_ =	sfence.sel $0x180000  }
0x4e7: {  	[bflag:$0x0] =	sbarrier.arrive $0xFFFF  }
0x4e8: {  	_ =	strace $0x90000047  }
0x4e9: {  	s0 =	stileid.u32;
	[bflag:$0x2] =	sbarrier.arrive $0xFFFF  }
0x4ea: {  	p0 =	sne.s32 s0, $0x0;
	s0 =	rddreg [dreg:$0x4]  }
0x4eb: {  	s0 =	sadd.s32 @!p0 $0x100000, s0  }
0x4ec: {  	[sflag:s0] =	ssyncadd.tile.s32 @!p0 $0x1;
	_ =	shalt  }
.Lfunc_end2:
_tile_overlayer_lowered:
.L_overlay_start_2:
0x4ed: {  	(tag) =	ssettag $0x2  }
0x4ee: {  	s0 =	rddreg [dreg:$0x0];
	s2 =	stileid.u32  }
0x4ef: {  	s1 =	rddreg [dreg:$0x1];
	p0 =	sne.s32 s2, $0x0  }
0x4f0: {  	s3 =	rddreg [dreg:$0x2];
	[bflag:$0x3] =	sbarrier.arrive $0xFFFF;
	s2 =	simm.s32 @!p0 $0x1C08  }
0x4f1: {  	[timem:s3], [sflag:s2] =	dma.local @!p0 [hbm:s0], s1  }
0x4f2: {  	s0 =	simm.s32 @!p0 $0x8  }
0x4f3: {  	_ =	swait.ge @!p0 [sflag:s0], s1  }
0x4f4: {  	s1 =	ssub.s32 @!p0 $0x0, s1;
	[sflag:s0] =	ssyncset.done @!p0 $0x0  }
0x4f5: {  	[sflag:s0] =	ssyncadd.s32 @!p0 s1  }
0x4f6: {  	[bflag:$0x3] =	sbarrier.arrive $0xFFFF  }
0x4f7: {  	_ =	shalt  }

</sc_bundles>
